<compile_context>
chip_gen: v7x
topology: tpu7x:2x2x1
jax: 0.10.2.dev20260603
libtpu: 0.0.44.dev20260713+nightly
codegen_flags: <defaults>
</compile_context>

<pallas_src>
import jax
import jax.numpy as jnp
from jax import lax
from jax.experimental import pallas as pl
from jax.experimental.pallas import tpu as pltpu
from jax.experimental.pallas import tpu_sc as plsc

_NC = 2
_NS = 16
_NW = _NC * _NS
_CHUNK = 128


def _mesh():
    return plsc.VectorSubcoreMesh(
        core_axis_name="c", subcore_axis_name="s",
        num_cores=_NC, num_subcores=_NS)


def _zero_fill(buf, d):
    zv = jnp.zeros((16,), jnp.float32)

    def zrow(i, carry):
        for q in range(d // 16):
            buf[i, pl.ds(q * 16, 16)] = zv
        return carry

    lax.fori_loop(0, _CHUNK, zrow, 0)


def _zero_stripe(acc, src_buf, s, rpt):
    def zcp(i, carry):
        pltpu.sync_copy(src_buf,
                        acc.at[pl.ds(s * rpt + i * _CHUNK, _CHUNK)])
        return carry

    lax.fori_loop(0, rpt // _CHUNK, zcp, 0)


def _stage_idx(sd, sdv, wid, base_ch, extra):
    start = wid * base_ch + jnp.minimum(wid, extra)
    cnt = base_ch + jnp.where(wid < extra, 1, 0)
    pltpu.sync_copy(sd.at[pl.ds(start, base_ch)],
                    sdv.at[pl.ds(0, base_ch)])
    if extra:
        @pl.when(wid < extra)
        def _():
            pltpu.sync_copy(sd.at[pl.ds(start + base_ch, 1)],
                            sdv.at[pl.ds(base_ch, 1)])
    return cnt


def _make_deg(n_pad, base_ch, extra, kbuf):
    rpt = n_pad // _NS
    cap = base_ch + (1 if extra else 0)
    ngrp = base_ch // kbuf
    full = ngrp * kbuf

    def body(sd, out16, out64, acc, sdv, ones_v, tmp16, rep, ssem):
        c = lax.axis_index("c")
        s = lax.axis_index("s")
        wid = s * _NC + c
        _zero_fill(ones_v, 16)
        _zero_stripe(acc, ones_v, s, rpt)
        ov = jnp.full((16,), 1.0, jnp.float32)

        def orow(i, carry):
            ones_v[i, pl.ds(0, 16)] = ov
            return carry

        lax.fori_loop(0, _CHUNK, orow, 0)
        cnt = _stage_idx(sd, sdv, wid, base_ch, extra)
        plsc.subcore_barrier()

        def group(g, carry):
            base = g * kbuf

            @pl.when(g >= 2)
            def _():
                for b in range(kbuf):
                    pltpu.make_async_copy(
                        ones_v, acc.at[sdv.at[base + b, 1]], ssem).wait()

            for b in range(kbuf):
                pltpu.async_copy(ones_v, acc.at[sdv.at[base + b, 1]],
                                 ssem, add=True)
            return carry

        lax.fori_loop(0, ngrp, group, 0)
        if ngrp >= 2:
            for b in range(2 * kbuf):
                pltpu.make_async_copy(ones_v, acc.at[sdv.at[b, 1]],
                                      ssem).wait()

        def tstep(i, carry):
            pltpu.sync_copy(ones_v, acc.at[sdv.at[full + i, 1]], add=True)
            return carry

        lax.fori_loop(0, cnt - full, tstep, 0)
        plsc.subcore_barrier()
        pltpu.sync_copy(acc.at[pl.ds(s * rpt, rpt)], tmp16)

        def rrow(i, carry):
            v = tmp16[i, pl.ds(0, 16)]
            for q in range(4):
                rep[i, pl.ds(q * 16, 16)] = v
            return carry

        lax.fori_loop(0, rpt, rrow, 0)
        pltpu.sync_copy(tmp16, out16.at[c, pl.ds(s * rpt, rpt)])
        pltpu.sync_copy(rep, out64.at[c, pl.ds(s * rpt, rpt)])

    return pl.kernel(
        body,
        out_type=[
            jax.ShapeDtypeStruct((_NC, n_pad, 16), jnp.float32),
            jax.ShapeDtypeStruct((_NC, n_pad, 64), jnp.float32),
        ],
        mesh=_mesh(),
        compiler_params=pltpu.CompilerParams(use_tc_tiling_on_sc=False),
        scratch_types=[
            pltpu.VMEM_SHARED((n_pad, 16), jnp.float32),
            pltpu.VMEM((cap, 2, _CHUNK), jnp.int32),
            pltpu.VMEM((_CHUNK, 16), jnp.float32),
            pltpu.VMEM((n_pad // _NS, 16), jnp.float32),
            pltpu.VMEM((n_pad // _NS, 64), jnp.float32),
            pltpu.SemaphoreType.DMA,
        ],
    )


def _make_agg(n_pad, d, base_ch, extra, kbuf):
    rpt = n_pad // _NS
    cap = base_ch + (1 if extra else 0)
    ngrp = base_ch // kbuf
    full = ngrp * kbuf
    assert full == base_ch, (base_ch, kbuf)

    def body(table, sd, out, acc, sdv, rows, gsem, ssem):
        c = lax.axis_index("c")
        s = lax.axis_index("s")
        wid = s * _NC + c
        _zero_fill(rows.at[0], d)
        _zero_stripe(acc, rows.at[0], s, rpt)
        cnt = _stage_idx(sd, sdv, wid, base_ch, extra)
        plsc.subcore_barrier()

        def group(g, carry):
            base = g * kbuf
            off = (g % 2) * kbuf

            @pl.when(g >= 2)
            def _():
                for b in range(kbuf):
                    pltpu.make_async_copy(
                        rows.at[off + b], acc.at[sdv.at[base + b, 1]],
                        ssem).wait()

            gds = [
                pltpu.async_copy(table.at[sdv.at[base + b, 0]],
                                 rows.at[off + b], gsem)
                for b in range(kbuf)
            ]
            for b in range(kbuf):
                gds[b].wait()
                pltpu.async_copy(rows.at[off + b],
                                 acc.at[sdv.at[base + b, 1]],
                                 ssem, add=True)
            return carry

        lax.fori_loop(0, ngrp, group, 0)
        for b in range(2 * kbuf):
            pltpu.make_async_copy(rows.at[b], acc.at[sdv.at[b, 1]],
                                  ssem).wait()

        def tstep(i, carry):
            j = full + i
            pltpu.async_copy(table.at[sdv.at[j, 0]], rows.at[0],
                             gsem).wait()
            pltpu.sync_copy(rows.at[0], acc.at[sdv.at[j, 1]], add=True)
            return carry

        lax.fori_loop(0, cnt - full, tstep, 0)
        plsc.subcore_barrier()
        pltpu.sync_copy(acc.at[pl.ds(s * rpt, rpt)],
                        out.at[c, pl.ds(s * rpt, rpt)])

    return pl.kernel(
        body,
        out_type=jax.ShapeDtypeStruct((_NC, n_pad, d), jnp.float32),
        mesh=_mesh(),
        compiler_params=pltpu.CompilerParams(use_tc_tiling_on_sc=False),
        scratch_types=[
            pltpu.VMEM_SHARED((n_pad, d), jnp.float32),
            pltpu.VMEM((cap, 2, _CHUNK), jnp.int32),
            pltpu.VMEM((2 * kbuf, _CHUNK, d), jnp.float32),
            pltpu.SemaphoreType.DMA,
            pltpu.SemaphoreType.DMA,
        ],
    )


def _mm1a_body(x2, wbd, out):
    out[:] = jnp.dot(x2[:], wbd[:], preferred_element_type=jnp.float32)


def _mm1b_body(deg64, h1, out):
    out[:] = h1[:] * lax.rsqrt(1.0 + deg64[0] + deg64[1])


def _mid_body(deg64, agg, h1s, w2bd8, b1p, out):
    dp = lax.rsqrt(1.0 + deg64[0] + deg64[1])
    tot = agg[0] + agg[1] + h1s[:]
    a = jnp.maximum(tot * dp + b1p[:], 0.0) * dp
    a8 = a.reshape(a.shape[0] // 4, 512)
    out[:] = jnp.dot(a8, w2bd8[:], preferred_element_type=jnp.float32)


def _fin_body(deg16, agg, h2s, b2p, out):
    dinvp = lax.rsqrt(1.0 + deg16[0] + deg16[1])
    tot = agg[0] + agg[1] + h2s[:]
    out[:] = tot * dinvp + b2p[:]


def _tc_call(body, grid, in_specs, out_spec, out_shape):
    return pl.pallas_call(
        body, grid=grid, in_specs=in_specs, out_specs=out_spec,
        out_shape=out_shape)


def kernel(x, edge_index, W1, b1, W2, b2):
    n, d_feat = x.shape
    e = edge_index.shape[1]
    d_hid = W1.shape[1]
    d_out = W2.shape[1]
    d2 = 16

    n_pad = 10240
    nfull = e // _CHUNK
    base_ch = nfull // _NW
    extra = nfull % _NW

    ei = edge_index.astype(jnp.int32)
    sd = ei.reshape(2, nfull, _CHUNK).transpose(1, 0, 2)

    w2p = jnp.pad(W2, ((0, 0), (0, d2 - d_out)))
    wbd = jnp.kron(jnp.eye(2, dtype=jnp.float32), W1)
    w2bd8 = jnp.kron(jnp.eye(8, dtype=jnp.float32), w2p)
    b1p = jnp.tile(b1, 2).reshape(1, 2 * d_hid)
    b2p = jnp.tile(jnp.pad(b2, (0, d2 - d_out)), 8).reshape(1, 128)

    deg16, deg64 = _make_deg(n_pad, base_ch, extra, 13)(sd)
    deg64v2 = deg64.reshape(2, n_pad // 2, 128)
    deg16v8 = deg16.reshape(2, n_pad // 8, 128)

    x2 = x.reshape(n // 2, 2 * d_feat)

    spec_full = lambda shp: pl.BlockSpec(shp, lambda i: tuple(0 for _ in shp))

    r2 = 640
    h1_p = _tc_call(
        _mm1a_body, ((n_pad // 2) // r2,),
        [pl.BlockSpec((r2, 2 * d_feat), lambda i: (i, 0)),
         spec_full((2 * d_feat, 2 * d_hid))],
        pl.BlockSpec((r2, 2 * d_hid), lambda i: (i, 0)),
        jax.ShapeDtypeStruct((n_pad // 2, 2 * d_hid), jnp.float32),
    )(x2, wbd)

    h1s_p = _tc_call(
        _mm1b_body, ((n_pad // 2) // r2,),
        [pl.BlockSpec((2, r2, 128), lambda i: (0, i, 0)),
         pl.BlockSpec((r2, 2 * d_hid), lambda i: (i, 0))],
        pl.BlockSpec((r2, 2 * d_hid), lambda i: (i, 0)),
        jax.ShapeDtypeStruct((n_pad // 2, 2 * d_hid), jnp.float32),
    )(deg64v2, h1_p)

    agg1 = _make_agg(n_pad, d_hid, base_ch, extra, 3)(
        h1s_p.reshape(n_pad, d_hid), sd)

    r2m = 640
    h2s = _tc_call(
        _mid_body, ((n_pad // 2) // r2m,),
        [pl.BlockSpec((2, r2m, 128), lambda i: (0, i, 0)),
         pl.BlockSpec((2, r2m, 128), lambda i: (0, i, 0)),
         pl.BlockSpec((r2m, 128), lambda i: (i, 0)),
         spec_full((8 * d_hid, 8 * d2)), spec_full((1, 2 * d_hid))],
        pl.BlockSpec((r2m // 4, 8 * d2), lambda i: (i, 0)),
        jax.ShapeDtypeStruct((n_pad // 8, 8 * d2), jnp.float32),
    )(deg64v2, agg1.reshape(2, n_pad // 2, 2 * d_hid), h1s_p, w2bd8, b1p)

    agg2 = _make_agg(n_pad, d2, base_ch, extra, 13)(
        h2s.reshape(n_pad, d2), sd)

    rf = 128
    outp = _tc_call(
        _fin_body, ((n_pad // 8) // rf,),
        [pl.BlockSpec((2, rf, 128), lambda i: (0, i, 0)),
         pl.BlockSpec((2, rf, 128), lambda i: (0, i, 0)),
         pl.BlockSpec((rf, 128), lambda i: (i, 0)),
         spec_full((1, 128))],
        pl.BlockSpec((rf, 128), lambda i: (i, 0)),
        jax.ShapeDtypeStruct((n_pad // 8, 128), jnp.float32),
    )(deg16v8, agg2.reshape(2, n_pad // 8, 128), h2s, b2p)

    return outp.reshape(n_pad, d2)[:n, :d_out]

# --- scband reference (transcript-rebuilt; emitter-appended) ---
"""Pipeline reference for scband-gcn-7576322311022 (READ-ONLY COPY).

The authoritative reference and input builder live on the scoring server;
editing this copy changes nothing except your own understanding.
"""

import jax, jax.numpy as jnp
import numpy as np

N_NODES = 10000
N_EDGES = 320000
D_FEAT = 128
D_HID = 64
D_OUT = 10


def gcn_conv(x, edge_index, W, b):
    # GCNConv: out = D^{-1/2} (A + I) D^{-1/2} (X W) + b
    N = x.shape[0]
    src = edge_index[0]
    dst = edge_index[1]
    loop = jnp.arange(N, dtype=edge_index.dtype)
    src = jnp.concatenate([src, loop])
    dst = jnp.concatenate([dst, loop])
    h = x @ W
    deg = jnp.zeros((N,), dtype=h.dtype).at[dst].add(1.0)
    dinv = jnp.where(deg > 0, deg ** -0.5, 0.0)
    norm = dinv[src] * dinv[dst]
    msgs = h[src] * norm[:, None]
    out = jnp.zeros((N, h.shape[1]), dtype=h.dtype).at[dst].add(msgs)
    return out + b


def setup_inputs(seed: int = 0) -> dict:
    key = jax.random.key(seed)
    k1, k2, k3, k4, k5 = jax.random.split(key, 5)
    x = jax.random.normal(k1, (N_NODES, D_FEAT), dtype=jnp.float32)
    edge_index = jax.random.randint(k2, (2, N_EDGES), 0, N_NODES, dtype=jnp.int64)
    # glorot-ish init for GCN layer weights
    W1 = jax.random.normal(k3, (D_FEAT, D_HID), dtype=jnp.float32) * (1.0 / np.sqrt(D_FEAT))
    b1 = jnp.zeros((D_HID,), dtype=jnp.float32)
    W2 = jax.random.normal(k4, (D_HID, D_OUT), dtype=jnp.float32) * (1.0 / np.sqrt(D_HID))
    b2 = jnp.zeros((D_OUT,), dtype=jnp.float32)
    return {"x": x, "edge_index": edge_index, "W1": W1, "b1": b1, "W2": W2, "b2": b2}


def reference(x, edge_index, W1, b1, W2, b2):
    h = gcn_conv(x, edge_index, W1, b1)
    h = jax.nn.relu(h)
    out = gcn_conv(h, edge_index, W2, b2)
    return out

if __name__ == "__main__":
    import jax
    _d = setup_inputs()
    print(jax.jit(kernel)(*tuple(_d.values())))

</pallas_src>

<mosaic_0001>
#map = affine_map<(d0, d1) -> (0, 0, 0)>
module attributes {stable_mosaic.version = 14 : i64} {
  func.func @body(%arg0: i32, %arg1: i32, %arg2: memref<2500x2x128xi32, #tpu.memory_space<hbm>>, %arg3: memref<2x10240x16xf32, #tpu.memory_space<hbm>>, %arg4: memref<2x10240x64xf32, #tpu.memory_space<hbm>>, %arg5: memref<10240x16xf32, #tpu.memory_space<vmem_shared>>, %arg6: memref<79x2x128xi32, #tpu.memory_space<vmem>>, %arg7: memref<128x16xf32, #tpu.memory_space<vmem>>, %arg8: memref<640x16xf32, #tpu.memory_space<vmem>>, %arg9: memref<640x64xf32, #tpu.memory_space<vmem>>, %arg10: memref<!tpu.dma_semaphore, #tpu.memory_space<semaphore_mem>>) attributes {dimension_semantics = [#tpu.dimension_semantics<core_parallel>, #tpu.dimension_semantics<subcore_parallel>], iteration_bounds = array<i64: 2, 16>, scalar_prefetch = 0 : i64, scratch_operands = 6 : i64, tpu.core_type = #tpu.core_type<sc_vector_subcore>, window_params = [{transform_indices = #map}, {transform_indices = #map}, {transform_indices = #map}]} {
    %mul3A = arith.constant 2 : i32
    %mul3A_0 = arith.muli %arg1, %mul3A : i32
    %add3A = arith.addi %mul3A_0, %arg0 : i32
    %broadcast_in_dim3A = arith.constant 0.000000e+00 : f32
    %broadcast_in_dim3A_1 = vector.broadcast %broadcast_in_dim3A : f32 to vector<16xf32>
    %scan3A = arith.constant 0 : i32
    %scan3A_2 = arith.constant 0 : i32
    %scan3A_3 = arith.constant 128 : i32
    %scan3A_4 = arith.addi %scan3A_2, %scan3A_3 : i32
    %scan3A_5 = arith.constant 1 : i32
    scf.for %scan3A_268 = %scan3A_2 to %scan3A_4 step %scan3A_5  : i32 {
      %swap3A = arith.index_cast %scan3A_268 : i32 to index
      %swap3A_269 = arith.constant 0 : index
      %swap3A_270 = tpu.vector_load %arg7[%swap3A, %swap3A_269] {strides = array<i32>} : memref<128x16xf32, #tpu.memory_space<vmem>>, vector<1x16xf32>,
      %swap3A_271 = vector.shape_cast %swap3A_270 : vector<1x16xf32> to vector<16xf32>
      %swap3A_272 = vector.shape_cast %broadcast_in_dim3A_1 : vector<16xf32> to vector<1x16xf32>
      tpu.vector_store %arg7[%swap3A, %swap3A_269], %swap3A_272 {strides = array<i32>} : memref<128x16xf32, #tpu.memory_space<vmem>>, vector<1x16xf32>,
    }
    %scan3A_6 = arith.constant 128 : i32
    %scan3A_7 = arith.constant 0 : i32
    %scan3A_8 = arith.constant 0 : i32
    %scan3A_9 = arith.constant 5 : i32
    %scan3A_10 = arith.addi %scan3A_8, %scan3A_9 : i32
    %scan3A_11 = arith.constant 1 : i32
    scf.for %scan3A_268 = %scan3A_8 to %scan3A_10 step %scan3A_11  : i32 {
      %mul3A_269 = arith.constant 640 : i32
      %mul3A_270 = arith.muli %arg1, %mul3A_269 : i32
      %mul3A_271 = arith.constant 128 : i32
      %mul3A_272 = arith.muli %scan3A_268, %mul3A_271 : i32
      %add3A_273 = arith.addi %mul3A_270, %mul3A_272 : i32
      "tpu.region"() ({
        %run_scoped3A = tpu.sem_alloc : memref<!tpu.dma_semaphore, #tpu.memory_space<semaphore_mem>>
        %dma_start3A = arith.constant 0 : i32
        %dma_start3A_274 = tpu.memref_slice %arg5[%add3A_273, %dma_start3A] : memref<10240x16xf32, #tpu.memory_space<vmem_shared>> -> memref<128x16xf32, #tpu.memory_space<vmem_shared>>
        %dma_start3A_275 = arith.constant 0 : i32
        %dma_start3A_276 = tpu.memref_slice %arg5[%add3A_273, %dma_start3A_275] : memref<10240x16xf32, #tpu.memory_space<vmem_shared>> -> memref<128x16xf32, #tpu.memory_space<vmem_shared>>
        tpu.enqueue_dma source(%arg7 : memref<128x16xf32, #tpu.memory_space<vmem>>) target(%dma_start3A_276 : memref<128x16xf32, #tpu.memory_space<vmem_shared>>) target_semaphore(%run_scoped3A : memref<!tpu.dma_semaphore, #tpu.memory_space<semaphore_mem>>)
        %dma_wait3A_277 = arith.constant 0 : i32
        %dma_wait3A_278 = tpu.memref_slice %arg5[%add3A_273, %dma_wait3A_277] : memref<10240x16xf32, #tpu.memory_space<vmem_shared>> -> memref<128x16xf32, #tpu.memory_space<vmem_shared>>
        %dma_wait3A_279 = arith.constant 0 : i32
        %dma_wait3A_280 = tpu.memref_slice %arg5[%add3A_273, %dma_wait3A_279] : memref<10240x16xf32, #tpu.memory_space<vmem_shared>> -> memref<128x16xf32, #tpu.memory_space<vmem_shared>>
        tpu.wait_dma2 semaphore(%run_scoped3A : memref<!tpu.dma_semaphore, #tpu.memory_space<semaphore_mem>>) src(%arg7 : memref<128x16xf32, #tpu.memory_space<vmem>>) dst(%dma_wait3A_280 : memref<128x16xf32, #tpu.memory_space<vmem_shared>>)
        tpu.yield
      }) : () -> ()
    }
    %scan3A_12 = arith.constant 5 : i32
    %broadcast_in_dim3A_13 = arith.constant 1.000000e+00 : f32
    %broadcast_in_dim3A_14 = vector.broadcast %broadcast_in_dim3A_13 : f32 to vector<16xf32>
    %scan3A_15 = arith.constant 0 : i32
    %scan3A_16 = arith.constant 0 : i32
    %scan3A_17 = arith.constant 128 : i32
    %scan3A_18 = arith.addi %scan3A_16, %scan3A_17 : i32
    %scan3A_19 = arith.constant 1 : i32
    scf.for %scan3A_268 = %scan3A_16 to %scan3A_18 step %scan3A_19  : i32 {
      %swap3A = arith.index_cast %scan3A_268 : i32 to index
      %swap3A_269 = arith.constant 0 : index
      %swap3A_270 = tpu.vector_load %arg7[%swap3A, %swap3A_269] {strides = array<i32>} : memref<128x16xf32, #tpu.memory_space<vmem>>, vector<1x16xf32>,
      %swap3A_271 = vector.shape_cast %swap3A_270 : vector<1x16xf32> to vector<16xf32>
      %swap3A_272 = vector.shape_cast %broadcast_in_dim3A_14 : vector<16xf32> to vector<1x16xf32>
      tpu.vector_store %arg7[%swap3A, %swap3A_269], %swap3A_272 {strides = array<i32>} : memref<128x16xf32, #tpu.memory_space<vmem>>, vector<1x16xf32>,
    }
    %scan3A_20 = arith.constant 128 : i32
    %mul3A_21 = arith.constant 78 : i32
    %mul3A_22 = arith.muli %add3A, %mul3A_21 : i32
    %min3A = arith.constant 4 : i32
    %min3A_23 = arith.minsi %add3A, %min3A : i32
    %add3A_24 = arith.addi %mul3A_22, %min3A_23 : i32
    %lt3A = arith.constant 4 : i32
    %lt3A_25 = arith.cmpi slt, %add3A, %lt3A : i32
    %jit3A = arith.constant 1 : i32
    %jit3A_26 = arith.constant 0 : i32
    %select_n3A = arith.select %lt3A_25, %jit3A, %jit3A_26 : i32
    %add3A_27 = arith.constant 78 : i32
    %add3A_28 = arith.addi %add3A_27, %select_n3A : i32
    "tpu.region"() ({
      %run_scoped3A = tpu.sem_alloc : memref<!tpu.dma_semaphore, #tpu.memory_space<semaphore_mem>>
      %dma_start3A = arith.constant 0 : i32
      %dma_start3A_268 = arith.constant 0 : i32
      %dma_start3A_269 = arith.constant 0 : i32
      %dma_start3A_270 = tpu.memref_slice %arg6[%dma_start3A, %dma_start3A_268, %dma_start3A_269] : memref<79x2x128xi32, #tpu.memory_space<vmem>> -> memref<78x2x128xi32, #tpu.memory_space<vmem>>
      %dma_start3A_271 = arith.constant 0 : i32
      %dma_start3A_272 = arith.constant 0 : i32
      %dma_start3A_273 = tpu.memref_slice %arg2[%add3A_24, %dma_start3A_271, %dma_start3A_272] : memref<2500x2x128xi32, #tpu.memory_space<hbm>> -> memref<78x2x128xi32, #tpu.memory_space<hbm>>
      %dma_start3A_274 = arith.constant 0 : i32
      %dma_start3A_275 = arith.constant 0 : i32
      %dma_start3A_276 = arith.constant 0 : i32
      %dma_start3A_277 = tpu.memref_slice %arg6[%dma_start3A_274, %dma_start3A_275, %dma_start3A_276] : memref<79x2x128xi32, #tpu.memory_space<vmem>> -> memref<78x2x128xi32, #tpu.memory_space<vmem>>
      %dma_start3A_278 = arith.constant 0 : i32
      %dma_start3A_279 = arith.constant 0 : i32
      %dma_start3A_280 = tpu.memref_slice %arg2[%add3A_24, %dma_start3A_278, %dma_start3A_279] : memref<2500x2x128xi32, #tpu.memory_space<hbm>> -> memref<78x2x128xi32, #tpu.memory_space<hbm>>
      tpu.enqueue_dma source(%dma_start3A_280 : memref<78x2x128xi32, #tpu.memory_space<hbm>>) target(%dma_start3A_277 : memref<78x2x128xi32, #tpu.memory_space<vmem>>) target_semaphore(%run_scoped3A : memref<!tpu.dma_semaphore, #tpu.memory_space<semaphore_mem>>)
      %dma_wait3A_281 = arith.constant 0 : i32
      %dma_wait3A_282 = arith.constant 0 : i32
      %dma_wait3A_283 = arith.constant 0 : i32
      %dma_wait3A_284 = tpu.memref_slice %arg6[%dma_wait3A_281, %dma_wait3A_282, %dma_wait3A_283] : memref<79x2x128xi32, #tpu.memory_space<vmem>> -> memref<78x2x128xi32, #tpu.memory_space<vmem>>
      %dma_wait3A_285 = arith.constant 0 : i32
      %dma_wait3A_286 = arith.constant 0 : i32
      %dma_wait3A_287 = tpu.memref_slice %arg2[%add3A_24, %dma_wait3A_285, %dma_wait3A_286] : memref<2500x2x128xi32, #tpu.memory_space<hbm>> -> memref<78x2x128xi32, #tpu.memory_space<hbm>>
      %dma_wait3A_288 = arith.constant 0 : i32
      %dma_wait3A_289 = arith.constant 0 : i32
      %dma_wait3A_290 = arith.constant 0 : i32
      %dma_wait3A_291 = tpu.memref_slice %arg6[%dma_wait3A_288, %dma_wait3A_289, %dma_wait3A_290] : memref<79x2x128xi32, #tpu.memory_space<vmem>> -> memref<78x2x128xi32, #tpu.memory_space<vmem>>
      %dma_wait3A_292 = arith.constant 0 : i32
      %dma_wait3A_293 = arith.constant 0 : i32
      %dma_wait3A_294 = tpu.memref_slice %arg2[%add3A_24, %dma_wait3A_292, %dma_wait3A_293] : memref<2500x2x128xi32, #tpu.memory_space<hbm>> -> memref<78x2x128xi32, #tpu.memory_space<hbm>>
      tpu.wait_dma2 semaphore(%run_scoped3A : memref<!tpu.dma_semaphore, #tpu.memory_space<semaphore_mem>>) src(%dma_wait3A_294 : memref<78x2x128xi32, #tpu.memory_space<hbm>>) dst(%dma_wait3A_291 : memref<78x2x128xi32, #tpu.memory_space<vmem>>)
      tpu.yield
    }) : () -> ()
    %lt3A_29 = arith.constant 4 : i32
    %lt3A_30 = arith.cmpi slt, %add3A, %lt3A_29 : i32
    %convert_element_type3A = arith.extui %lt3A_30 : i1 to i32
    %cond3A = arith.constant 0 : i32
    %cond3A_31 = arith.cmpi ne, %convert_element_type3A, %cond3A : i32
    scf.if %cond3A_31 {
      %add3A_268 = arith.constant 78 : i32
      %add3A_269 = arith.addi %add3A_24, %add3A_268 : i32
      "tpu.region"() ({
        %run_scoped3A = tpu.sem_alloc : memref<!tpu.dma_semaphore, #tpu.memory_space<semaphore_mem>>
        %dma_start3A = arith.constant 78 : i32
        %dma_start3A_270 = arith.constant 0 : i32
        %dma_start3A_271 = arith.constant 0 : i32
        %dma_start3A_272 = tpu.memref_slice %arg6[%dma_start3A, %dma_start3A_270, %dma_start3A_271] : memref<79x2x128xi32, #tpu.memory_space<vmem>> -> memref<1x2x128xi32, #tpu.memory_space<vmem>>
        %dma_start3A_273 = arith.constant 0 : i32
        %dma_start3A_274 = arith.constant 0 : i32
        %dma_start3A_275 = tpu.memref_slice %arg2[%add3A_269, %dma_start3A_273, %dma_start3A_274] : memref<2500x2x128xi32, #tpu.memory_space<hbm>> -> memref<1x2x128xi32, #tpu.memory_space<hbm>>
        %dma_start3A_276 = arith.constant 78 : i32
        %dma_start3A_277 = arith.constant 0 : i32
        %dma_start3A_278 = arith.constant 0 : i32
        %dma_start3A_279 = tpu.memref_slice %arg6[%dma_start3A_276, %dma_start3A_277, %dma_start3A_278] : memref<79x2x128xi32, #tpu.memory_space<vmem>> -> memref<1x2x128xi32, #tpu.memory_space<vmem>>
        %dma_start3A_280 = arith.constant 0 : i32
        %dma_start3A_281 = arith.constant 0 : i32
        %dma_start3A_282 = tpu.memref_slice %arg2[%add3A_269, %dma_start3A_280, %dma_start3A_281] : memref<2500x2x128xi32, #tpu.memory_space<hbm>> -> memref<1x2x128xi32, #tpu.memory_space<hbm>>
        tpu.enqueue_dma source(%dma_start3A_282 : memref<1x2x128xi32, #tpu.memory_space<hbm>>) target(%dma_start3A_279 : memref<1x2x128xi32, #tpu.memory_space<vmem>>) target_semaphore(%run_scoped3A : memref<!tpu.dma_semaphore, #tpu.memory_space<semaphore_mem>>)
        %dma_wait3A_283 = arith.constant 78 : i32
        %dma_wait3A_284 = arith.constant 0 : i32
        %dma_wait3A_285 = arith.constant 0 : i32
        %dma_wait3A_286 = tpu.memref_slice %arg6[%dma_wait3A_283, %dma_wait3A_284, %dma_wait3A_285] : memref<79x2x128xi32, #tpu.memory_space<vmem>> -> memref<1x2x128xi32, #tpu.memory_space<vmem>>
        %dma_wait3A_287 = arith.constant 0 : i32
        %dma_wait3A_288 = arith.constant 0 : i32
        %dma_wait3A_289 = tpu.memref_slice %arg2[%add3A_269, %dma_wait3A_287, %dma_wait3A_288] : memref<2500x2x128xi32, #tpu.memory_space<hbm>> -> memref<1x2x128xi32, #tpu.memory_space<hbm>>
        %dma_wait3A_290 = arith.constant 78 : i32
        %dma_wait3A_291 = arith.constant 0 : i32
        %dma_wait3A_292 = arith.constant 0 : i32
        %dma_wait3A_293 = tpu.memref_slice %arg6[%dma_wait3A_290, %dma_wait3A_291, %dma_wait3A_292] : memref<79x2x128xi32, #tpu.memory_space<vmem>> -> memref<1x2x128xi32, #tpu.memory_space<vmem>>
        %dma_wait3A_294 = arith.constant 0 : i32
        %dma_wait3A_295 = arith.constant 0 : i32
        %dma_wait3A_296 = tpu.memref_slice %arg2[%add3A_269, %dma_wait3A_294, %dma_wait3A_295] : memref<2500x2x128xi32, #tpu.memory_space<hbm>> -> memref<1x2x128xi32, #tpu.memory_space<hbm>>
        tpu.wait_dma2 semaphore(%run_scoped3A : memref<!tpu.dma_semaphore, #tpu.memory_space<semaphore_mem>>) src(%dma_wait3A_296 : memref<1x2x128xi32, #tpu.memory_space<hbm>>) dst(%dma_wait3A_293 : memref<1x2x128xi32, #tpu.memory_space<vmem>>)
        tpu.yield
      }) : () -> ()
    } else {
    }
    %barrier3A = arith.constant 0 : index
    tpu.barrier barrier_id(%barrier3A)
    %scan3A_32 = arith.constant 0 : i32
    %scan3A_33 = arith.constant 0 : i32
    %scan3A_34 = arith.constant 6 : i32
    %scan3A_35 = arith.addi %scan3A_33, %scan3A_34 : i32
    %scan3A_36 = arith.constant 1 : i32
    scf.for %scan3A_268 = %scan3A_33 to %scan3A_35 step %scan3A_36  : i32 {
      %mul3A_269 = arith.constant 13 : i32
      %mul3A_270 = arith.muli %scan3A_268, %mul3A_269 : i32
      %ge3A = arith.constant 2 : i32
      %ge3A_271 = arith.cmpi sge, %scan3A_268, %ge3A : i32
      %convert_element_type3A_272 = arith.extui %ge3A_271 : i1 to i32
      %cond3A_273 = arith.constant 0 : i32
      %cond3A_274 = arith.cmpi ne, %convert_element_type3A_272, %cond3A_273 : i32
      scf.if %cond3A_274 {
        %add3A_391 = arith.constant 0 : i32
        %add3A_392 = arith.addi %mul3A_270, %add3A_391 : i32
        %dma_wait3A_393 = arith.constant 1 : i32
        %dma_wait3A_394 = arith.constant 0 : i32
        %dma_wait3A_395 = tpu.memref_slice %arg6[%add3A_392, %dma_wait3A_393, %dma_wait3A_394] : memref<79x2x128xi32, #tpu.memory_space<vmem>> -> memref<1x1x128xi32, #tpu.memory_space<vmem>>
        %dma_wait3A_396 = tpu.memref_squeeze %dma_wait3A_395 : memref<1x1x128xi32, #tpu.memory_space<vmem>> -> memref<128xi32, #tpu.memory_space<vmem>>
        %dma_wait3A_397 = arith.constant 0 : i32
        %dma_wait3A_398 = arith.constant 0 : i32
        %dma_wait3A_399 = tpu.memref_slice %arg5[%dma_wait3A_397, %dma_wait3A_398] : memref<10240x16xf32, #tpu.memory_space<vmem_shared>> -> memref<10240x16xf32, #tpu.memory_space<vmem_shared>>
        tpu.wait_indirect_dma semaphore(%arg10 : memref<!tpu.dma_semaphore, #tpu.memory_space<semaphore_mem>>) src(%arg7 : memref<128x16xf32, #tpu.memory_space<vmem>>) dst(%dma_wait3A_399 : memref<10240x16xf32, #tpu.memory_space<vmem_shared>>)
        %add3A_400 = arith.constant 1 : i32
        %add3A_401 = arith.addi %mul3A_270, %add3A_400 : i32
        %dma_wait3A_402 = arith.constant 1 : i32
        %dma_wait3A_403 = arith.constant 0 : i32
        %dma_wait3A_404 = tpu.memref_slice %arg6[%add3A_401, %dma_wait3A_402, %dma_wait3A_403] : memref<79x2x128xi32, #tpu.memory_space<vmem>> -> memref<1x1x128xi32, #tpu.memory_space<vmem>>
        %dma_wait3A_405 = tpu.memref_squeeze %dma_wait3A_404 : memref<1x1x128xi32, #tpu.memory_space<vmem>> -> memref<128xi32, #tpu.memory_space<vmem>>
        %dma_wait3A_406 = arith.constant 0 : i32
        %dma_wait3A_407 = arith.constant 0 : i32
        %dma_wait3A_408 = tpu.memref_slice %arg5[%dma_wait3A_406, %dma_wait3A_407] : memref<10240x16xf32, #tpu.memory_space<vmem_shared>> -> memref<10240x16xf32, #tpu.memory_space<vmem_shared>>
        tpu.wait_indirect_dma semaphore(%arg10 : memref<!tpu.dma_semaphore, #tpu.memory_space<semaphore_mem>>) src(%arg7 : memref<128x16xf32, #tpu.memory_space<vmem>>) dst(%dma_wait3A_408 : memref<10240x16xf32, #tpu.memory_space<vmem_shared>>)
        %add3A_409 = arith.constant 2 : i32
        %add3A_410 = arith.addi %mul3A_270, %add3A_409 : i32
        %dma_wait3A_411 = arith.constant 1 : i32
        %dma_wait3A_412 = arith.constant 0 : i32
        %dma_wait3A_413 = tpu.memref_slice %arg6[%add3A_410, %dma_wait3A_411, %dma_wait3A_412] : memref<79x2x128xi32, #tpu.memory_space<vmem>> -> memref<1x1x128xi32, #tpu.memory_space<vmem>>
        %dma_wait3A_414 = tpu.memref_squeeze %dma_wait3A_413 : memref<1x1x128xi32, #tpu.memory_space<vmem>> -> memref<128xi32, #tpu.memory_space<vmem>>
        %dma_wait3A_415 = arith.constant 0 : i32
        %dma_wait3A_416 = arith.constant 0 : i32
        %dma_wait3A_417 = tpu.memref_slice %arg5[%dma_wait3A_415, %dma_wait3A_416] : memref<10240x16xf32, #tpu.memory_space<vmem_shared>> -> memref<10240x16xf32, #tpu.memory_space<vmem_shared>>
        tpu.wait_indirect_dma semaphore(%arg10 : memref<!tpu.dma_semaphore, #tpu.memory_space<semaphore_mem>>) src(%arg7 : memref<128x16xf32, #tpu.memory_space<vmem>>) dst(%dma_wait3A_417 : memref<10240x16xf32, #tpu.memory_space<vmem_shared>>)
        %add3A_418 = arith.constant 3 : i32
        %add3A_419 = arith.addi %mul3A_270, %add3A_418 : i32
        %dma_wait3A_420 = arith.constant 1 : i32
        %dma_wait3A_421 = arith.constant 0 : i32
        %dma_wait3A_422 = tpu.memref_slice %arg6[%add3A_419, %dma_wait3A_420, %dma_wait3A_421] : memref<79x2x128xi32, #tpu.memory_space<vmem>> -> memref<1x1x128xi32, #tpu.memory_space<vmem>>
        %dma_wait3A_423 = tpu.memref_squeeze %dma_wait3A_422 : memref<1x1x128xi32, #tpu.memory_space<vmem>> -> memref<128xi32, #tpu.memory_space<vmem>>
        %dma_wait3A_424 = arith.constant 0 : i32
        %dma_wait3A_425 = arith.constant 0 : i32
        %dma_wait3A_426 = tpu.memref_slice %arg5[%dma_wait3A_424, %dma_wait3A_425] : memref<10240x16xf32, #tpu.memory_space<vmem_shared>> -> memref<10240x16xf32, #tpu.memory_space<vmem_shared>>
        tpu.wait_indirect_dma semaphore(%arg10 : memref<!tpu.dma_semaphore, #tpu.memory_space<semaphore_mem>>) src(%arg7 : memref<128x16xf32, #tpu.memory_space<vmem>>) dst(%dma_wait3A_426 : memref<10240x16xf32, #tpu.memory_space<vmem_shared>>)
        %add3A_427 = arith.constant 4 : i32
        %add3A_428 = arith.addi %mul3A_270, %add3A_427 : i32
        %dma_wait3A_429 = arith.constant 1 : i32
        %dma_wait3A_430 = arith.constant 0 : i32
        %dma_wait3A_431 = tpu.memref_slice %arg6[%add3A_428, %dma_wait3A_429, %dma_wait3A_430] : memref<79x2x128xi32, #tpu.memory_space<vmem>> -> memref<1x1x128xi32, #tpu.memory_space<vmem>>
        %dma_wait3A_432 = tpu.memref_squeeze %dma_wait3A_431 : memref<1x1x128xi32, #tpu.memory_space<vmem>> -> memref<128xi32, #tpu.memory_space<vmem>>
        %dma_wait3A_433 = arith.constant 0 : i32
        %dma_wait3A_434 = arith.constant 0 : i32
        %dma_wait3A_435 = tpu.memref_slice %arg5[%dma_wait3A_433, %dma_wait3A_434] : memref<10240x16xf32, #tpu.memory_space<vmem_shared>> -> memref<10240x16xf32, #tpu.memory_space<vmem_shared>>
        tpu.wait_indirect_dma semaphore(%arg10 : memref<!tpu.dma_semaphore, #tpu.memory_space<semaphore_mem>>) src(%arg7 : memref<128x16xf32, #tpu.memory_space<vmem>>) dst(%dma_wait3A_435 : memref<10240x16xf32, #tpu.memory_space<vmem_shared>>)
        %add3A_436 = arith.constant 5 : i32
        %add3A_437 = arith.addi %mul3A_270, %add3A_436 : i32
        %dma_wait3A_438 = arith.constant 1 : i32
        %dma_wait3A_439 = arith.constant 0 : i32
        %dma_wait3A_440 = tpu.memref_slice %arg6[%add3A_437, %dma_wait3A_438, %dma_wait3A_439] : memref<79x2x128xi32, #tpu.memory_space<vmem>> -> memref<1x1x128xi32, #tpu.memory_space<vmem>>
        %dma_wait3A_441 = tpu.memref_squeeze %dma_wait3A_440 : memref<1x1x128xi32, #tpu.memory_space<vmem>> -> memref<128xi32, #tpu.memory_space<vmem>>
        %dma_wait3A_442 = arith.constant 0 : i32
        %dma_wait3A_443 = arith.constant 0 : i32
        %dma_wait3A_444 = tpu.memref_slice %arg5[%dma_wait3A_442, %dma_wait3A_443] : memref<10240x16xf32, #tpu.memory_space<vmem_shared>> -> memref<10240x16xf32, #tpu.memory_space<vmem_shared>>
        tpu.wait_indirect_dma semaphore(%arg10 : memref<!tpu.dma_semaphore, #tpu.memory_space<semaphore_mem>>) src(%arg7 : memref<128x16xf32, #tpu.memory_space<vmem>>) dst(%dma_wait3A_444 : memref<10240x16xf32, #tpu.memory_space<vmem_shared>>)
        %add3A_445 = arith.constant 6 : i32
        %add3A_446 = arith.addi %mul3A_270, %add3A_445 : i32
        %dma_wait3A_447 = arith.constant 1 : i32
        %dma_wait3A_448 = arith.constant 0 : i32
        %dma_wait3A_449 = tpu.memref_slice %arg6[%add3A_446, %dma_wait3A_447, %dma_wait3A_448] : memref<79x2x128xi32, #tpu.memory_space<vmem>> -> memref<1x1x128xi32, #tpu.memory_space<vmem>>
        %dma_wait3A_450 = tpu.memref_squeeze %dma_wait3A_449 : memref<1x1x128xi32, #tpu.memory_space<vmem>> -> memref<128xi32, #tpu.memory_space<vmem>>
        %dma_wait3A_451 = arith.constant 0 : i32
        %dma_wait3A_452 = arith.constant 0 : i32
        %dma_wait3A_453 = tpu.memref_slice %arg5[%dma_wait3A_451, %dma_wait3A_452] : memref<10240x16xf32, #tpu.memory_space<vmem_shared>> -> memref<10240x16xf32, #tpu.memory_space<vmem_shared>>
        tpu.wait_indirect_dma semaphore(%arg10 : memref<!tpu.dma_semaphore, #tpu.memory_space<semaphore_mem>>) src(%arg7 : memref<128x16xf32, #tpu.memory_space<vmem>>) dst(%dma_wait3A_453 : memref<10240x16xf32, #tpu.memory_space<vmem_shared>>)
        %add3A_454 = arith.constant 7 : i32
        %add3A_455 = arith.addi %mul3A_270, %add3A_454 : i32
        %dma_wait3A_456 = arith.constant 1 : i32
        %dma_wait3A_457 = arith.constant 0 : i32
        %dma_wait3A_458 = tpu.memref_slice %arg6[%add3A_455, %dma_wait3A_456, %dma_wait3A_457] : memref<79x2x128xi32, #tpu.memory_space<vmem>> -> memref<1x1x128xi32, #tpu.memory_space<vmem>>
        %dma_wait3A_459 = tpu.memref_squeeze %dma_wait3A_458 : memref<1x1x128xi32, #tpu.memory_space<vmem>> -> memref<128xi32, #tpu.memory_space<vmem>>
        %dma_wait3A_460 = arith.constant 0 : i32
        %dma_wait3A_461 = arith.constant 0 : i32
        %dma_wait3A_462 = tpu.memref_slice %arg5[%dma_wait3A_460, %dma_wait3A_461] : memref<10240x16xf32, #tpu.memory_space<vmem_shared>> -> memref<10240x16xf32, #tpu.memory_space<vmem_shared>>
        tpu.wait_indirect_dma semaphore(%arg10 : memref<!tpu.dma_semaphore, #tpu.memory_space<semaphore_mem>>) src(%arg7 : memref<128x16xf32, #tpu.memory_space<vmem>>) dst(%dma_wait3A_462 : memref<10240x16xf32, #tpu.memory_space<vmem_shared>>)
        %add3A_463 = arith.constant 8 : i32
        %add3A_464 = arith.addi %mul3A_270, %add3A_463 : i32
        %dma_wait3A_465 = arith.constant 1 : i32
        %dma_wait3A_466 = arith.constant 0 : i32
        %dma_wait3A_467 = tpu.memref_slice %arg6[%add3A_464, %dma_wait3A_465, %dma_wait3A_466] : memref<79x2x128xi32, #tpu.memory_space<vmem>> -> memref<1x1x128xi32, #tpu.memory_space<vmem>>
        %dma_wait3A_468 = tpu.memref_squeeze %dma_wait3A_467 : memref<1x1x128xi32, #tpu.memory_space<vmem>> -> memref<128xi32, #tpu.memory_space<vmem>>
        %dma_wait3A_469 = arith.constant 0 : i32
        %dma_wait3A_470 = arith.constant 0 : i32
        %dma_wait3A_471 = tpu.memref_slice %arg5[%dma_wait3A_469, %dma_wait3A_470] : memref<10240x16xf32, #tpu.memory_space<vmem_shared>> -> memref<10240x16xf32, #tpu.memory_space<vmem_shared>>
        tpu.wait_indirect_dma semaphore(%arg10 : memref<!tpu.dma_semaphore, #tpu.memory_space<semaphore_mem>>) src(%arg7 : memref<128x16xf32, #tpu.memory_space<vmem>>) dst(%dma_wait3A_471 : memref<10240x16xf32, #tpu.memory_space<vmem_shared>>)
        %add3A_472 = arith.constant 9 : i32
        %add3A_473 = arith.addi %mul3A_270, %add3A_472 : i32
        %dma_wait3A_474 = arith.constant 1 : i32
        %dma_wait3A_475 = arith.constant 0 : i32
        %dma_wait3A_476 = tpu.memref_slice %arg6[%add3A_473, %dma_wait3A_474, %dma_wait3A_475] : memref<79x2x128xi32, #tpu.memory_space<vmem>> -> memref<1x1x128xi32, #tpu.memory_space<vmem>>
        %dma_wait3A_477 = tpu.memref_squeeze %dma_wait3A_476 : memref<1x1x128xi32, #tpu.memory_space<vmem>> -> memref<128xi32, #tpu.memory_space<vmem>>
        %dma_wait3A_478 = arith.constant 0 : i32
        %dma_wait3A_479 = arith.constant 0 : i32
        %dma_wait3A_480 = tpu.memref_slice %arg5[%dma_wait3A_478, %dma_wait3A_479] : memref<10240x16xf32, #tpu.memory_space<vmem_shared>> -> memref<10240x16xf32, #tpu.memory_space<vmem_shared>>
        tpu.wait_indirect_dma semaphore(%arg10 : memref<!tpu.dma_semaphore, #tpu.memory_space<semaphore_mem>>) src(%arg7 : memref<128x16xf32, #tpu.memory_space<vmem>>) dst(%dma_wait3A_480 : memref<10240x16xf32, #tpu.memory_space<vmem_shared>>)
        %add3A_481 = arith.constant 10 : i32
        %add3A_482 = arith.addi %mul3A_270, %add3A_481 : i32
        %dma_wait3A_483 = arith.constant 1 : i32
        %dma_wait3A_484 = arith.constant 0 : i32
        %dma_wait3A_485 = tpu.memref_slice %arg6[%add3A_482, %dma_wait3A_483, %dma_wait3A_484] : memref<79x2x128xi32, #tpu.memory_space<vmem>> -> memref<1x1x128xi32, #tpu.memory_space<vmem>>
        %dma_wait3A_486 = tpu.memref_squeeze %dma_wait3A_485 : memref<1x1x128xi32, #tpu.memory_space<vmem>> -> memref<128xi32, #tpu.memory_space<vmem>>
        %dma_wait3A_487 = arith.constant 0 : i32
        %dma_wait3A_488 = arith.constant 0 : i32
        %dma_wait3A_489 = tpu.memref_slice %arg5[%dma_wait3A_487, %dma_wait3A_488] : memref<10240x16xf32, #tpu.memory_space<vmem_shared>> -> memref<10240x16xf32, #tpu.memory_space<vmem_shared>>
        tpu.wait_indirect_dma semaphore(%arg10 : memref<!tpu.dma_semaphore, #tpu.memory_space<semaphore_mem>>) src(%arg7 : memref<128x16xf32, #tpu.memory_space<vmem>>) dst(%dma_wait3A_489 : memref<10240x16xf32, #tpu.memory_space<vmem_shared>>)
        %add3A_490 = arith.constant 11 : i32
        %add3A_491 = arith.addi %mul3A_270, %add3A_490 : i32
        %dma_wait3A_492 = arith.constant 1 : i32
        %dma_wait3A_493 = arith.constant 0 : i32
        %dma_wait3A_494 = tpu.memref_slice %arg6[%add3A_491, %dma_wait3A_492, %dma_wait3A_493] : memref<79x2x128xi32, #tpu.memory_space<vmem>> -> memref<1x1x128xi32, #tpu.memory_space<vmem>>
        %dma_wait3A_495 = tpu.memref_squeeze %dma_wait3A_494 : memref<1x1x128xi32, #tpu.memory_space<vmem>> -> memref<128xi32, #tpu.memory_space<vmem>>
        %dma_wait3A_496 = arith.constant 0 : i32
        %dma_wait3A_497 = arith.constant 0 : i32
        %dma_wait3A_498 = tpu.memref_slice %arg5[%dma_wait3A_496, %dma_wait3A_497] : memref<10240x16xf32, #tpu.memory_space<vmem_shared>> -> memref<10240x16xf32, #tpu.memory_space<vmem_shared>>
        tpu.wait_indirect_dma semaphore(%arg10 : memref<!tpu.dma_semaphore, #tpu.memory_space<semaphore_mem>>) src(%arg7 : memref<128x16xf32, #tpu.memory_space<vmem>>) dst(%dma_wait3A_498 : memref<10240x16xf32, #tpu.memory_space<vmem_shared>>)
        %add3A_499 = arith.constant 12 : i32
        %add3A_500 = arith.addi %mul3A_270, %add3A_499 : i32
        %dma_wait3A_501 = arith.constant 1 : i32
        %dma_wait3A_502 = arith.constant 0 : i32
        %dma_wait3A_503 = tpu.memref_slice %arg6[%add3A_500, %dma_wait3A_501, %dma_wait3A_502] : memref<79x2x128xi32, #tpu.memory_space<vmem>> -> memref<1x1x128xi32, #tpu.memory_space<vmem>>
        %dma_wait3A_504 = tpu.memref_squeeze %dma_wait3A_503 : memref<1x1x128xi32, #tpu.memory_space<vmem>> -> memref<128xi32, #tpu.memory_space<vmem>>
        %dma_wait3A_505 = arith.constant 0 : i32
        %dma_wait3A_506 = arith.constant 0 : i32
        %dma_wait3A_507 = tpu.memref_slice %arg5[%dma_wait3A_505, %dma_wait3A_506] : memref<10240x16xf32, #tpu.memory_space<vmem_shared>> -> memref<10240x16xf32, #tpu.memory_space<vmem_shared>>
        tpu.wait_indirect_dma semaphore(%arg10 : memref<!tpu.dma_semaphore, #tpu.memory_space<semaphore_mem>>) src(%arg7 : memref<128x16xf32, #tpu.memory_space<vmem>>) dst(%dma_wait3A_507 : memref<10240x16xf32, #tpu.memory_space<vmem_shared>>)
      } else {
      }
      %add3A_275 = arith.constant 0 : i32
      %add3A_276 = arith.addi %mul3A_270, %add3A_275 : i32
      %dma_start3A = arith.constant 1 : i32
      %dma_start3A_277 = arith.constant 0 : i32
      %dma_start3A_278 = tpu.memref_slice %arg6[%add3A_276, %dma_start3A, %dma_start3A_277] : memref<79x2x128xi32, #tpu.memory_space<vmem>> -> memref<1x1x128xi32, #tpu.memory_space<vmem>>
      %dma_start3A_279 = tpu.memref_squeeze %dma_start3A_278 : memref<1x1x128xi32, #tpu.memory_space<vmem>> -> memref<128xi32, #tpu.memory_space<vmem>>
      %dma_start3A_280 = arith.constant 0 : i32
      %dma_start3A_281 = arith.constant 0 : i32
      %dma_start3A_282 = tpu.memref_slice %arg5[%dma_start3A_280, %dma_start3A_281] : memref<10240x16xf32, #tpu.memory_space<vmem_shared>> -> memref<10240x16xf32, #tpu.memory_space<vmem_shared>>
      tpu.enqueue_indirect_dma source(%arg7 : memref<128x16xf32, #tpu.memory_space<vmem>>) target(%dma_start3A_282 : memref<10240x16xf32, #tpu.memory_space<vmem_shared>>) offsets(%dma_start3A_279 : memref<128xi32, #tpu.memory_space<vmem>>) semaphore(%arg10 : memref<!tpu.dma_semaphore, #tpu.memory_space<semaphore_mem>>) {add = true}
      %add3A_283 = arith.constant 1 : i32
      %add3A_284 = arith.addi %mul3A_270, %add3A_283 : i32
      %dma_start3A_285 = arith.constant 1 : i32
      %dma_start3A_286 = arith.constant 0 : i32
      %dma_start3A_287 = tpu.memref_slice %arg6[%add3A_284, %dma_start3A_285, %dma_start3A_286] : memref<79x2x128xi32, #tpu.memory_space<vmem>> -> memref<1x1x128xi32, #tpu.memory_space<vmem>>
      %dma_start3A_288 = tpu.memref_squeeze %dma_start3A_287 : memref<1x1x128xi32, #tpu.memory_space<vmem>> -> memref<128xi32, #tpu.memory_space<vmem>>
      %dma_start3A_289 = arith.constant 0 : i32
      %dma_start3A_290 = arith.constant 0 : i32
      %dma_start3A_291 = tpu.memref_slice %arg5[%dma_start3A_289, %dma_start3A_290] : memref<10240x16xf32, #tpu.memory_space<vmem_shared>> -> memref<10240x16xf32, #tpu.memory_space<vmem_shared>>
      tpu.enqueue_indirect_dma source(%arg7 : memref<128x16xf32, #tpu.memory_space<vmem>>) target(%dma_start3A_291 : memref<10240x16xf32, #tpu.memory_space<vmem_shared>>) offsets(%dma_start3A_288 : memref<128xi32, #tpu.memory_space<vmem>>) semaphore(%arg10 : memref<!tpu.dma_semaphore, #tpu.memory_space<semaphore_mem>>) {add = true}
      %add3A_292 = arith.constant 2 : i32
      %add3A_293 = arith.addi %mul3A_270, %add3A_292 : i32
      %dma_start3A_294 = arith.constant 1 : i32
      %dma_start3A_295 = arith.constant 0 : i32
      %dma_start3A_296 = tpu.memref_slice %arg6[%add3A_293, %dma_start3A_294, %dma_start3A_295] : memref<79x2x128xi32, #tpu.memory_space<vmem>> -> memref<1x1x128xi32, #tpu.memory_space<vmem>>
      %dma_start3A_297 = tpu.memref_squeeze %dma_start3A_296 : memref<1x1x128xi32, #tpu.memory_space<vmem>> -> memref<128xi32, #tpu.memory_space<vmem>>
      %dma_start3A_298 = arith.constant 0 : i32
      %dma_start3A_299 = arith.constant 0 : i32
      %dma_start3A_300 = tpu.memref_slice %arg5[%dma_start3A_298, %dma_start3A_299] : memref<10240x16xf32, #tpu.memory_space<vmem_shared>> -> memref<10240x16xf32, #tpu.memory_space<vmem_shared>>
      tpu.enqueue_indirect_dma source(%arg7 : memref<128x16xf32, #tpu.memory_space<vmem>>) target(%dma_start3A_300 : memref<10240x16xf32, #tpu.memory_space<vmem_shared>>) offsets(%dma_start3A_297 : memref<128xi32, #tpu.memory_space<vmem>>) semaphore(%arg10 : memref<!tpu.dma_semaphore, #tpu.memory_space<semaphore_mem>>) {add = true}
      %add3A_301 = arith.constant 3 : i32
      %add3A_302 = arith.addi %mul3A_270, %add3A_301 : i32
      %dma_start3A_303 = arith.constant 1 : i32
      %dma_start3A_304 = arith.constant 0 : i32
      %dma_start3A_305 = tpu.memref_slice %arg6[%add3A_302, %dma_start3A_303, %dma_start3A_304] : memref<79x2x128xi32, #tpu.memory_space<vmem>> -> memref<1x1x128xi32, #tpu.memory_space<vmem>>
      %dma_start3A_306 = tpu.memref_squeeze %dma_start3A_305 : memref<1x1x128xi32, #tpu.memory_space<vmem>> -> memref<128xi32, #tpu.memory_space<vmem>>
      %dma_start3A_307 = arith.constant 0 : i32
      %dma_start3A_308 = arith.constant 0 : i32
      %dma_start3A_309 = tpu.memref_slice %arg5[%dma_start3A_307, %dma_start3A_308] : memref<10240x16xf32, #tpu.memory_space<vmem_shared>> -> memref<10240x16xf32, #tpu.memory_space<vmem_shared>>
      tpu.enqueue_indirect_dma source(%arg7 : memref<128x16xf32, #tpu.memory_space<vmem>>) target(%dma_start3A_309 : memref<10240x16xf32, #tpu.memory_space<vmem_shared>>) offsets(%dma_start3A_306 : memref<128xi32, #tpu.memory_space<vmem>>) semaphore(%arg10 : memref<!tpu.dma_semaphore, #tpu.memory_space<semaphore_mem>>) {add = true}
      %add3A_310 = arith.constant 4 : i32
      %add3A_311 = arith.addi %mul3A_270, %add3A_310 : i32
      %dma_start3A_312 = arith.constant 1 : i32
      %dma_start3A_313 = arith.constant 0 : i32
      %dma_start3A_314 = tpu.memref_slice %arg6[%add3A_311, %dma_start3A_312, %dma_start3A_313] : memref<79x2x128xi32, #tpu.memory_space<vmem>> -> memref<1x1x128xi32, #tpu.memory_space<vmem>>
      %dma_start3A_315 = tpu.memref_squeeze %dma_start3A_314 : memref<1x1x128xi32, #tpu.memory_space<vmem>> -> memref<128xi32, #tpu.memory_space<vmem>>
      %dma_start3A_316 = arith.constant 0 : i32
      %dma_start3A_317 = arith.constant 0 : i32
      %dma_start3A_318 = tpu.memref_slice %arg5[%dma_start3A_316, %dma_start3A_317] : memref<10240x16xf32, #tpu.memory_space<vmem_shared>> -> memref<10240x16xf32, #tpu.memory_space<vmem_shared>>
      tpu.enqueue_indirect_dma source(%arg7 : memref<128x16xf32, #tpu.memory_space<vmem>>) target(%dma_start3A_318 : memref<10240x16xf32, #tpu.memory_space<vmem_shared>>) offsets(%dma_start3A_315 : memref<128xi32, #tpu.memory_space<vmem>>) semaphore(%arg10 : memref<!tpu.dma_semaphore, #tpu.memory_space<semaphore_mem>>) {add = true}
      %add3A_319 = arith.constant 5 : i32
      %add3A_320 = arith.addi %mul3A_270, %add3A_319 : i32
      %dma_start3A_321 = arith.constant 1 : i32
      %dma_start3A_322 = arith.constant 0 : i32
      %dma_start3A_323 = tpu.memref_slice %arg6[%add3A_320, %dma_start3A_321, %dma_start3A_322] : memref<79x2x128xi32, #tpu.memory_space<vmem>> -> memref<1x1x128xi32, #tpu.memory_space<vmem>>
      %dma_start3A_324 = tpu.memref_squeeze %dma_start3A_323 : memref<1x1x128xi32, #tpu.memory_space<vmem>> -> memref<128xi32, #tpu.memory_space<vmem>>
      %dma_start3A_325 = arith.constant 0 : i32
      %dma_start3A_326 = arith.constant 0 : i32
      %dma_start3A_327 = tpu.memref_slice %arg5[%dma_start3A_325, %dma_start3A_326] : memref<10240x16xf32, #tpu.memory_space<vmem_shared>> -> memref<10240x16xf32, #tpu.memory_space<vmem_shared>>
      tpu.enqueue_indirect_dma source(%arg7 : memref<128x16xf32, #tpu.memory_space<vmem>>) target(%dma_start3A_327 : memref<10240x16xf32, #tpu.memory_space<vmem_shared>>) offsets(%dma_start3A_324 : memref<128xi32, #tpu.memory_space<vmem>>) semaphore(%arg10 : memref<!tpu.dma_semaphore, #tpu.memory_space<semaphore_mem>>) {add = true}
      %add3A_328 = arith.constant 6 : i32
      %add3A_329 = arith.addi %mul3A_270, %add3A_328 : i32
      %dma_start3A_330 = arith.constant 1 : i32
      %dma_start3A_331 = arith.constant 0 : i32
      %dma_start3A_332 = tpu.memref_slice %arg6[%add3A_329, %dma_start3A_330, %dma_start3A_331] : memref<79x2x128xi32, #tpu.memory_space<vmem>> -> memref<1x1x128xi32, #tpu.memory_space<vmem>>
      %dma_start3A_333 = tpu.memref_squeeze %dma_start3A_332 : memref<1x1x128xi32, #tpu.memory_space<vmem>> -> memref<128xi32, #tpu.memory_space<vmem>>
      %dma_start3A_334 = arith.constant 0 : i32
      %dma_start3A_335 = arith.constant 0 : i32
      %dma_start3A_336 = tpu.memref_slice %arg5[%dma_start3A_334, %dma_start3A_335] : memref<10240x16xf32, #tpu.memory_space<vmem_shared>> -> memref<10240x16xf32, #tpu.memory_space<vmem_shared>>
      tpu.enqueue_indirect_dma source(%arg7 : memref<128x16xf32, #tpu.memory_space<vmem>>) target(%dma_start3A_336 : memref<10240x16xf32, #tpu.memory_space<vmem_shared>>) offsets(%dma_start3A_333 : memref<128xi32, #tpu.memory_space<vmem>>) semaphore(%arg10 : memref<!tpu.dma_semaphore, #tpu.memory_space<semaphore_mem>>) {add = true}
      %add3A_337 = arith.constant 7 : i32
      %add3A_338 = arith.addi %mul3A_270, %add3A_337 : i32
      %dma_start3A_339 = arith.constant 1 : i32
      %dma_start3A_340 = arith.constant 0 : i32
      %dma_start3A_341 = tpu.memref_slice %arg6[%add3A_338, %dma_start3A_339, %dma_start3A_340] : memref<79x2x128xi32, #tpu.memory_space<vmem>> -> memref<1x1x128xi32, #tpu.memory_space<vmem>>
      %dma_start3A_342 = tpu.memref_squeeze %dma_start3A_341 : memref<1x1x128xi32, #tpu.memory_space<vmem>> -> memref<128xi32, #tpu.memory_space<vmem>>
      %dma_start3A_343 = arith.constant 0 : i32
      %dma_start3A_344 = arith.constant 0 : i32
      %dma_start3A_345 = tpu.memref_slice %arg5[%dma_start3A_343, %dma_start3A_344] : memref<10240x16xf32, #tpu.memory_space<vmem_shared>> -> memref<10240x16xf32, #tpu.memory_space<vmem_shared>>
      tpu.enqueue_indirect_dma source(%arg7 : memref<128x16xf32, #tpu.memory_space<vmem>>) target(%dma_start3A_345 : memref<10240x16xf32, #tpu.memory_space<vmem_shared>>) offsets(%dma_start3A_342 : memref<128xi32, #tpu.memory_space<vmem>>) semaphore(%arg10 : memref<!tpu.dma_semaphore, #tpu.memory_space<semaphore_mem>>) {add = true}
      %add3A_346 = arith.constant 8 : i32
      %add3A_347 = arith.addi %mul3A_270, %add3A_346 : i32
      %dma_start3A_348 = arith.constant 1 : i32
      %dma_start3A_349 = arith.constant 0 : i32
      %dma_start3A_350 = tpu.memref_slice %arg6[%add3A_347, %dma_start3A_348, %dma_start3A_349] : memref<79x2x128xi32, #tpu.memory_space<vmem>> -> memref<1x1x128xi32, #tpu.memory_space<vmem>>
      %dma_start3A_351 = tpu.memref_squeeze %dma_start3A_350 : memref<1x1x128xi32, #tpu.memory_space<vmem>> -> memref<128xi32, #tpu.memory_space<vmem>>
      %dma_start3A_352 = arith.constant 0 : i32
      %dma_start3A_353 = arith.constant 0 : i32
      %dma_start3A_354 = tpu.memref_slice %arg5[%dma_start3A_352, %dma_start3A_353] : memref<10240x16xf32, #tpu.memory_space<vmem_shared>> -> memref<10240x16xf32, #tpu.memory_space<vmem_shared>>
      tpu.enqueue_indirect_dma source(%arg7 : memref<128x16xf32, #tpu.memory_space<vmem>>) target(%dma_start3A_354 : memref<10240x16xf32, #tpu.memory_space<vmem_shared>>) offsets(%dma_start3A_351 : memref<128xi32, #tpu.memory_space<vmem>>) semaphore(%arg10 : memref<!tpu.dma_semaphore, #tpu.memory_space<semaphore_mem>>) {add = true}
      %add3A_355 = arith.constant 9 : i32
      %add3A_356 = arith.addi %mul3A_270, %add3A_355 : i32
      %dma_start3A_357 = arith.constant 1 : i32
      %dma_start3A_358 = arith.constant 0 : i32
      %dma_start3A_359 = tpu.memref_slice %arg6[%add3A_356, %dma_start3A_357, %dma_start3A_358] : memref<79x2x128xi32, #tpu.memory_space<vmem>> -> memref<1x1x128xi32, #tpu.memory_space<vmem>>
      %dma_start3A_360 = tpu.memref_squeeze %dma_start3A_359 : memref<1x1x128xi32, #tpu.memory_space<vmem>> -> memref<128xi32, #tpu.memory_space<vmem>>
      %dma_start3A_361 = arith.constant 0 : i32
      %dma_start3A_362 = arith.constant 0 : i32
      %dma_start3A_363 = tpu.memref_slice %arg5[%dma_start3A_361, %dma_start3A_362] : memref<10240x16xf32, #tpu.memory_space<vmem_shared>> -> memref<10240x16xf32, #tpu.memory_space<vmem_shared>>
      tpu.enqueue_indirect_dma source(%arg7 : memref<128x16xf32, #tpu.memory_space<vmem>>) target(%dma_start3A_363 : memref<10240x16xf32, #tpu.memory_space<vmem_shared>>) offsets(%dma_start3A_360 : memref<128xi32, #tpu.memory_space<vmem>>) semaphore(%arg10 : memref<!tpu.dma_semaphore, #tpu.memory_space<semaphore_mem>>) {add = true}
      %add3A_364 = arith.constant 10 : i32
      %add3A_365 = arith.addi %mul3A_270, %add3A_364 : i32
      %dma_start3A_366 = arith.constant 1 : i32
      %dma_start3A_367 = arith.constant 0 : i32
      %dma_start3A_368 = tpu.memref_slice %arg6[%add3A_365, %dma_start3A_366, %dma_start3A_367] : memref<79x2x128xi32, #tpu.memory_space<vmem>> -> memref<1x1x128xi32, #tpu.memory_space<vmem>>
      %dma_start3A_369 = tpu.memref_squeeze %dma_start3A_368 : memref<1x1x128xi32, #tpu.memory_space<vmem>> -> memref<128xi32, #tpu.memory_space<vmem>>
      %dma_start3A_370 = arith.constant 0 : i32
      %dma_start3A_371 = arith.constant 0 : i32
      %dma_start3A_372 = tpu.memref_slice %arg5[%dma_start3A_370, %dma_start3A_371] : memref<10240x16xf32, #tpu.memory_space<vmem_shared>> -> memref<10240x16xf32, #tpu.memory_space<vmem_shared>>
      tpu.enqueue_indirect_dma source(%arg7 : memref<128x16xf32, #tpu.memory_space<vmem>>) target(%dma_start3A_372 : memref<10240x16xf32, #tpu.memory_space<vmem_shared>>) offsets(%dma_start3A_369 : memref<128xi32, #tpu.memory_space<vmem>>) semaphore(%arg10 : memref<!tpu.dma_semaphore, #tpu.memory_space<semaphore_mem>>) {add = true}
      %add3A_373 = arith.constant 11 : i32
      %add3A_374 = arith.addi %mul3A_270, %add3A_373 : i32
      %dma_start3A_375 = arith.constant 1 : i32
      %dma_start3A_376 = arith.constant 0 : i32
      %dma_start3A_377 = tpu.memref_slice %arg6[%add3A_374, %dma_start3A_375, %dma_start3A_376] : memref<79x2x128xi32, #tpu.memory_space<vmem>> -> memref<1x1x128xi32, #tpu.memory_space<vmem>>
      %dma_start3A_378 = tpu.memref_squeeze %dma_start3A_377 : memref<1x1x128xi32, #tpu.memory_space<vmem>> -> memref<128xi32, #tpu.memory_space<vmem>>
      %dma_start3A_379 = arith.constant 0 : i32
      %dma_start3A_380 = arith.constant 0 : i32
      %dma_start3A_381 = tpu.memref_slice %arg5[%dma_start3A_379, %dma_start3A_380] : memref<10240x16xf32, #tpu.memory_space<vmem_shared>> -> memref<10240x16xf32, #tpu.memory_space<vmem_shared>>
      tpu.enqueue_indirect_dma source(%arg7 : memref<128x16xf32, #tpu.memory_space<vmem>>) target(%dma_start3A_381 : memref<10240x16xf32, #tpu.memory_space<vmem_shared>>) offsets(%dma_start3A_378 : memref<128xi32, #tpu.memory_space<vmem>>) semaphore(%arg10 : memref<!tpu.dma_semaphore, #tpu.memory_space<semaphore_mem>>) {add = true}
      %add3A_382 = arith.constant 12 : i32
      %add3A_383 = arith.addi %mul3A_270, %add3A_382 : i32
      %dma_start3A_384 = arith.constant 1 : i32
      %dma_start3A_385 = arith.constant 0 : i32
      %dma_start3A_386 = tpu.memref_slice %arg6[%add3A_383, %dma_start3A_384, %dma_start3A_385] : memref<79x2x128xi32, #tpu.memory_space<vmem>> -> memref<1x1x128xi32, #tpu.memory_space<vmem>>
      %dma_start3A_387 = tpu.memref_squeeze %dma_start3A_386 : memref<1x1x128xi32, #tpu.memory_space<vmem>> -> memref<128xi32, #tpu.memory_space<vmem>>
      %dma_start3A_388 = arith.constant 0 : i32
      %dma_start3A_389 = arith.constant 0 : i32
      %dma_start3A_390 = tpu.memref_slice %arg5[%dma_start3A_388, %dma_start3A_389] : memref<10240x16xf32, #tpu.memory_space<vmem_shared>> -> memref<10240x16xf32, #tpu.memory_space<vmem_shared>>
      tpu.enqueue_indirect_dma source(%arg7 : memref<128x16xf32, #tpu.memory_space<vmem>>) target(%dma_start3A_390 : memref<10240x16xf32, #tpu.memory_space<vmem_shared>>) offsets(%dma_start3A_387 : memref<128xi32, #tpu.memory_space<vmem>>) semaphore(%arg10 : memref<!tpu.dma_semaphore, #tpu.memory_space<semaphore_mem>>) {add = true}
    }
    %scan3A_37 = arith.constant 6 : i32
    %dma_wait3A = arith.constant 0 : i32
    %dma_wait3A_38 = arith.constant 1 : i32
    %dma_wait3A_39 = arith.constant 0 : i32
    %dma_wait3A_40 = tpu.memref_slice %arg6[%dma_wait3A, %dma_wait3A_38, %dma_wait3A_39] : memref<79x2x128xi32, #tpu.memory_space<vmem>> -> memref<1x1x128xi32, #tpu.memory_space<vmem>>
    %dma_wait3A_41 = tpu.memref_squeeze %dma_wait3A_40 : memref<1x1x128xi32, #tpu.memory_space<vmem>> -> memref<128xi32, #tpu.memory_space<vmem>>
    %dma_wait3A_42 = arith.constant 0 : i32
    %dma_wait3A_43 = arith.constant 0 : i32
    %dma_wait3A_44 = tpu.memref_slice %arg5[%dma_wait3A_42, %dma_wait3A_43] : memref<10240x16xf32, #tpu.memory_space<vmem_shared>> -> memref<10240x16xf32, #tpu.memory_space<vmem_shared>>
    tpu.wait_indirect_dma semaphore(%arg10 : memref<!tpu.dma_semaphore, #tpu.memory_space<semaphore_mem>>) src(%arg7 : memref<128x16xf32, #tpu.memory_space<vmem>>) dst(%dma_wait3A_44 : memref<10240x16xf32, #tpu.memory_space<vmem_shared>>)
    %dma_wait3A_45 = arith.constant 1 : i32
    %dma_wait3A_46 = arith.constant 1 : i32
    %dma_wait3A_47 = arith.constant 0 : i32
    %dma_wait3A_48 = tpu.memref_slice %arg6[%dma_wait3A_45, %dma_wait3A_46, %dma_wait3A_47] : memref<79x2x128xi32, #tpu.memory_space<vmem>> -> memref<1x1x128xi32, #tpu.memory_space<vmem>>
    %dma_wait3A_49 = tpu.memref_squeeze %dma_wait3A_48 : memref<1x1x128xi32, #tpu.memory_space<vmem>> -> memref<128xi32, #tpu.memory_space<vmem>>
    %dma_wait3A_50 = arith.constant 0 : i32
    %dma_wait3A_51 = arith.constant 0 : i32
    %dma_wait3A_52 = tpu.memref_slice %arg5[%dma_wait3A_50, %dma_wait3A_51] : memref<10240x16xf32, #tpu.memory_space<vmem_shared>> -> memref<10240x16xf32, #tpu.memory_space<vmem_shared>>
    tpu.wait_indirect_dma semaphore(%arg10 : memref<!tpu.dma_semaphore, #tpu.memory_space<semaphore_mem>>) src(%arg7 : memref<128x16xf32, #tpu.memory_space<vmem>>) dst(%dma_wait3A_52 : memref<10240x16xf32, #tpu.memory_space<vmem_shared>>)
    %dma_wait3A_53 = arith.constant 2 : i32
    %dma_wait3A_54 = arith.constant 1 : i32
    %dma_wait3A_55 = arith.constant 0 : i32
    %dma_wait3A_56 = tpu.memref_slice %arg6[%dma_wait3A_53, %dma_wait3A_54, %dma_wait3A_55] : memref<79x2x128xi32, #tpu.memory_space<vmem>> -> memref<1x1x128xi32, #tpu.memory_space<vmem>>
    %dma_wait3A_57 = tpu.memref_squeeze %dma_wait3A_56 : memref<1x1x128xi32, #tpu.memory_space<vmem>> -> memref<128xi32, #tpu.memory_space<vmem>>
    %dma_wait3A_58 = arith.constant 0 : i32
    %dma_wait3A_59 = arith.constant 0 : i32
    %dma_wait3A_60 = tpu.memref_slice %arg5[%dma_wait3A_58, %dma_wait3A_59] : memref<10240x16xf32, #tpu.memory_space<vmem_shared>> -> memref<10240x16xf32, #tpu.memory_space<vmem_shared>>
    tpu.wait_indirect_dma semaphore(%arg10 : memref<!tpu.dma_semaphore, #tpu.memory_space<semaphore_mem>>) src(%arg7 : memref<128x16xf32, #tpu.memory_space<vmem>>) dst(%dma_wait3A_60 : memref<10240x16xf32, #tpu.memory_space<vmem_shared>>)
    %dma_wait3A_61 = arith.constant 3 : i32
    %dma_wait3A_62 = arith.constant 1 : i32
    %dma_wait3A_63 = arith.constant 0 : i32
    %dma_wait3A_64 = tpu.memref_slice %arg6[%dma_wait3A_61, %dma_wait3A_62, %dma_wait3A_63] : memref<79x2x128xi32, #tpu.memory_space<vmem>> -> memref<1x1x128xi32, #tpu.memory_space<vmem>>
    %dma_wait3A_65 = tpu.memref_squeeze %dma_wait3A_64 : memref<1x1x128xi32, #tpu.memory_space<vmem>> -> memref<128xi32, #tpu.memory_space<vmem>>
    %dma_wait3A_66 = arith.constant 0 : i32
    %dma_wait3A_67 = arith.constant 0 : i32
    %dma_wait3A_68 = tpu.memref_slice %arg5[%dma_wait3A_66, %dma_wait3A_67] : memref<10240x16xf32, #tpu.memory_space<vmem_shared>> -> memref<10240x16xf32, #tpu.memory_space<vmem_shared>>
    tpu.wait_indirect_dma semaphore(%arg10 : memref<!tpu.dma_semaphore, #tpu.memory_space<semaphore_mem>>) src(%arg7 : memref<128x16xf32, #tpu.memory_space<vmem>>) dst(%dma_wait3A_68 : memref<10240x16xf32, #tpu.memory_space<vmem_shared>>)
    %dma_wait3A_69 = arith.constant 4 : i32
    %dma_wait3A_70 = arith.constant 1 : i32
    %dma_wait3A_71 = arith.constant 0 : i32
    %dma_wait3A_72 = tpu.memref_slice %arg6[%dma_wait3A_69, %dma_wait3A_70, %dma_wait3A_71] : memref<79x2x128xi32, #tpu.memory_space<vmem>> -> memref<1x1x128xi32, #tpu.memory_space<vmem>>
    %dma_wait3A_73 = tpu.memref_squeeze %dma_wait3A_72 : memref<1x1x128xi32, #tpu.memory_space<vmem>> -> memref<128xi32, #tpu.memory_space<vmem>>
    %dma_wait3A_74 = arith.constant 0 : i32
    %dma_wait3A_75 = arith.constant 0 : i32
    %dma_wait3A_76 = tpu.memref_slice %arg5[%dma_wait3A_74, %dma_wait3A_75] : memref<10240x16xf32, #tpu.memory_space<vmem_shared>> -> memref<10240x16xf32, #tpu.memory_space<vmem_shared>>
    tpu.wait_indirect_dma semaphore(%arg10 : memref<!tpu.dma_semaphore, #tpu.memory_space<semaphore_mem>>) src(%arg7 : memref<128x16xf32, #tpu.memory_space<vmem>>) dst(%dma_wait3A_76 : memref<10240x16xf32, #tpu.memory_space<vmem_shared>>)
    %dma_wait3A_77 = arith.constant 5 : i32
    %dma_wait3A_78 = arith.constant 1 : i32
    %dma_wait3A_79 = arith.constant 0 : i32
    %dma_wait3A_80 = tpu.memref_slice %arg6[%dma_wait3A_77, %dma_wait3A_78, %dma_wait3A_79] : memref<79x2x128xi32, #tpu.memory_space<vmem>> -> memref<1x1x128xi32, #tpu.memory_space<vmem>>
    %dma_wait3A_81 = tpu.memref_squeeze %dma_wait3A_80 : memref<1x1x128xi32, #tpu.memory_space<vmem>> -> memref<128xi32, #tpu.memory_space<vmem>>
    %dma_wait3A_82 = arith.constant 0 : i32
    %dma_wait3A_83 = arith.constant 0 : i32
    %dma_wait3A_84 = tpu.memref_slice %arg5[%dma_wait3A_82, %dma_wait3A_83] : memref<10240x16xf32, #tpu.memory_space<vmem_shared>> -> memref<10240x16xf32, #tpu.memory_space<vmem_shared>>
    tpu.wait_indirect_dma semaphore(%arg10 : memref<!tpu.dma_semaphore, #tpu.memory_space<semaphore_mem>>) src(%arg7 : memref<128x16xf32, #tpu.memory_space<vmem>>) dst(%dma_wait3A_84 : memref<10240x16xf32, #tpu.memory_space<vmem_shared>>)
    %dma_wait3A_85 = arith.constant 6 : i32
    %dma_wait3A_86 = arith.constant 1 : i32
    %dma_wait3A_87 = arith.constant 0 : i32
    %dma_wait3A_88 = tpu.memref_slice %arg6[%dma_wait3A_85, %dma_wait3A_86, %dma_wait3A_87] : memref<79x2x128xi32, #tpu.memory_space<vmem>> -> memref<1x1x128xi32, #tpu.memory_space<vmem>>
    %dma_wait3A_89 = tpu.memref_squeeze %dma_wait3A_88 : memref<1x1x128xi32, #tpu.memory_space<vmem>> -> memref<128xi32, #tpu.memory_space<vmem>>
    %dma_wait3A_90 = arith.constant 0 : i32
    %dma_wait3A_91 = arith.constant 0 : i32
    %dma_wait3A_92 = tpu.memref_slice %arg5[%dma_wait3A_90, %dma_wait3A_91] : memref<10240x16xf32, #tpu.memory_space<vmem_shared>> -> memref<10240x16xf32, #tpu.memory_space<vmem_shared>>
    tpu.wait_indirect_dma semaphore(%arg10 : memref<!tpu.dma_semaphore, #tpu.memory_space<semaphore_mem>>) src(%arg7 : memref<128x16xf32, #tpu.memory_space<vmem>>) dst(%dma_wait3A_92 : memref<10240x16xf32, #tpu.memory_space<vmem_shared>>)
    %dma_wait3A_93 = arith.constant 7 : i32
    %dma_wait3A_94 = arith.constant 1 : i32
    %dma_wait3A_95 = arith.constant 0 : i32
    %dma_wait3A_96 = tpu.memref_slice %arg6[%dma_wait3A_93, %dma_wait3A_94, %dma_wait3A_95] : memref<79x2x128xi32, #tpu.memory_space<vmem>> -> memref<1x1x128xi32, #tpu.memory_space<vmem>>
    %dma_wait3A_97 = tpu.memref_squeeze %dma_wait3A_96 : memref<1x1x128xi32, #tpu.memory_space<vmem>> -> memref<128xi32, #tpu.memory_space<vmem>>
    %dma_wait3A_98 = arith.constant 0 : i32
    %dma_wait3A_99 = arith.constant 0 : i32
    %dma_wait3A_100 = tpu.memref_slice %arg5[%dma_wait3A_98, %dma_wait3A_99] : memref<10240x16xf32, #tpu.memory_space<vmem_shared>> -> memref<10240x16xf32, #tpu.memory_space<vmem_shared>>
    tpu.wait_indirect_dma semaphore(%arg10 : memref<!tpu.dma_semaphore, #tpu.memory_space<semaphore_mem>>) src(%arg7 : memref<128x16xf32, #tpu.memory_space<vmem>>) dst(%dma_wait3A_100 : memref<10240x16xf32, #tpu.memory_space<vmem_shared>>)
    %dma_wait3A_101 = arith.constant 8 : i32
    %dma_wait3A_102 = arith.constant 1 : i32
    %dma_wait3A_103 = arith.constant 0 : i32
    %dma_wait3A_104 = tpu.memref_slice %arg6[%dma_wait3A_101, %dma_wait3A_102, %dma_wait3A_103] : memref<79x2x128xi32, #tpu.memory_space<vmem>> -> memref<1x1x128xi32, #tpu.memory_space<vmem>>
    %dma_wait3A_105 = tpu.memref_squeeze %dma_wait3A_104 : memref<1x1x128xi32, #tpu.memory_space<vmem>> -> memref<128xi32, #tpu.memory_space<vmem>>
    %dma_wait3A_106 = arith.constant 0 : i32
    %dma_wait3A_107 = arith.constant 0 : i32
    %dma_wait3A_108 = tpu.memref_slice %arg5[%dma_wait3A_106, %dma_wait3A_107] : memref<10240x16xf32, #tpu.memory_space<vmem_shared>> -> memref<10240x16xf32, #tpu.memory_space<vmem_shared>>
    tpu.wait_indirect_dma semaphore(%arg10 : memref<!tpu.dma_semaphore, #tpu.memory_space<semaphore_mem>>) src(%arg7 : memref<128x16xf32, #tpu.memory_space<vmem>>) dst(%dma_wait3A_108 : memref<10240x16xf32, #tpu.memory_space<vmem_shared>>)
    %dma_wait3A_109 = arith.constant 9 : i32
    %dma_wait3A_110 = arith.constant 1 : i32
    %dma_wait3A_111 = arith.constant 0 : i32
    %dma_wait3A_112 = tpu.memref_slice %arg6[%dma_wait3A_109, %dma_wait3A_110, %dma_wait3A_111] : memref<79x2x128xi32, #tpu.memory_space<vmem>> -> memref<1x1x128xi32, #tpu.memory_space<vmem>>
    %dma_wait3A_113 = tpu.memref_squeeze %dma_wait3A_112 : memref<1x1x128xi32, #tpu.memory_space<vmem>> -> memref<128xi32, #tpu.memory_space<vmem>>
    %dma_wait3A_114 = arith.constant 0 : i32
    %dma_wait3A_115 = arith.constant 0 : i32
    %dma_wait3A_116 = tpu.memref_slice %arg5[%dma_wait3A_114, %dma_wait3A_115] : memref<10240x16xf32, #tpu.memory_space<vmem_shared>> -> memref<10240x16xf32, #tpu.memory_space<vmem_shared>>
    tpu.wait_indirect_dma semaphore(%arg10 : memref<!tpu.dma_semaphore, #tpu.memory_space<semaphore_mem>>) src(%arg7 : memref<128x16xf32, #tpu.memory_space<vmem>>) dst(%dma_wait3A_116 : memref<10240x16xf32, #tpu.memory_space<vmem_shared>>)
    %dma_wait3A_117 = arith.constant 10 : i32
    %dma_wait3A_118 = arith.constant 1 : i32
    %dma_wait3A_119 = arith.constant 0 : i32
    %dma_wait3A_120 = tpu.memref_slice %arg6[%dma_wait3A_117, %dma_wait3A_118, %dma_wait3A_119] : memref<79x2x128xi32, #tpu.memory_space<vmem>> -> memref<1x1x128xi32, #tpu.memory_space<vmem>>
    %dma_wait3A_121 = tpu.memref_squeeze %dma_wait3A_120 : memref<1x1x128xi32, #tpu.memory_space<vmem>> -> memref<128xi32, #tpu.memory_space<vmem>>
    %dma_wait3A_122 = arith.constant 0 : i32
    %dma_wait3A_123 = arith.constant 0 : i32
    %dma_wait3A_124 = tpu.memref_slice %arg5[%dma_wait3A_122, %dma_wait3A_123] : memref<10240x16xf32, #tpu.memory_space<vmem_shared>> -> memref<10240x16xf32, #tpu.memory_space<vmem_shared>>
    tpu.wait_indirect_dma semaphore(%arg10 : memref<!tpu.dma_semaphore, #tpu.memory_space<semaphore_mem>>) src(%arg7 : memref<128x16xf32, #tpu.memory_space<vmem>>) dst(%dma_wait3A_124 : memref<10240x16xf32, #tpu.memory_space<vmem_shared>>)
    %dma_wait3A_125 = arith.constant 11 : i32
    %dma_wait3A_126 = arith.constant 1 : i32
    %dma_wait3A_127 = arith.constant 0 : i32
    %dma_wait3A_128 = tpu.memref_slice %arg6[%dma_wait3A_125, %dma_wait3A_126, %dma_wait3A_127] : memref<79x2x128xi32, #tpu.memory_space<vmem>> -> memref<1x1x128xi32, #tpu.memory_space<vmem>>
    %dma_wait3A_129 = tpu.memref_squeeze %dma_wait3A_128 : memref<1x1x128xi32, #tpu.memory_space<vmem>> -> memref<128xi32, #tpu.memory_space<vmem>>
    %dma_wait3A_130 = arith.constant 0 : i32
    %dma_wait3A_131 = arith.constant 0 : i32
    %dma_wait3A_132 = tpu.memref_slice %arg5[%dma_wait3A_130, %dma_wait3A_131] : memref<10240x16xf32, #tpu.memory_space<vmem_shared>> -> memref<10240x16xf32, #tpu.memory_space<vmem_shared>>
    tpu.wait_indirect_dma semaphore(%arg10 : memref<!tpu.dma_semaphore, #tpu.memory_space<semaphore_mem>>) src(%arg7 : memref<128x16xf32, #tpu.memory_space<vmem>>) dst(%dma_wait3A_132 : memref<10240x16xf32, #tpu.memory_space<vmem_shared>>)
    %dma_wait3A_133 = arith.constant 12 : i32
    %dma_wait3A_134 = arith.constant 1 : i32
    %dma_wait3A_135 = arith.constant 0 : i32
    %dma_wait3A_136 = tpu.memref_slice %arg6[%dma_wait3A_133, %dma_wait3A_134, %dma_wait3A_135] : memref<79x2x128xi32, #tpu.memory_space<vmem>> -> memref<1x1x128xi32, #tpu.memory_space<vmem>>
    %dma_wait3A_137 = tpu.memref_squeeze %dma_wait3A_136 : memref<1x1x128xi32, #tpu.memory_space<vmem>> -> memref<128xi32, #tpu.memory_space<vmem>>
    %dma_wait3A_138 = arith.constant 0 : i32
    %dma_wait3A_139 = arith.constant 0 : i32
    %dma_wait3A_140 = tpu.memref_slice %arg5[%dma_wait3A_138, %dma_wait3A_139] : memref<10240x16xf32, #tpu.memory_space<vmem_shared>> -> memref<10240x16xf32, #tpu.memory_space<vmem_shared>>
    tpu.wait_indirect_dma semaphore(%arg10 : memref<!tpu.dma_semaphore, #tpu.memory_space<semaphore_mem>>) src(%arg7 : memref<128x16xf32, #tpu.memory_space<vmem>>) dst(%dma_wait3A_140 : memref<10240x16xf32, #tpu.memory_space<vmem_shared>>)
    %dma_wait3A_141 = arith.constant 13 : i32
    %dma_wait3A_142 = arith.constant 1 : i32
    %dma_wait3A_143 = arith.constant 0 : i32
    %dma_wait3A_144 = tpu.memref_slice %arg6[%dma_wait3A_141, %dma_wait3A_142, %dma_wait3A_143] : memref<79x2x128xi32, #tpu.memory_space<vmem>> -> memref<1x1x128xi32, #tpu.memory_space<vmem>>
    %dma_wait3A_145 = tpu.memref_squeeze %dma_wait3A_144 : memref<1x1x128xi32, #tpu.memory_space<vmem>> -> memref<128xi32, #tpu.memory_space<vmem>>
    %dma_wait3A_146 = arith.constant 0 : i32
    %dma_wait3A_147 = arith.constant 0 : i32
    %dma_wait3A_148 = tpu.memref_slice %arg5[%dma_wait3A_146, %dma_wait3A_147] : memref<10240x16xf32, #tpu.memory_space<vmem_shared>> -> memref<10240x16xf32, #tpu.memory_space<vmem_shared>>
    tpu.wait_indirect_dma semaphore(%arg10 : memref<!tpu.dma_semaphore, #tpu.memory_space<semaphore_mem>>) src(%arg7 : memref<128x16xf32, #tpu.memory_space<vmem>>) dst(%dma_wait3A_148 : memref<10240x16xf32, #tpu.memory_space<vmem_shared>>)
    %dma_wait3A_149 = arith.constant 14 : i32
    %dma_wait3A_150 = arith.constant 1 : i32
    %dma_wait3A_151 = arith.constant 0 : i32
    %dma_wait3A_152 = tpu.memref_slice %arg6[%dma_wait3A_149, %dma_wait3A_150, %dma_wait3A_151] : memref<79x2x128xi32, #tpu.memory_space<vmem>> -> memref<1x1x128xi32, #tpu.memory_space<vmem>>
    %dma_wait3A_153 = tpu.memref_squeeze %dma_wait3A_152 : memref<1x1x128xi32, #tpu.memory_space<vmem>> -> memref<128xi32, #tpu.memory_space<vmem>>
    %dma_wait3A_154 = arith.constant 0 : i32
    %dma_wait3A_155 = arith.constant 0 : i32
    %dma_wait3A_156 = tpu.memref_slice %arg5[%dma_wait3A_154, %dma_wait3A_155] : memref<10240x16xf32, #tpu.memory_space<vmem_shared>> -> memref<10240x16xf32, #tpu.memory_space<vmem_shared>>
    tpu.wait_indirect_dma semaphore(%arg10 : memref<!tpu.dma_semaphore, #tpu.memory_space<semaphore_mem>>) src(%arg7 : memref<128x16xf32, #tpu.memory_space<vmem>>) dst(%dma_wait3A_156 : memref<10240x16xf32, #tpu.memory_space<vmem_shared>>)
    %dma_wait3A_157 = arith.constant 15 : i32
    %dma_wait3A_158 = arith.constant 1 : i32
    %dma_wait3A_159 = arith.constant 0 : i32
    %dma_wait3A_160 = tpu.memref_slice %arg6[%dma_wait3A_157, %dma_wait3A_158, %dma_wait3A_159] : memref<79x2x128xi32, #tpu.memory_space<vmem>> -> memref<1x1x128xi32, #tpu.memory_space<vmem>>
    %dma_wait3A_161 = tpu.memref_squeeze %dma_wait3A_160 : memref<1x1x128xi32, #tpu.memory_space<vmem>> -> memref<128xi32, #tpu.memory_space<vmem>>
    %dma_wait3A_162 = arith.constant 0 : i32
    %dma_wait3A_163 = arith.constant 0 : i32
    %dma_wait3A_164 = tpu.memref_slice %arg5[%dma_wait3A_162, %dma_wait3A_163] : memref<10240x16xf32, #tpu.memory_space<vmem_shared>> -> memref<10240x16xf32, #tpu.memory_space<vmem_shared>>
    tpu.wait_indirect_dma semaphore(%arg10 : memref<!tpu.dma_semaphore, #tpu.memory_space<semaphore_mem>>) src(%arg7 : memref<128x16xf32, #tpu.memory_space<vmem>>) dst(%dma_wait3A_164 : memref<10240x16xf32, #tpu.memory_space<vmem_shared>>)
    %dma_wait3A_165 = arith.constant 16 : i32
    %dma_wait3A_166 = arith.constant 1 : i32
    %dma_wait3A_167 = arith.constant 0 : i32
    %dma_wait3A_168 = tpu.memref_slice %arg6[%dma_wait3A_165, %dma_wait3A_166, %dma_wait3A_167] : memref<79x2x128xi32, #tpu.memory_space<vmem>> -> memref<1x1x128xi32, #tpu.memory_space<vmem>>
    %dma_wait3A_169 = tpu.memref_squeeze %dma_wait3A_168 : memref<1x1x128xi32, #tpu.memory_space<vmem>> -> memref<128xi32, #tpu.memory_space<vmem>>
    %dma_wait3A_170 = arith.constant 0 : i32
    %dma_wait3A_171 = arith.constant 0 : i32
    %dma_wait3A_172 = tpu.memref_slice %arg5[%dma_wait3A_170, %dma_wait3A_171] : memref<10240x16xf32, #tpu.memory_space<vmem_shared>> -> memref<10240x16xf32, #tpu.memory_space<vmem_shared>>
    tpu.wait_indirect_dma semaphore(%arg10 : memref<!tpu.dma_semaphore, #tpu.memory_space<semaphore_mem>>) src(%arg7 : memref<128x16xf32, #tpu.memory_space<vmem>>) dst(%dma_wait3A_172 : memref<10240x16xf32, #tpu.memory_space<vmem_shared>>)
    %dma_wait3A_173 = arith.constant 17 : i32
    %dma_wait3A_174 = arith.constant 1 : i32
    %dma_wait3A_175 = arith.constant 0 : i32
    %dma_wait3A_176 = tpu.memref_slice %arg6[%dma_wait3A_173, %dma_wait3A_174, %dma_wait3A_175] : memref<79x2x128xi32, #tpu.memory_space<vmem>> -> memref<1x1x128xi32, #tpu.memory_space<vmem>>
    %dma_wait3A_177 = tpu.memref_squeeze %dma_wait3A_176 : memref<1x1x128xi32, #tpu.memory_space<vmem>> -> memref<128xi32, #tpu.memory_space<vmem>>
    %dma_wait3A_178 = arith.constant 0 : i32
    %dma_wait3A_179 = arith.constant 0 : i32
    %dma_wait3A_180 = tpu.memref_slice %arg5[%dma_wait3A_178, %dma_wait3A_179] : memref<10240x16xf32, #tpu.memory_space<vmem_shared>> -> memref<10240x16xf32, #tpu.memory_space<vmem_shared>>
    tpu.wait_indirect_dma semaphore(%arg10 : memref<!tpu.dma_semaphore, #tpu.memory_space<semaphore_mem>>) src(%arg7 : memref<128x16xf32, #tpu.memory_space<vmem>>) dst(%dma_wait3A_180 : memref<10240x16xf32, #tpu.memory_space<vmem_shared>>)
    %dma_wait3A_181 = arith.constant 18 : i32
    %dma_wait3A_182 = arith.constant 1 : i32
    %dma_wait3A_183 = arith.constant 0 : i32
    %dma_wait3A_184 = tpu.memref_slice %arg6[%dma_wait3A_181, %dma_wait3A_182, %dma_wait3A_183] : memref<79x2x128xi32, #tpu.memory_space<vmem>> -> memref<1x1x128xi32, #tpu.memory_space<vmem>>
    %dma_wait3A_185 = tpu.memref_squeeze %dma_wait3A_184 : memref<1x1x128xi32, #tpu.memory_space<vmem>> -> memref<128xi32, #tpu.memory_space<vmem>>
    %dma_wait3A_186 = arith.constant 0 : i32
    %dma_wait3A_187 = arith.constant 0 : i32
    %dma_wait3A_188 = tpu.memref_slice %arg5[%dma_wait3A_186, %dma_wait3A_187] : memref<10240x16xf32, #tpu.memory_space<vmem_shared>> -> memref<10240x16xf32, #tpu.memory_space<vmem_shared>>
    tpu.wait_indirect_dma semaphore(%arg10 : memref<!tpu.dma_semaphore, #tpu.memory_space<semaphore_mem>>) src(%arg7 : memref<128x16xf32, #tpu.memory_space<vmem>>) dst(%dma_wait3A_188 : memref<10240x16xf32, #tpu.memory_space<vmem_shared>>)
    %dma_wait3A_189 = arith.constant 19 : i32
    %dma_wait3A_190 = arith.constant 1 : i32
    %dma_wait3A_191 = arith.constant 0 : i32
    %dma_wait3A_192 = tpu.memref_slice %arg6[%dma_wait3A_189, %dma_wait3A_190, %dma_wait3A_191] : memref<79x2x128xi32, #tpu.memory_space<vmem>> -> memref<1x1x128xi32, #tpu.memory_space<vmem>>
    %dma_wait3A_193 = tpu.memref_squeeze %dma_wait3A_192 : memref<1x1x128xi32, #tpu.memory_space<vmem>> -> memref<128xi32, #tpu.memory_space<vmem>>
    %dma_wait3A_194 = arith.constant 0 : i32
    %dma_wait3A_195 = arith.constant 0 : i32
    %dma_wait3A_196 = tpu.memref_slice %arg5[%dma_wait3A_194, %dma_wait3A_195] : memref<10240x16xf32, #tpu.memory_space<vmem_shared>> -> memref<10240x16xf32, #tpu.memory_space<vmem_shared>>
    tpu.wait_indirect_dma semaphore(%arg10 : memref<!tpu.dma_semaphore, #tpu.memory_space<semaphore_mem>>) src(%arg7 : memref<128x16xf32, #tpu.memory_space<vmem>>) dst(%dma_wait3A_196 : memref<10240x16xf32, #tpu.memory_space<vmem_shared>>)
    %dma_wait3A_197 = arith.constant 20 : i32
    %dma_wait3A_198 = arith.constant 1 : i32
    %dma_wait3A_199 = arith.constant 0 : i32
    %dma_wait3A_200 = tpu.memref_slice %arg6[%dma_wait3A_197, %dma_wait3A_198, %dma_wait3A_199] : memref<79x2x128xi32, #tpu.memory_space<vmem>> -> memref<1x1x128xi32, #tpu.memory_space<vmem>>
    %dma_wait3A_201 = tpu.memref_squeeze %dma_wait3A_200 : memref<1x1x128xi32, #tpu.memory_space<vmem>> -> memref<128xi32, #tpu.memory_space<vmem>>
    %dma_wait3A_202 = arith.constant 0 : i32
    %dma_wait3A_203 = arith.constant 0 : i32
    %dma_wait3A_204 = tpu.memref_slice %arg5[%dma_wait3A_202, %dma_wait3A_203] : memref<10240x16xf32, #tpu.memory_space<vmem_shared>> -> memref<10240x16xf32, #tpu.memory_space<vmem_shared>>
    tpu.wait_indirect_dma semaphore(%arg10 : memref<!tpu.dma_semaphore, #tpu.memory_space<semaphore_mem>>) src(%arg7 : memref<128x16xf32, #tpu.memory_space<vmem>>) dst(%dma_wait3A_204 : memref<10240x16xf32, #tpu.memory_space<vmem_shared>>)
    %dma_wait3A_205 = arith.constant 21 : i32
    %dma_wait3A_206 = arith.constant 1 : i32
    %dma_wait3A_207 = arith.constant 0 : i32
    %dma_wait3A_208 = tpu.memref_slice %arg6[%dma_wait3A_205, %dma_wait3A_206, %dma_wait3A_207] : memref<79x2x128xi32, #tpu.memory_space<vmem>> -> memref<1x1x128xi32, #tpu.memory_space<vmem>>
    %dma_wait3A_209 = tpu.memref_squeeze %dma_wait3A_208 : memref<1x1x128xi32, #tpu.memory_space<vmem>> -> memref<128xi32, #tpu.memory_space<vmem>>
    %dma_wait3A_210 = arith.constant 0 : i32
    %dma_wait3A_211 = arith.constant 0 : i32
    %dma_wait3A_212 = tpu.memref_slice %arg5[%dma_wait3A_210, %dma_wait3A_211] : memref<10240x16xf32, #tpu.memory_space<vmem_shared>> -> memref<10240x16xf32, #tpu.memory_space<vmem_shared>>
    tpu.wait_indirect_dma semaphore(%arg10 : memref<!tpu.dma_semaphore, #tpu.memory_space<semaphore_mem>>) src(%arg7 : memref<128x16xf32, #tpu.memory_space<vmem>>) dst(%dma_wait3A_212 : memref<10240x16xf32, #tpu.memory_space<vmem_shared>>)
    %dma_wait3A_213 = arith.constant 22 : i32
    %dma_wait3A_214 = arith.constant 1 : i32
    %dma_wait3A_215 = arith.constant 0 : i32
    %dma_wait3A_216 = tpu.memref_slice %arg6[%dma_wait3A_213, %dma_wait3A_214, %dma_wait3A_215] : memref<79x2x128xi32, #tpu.memory_space<vmem>> -> memref<1x1x128xi32, #tpu.memory_space<vmem>>
    %dma_wait3A_217 = tpu.memref_squeeze %dma_wait3A_216 : memref<1x1x128xi32, #tpu.memory_space<vmem>> -> memref<128xi32, #tpu.memory_space<vmem>>
    %dma_wait3A_218 = arith.constant 0 : i32
    %dma_wait3A_219 = arith.constant 0 : i32
    %dma_wait3A_220 = tpu.memref_slice %arg5[%dma_wait3A_218, %dma_wait3A_219] : memref<10240x16xf32, #tpu.memory_space<vmem_shared>> -> memref<10240x16xf32, #tpu.memory_space<vmem_shared>>
    tpu.wait_indirect_dma semaphore(%arg10 : memref<!tpu.dma_semaphore, #tpu.memory_space<semaphore_mem>>) src(%arg7 : memref<128x16xf32, #tpu.memory_space<vmem>>) dst(%dma_wait3A_220 : memref<10240x16xf32, #tpu.memory_space<vmem_shared>>)
    %dma_wait3A_221 = arith.constant 23 : i32
    %dma_wait3A_222 = arith.constant 1 : i32
    %dma_wait3A_223 = arith.constant 0 : i32
    %dma_wait3A_224 = tpu.memref_slice %arg6[%dma_wait3A_221, %dma_wait3A_222, %dma_wait3A_223] : memref<79x2x128xi32, #tpu.memory_space<vmem>> -> memref<1x1x128xi32, #tpu.memory_space<vmem>>
    %dma_wait3A_225 = tpu.memref_squeeze %dma_wait3A_224 : memref<1x1x128xi32, #tpu.memory_space<vmem>> -> memref<128xi32, #tpu.memory_space<vmem>>
    %dma_wait3A_226 = arith.constant 0 : i32
    %dma_wait3A_227 = arith.constant 0 : i32
    %dma_wait3A_228 = tpu.memref_slice %arg5[%dma_wait3A_226, %dma_wait3A_227] : memref<10240x16xf32, #tpu.memory_space<vmem_shared>> -> memref<10240x16xf32, #tpu.memory_space<vmem_shared>>
    tpu.wait_indirect_dma semaphore(%arg10 : memref<!tpu.dma_semaphore, #tpu.memory_space<semaphore_mem>>) src(%arg7 : memref<128x16xf32, #tpu.memory_space<vmem>>) dst(%dma_wait3A_228 : memref<10240x16xf32, #tpu.memory_space<vmem_shared>>)
    %dma_wait3A_229 = arith.constant 24 : i32
    %dma_wait3A_230 = arith.constant 1 : i32
    %dma_wait3A_231 = arith.constant 0 : i32
    %dma_wait3A_232 = tpu.memref_slice %arg6[%dma_wait3A_229, %dma_wait3A_230, %dma_wait3A_231] : memref<79x2x128xi32, #tpu.memory_space<vmem>> -> memref<1x1x128xi32, #tpu.memory_space<vmem>>
    %dma_wait3A_233 = tpu.memref_squeeze %dma_wait3A_232 : memref<1x1x128xi32, #tpu.memory_space<vmem>> -> memref<128xi32, #tpu.memory_space<vmem>>
    %dma_wait3A_234 = arith.constant 0 : i32
    %dma_wait3A_235 = arith.constant 0 : i32
    %dma_wait3A_236 = tpu.memref_slice %arg5[%dma_wait3A_234, %dma_wait3A_235] : memref<10240x16xf32, #tpu.memory_space<vmem_shared>> -> memref<10240x16xf32, #tpu.memory_space<vmem_shared>>
    tpu.wait_indirect_dma semaphore(%arg10 : memref<!tpu.dma_semaphore, #tpu.memory_space<semaphore_mem>>) src(%arg7 : memref<128x16xf32, #tpu.memory_space<vmem>>) dst(%dma_wait3A_236 : memref<10240x16xf32, #tpu.memory_space<vmem_shared>>)
    %dma_wait3A_237 = arith.constant 25 : i32
    %dma_wait3A_238 = arith.constant 1 : i32
    %dma_wait3A_239 = arith.constant 0 : i32
    %dma_wait3A_240 = tpu.memref_slice %arg6[%dma_wait3A_237, %dma_wait3A_238, %dma_wait3A_239] : memref<79x2x128xi32, #tpu.memory_space<vmem>> -> memref<1x1x128xi32, #tpu.memory_space<vmem>>
    %dma_wait3A_241 = tpu.memref_squeeze %dma_wait3A_240 : memref<1x1x128xi32, #tpu.memory_space<vmem>> -> memref<128xi32, #tpu.memory_space<vmem>>
    %dma_wait3A_242 = arith.constant 0 : i32
    %dma_wait3A_243 = arith.constant 0 : i32
    %dma_wait3A_244 = tpu.memref_slice %arg5[%dma_wait3A_242, %dma_wait3A_243] : memref<10240x16xf32, #tpu.memory_space<vmem_shared>> -> memref<10240x16xf32, #tpu.memory_space<vmem_shared>>
    tpu.wait_indirect_dma semaphore(%arg10 : memref<!tpu.dma_semaphore, #tpu.memory_space<semaphore_mem>>) src(%arg7 : memref<128x16xf32, #tpu.memory_space<vmem>>) dst(%dma_wait3A_244 : memref<10240x16xf32, #tpu.memory_space<vmem_shared>>)
    %sub3A = arith.constant 78 : i32
    %sub3A_245 = arith.subi %add3A_28, %sub3A : i32
    %while3A = arith.constant 0 : i32
    %while3A_246 = arith.constant 0 : i32
    %while3A_247 = arith.subi %sub3A_245, %while3A_246 : i32
    %while3A_248 = arith.addi %while3A_246, %while3A_247 : i32
    %while3A_249 = arith.constant 1 : i32
    %while3A_250 = arith.divsi %while3A_247, %while3A_249 : i32
    %while3A_251 = arith.muli %while3A_250, %while3A_249 : i32
    %while3A_252 = arith.addi %while3A_246, %while3A_251 : i32
    %while3A_253 = arith.constant 1 : i32
    scf.for %while3A_268 = %while3A_246 to %while3A_252 step %while3A_253  : i32 {
      %add3A_269 = arith.constant 78 : i32
      %add3A_270 = arith.addi %add3A_269, %while3A_268 : i32
      %run_scoped3A = arith.constant 1 : i32
      "tpu.region"() ({
        %run_scoped3A_271 = tpu.sem_alloc : memref<!tpu.dma_semaphore, #tpu.memory_space<semaphore_mem>>
        %dma_start3A = arith.constant 0 : i32
        %dma_start3A_272 = tpu.memref_slice %arg6[%add3A_270, %run_scoped3A, %dma_start3A] : memref<79x2x128xi32, #tpu.memory_space<vmem>> -> memref<1x1x128xi32, #tpu.memory_space<vmem>>
        %dma_start3A_273 = tpu.memref_squeeze %dma_start3A_272 : memref<1x1x128xi32, #tpu.memory_space<vmem>> -> memref<128xi32, #tpu.memory_space<vmem>>
        %dma_start3A_274 = arith.constant 0 : i32
        %dma_start3A_275 = arith.constant 0 : i32
        %dma_start3A_276 = tpu.memref_slice %arg5[%dma_start3A_274, %dma_start3A_275] : memref<10240x16xf32, #tpu.memory_space<vmem_shared>> -> memref<10240x16xf32, #tpu.memory_space<vmem_shared>>
        tpu.enqueue_indirect_dma source(%arg7 : memref<128x16xf32, #tpu.memory_space<vmem>>) target(%dma_start3A_276 : memref<10240x16xf32, #tpu.memory_space<vmem_shared>>) offsets(%dma_start3A_273 : memref<128xi32, #tpu.memory_space<vmem>>) semaphore(%run_scoped3A_271 : memref<!tpu.dma_semaphore, #tpu.memory_space<semaphore_mem>>) {add = true}
        %dma_wait3A_277 = arith.constant 0 : i32
        %dma_wait3A_278 = tpu.memref_slice %arg6[%add3A_270, %run_scoped3A, %dma_wait3A_277] : memref<79x2x128xi32, #tpu.memory_space<vmem>> -> memref<1x1x128xi32, #tpu.memory_space<vmem>>
        %dma_wait3A_279 = tpu.memref_squeeze %dma_wait3A_278 : memref<1x1x128xi32, #tpu.memory_space<vmem>> -> memref<128xi32, #tpu.memory_space<vmem>>
        %dma_wait3A_280 = arith.constant 0 : i32
        %dma_wait3A_281 = arith.constant 0 : i32
        %dma_wait3A_282 = tpu.memref_slice %arg5[%dma_wait3A_280, %dma_wait3A_281] : memref<10240x16xf32, #tpu.memory_space<vmem_shared>> -> memref<10240x16xf32, #tpu.memory_space<vmem_shared>>
        tpu.wait_indirect_dma semaphore(%run_scoped3A_271 : memref<!tpu.dma_semaphore, #tpu.memory_space<semaphore_mem>>) src(%arg7 : memref<128x16xf32, #tpu.memory_space<vmem>>) dst(%dma_wait3A_282 : memref<10240x16xf32, #tpu.memory_space<vmem_shared>>)
        tpu.yield
      }) : () -> ()
    }
    %while3A_254 = arith.constant 1 : i32
    scf.for %while3A_268 = %while3A_252 to %while3A_248 step %while3A_254  : i32 {
      %add3A_269 = arith.constant 78 : i32
      %add3A_270 = arith.addi %add3A_269, %while3A_268 : i32
      %run_scoped3A = arith.constant 1 : i32
      "tpu.region"() ({
        %run_scoped3A_271 = tpu.sem_alloc : memref<!tpu.dma_semaphore, #tpu.memory_space<semaphore_mem>>
        %dma_start3A = arith.constant 0 : i32
        %dma_start3A_272 = tpu.memref_slice %arg6[%add3A_270, %run_scoped3A, %dma_start3A] : memref<79x2x128xi32, #tpu.memory_space<vmem>> -> memref<1x1x128xi32, #tpu.memory_space<vmem>>
        %dma_start3A_273 = tpu.memref_squeeze %dma_start3A_272 : memref<1x1x128xi32, #tpu.memory_space<vmem>> -> memref<128xi32, #tpu.memory_space<vmem>>
        %dma_start3A_274 = arith.constant 0 : i32
        %dma_start3A_275 = arith.constant 0 : i32
        %dma_start3A_276 = tpu.memref_slice %arg5[%dma_start3A_274, %dma_start3A_275] : memref<10240x16xf32, #tpu.memory_space<vmem_shared>> -> memref<10240x16xf32, #tpu.memory_space<vmem_shared>>
        tpu.enqueue_indirect_dma source(%arg7 : memref<128x16xf32, #tpu.memory_space<vmem>>) target(%dma_start3A_276 : memref<10240x16xf32, #tpu.memory_space<vmem_shared>>) offsets(%dma_start3A_273 : memref<128xi32, #tpu.memory_space<vmem>>) semaphore(%run_scoped3A_271 : memref<!tpu.dma_semaphore, #tpu.memory_space<semaphore_mem>>) {add = true}
        %dma_wait3A_277 = arith.constant 0 : i32
        %dma_wait3A_278 = tpu.memref_slice %arg6[%add3A_270, %run_scoped3A, %dma_wait3A_277] : memref<79x2x128xi32, #tpu.memory_space<vmem>> -> memref<1x1x128xi32, #tpu.memory_space<vmem>>
        %dma_wait3A_279 = tpu.memref_squeeze %dma_wait3A_278 : memref<1x1x128xi32, #tpu.memory_space<vmem>> -> memref<128xi32, #tpu.memory_space<vmem>>
        %dma_wait3A_280 = arith.constant 0 : i32
        %dma_wait3A_281 = arith.constant 0 : i32
        %dma_wait3A_282 = tpu.memref_slice %arg5[%dma_wait3A_280, %dma_wait3A_281] : memref<10240x16xf32, #tpu.memory_space<vmem_shared>> -> memref<10240x16xf32, #tpu.memory_space<vmem_shared>>
        tpu.wait_indirect_dma semaphore(%run_scoped3A_271 : memref<!tpu.dma_semaphore, #tpu.memory_space<semaphore_mem>>) src(%arg7 : memref<128x16xf32, #tpu.memory_space<vmem>>) dst(%dma_wait3A_282 : memref<10240x16xf32, #tpu.memory_space<vmem_shared>>)
        tpu.yield
      }) : () -> ()
    }
    %barrier3A_255 = arith.constant 0 : index
    tpu.barrier barrier_id(%barrier3A_255)
    %mul3A_256 = arith.constant 640 : i32
    %mul3A_257 = arith.muli %arg1, %mul3A_256 : i32
    "tpu.region"() ({
      %run_scoped3A = tpu.sem_alloc : memref<!tpu.dma_semaphore, #tpu.memory_space<semaphore_mem>>
      %dma_start3A = arith.constant 0 : i32
      %dma_start3A_268 = tpu.memref_slice %arg5[%mul3A_257, %dma_start3A] : memref<10240x16xf32, #tpu.memory_space<vmem_shared>> -> memref<640x16xf32, #tpu.memory_space<vmem_shared>>
      %dma_start3A_269 = arith.constant 0 : i32
      %dma_start3A_270 = tpu.memref_slice %arg5[%mul3A_257, %dma_start3A_269] : memref<10240x16xf32, #tpu.memory_space<vmem_shared>> -> memref<640x16xf32, #tpu.memory_space<vmem_shared>>
      tpu.enqueue_dma source(%dma_start3A_270 : memref<640x16xf32, #tpu.memory_space<vmem_shared>>) target(%arg8 : memref<640x16xf32, #tpu.memory_space<vmem>>) target_semaphore(%run_scoped3A : memref<!tpu.dma_semaphore, #tpu.memory_space<semaphore_mem>>)
      %dma_wait3A_271 = arith.constant 0 : i32
      %dma_wait3A_272 = tpu.memref_slice %arg5[%mul3A_257, %dma_wait3A_271] : memref<10240x16xf32, #tpu.memory_space<vmem_shared>> -> memref<640x16xf32, #tpu.memory_space<vmem_shared>>
      %dma_wait3A_273 = arith.constant 0 : i32
      %dma_wait3A_274 = tpu.memref_slice %arg5[%mul3A_257, %dma_wait3A_273] : memref<10240x16xf32, #tpu.memory_space<vmem_shared>> -> memref<640x16xf32, #tpu.memory_space<vmem_shared>>
      tpu.wait_dma2 semaphore(%run_scoped3A : memref<!tpu.dma_semaphore, #tpu.memory_space<semaphore_mem>>) src(%dma_wait3A_274 : memref<640x16xf32, #tpu.memory_space<vmem_shared>>) dst(%arg8 : memref<640x16xf32, #tpu.memory_space<vmem>>)
      tpu.yield
    }) : () -> ()
    %scan3A_258 = arith.constant 0 : i32
    %scan3A_259 = arith.constant 0 : i32
    %scan3A_260 = arith.constant 640 : i32
    %scan3A_261 = arith.addi %scan3A_259, %scan3A_260 : i32
    %scan3A_262 = arith.constant 1 : i32
    scf.for %scan3A_268 = %scan3A_259 to %scan3A_261 step %scan3A_262  : i32 {
      %get3A = arith.index_cast %scan3A_268 : i32 to index
      %get3A_269 = arith.constant 0 : index
      %get3A_270 = tpu.vector_load %arg8[%get3A, %get3A_269] {strides = array<i32>} : memref<640x16xf32, #tpu.memory_space<vmem>>, vector<1x16xf32>,
      %get3A_271 = vector.shape_cast %get3A_270 : vector<1x16xf32> to vector<16xf32>
      %swap3A = arith.index_cast %scan3A_268 : i32 to index
      %swap3A_272 = arith.constant 0 : index
      %swap3A_273 = tpu.vector_load %arg9[%swap3A, %swap3A_272] {strides = array<i32>} : memref<640x64xf32, #tpu.memory_space<vmem>>, vector<1x16xf32>,
      %swap3A_274 = vector.shape_cast %swap3A_273 : vector<1x16xf32> to vector<16xf32>
      %swap3A_275 = vector.shape_cast %get3A_271 : vector<16xf32> to vector<1x16xf32>
      tpu.vector_store %arg9[%swap3A, %swap3A_272], %swap3A_275 {strides = array<i32>} : memref<640x64xf32, #tpu.memory_space<vmem>>, vector<1x16xf32>,
      %swap3A_276 = arith.index_cast %scan3A_268 : i32 to index
      %swap3A_277 = arith.constant 16 : index
      %swap3A_278 = tpu.vector_load %arg9[%swap3A_276, %swap3A_277] {strides = array<i32>} : memref<640x64xf32, #tpu.memory_space<vmem>>, vector<1x16xf32>,
      %swap3A_279 = vector.shape_cast %swap3A_278 : vector<1x16xf32> to vector<16xf32>
      %swap3A_280 = vector.shape_cast %get3A_271 : vector<16xf32> to vector<1x16xf32>
      tpu.vector_store %arg9[%swap3A_276, %swap3A_277], %swap3A_280 {strides = array<i32>} : memref<640x64xf32, #tpu.memory_space<vmem>>, vector<1x16xf32>,
      %swap3A_281 = arith.index_cast %scan3A_268 : i32 to index
      %swap3A_282 = arith.constant 32 : index
      %swap3A_283 = tpu.vector_load %arg9[%swap3A_281, %swap3A_282] {strides = array<i32>} : memref<640x64xf32, #tpu.memory_space<vmem>>, vector<1x16xf32>,
      %swap3A_284 = vector.shape_cast %swap3A_283 : vector<1x16xf32> to vector<16xf32>
      %swap3A_285 = vector.shape_cast %get3A_271 : vector<16xf32> to vector<1x16xf32>
      tpu.vector_store %arg9[%swap3A_281, %swap3A_282], %swap3A_285 {strides = array<i32>} : memref<640x64xf32, #tpu.memory_space<vmem>>, vector<1x16xf32>,
      %swap3A_286 = arith.index_cast %scan3A_268 : i32 to index
      %swap3A_287 = arith.constant 48 : index
      %swap3A_288 = tpu.vector_load %arg9[%swap3A_286, %swap3A_287] {strides = array<i32>} : memref<640x64xf32, #tpu.memory_space<vmem>>, vector<1x16xf32>,
      %swap3A_289 = vector.shape_cast %swap3A_288 : vector<1x16xf32> to vector<16xf32>
      %swap3A_290 = vector.shape_cast %get3A_271 : vector<16xf32> to vector<1x16xf32>
      tpu.vector_store %arg9[%swap3A_286, %swap3A_287], %swap3A_290 {strides = array<i32>} : memref<640x64xf32, #tpu.memory_space<vmem>>, vector<1x16xf32>,
    }
    %scan3A_263 = arith.constant 640 : i32
    %mul3A_264 = arith.constant 640 : i32
    %mul3A_265 = arith.muli %arg1, %mul3A_264 : i32
    "tpu.region"() ({
      %run_scoped3A = tpu.sem_alloc : memref<!tpu.dma_semaphore, #tpu.memory_space<semaphore_mem>>
      %dma_start3A = arith.constant 0 : i32
      %dma_start3A_268 = tpu.memref_slice %arg3[%arg0, %mul3A_265, %dma_start3A] : memref<2x10240x16xf32, #tpu.memory_space<hbm>> -> memref<1x640x16xf32, #tpu.memory_space<hbm>>
      %dma_start3A_269 = tpu.memref_squeeze %dma_start3A_268 : memref<1x640x16xf32, #tpu.memory_space<hbm>> -> memref<640x16xf32, #tpu.memory_space<hbm>>
      %dma_start3A_270 = arith.constant 0 : i32
      %dma_start3A_271 = tpu.memref_slice %arg3[%arg0, %mul3A_265, %dma_start3A_270] : memref<2x10240x16xf32, #tpu.memory_space<hbm>> -> memref<1x640x16xf32, #tpu.memory_space<hbm>>
      %dma_start3A_272 = tpu.memref_squeeze %dma_start3A_271 : memref<1x640x16xf32, #tpu.memory_space<hbm>> -> memref<640x16xf32, #tpu.memory_space<hbm>>
      tpu.enqueue_dma source(%arg8 : memref<640x16xf32, #tpu.memory_space<vmem>>) target(%dma_start3A_272 : memref<640x16xf32, #tpu.memory_space<hbm>>) target_semaphore(%run_scoped3A : memref<!tpu.dma_semaphore, #tpu.memory_space<semaphore_mem>>)
      %dma_wait3A_273 = arith.constant 0 : i32
      %dma_wait3A_274 = tpu.memref_slice %arg3[%arg0, %mul3A_265, %dma_wait3A_273] : memref<2x10240x16xf32, #tpu.memory_space<hbm>> -> memref<1x640x16xf32, #tpu.memory_space<hbm>>
      %dma_wait3A_275 = tpu.memref_squeeze %dma_wait3A_274 : memref<1x640x16xf32, #tpu.memory_space<hbm>> -> memref<640x16xf32, #tpu.memory_space<hbm>>
      %dma_wait3A_276 = arith.constant 0 : i32
      %dma_wait3A_277 = tpu.memref_slice %arg3[%arg0, %mul3A_265, %dma_wait3A_276] : memref<2x10240x16xf32, #tpu.memory_space<hbm>> -> memref<1x640x16xf32, #tpu.memory_space<hbm>>
      %dma_wait3A_278 = tpu.memref_squeeze %dma_wait3A_277 : memref<1x640x16xf32, #tpu.memory_space<hbm>> -> memref<640x16xf32, #tpu.memory_space<hbm>>
      tpu.wait_dma2 semaphore(%run_scoped3A : memref<!tpu.dma_semaphore, #tpu.memory_space<semaphore_mem>>) src(%arg8 : memref<640x16xf32, #tpu.memory_space<vmem>>) dst(%dma_wait3A_278 : memref<640x16xf32, #tpu.memory_space<hbm>>)
      tpu.yield
    }) : () -> ()
    %mul3A_266 = arith.constant 640 : i32
    %mul3A_267 = arith.muli %arg1, %mul3A_266 : i32
    "tpu.region"() ({
      %run_scoped3A = tpu.sem_alloc : memref<!tpu.dma_semaphore, #tpu.memory_space<semaphore_mem>>
      %dma_start3A = arith.constant 0 : i32
      %dma_start3A_268 = tpu.memref_slice %arg4[%arg0, %mul3A_267, %dma_start3A] : memref<2x10240x64xf32, #tpu.memory_space<hbm>> -> memref<1x640x64xf32, #tpu.memory_space<hbm>>
      %dma_start3A_269 = tpu.memref_squeeze %dma_start3A_268 : memref<1x640x64xf32, #tpu.memory_space<hbm>> -> memref<640x64xf32, #tpu.memory_space<hbm>>
      %dma_start3A_270 = arith.constant 0 : i32
      %dma_start3A_271 = tpu.memref_slice %arg4[%arg0, %mul3A_267, %dma_start3A_270] : memref<2x10240x64xf32, #tpu.memory_space<hbm>> -> memref<1x640x64xf32, #tpu.memory_space<hbm>>
      %dma_start3A_272 = tpu.memref_squeeze %dma_start3A_271 : memref<1x640x64xf32, #tpu.memory_space<hbm>> -> memref<640x64xf32, #tpu.memory_space<hbm>>
      tpu.enqueue_dma source(%arg9 : memref<640x64xf32, #tpu.memory_space<vmem>>) target(%dma_start3A_272 : memref<640x64xf32, #tpu.memory_space<hbm>>) target_semaphore(%run_scoped3A : memref<!tpu.dma_semaphore, #tpu.memory_space<semaphore_mem>>)
      %dma_wait3A_273 = arith.constant 0 : i32
      %dma_wait3A_274 = tpu.memref_slice %arg4[%arg0, %mul3A_267, %dma_wait3A_273] : memref<2x10240x64xf32, #tpu.memory_space<hbm>> -> memref<1x640x64xf32, #tpu.memory_space<hbm>>
      %dma_wait3A_275 = tpu.memref_squeeze %dma_wait3A_274 : memref<1x640x64xf32, #tpu.memory_space<hbm>> -> memref<640x64xf32, #tpu.memory_space<hbm>>
      %dma_wait3A_276 = arith.constant 0 : i32
      %dma_wait3A_277 = tpu.memref_slice %arg4[%arg0, %mul3A_267, %dma_wait3A_276] : memref<2x10240x64xf32, #tpu.memory_space<hbm>> -> memref<1x640x64xf32, #tpu.memory_space<hbm>>
      %dma_wait3A_278 = tpu.memref_squeeze %dma_wait3A_277 : memref<1x640x64xf32, #tpu.memory_space<hbm>> -> memref<640x64xf32, #tpu.memory_space<hbm>>
      tpu.wait_dma2 semaphore(%run_scoped3A : memref<!tpu.dma_semaphore, #tpu.memory_space<semaphore_mem>>) src(%arg9 : memref<640x64xf32, #tpu.memory_space<vmem>>) dst(%dma_wait3A_278 : memref<640x64xf32, #tpu.memory_space<hbm>>)
      tpu.yield
    }) : () -> ()
    return
  }
}

#map = affine_map<(d0, d1) -> (0, 0)>
#map1 = affine_map<(d0, d1) -> (0, 0, 0)>
module attributes {stable_mosaic.version = 14 : i64} {
  func.func @body(%arg0: i32, %arg1: i32, %arg2: memref<10240x16xf32, #tpu.memory_space<hbm>>, %arg3: memref<2500x2x128xi32, #tpu.memory_space<hbm>>, %arg4: memref<2x10240x16xf32, #tpu.memory_space<hbm>>, %arg5: memref<10240x16xf32, #tpu.memory_space<vmem_shared>>, %arg6: memref<79x2x128xi32, #tpu.memory_space<vmem>>, %arg7: memref<26x128x16xf32, #tpu.memory_space<vmem>>, %arg8: memref<!tpu.dma_semaphore, #tpu.memory_space<semaphore_mem>>, %arg9: memref<!tpu.dma_semaphore, #tpu.memory_space<semaphore_mem>>) attributes {dimension_semantics = [#tpu.dimension_semantics<core_parallel>, #tpu.dimension_semantics<subcore_parallel>], iteration_bounds = array<i64: 2, 16>, scalar_prefetch = 0 : i64, scratch_operands = 5 : i64, tpu.core_type = #tpu.core_type<sc_vector_subcore>, window_params = [{transform_indices = #map}, {transform_indices = #map1}, {transform_indices = #map1}]} {
    %mul3A = arith.constant 2 : i32
    %mul3A_0 = arith.muli %arg1, %mul3A : i32
    %add3A = arith.addi %mul3A_0, %arg0 : i32
    %broadcast_in_dim3A = arith.constant 0.000000e+00 : f32
    %broadcast_in_dim3A_1 = vector.broadcast %broadcast_in_dim3A : f32 to vector<16xf32>
    %scan3A = arith.constant 0 : i32
    %scan3A_2 = arith.constant 0 : i32
    %scan3A_3 = arith.constant 0 : i32
    %scan3A_4 = arith.constant 128 : i32
    %scan3A_5 = arith.addi %scan3A_3, %scan3A_4 : i32
    %scan3A_6 = arith.constant 1 : i32
    scf.for %scan3A_384 = %scan3A_3 to %scan3A_5 step %scan3A_6  : i32 {
      %swap3A = arith.constant 0 : i32
      %swap3A_385 = arith.constant 0 : i32
      %swap3A_386 = tpu.memref_slice %arg7[%scan3A_2, %swap3A, %swap3A_385] : memref<26x128x16xf32, #tpu.memory_space<vmem>> -> memref<1x128x16xf32, #tpu.memory_space<vmem>>
      %swap3A_387 = tpu.memref_squeeze %swap3A_386 : memref<1x128x16xf32, #tpu.memory_space<vmem>> -> memref<128x16xf32, #tpu.memory_space<vmem>>
      %swap3A_388 = arith.index_cast %scan3A_384 : i32 to index
      %swap3A_389 = arith.constant 0 : index
      %swap3A_390 = tpu.vector_load %swap3A_387[%swap3A_388, %swap3A_389] {strides = array<i32>} : memref<128x16xf32, #tpu.memory_space<vmem>>, vector<1x16xf32>,
      %swap3A_391 = vector.shape_cast %swap3A_390 : vector<1x16xf32> to vector<16xf32>
      %swap3A_392 = vector.shape_cast %broadcast_in_dim3A_1 : vector<16xf32> to vector<1x16xf32>
      tpu.vector_store %swap3A_387[%swap3A_388, %swap3A_389], %swap3A_392 {strides = array<i32>} : memref<128x16xf32, #tpu.memory_space<vmem>>, vector<1x16xf32>,
    }
    %scan3A_7 = arith.constant 128 : i32
    %scan3A_8 = arith.constant 0 : i32
    %scan3A_9 = arith.constant 0 : i32
    %scan3A_10 = arith.constant 0 : i32
    %scan3A_11 = arith.constant 5 : i32
    %scan3A_12 = arith.addi %scan3A_10, %scan3A_11 : i32
    %scan3A_13 = arith.constant 1 : i32
    scf.for %scan3A_384 = %scan3A_10 to %scan3A_12 step %scan3A_13  : i32 {
      %mul3A_385 = arith.constant 640 : i32
      %mul3A_386 = arith.muli %arg1, %mul3A_385 : i32
      %mul3A_387 = arith.constant 128 : i32
      %mul3A_388 = arith.muli %scan3A_384, %mul3A_387 : i32
      %add3A_389 = arith.addi %mul3A_386, %mul3A_388 : i32
      "tpu.region"() ({
        %run_scoped3A = tpu.sem_alloc : memref<!tpu.dma_semaphore, #tpu.memory_space<semaphore_mem>>
        %dma_start3A = arith.constant 0 : i32
        %dma_start3A_390 = arith.constant 0 : i32
        %dma_start3A_391 = tpu.memref_slice %arg7[%scan3A_9, %dma_start3A, %dma_start3A_390] : memref<26x128x16xf32, #tpu.memory_space<vmem>> -> memref<1x128x16xf32, #tpu.memory_space<vmem>>
        %dma_start3A_392 = tpu.memref_squeeze %dma_start3A_391 : memref<1x128x16xf32, #tpu.memory_space<vmem>> -> memref<128x16xf32, #tpu.memory_space<vmem>>
        %dma_start3A_393 = arith.constant 0 : i32
        %dma_start3A_394 = tpu.memref_slice %arg5[%add3A_389, %dma_start3A_393] : memref<10240x16xf32, #tpu.memory_space<vmem_shared>> -> memref<128x16xf32, #tpu.memory_space<vmem_shared>>
        %dma_start3A_395 = arith.constant 0 : i32
        %dma_start3A_396 = tpu.memref_slice %arg5[%add3A_389, %dma_start3A_395] : memref<10240x16xf32, #tpu.memory_space<vmem_shared>> -> memref<128x16xf32, #tpu.memory_space<vmem_shared>>
        %dma_start3A_397 = arith.constant 0 : i32
        %dma_start3A_398 = arith.constant 0 : i32
        %dma_start3A_399 = tpu.memref_slice %arg7[%scan3A_9, %dma_start3A_397, %dma_start3A_398] : memref<26x128x16xf32, #tpu.memory_space<vmem>> -> memref<1x128x16xf32, #tpu.memory_space<vmem>>
        %dma_start3A_400 = tpu.memref_squeeze %dma_start3A_399 : memref<1x128x16xf32, #tpu.memory_space<vmem>> -> memref<128x16xf32, #tpu.memory_space<vmem>>
        tpu.enqueue_dma source(%dma_start3A_400 : memref<128x16xf32, #tpu.memory_space<vmem>>) target(%dma_start3A_396 : memref<128x16xf32, #tpu.memory_space<vmem_shared>>) target_semaphore(%run_scoped3A : memref<!tpu.dma_semaphore, #tpu.memory_space<semaphore_mem>>)
        %dma_wait3A_401 = arith.constant 0 : i32
        %dma_wait3A_402 = arith.constant 0 : i32
        %dma_wait3A_403 = tpu.memref_slice %arg7[%scan3A_9, %dma_wait3A_401, %dma_wait3A_402] : memref<26x128x16xf32, #tpu.memory_space<vmem>> -> memref<1x128x16xf32, #tpu.memory_space<vmem>>
        %dma_wait3A_404 = tpu.memref_squeeze %dma_wait3A_403 : memref<1x128x16xf32, #tpu.memory_space<vmem>> -> memref<128x16xf32, #tpu.memory_space<vmem>>
        %dma_wait3A_405 = arith.constant 0 : i32
        %dma_wait3A_406 = tpu.memref_slice %arg5[%add3A_389, %dma_wait3A_405] : memref<10240x16xf32, #tpu.memory_space<vmem_shared>> -> memref<128x16xf32, #tpu.memory_space<vmem_shared>>
        %dma_wait3A_407 = arith.constant 0 : i32
        %dma_wait3A_408 = tpu.memref_slice %arg5[%add3A_389, %dma_wait3A_407] : memref<10240x16xf32, #tpu.memory_space<vmem_shared>> -> memref<128x16xf32, #tpu.memory_space<vmem_shared>>
        %dma_wait3A_409 = arith.constant 0 : i32
        %dma_wait3A_410 = arith.constant 0 : i32
        %dma_wait3A_411 = tpu.memref_slice %arg7[%scan3A_9, %dma_wait3A_409, %dma_wait3A_410] : memref<26x128x16xf32, #tpu.memory_space<vmem>> -> memref<1x128x16xf32, #tpu.memory_space<vmem>>
        %dma_wait3A_412 = tpu.memref_squeeze %dma_wait3A_411 : memref<1x128x16xf32, #tpu.memory_space<vmem>> -> memref<128x16xf32, #tpu.memory_space<vmem>>
        tpu.wait_dma2 semaphore(%run_scoped3A : memref<!tpu.dma_semaphore, #tpu.memory_space<semaphore_mem>>) src(%dma_wait3A_412 : memref<128x16xf32, #tpu.memory_space<vmem>>) dst(%dma_wait3A_408 : memref<128x16xf32, #tpu.memory_space<vmem_shared>>)
        tpu.yield
      }) : () -> ()
    }
    %scan3A_14 = arith.constant 5 : i32
    %mul3A_15 = arith.constant 78 : i32
    %mul3A_16 = arith.muli %add3A, %mul3A_15 : i32
    %min3A = arith.constant 4 : i32
    %min3A_17 = arith.minsi %add3A, %min3A : i32
    %add3A_18 = arith.addi %mul3A_16, %min3A_17 : i32
    %lt3A = arith.constant 4 : i32
    %lt3A_19 = arith.cmpi slt, %add3A, %lt3A : i32
    %jit3A = arith.constant 1 : i32
    %jit3A_20 = arith.constant 0 : i32
    %select_n3A = arith.select %lt3A_19, %jit3A, %jit3A_20 : i32
    %add3A_21 = arith.constant 78 : i32
    %add3A_22 = arith.addi %add3A_21, %select_n3A : i32
    "tpu.region"() ({
      %run_scoped3A = tpu.sem_alloc : memref<!tpu.dma_semaphore, #tpu.memory_space<semaphore_mem>>
      %dma_start3A = arith.constant 0 : i32
      %dma_start3A_384 = arith.constant 0 : i32
      %dma_start3A_385 = arith.constant 0 : i32
      %dma_start3A_386 = tpu.memref_slice %arg6[%dma_start3A, %dma_start3A_384, %dma_start3A_385] : memref<79x2x128xi32, #tpu.memory_space<vmem>> -> memref<78x2x128xi32, #tpu.memory_space<vmem>>
      %dma_start3A_387 = arith.constant 0 : i32
      %dma_start3A_388 = arith.constant 0 : i32
      %dma_start3A_389 = tpu.memref_slice %arg3[%add3A_18, %dma_start3A_387, %dma_start3A_388] : memref<2500x2x128xi32, #tpu.memory_space<hbm>> -> memref<78x2x128xi32, #tpu.memory_space<hbm>>
      %dma_start3A_390 = arith.constant 0 : i32
      %dma_start3A_391 = arith.constant 0 : i32
      %dma_start3A_392 = arith.constant 0 : i32
      %dma_start3A_393 = tpu.memref_slice %arg6[%dma_start3A_390, %dma_start3A_391, %dma_start3A_392] : memref<79x2x128xi32, #tpu.memory_space<vmem>> -> memref<78x2x128xi32, #tpu.memory_space<vmem>>
      %dma_start3A_394 = arith.constant 0 : i32
      %dma_start3A_395 = arith.constant 0 : i32
      %dma_start3A_396 = tpu.memref_slice %arg3[%add3A_18, %dma_start3A_394, %dma_start3A_395] : memref<2500x2x128xi32, #tpu.memory_space<hbm>> -> memref<78x2x128xi32, #tpu.memory_space<hbm>>
      tpu.enqueue_dma source(%dma_start3A_396 : memref<78x2x128xi32, #tpu.memory_space<hbm>>) target(%dma_start3A_393 : memref<78x2x128xi32, #tpu.memory_space<vmem>>) target_semaphore(%run_scoped3A : memref<!tpu.dma_semaphore, #tpu.memory_space<semaphore_mem>>)
      %dma_wait3A_397 = arith.constant 0 : i32
      %dma_wait3A_398 = arith.constant 0 : i32
      %dma_wait3A_399 = arith.constant 0 : i32
      %dma_wait3A_400 = tpu.memref_slice %arg6[%dma_wait3A_397, %dma_wait3A_398, %dma_wait3A_399] : memref<79x2x128xi32, #tpu.memory_space<vmem>> -> memref<78x2x128xi32, #tpu.memory_space<vmem>>
      %dma_wait3A_401 = arith.constant 0 : i32
      %dma_wait3A_402 = arith.constant 0 : i32
      %dma_wait3A_403 = tpu.memref_slice %arg3[%add3A_18, %dma_wait3A_401, %dma_wait3A_402] : memref<2500x2x128xi32, #tpu.memory_space<hbm>> -> memref<78x2x128xi32, #tpu.memory_space<hbm>>
      %dma_wait3A_404 = arith.constant 0 : i32
      %dma_wait3A_405 = arith.constant 0 : i32
      %dma_wait3A_406 = arith.constant 0 : i32
      %dma_wait3A_407 = tpu.memref_slice %arg6[%dma_wait3A_404, %dma_wait3A_405, %dma_wait3A_406] : memref<79x2x128xi32, #tpu.memory_space<vmem>> -> memref<78x2x128xi32, #tpu.memory_space<vmem>>
      %dma_wait3A_408 = arith.constant 0 : i32
      %dma_wait3A_409 = arith.constant 0 : i32
      %dma_wait3A_410 = tpu.memref_slice %arg3[%add3A_18, %dma_wait3A_408, %dma_wait3A_409] : memref<2500x2x128xi32, #tpu.memory_space<hbm>> -> memref<78x2x128xi32, #tpu.memory_space<hbm>>
      tpu.wait_dma2 semaphore(%run_scoped3A : memref<!tpu.dma_semaphore, #tpu.memory_space<semaphore_mem>>) src(%dma_wait3A_410 : memref<78x2x128xi32, #tpu.memory_space<hbm>>) dst(%dma_wait3A_407 : memref<78x2x128xi32, #tpu.memory_space<vmem>>)
      tpu.yield
    }) : () -> ()
    %lt3A_23 = arith.constant 4 : i32
    %lt3A_24 = arith.cmpi slt, %add3A, %lt3A_23 : i32
    %convert_element_type3A = arith.extui %lt3A_24 : i1 to i32
    %cond3A = arith.constant 0 : i32
    %cond3A_25 = arith.cmpi ne, %convert_element_type3A, %cond3A : i32
    scf.if %cond3A_25 {
      %add3A_384 = arith.constant 78 : i32
      %add3A_385 = arith.addi %add3A_18, %add3A_384 : i32
      "tpu.region"() ({
        %run_scoped3A = tpu.sem_alloc : memref<!tpu.dma_semaphore, #tpu.memory_space<semaphore_mem>>
        %dma_start3A = arith.constant 78 : i32
        %dma_start3A_386 = arith.constant 0 : i32
        %dma_start3A_387 = arith.constant 0 : i32
        %dma_start3A_388 = tpu.memref_slice %arg6[%dma_start3A, %dma_start3A_386, %dma_start3A_387] : memref<79x2x128xi32, #tpu.memory_space<vmem>> -> memref<1x2x128xi32, #tpu.memory_space<vmem>>
        %dma_start3A_389 = arith.constant 0 : i32
        %dma_start3A_390 = arith.constant 0 : i32
        %dma_start3A_391 = tpu.memref_slice %arg3[%add3A_385, %dma_start3A_389, %dma_start3A_390] : memref<2500x2x128xi32, #tpu.memory_space<hbm>> -> memref<1x2x128xi32, #tpu.memory_space<hbm>>
        %dma_start3A_392 = arith.constant 78 : i32
        %dma_start3A_393 = arith.constant 0 : i32
        %dma_start3A_394 = arith.constant 0 : i32
        %dma_start3A_395 = tpu.memref_slice %arg6[%dma_start3A_392, %dma_start3A_393, %dma_start3A_394] : memref<79x2x128xi32, #tpu.memory_space<vmem>> -> memref<1x2x128xi32, #tpu.memory_space<vmem>>
        %dma_start3A_396 = arith.constant 0 : i32
        %dma_start3A_397 = arith.constant 0 : i32
        %dma_start3A_398 = tpu.memref_slice %arg3[%add3A_385, %dma_start3A_396, %dma_start3A_397] : memref<2500x2x128xi32, #tpu.memory_space<hbm>> -> memref<1x2x128xi32, #tpu.memory_space<hbm>>
        tpu.enqueue_dma source(%dma_start3A_398 : memref<1x2x128xi32, #tpu.memory_space<hbm>>) target(%dma_start3A_395 : memref<1x2x128xi32, #tpu.memory_space<vmem>>) target_semaphore(%run_scoped3A : memref<!tpu.dma_semaphore, #tpu.memory_space<semaphore_mem>>)
        %dma_wait3A_399 = arith.constant 78 : i32
        %dma_wait3A_400 = arith.constant 0 : i32
        %dma_wait3A_401 = arith.constant 0 : i32
        %dma_wait3A_402 = tpu.memref_slice %arg6[%dma_wait3A_399, %dma_wait3A_400, %dma_wait3A_401] : memref<79x2x128xi32, #tpu.memory_space<vmem>> -> memref<1x2x128xi32, #tpu.memory_space<vmem>>
        %dma_wait3A_403 = arith.constant 0 : i32
        %dma_wait3A_404 = arith.constant 0 : i32
        %dma_wait3A_405 = tpu.memref_slice %arg3[%add3A_385, %dma_wait3A_403, %dma_wait3A_404] : memref<2500x2x128xi32, #tpu.memory_space<hbm>> -> memref<1x2x128xi32, #tpu.memory_space<hbm>>
        %dma_wait3A_406 = arith.constant 78 : i32
        %dma_wait3A_407 = arith.constant 0 : i32
        %dma_wait3A_408 = arith.constant 0 : i32
        %dma_wait3A_409 = tpu.memref_slice %arg6[%dma_wait3A_406, %dma_wait3A_407, %dma_wait3A_408] : memref<79x2x128xi32, #tpu.memory_space<vmem>> -> memref<1x2x128xi32, #tpu.memory_space<vmem>>
        %dma_wait3A_410 = arith.constant 0 : i32
        %dma_wait3A_411 = arith.constant 0 : i32
        %dma_wait3A_412 = tpu.memref_slice %arg3[%add3A_385, %dma_wait3A_410, %dma_wait3A_411] : memref<2500x2x128xi32, #tpu.memory_space<hbm>> -> memref<1x2x128xi32, #tpu.memory_space<hbm>>
        tpu.wait_dma2 semaphore(%run_scoped3A : memref<!tpu.dma_semaphore, #tpu.memory_space<semaphore_mem>>) src(%dma_wait3A_412 : memref<1x2x128xi32, #tpu.memory_space<hbm>>) dst(%dma_wait3A_409 : memref<1x2x128xi32, #tpu.memory_space<vmem>>)
        tpu.yield
      }) : () -> ()
    } else {
    }
    %barrier3A = arith.constant 0 : index
    tpu.barrier barrier_id(%barrier3A)
    %scan3A_26 = arith.constant 0 : i32
    %scan3A_27 = arith.constant 0 : i32
    %scan3A_28 = arith.constant 6 : i32
    %scan3A_29 = arith.addi %scan3A_27, %scan3A_28 : i32
    %scan3A_30 = arith.constant 1 : i32
    scf.for %scan3A_384 = %scan3A_27 to %scan3A_29 step %scan3A_30  : i32 {
      %mul3A_385 = arith.constant 13 : i32
      %mul3A_386 = arith.muli %scan3A_384, %mul3A_385 : i32
      %jit3A_387 = arith.constant 2 : i32
      %eq3A = arith.constant 0 : i32
      %eq3A_388 = arith.cmpi eq, %jit3A_387, %eq3A : i32
      %jit3A_389 = arith.constant 1 : i32
      %select_n3A_390 = arith.select %eq3A_388, %jit3A_389, %jit3A_387 : i32
      %rem3A = arith.remsi %scan3A_384, %select_n3A_390 : i32
      %ne3A = arith.constant 0 : i32
      %ne3A_391 = arith.cmpi ne, %rem3A, %ne3A : i32
      %lt3A_392 = arith.constant 0 : i32
      %lt3A_393 = arith.cmpi slt, %rem3A, %lt3A_392 : i32
      %lt3A_394 = arith.constant 0 : i32
      %lt3A_395 = arith.cmpi slt, %select_n3A_390, %lt3A_394 : i32
      %ne3A_396 = arith.xori %lt3A_393, %lt3A_395 : i1
      %and3A = arith.andi %ne3A_396, %ne3A_391 : i1
      %add3A_397 = arith.addi %rem3A, %select_n3A_390 : i32
      %select_n3A_398 = arith.select %and3A, %add3A_397, %rem3A : i32
      %mul3A_399 = arith.constant 13 : i32
      %mul3A_400 = arith.muli %select_n3A_398, %mul3A_399 : i32
      %ge3A = arith.constant 2 : i32
      %ge3A_401 = arith.cmpi sge, %scan3A_384, %ge3A : i32
      %convert_element_type3A_402 = arith.extui %ge3A_401 : i1 to i32
      %cond3A_403 = arith.constant 0 : i32
      %cond3A_404 = arith.cmpi ne, %convert_element_type3A_402, %cond3A_403 : i32
      scf.if %cond3A_404 {
        %add3A_937 = arith.constant 0 : i32
        %add3A_938 = arith.addi %mul3A_400, %add3A_937 : i32
        %add3A_939 = arith.constant 0 : i32
        %add3A_940 = arith.addi %mul3A_386, %add3A_939 : i32
        %dma_wait3A_941 = arith.constant 1 : i32
        %dma_wait3A_942 = arith.constant 0 : i32
        %dma_wait3A_943 = arith.constant 0 : i32
        %dma_wait3A_944 = tpu.memref_slice %arg7[%add3A_938, %dma_wait3A_942, %dma_wait3A_943] : memref<26x128x16xf32, #tpu.memory_space<vmem>> -> memref<1x128x16xf32, #tpu.memory_space<vmem>>
        %dma_wait3A_945 = tpu.memref_squeeze %dma_wait3A_944 : memref<1x128x16xf32, #tpu.memory_space<vmem>> -> memref<128x16xf32, #tpu.memory_space<vmem>>
        %dma_wait3A_946 = arith.constant 0 : i32
        %dma_wait3A_947 = tpu.memref_slice %arg6[%add3A_940, %dma_wait3A_941, %dma_wait3A_946] : memref<79x2x128xi32, #tpu.memory_space<vmem>> -> memref<1x1x128xi32, #tpu.memory_space<vmem>>
        %dma_wait3A_948 = tpu.memref_squeeze %dma_wait3A_947 : memref<1x1x128xi32, #tpu.memory_space<vmem>> -> memref<128xi32, #tpu.memory_space<vmem>>
        %dma_wait3A_949 = arith.constant 0 : i32
        %dma_wait3A_950 = arith.constant 0 : i32
        %dma_wait3A_951 = tpu.memref_slice %arg5[%dma_wait3A_949, %dma_wait3A_950] : memref<10240x16xf32, #tpu.memory_space<vmem_shared>> -> memref<10240x16xf32, #tpu.memory_space<vmem_shared>>
        tpu.wait_indirect_dma semaphore(%arg9 : memref<!tpu.dma_semaphore, #tpu.memory_space<semaphore_mem>>) src(%dma_wait3A_945 : memref<128x16xf32, #tpu.memory_space<vmem>>) dst(%dma_wait3A_951 : memref<10240x16xf32, #tpu.memory_space<vmem_shared>>)
        %add3A_952 = arith.constant 1 : i32
        %add3A_953 = arith.addi %mul3A_400, %add3A_952 : i32
        %add3A_954 = arith.constant 1 : i32
        %add3A_955 = arith.addi %mul3A_386, %add3A_954 : i32
        %dma_wait3A_956 = arith.constant 1 : i32
        %dma_wait3A_957 = arith.constant 0 : i32
        %dma_wait3A_958 = arith.constant 0 : i32
        %dma_wait3A_959 = tpu.memref_slice %arg7[%add3A_953, %dma_wait3A_957, %dma_wait3A_958] : memref<26x128x16xf32, #tpu.memory_space<vmem>> -> memref<1x128x16xf32, #tpu.memory_space<vmem>>
        %dma_wait3A_960 = tpu.memref_squeeze %dma_wait3A_959 : memref<1x128x16xf32, #tpu.memory_space<vmem>> -> memref<128x16xf32, #tpu.memory_space<vmem>>
        %dma_wait3A_961 = arith.constant 0 : i32
        %dma_wait3A_962 = tpu.memref_slice %arg6[%add3A_955, %dma_wait3A_956, %dma_wait3A_961] : memref<79x2x128xi32, #tpu.memory_space<vmem>> -> memref<1x1x128xi32, #tpu.memory_space<vmem>>
        %dma_wait3A_963 = tpu.memref_squeeze %dma_wait3A_962 : memref<1x1x128xi32, #tpu.memory_space<vmem>> -> memref<128xi32, #tpu.memory_space<vmem>>
        %dma_wait3A_964 = arith.constant 0 : i32
        %dma_wait3A_965 = arith.constant 0 : i32
        %dma_wait3A_966 = tpu.memref_slice %arg5[%dma_wait3A_964, %dma_wait3A_965] : memref<10240x16xf32, #tpu.memory_space<vmem_shared>> -> memref<10240x16xf32, #tpu.memory_space<vmem_shared>>
        tpu.wait_indirect_dma semaphore(%arg9 : memref<!tpu.dma_semaphore, #tpu.memory_space<semaphore_mem>>) src(%dma_wait3A_960 : memref<128x16xf32, #tpu.memory_space<vmem>>) dst(%dma_wait3A_966 : memref<10240x16xf32, #tpu.memory_space<vmem_shared>>)
        %add3A_967 = arith.constant 2 : i32
        %add3A_968 = arith.addi %mul3A_400, %add3A_967 : i32
        %add3A_969 = arith.constant 2 : i32
        %add3A_970 = arith.addi %mul3A_386, %add3A_969 : i32
        %dma_wait3A_971 = arith.constant 1 : i32
        %dma_wait3A_972 = arith.constant 0 : i32
        %dma_wait3A_973 = arith.constant 0 : i32
        %dma_wait3A_974 = tpu.memref_slice %arg7[%add3A_968, %dma_wait3A_972, %dma_wait3A_973] : memref<26x128x16xf32, #tpu.memory_space<vmem>> -> memref<1x128x16xf32, #tpu.memory_space<vmem>>
        %dma_wait3A_975 = tpu.memref_squeeze %dma_wait3A_974 : memref<1x128x16xf32, #tpu.memory_space<vmem>> -> memref<128x16xf32, #tpu.memory_space<vmem>>
        %dma_wait3A_976 = arith.constant 0 : i32
        %dma_wait3A_977 = tpu.memref_slice %arg6[%add3A_970, %dma_wait3A_971, %dma_wait3A_976] : memref<79x2x128xi32, #tpu.memory_space<vmem>> -> memref<1x1x128xi32, #tpu.memory_space<vmem>>
        %dma_wait3A_978 = tpu.memref_squeeze %dma_wait3A_977 : memref<1x1x128xi32, #tpu.memory_space<vmem>> -> memref<128xi32, #tpu.memory_space<vmem>>
        %dma_wait3A_979 = arith.constant 0 : i32
        %dma_wait3A_980 = arith.constant 0 : i32
        %dma_wait3A_981 = tpu.memref_slice %arg5[%dma_wait3A_979, %dma_wait3A_980] : memref<10240x16xf32, #tpu.memory_space<vmem_shared>> -> memref<10240x16xf32, #tpu.memory_space<vmem_shared>>
        tpu.wait_indirect_dma semaphore(%arg9 : memref<!tpu.dma_semaphore, #tpu.memory_space<semaphore_mem>>) src(%dma_wait3A_975 : memref<128x16xf32, #tpu.memory_space<vmem>>) dst(%dma_wait3A_981 : memref<10240x16xf32, #tpu.memory_space<vmem_shared>>)
        %add3A_982 = arith.constant 3 : i32
        %add3A_983 = arith.addi %mul3A_400, %add3A_982 : i32
        %add3A_984 = arith.constant 3 : i32
        %add3A_985 = arith.addi %mul3A_386, %add3A_984 : i32
        %dma_wait3A_986 = arith.constant 1 : i32
        %dma_wait3A_987 = arith.constant 0 : i32
        %dma_wait3A_988 = arith.constant 0 : i32
        %dma_wait3A_989 = tpu.memref_slice %arg7[%add3A_983, %dma_wait3A_987, %dma_wait3A_988] : memref<26x128x16xf32, #tpu.memory_space<vmem>> -> memref<1x128x16xf32, #tpu.memory_space<vmem>>
        %dma_wait3A_990 = tpu.memref_squeeze %dma_wait3A_989 : memref<1x128x16xf32, #tpu.memory_space<vmem>> -> memref<128x16xf32, #tpu.memory_space<vmem>>
        %dma_wait3A_991 = arith.constant 0 : i32
        %dma_wait3A_992 = tpu.memref_slice %arg6[%add3A_985, %dma_wait3A_986, %dma_wait3A_991] : memref<79x2x128xi32, #tpu.memory_space<vmem>> -> memref<1x1x128xi32, #tpu.memory_space<vmem>>
        %dma_wait3A_993 = tpu.memref_squeeze %dma_wait3A_992 : memref<1x1x128xi32, #tpu.memory_space<vmem>> -> memref<128xi32, #tpu.memory_space<vmem>>
        %dma_wait3A_994 = arith.constant 0 : i32
        %dma_wait3A_995 = arith.constant 0 : i32
        %dma_wait3A_996 = tpu.memref_slice %arg5[%dma_wait3A_994, %dma_wait3A_995] : memref<10240x16xf32, #tpu.memory_space<vmem_shared>> -> memref<10240x16xf32, #tpu.memory_space<vmem_shared>>
        tpu.wait_indirect_dma semaphore(%arg9 : memref<!tpu.dma_semaphore, #tpu.memory_space<semaphore_mem>>) src(%dma_wait3A_990 : memref<128x16xf32, #tpu.memory_space<vmem>>) dst(%dma_wait3A_996 : memref<10240x16xf32, #tpu.memory_space<vmem_shared>>)
        %add3A_997 = arith.constant 4 : i32
        %add3A_998 = arith.addi %mul3A_400, %add3A_997 : i32
        %add3A_999 = arith.constant 4 : i32
        %add3A_1000 = arith.addi %mul3A_386, %add3A_999 : i32
        %dma_wait3A_1001 = arith.constant 1 : i32
        %dma_wait3A_1002 = arith.constant 0 : i32
        %dma_wait3A_1003 = arith.constant 0 : i32
        %dma_wait3A_1004 = tpu.memref_slice %arg7[%add3A_998, %dma_wait3A_1002, %dma_wait3A_1003] : memref<26x128x16xf32, #tpu.memory_space<vmem>> -> memref<1x128x16xf32, #tpu.memory_space<vmem>>
        %dma_wait3A_1005 = tpu.memref_squeeze %dma_wait3A_1004 : memref<1x128x16xf32, #tpu.memory_space<vmem>> -> memref<128x16xf32, #tpu.memory_space<vmem>>
        %dma_wait3A_1006 = arith.constant 0 : i32
        %dma_wait3A_1007 = tpu.memref_slice %arg6[%add3A_1000, %dma_wait3A_1001, %dma_wait3A_1006] : memref<79x2x128xi32, #tpu.memory_space<vmem>> -> memref<1x1x128xi32, #tpu.memory_space<vmem>>
        %dma_wait3A_1008 = tpu.memref_squeeze %dma_wait3A_1007 : memref<1x1x128xi32, #tpu.memory_space<vmem>> -> memref<128xi32, #tpu.memory_space<vmem>>
        %dma_wait3A_1009 = arith.constant 0 : i32
        %dma_wait3A_1010 = arith.constant 0 : i32
        %dma_wait3A_1011 = tpu.memref_slice %arg5[%dma_wait3A_1009, %dma_wait3A_1010] : memref<10240x16xf32, #tpu.memory_space<vmem_shared>> -> memref<10240x16xf32, #tpu.memory_space<vmem_shared>>
        tpu.wait_indirect_dma semaphore(%arg9 : memref<!tpu.dma_semaphore, #tpu.memory_space<semaphore_mem>>) src(%dma_wait3A_1005 : memref<128x16xf32, #tpu.memory_space<vmem>>) dst(%dma_wait3A_1011 : memref<10240x16xf32, #tpu.memory_space<vmem_shared>>)
        %add3A_1012 = arith.constant 5 : i32
        %add3A_1013 = arith.addi %mul3A_400, %add3A_1012 : i32
        %add3A_1014 = arith.constant 5 : i32
        %add3A_1015 = arith.addi %mul3A_386, %add3A_1014 : i32
        %dma_wait3A_1016 = arith.constant 1 : i32
        %dma_wait3A_1017 = arith.constant 0 : i32
        %dma_wait3A_1018 = arith.constant 0 : i32
        %dma_wait3A_1019 = tpu.memref_slice %arg7[%add3A_1013, %dma_wait3A_1017, %dma_wait3A_1018] : memref<26x128x16xf32, #tpu.memory_space<vmem>> -> memref<1x128x16xf32, #tpu.memory_space<vmem>>
        %dma_wait3A_1020 = tpu.memref_squeeze %dma_wait3A_1019 : memref<1x128x16xf32, #tpu.memory_space<vmem>> -> memref<128x16xf32, #tpu.memory_space<vmem>>
        %dma_wait3A_1021 = arith.constant 0 : i32
        %dma_wait3A_1022 = tpu.memref_slice %arg6[%add3A_1015, %dma_wait3A_1016, %dma_wait3A_1021] : memref<79x2x128xi32, #tpu.memory_space<vmem>> -> memref<1x1x128xi32, #tpu.memory_space<vmem>>
        %dma_wait3A_1023 = tpu.memref_squeeze %dma_wait3A_1022 : memref<1x1x128xi32, #tpu.memory_space<vmem>> -> memref<128xi32, #tpu.memory_space<vmem>>
        %dma_wait3A_1024 = arith.constant 0 : i32
        %dma_wait3A_1025 = arith.constant 0 : i32
        %dma_wait3A_1026 = tpu.memref_slice %arg5[%dma_wait3A_1024, %dma_wait3A_1025] : memref<10240x16xf32, #tpu.memory_space<vmem_shared>> -> memref<10240x16xf32, #tpu.memory_space<vmem_shared>>
        tpu.wait_indirect_dma semaphore(%arg9 : memref<!tpu.dma_semaphore, #tpu.memory_space<semaphore_mem>>) src(%dma_wait3A_1020 : memref<128x16xf32, #tpu.memory_space<vmem>>) dst(%dma_wait3A_1026 : memref<10240x16xf32, #tpu.memory_space<vmem_shared>>)
        %add3A_1027 = arith.constant 6 : i32
        %add3A_1028 = arith.addi %mul3A_400, %add3A_1027 : i32
        %add3A_1029 = arith.constant 6 : i32
        %add3A_1030 = arith.addi %mul3A_386, %add3A_1029 : i32
        %dma_wait3A_1031 = arith.constant 1 : i32
        %dma_wait3A_1032 = arith.constant 0 : i32
        %dma_wait3A_1033 = arith.constant 0 : i32
        %dma_wait3A_1034 = tpu.memref_slice %arg7[%add3A_1028, %dma_wait3A_1032, %dma_wait3A_1033] : memref<26x128x16xf32, #tpu.memory_space<vmem>> -> memref<1x128x16xf32, #tpu.memory_space<vmem>>
        %dma_wait3A_1035 = tpu.memref_squeeze %dma_wait3A_1034 : memref<1x128x16xf32, #tpu.memory_space<vmem>> -> memref<128x16xf32, #tpu.memory_space<vmem>>
        %dma_wait3A_1036 = arith.constant 0 : i32
        %dma_wait3A_1037 = tpu.memref_slice %arg6[%add3A_1030, %dma_wait3A_1031, %dma_wait3A_1036] : memref<79x2x128xi32, #tpu.memory_space<vmem>> -> memref<1x1x128xi32, #tpu.memory_space<vmem>>
        %dma_wait3A_1038 = tpu.memref_squeeze %dma_wait3A_1037 : memref<1x1x128xi32, #tpu.memory_space<vmem>> -> memref<128xi32, #tpu.memory_space<vmem>>
        %dma_wait3A_1039 = arith.constant 0 : i32
        %dma_wait3A_1040 = arith.constant 0 : i32
        %dma_wait3A_1041 = tpu.memref_slice %arg5[%dma_wait3A_1039, %dma_wait3A_1040] : memref<10240x16xf32, #tpu.memory_space<vmem_shared>> -> memref<10240x16xf32, #tpu.memory_space<vmem_shared>>
        tpu.wait_indirect_dma semaphore(%arg9 : memref<!tpu.dma_semaphore, #tpu.memory_space<semaphore_mem>>) src(%dma_wait3A_1035 : memref<128x16xf32, #tpu.memory_space<vmem>>) dst(%dma_wait3A_1041 : memref<10240x16xf32, #tpu.memory_space<vmem_shared>>)
        %add3A_1042 = arith.constant 7 : i32
        %add3A_1043 = arith.addi %mul3A_400, %add3A_1042 : i32
        %add3A_1044 = arith.constant 7 : i32
        %add3A_1045 = arith.addi %mul3A_386, %add3A_1044 : i32
        %dma_wait3A_1046 = arith.constant 1 : i32
        %dma_wait3A_1047 = arith.constant 0 : i32
        %dma_wait3A_1048 = arith.constant 0 : i32
        %dma_wait3A_1049 = tpu.memref_slice %arg7[%add3A_1043, %dma_wait3A_1047, %dma_wait3A_1048] : memref<26x128x16xf32, #tpu.memory_space<vmem>> -> memref<1x128x16xf32, #tpu.memory_space<vmem>>
        %dma_wait3A_1050 = tpu.memref_squeeze %dma_wait3A_1049 : memref<1x128x16xf32, #tpu.memory_space<vmem>> -> memref<128x16xf32, #tpu.memory_space<vmem>>
        %dma_wait3A_1051 = arith.constant 0 : i32
        %dma_wait3A_1052 = tpu.memref_slice %arg6[%add3A_1045, %dma_wait3A_1046, %dma_wait3A_1051] : memref<79x2x128xi32, #tpu.memory_space<vmem>> -> memref<1x1x128xi32, #tpu.memory_space<vmem>>
        %dma_wait3A_1053 = tpu.memref_squeeze %dma_wait3A_1052 : memref<1x1x128xi32, #tpu.memory_space<vmem>> -> memref<128xi32, #tpu.memory_space<vmem>>
        %dma_wait3A_1054 = arith.constant 0 : i32
        %dma_wait3A_1055 = arith.constant 0 : i32
        %dma_wait3A_1056 = tpu.memref_slice %arg5[%dma_wait3A_1054, %dma_wait3A_1055] : memref<10240x16xf32, #tpu.memory_space<vmem_shared>> -> memref<10240x16xf32, #tpu.memory_space<vmem_shared>>
        tpu.wait_indirect_dma semaphore(%arg9 : memref<!tpu.dma_semaphore, #tpu.memory_space<semaphore_mem>>) src(%dma_wait3A_1050 : memref<128x16xf32, #tpu.memory_space<vmem>>) dst(%dma_wait3A_1056 : memref<10240x16xf32, #tpu.memory_space<vmem_shared>>)
        %add3A_1057 = arith.constant 8 : i32
        %add3A_1058 = arith.addi %mul3A_400, %add3A_1057 : i32
        %add3A_1059 = arith.constant 8 : i32
        %add3A_1060 = arith.addi %mul3A_386, %add3A_1059 : i32
        %dma_wait3A_1061 = arith.constant 1 : i32
        %dma_wait3A_1062 = arith.constant 0 : i32
        %dma_wait3A_1063 = arith.constant 0 : i32
        %dma_wait3A_1064 = tpu.memref_slice %arg7[%add3A_1058, %dma_wait3A_1062, %dma_wait3A_1063] : memref<26x128x16xf32, #tpu.memory_space<vmem>> -> memref<1x128x16xf32, #tpu.memory_space<vmem>>
        %dma_wait3A_1065 = tpu.memref_squeeze %dma_wait3A_1064 : memref<1x128x16xf32, #tpu.memory_space<vmem>> -> memref<128x16xf32, #tpu.memory_space<vmem>>
        %dma_wait3A_1066 = arith.constant 0 : i32
        %dma_wait3A_1067 = tpu.memref_slice %arg6[%add3A_1060, %dma_wait3A_1061, %dma_wait3A_1066] : memref<79x2x128xi32, #tpu.memory_space<vmem>> -> memref<1x1x128xi32, #tpu.memory_space<vmem>>
        %dma_wait3A_1068 = tpu.memref_squeeze %dma_wait3A_1067 : memref<1x1x128xi32, #tpu.memory_space<vmem>> -> memref<128xi32, #tpu.memory_space<vmem>>
        %dma_wait3A_1069 = arith.constant 0 : i32
        %dma_wait3A_1070 = arith.constant 0 : i32
        %dma_wait3A_1071 = tpu.memref_slice %arg5[%dma_wait3A_1069, %dma_wait3A_1070] : memref<10240x16xf32, #tpu.memory_space<vmem_shared>> -> memref<10240x16xf32, #tpu.memory_space<vmem_shared>>
        tpu.wait_indirect_dma semaphore(%arg9 : memref<!tpu.dma_semaphore, #tpu.memory_space<semaphore_mem>>) src(%dma_wait3A_1065 : memref<128x16xf32, #tpu.memory_space<vmem>>) dst(%dma_wait3A_1071 : memref<10240x16xf32, #tpu.memory_space<vmem_shared>>)
        %add3A_1072 = arith.constant 9 : i32
        %add3A_1073 = arith.addi %mul3A_400, %add3A_1072 : i32
        %add3A_1074 = arith.constant 9 : i32
        %add3A_1075 = arith.addi %mul3A_386, %add3A_1074 : i32
        %dma_wait3A_1076 = arith.constant 1 : i32
        %dma_wait3A_1077 = arith.constant 0 : i32
        %dma_wait3A_1078 = arith.constant 0 : i32
        %dma_wait3A_1079 = tpu.memref_slice %arg7[%add3A_1073, %dma_wait3A_1077, %dma_wait3A_1078] : memref<26x128x16xf32, #tpu.memory_space<vmem>> -> memref<1x128x16xf32, #tpu.memory_space<vmem>>
        %dma_wait3A_1080 = tpu.memref_squeeze %dma_wait3A_1079 : memref<1x128x16xf32, #tpu.memory_space<vmem>> -> memref<128x16xf32, #tpu.memory_space<vmem>>
        %dma_wait3A_1081 = arith.constant 0 : i32
        %dma_wait3A_1082 = tpu.memref_slice %arg6[%add3A_1075, %dma_wait3A_1076, %dma_wait3A_1081] : memref<79x2x128xi32, #tpu.memory_space<vmem>> -> memref<1x1x128xi32, #tpu.memory_space<vmem>>
        %dma_wait3A_1083 = tpu.memref_squeeze %dma_wait3A_1082 : memref<1x1x128xi32, #tpu.memory_space<vmem>> -> memref<128xi32, #tpu.memory_space<vmem>>
        %dma_wait3A_1084 = arith.constant 0 : i32
        %dma_wait3A_1085 = arith.constant 0 : i32
        %dma_wait3A_1086 = tpu.memref_slice %arg5[%dma_wait3A_1084, %dma_wait3A_1085] : memref<10240x16xf32, #tpu.memory_space<vmem_shared>> -> memref<10240x16xf32, #tpu.memory_space<vmem_shared>>
        tpu.wait_indirect_dma semaphore(%arg9 : memref<!tpu.dma_semaphore, #tpu.memory_space<semaphore_mem>>) src(%dma_wait3A_1080 : memref<128x16xf32, #tpu.memory_space<vmem>>) dst(%dma_wait3A_1086 : memref<10240x16xf32, #tpu.memory_space<vmem_shared>>)
        %add3A_1087 = arith.constant 10 : i32
        %add3A_1088 = arith.addi %mul3A_400, %add3A_1087 : i32
        %add3A_1089 = arith.constant 10 : i32
        %add3A_1090 = arith.addi %mul3A_386, %add3A_1089 : i32
        %dma_wait3A_1091 = arith.constant 1 : i32
        %dma_wait3A_1092 = arith.constant 0 : i32
        %dma_wait3A_1093 = arith.constant 0 : i32
        %dma_wait3A_1094 = tpu.memref_slice %arg7[%add3A_1088, %dma_wait3A_1092, %dma_wait3A_1093] : memref<26x128x16xf32, #tpu.memory_space<vmem>> -> memref<1x128x16xf32, #tpu.memory_space<vmem>>
        %dma_wait3A_1095 = tpu.memref_squeeze %dma_wait3A_1094 : memref<1x128x16xf32, #tpu.memory_space<vmem>> -> memref<128x16xf32, #tpu.memory_space<vmem>>
        %dma_wait3A_1096 = arith.constant 0 : i32
        %dma_wait3A_1097 = tpu.memref_slice %arg6[%add3A_1090, %dma_wait3A_1091, %dma_wait3A_1096] : memref<79x2x128xi32, #tpu.memory_space<vmem>> -> memref<1x1x128xi32, #tpu.memory_space<vmem>>
        %dma_wait3A_1098 = tpu.memref_squeeze %dma_wait3A_1097 : memref<1x1x128xi32, #tpu.memory_space<vmem>> -> memref<128xi32, #tpu.memory_space<vmem>>
        %dma_wait3A_1099 = arith.constant 0 : i32
        %dma_wait3A_1100 = arith.constant 0 : i32
        %dma_wait3A_1101 = tpu.memref_slice %arg5[%dma_wait3A_1099, %dma_wait3A_1100] : memref<10240x16xf32, #tpu.memory_space<vmem_shared>> -> memref<10240x16xf32, #tpu.memory_space<vmem_shared>>
        tpu.wait_indirect_dma semaphore(%arg9 : memref<!tpu.dma_semaphore, #tpu.memory_space<semaphore_mem>>) src(%dma_wait3A_1095 : memref<128x16xf32, #tpu.memory_space<vmem>>) dst(%dma_wait3A_1101 : memref<10240x16xf32, #tpu.memory_space<vmem_shared>>)
        %add3A_1102 = arith.constant 11 : i32
        %add3A_1103 = arith.addi %mul3A_400, %add3A_1102 : i32
        %add3A_1104 = arith.constant 11 : i32
        %add3A_1105 = arith.addi %mul3A_386, %add3A_1104 : i32
        %dma_wait3A_1106 = arith.constant 1 : i32
        %dma_wait3A_1107 = arith.constant 0 : i32
        %dma_wait3A_1108 = arith.constant 0 : i32
        %dma_wait3A_1109 = tpu.memref_slice %arg7[%add3A_1103, %dma_wait3A_1107, %dma_wait3A_1108] : memref<26x128x16xf32, #tpu.memory_space<vmem>> -> memref<1x128x16xf32, #tpu.memory_space<vmem>>
        %dma_wait3A_1110 = tpu.memref_squeeze %dma_wait3A_1109 : memref<1x128x16xf32, #tpu.memory_space<vmem>> -> memref<128x16xf32, #tpu.memory_space<vmem>>
        %dma_wait3A_1111 = arith.constant 0 : i32
        %dma_wait3A_1112 = tpu.memref_slice %arg6[%add3A_1105, %dma_wait3A_1106, %dma_wait3A_1111] : memref<79x2x128xi32, #tpu.memory_space<vmem>> -> memref<1x1x128xi32, #tpu.memory_space<vmem>>
        %dma_wait3A_1113 = tpu.memref_squeeze %dma_wait3A_1112 : memref<1x1x128xi32, #tpu.memory_space<vmem>> -> memref<128xi32, #tpu.memory_space<vmem>>
        %dma_wait3A_1114 = arith.constant 0 : i32
        %dma_wait3A_1115 = arith.constant 0 : i32
        %dma_wait3A_1116 = tpu.memref_slice %arg5[%dma_wait3A_1114, %dma_wait3A_1115] : memref<10240x16xf32, #tpu.memory_space<vmem_shared>> -> memref<10240x16xf32, #tpu.memory_space<vmem_shared>>
        tpu.wait_indirect_dma semaphore(%arg9 : memref<!tpu.dma_semaphore, #tpu.memory_space<semaphore_mem>>) src(%dma_wait3A_1110 : memref<128x16xf32, #tpu.memory_space<vmem>>) dst(%dma_wait3A_1116 : memref<10240x16xf32, #tpu.memory_space<vmem_shared>>)
        %add3A_1117 = arith.constant 12 : i32
        %add3A_1118 = arith.addi %mul3A_400, %add3A_1117 : i32
        %add3A_1119 = arith.constant 12 : i32
        %add3A_1120 = arith.addi %mul3A_386, %add3A_1119 : i32
        %dma_wait3A_1121 = arith.constant 1 : i32
        %dma_wait3A_1122 = arith.constant 0 : i32
        %dma_wait3A_1123 = arith.constant 0 : i32
        %dma_wait3A_1124 = tpu.memref_slice %arg7[%add3A_1118, %dma_wait3A_1122, %dma_wait3A_1123] : memref<26x128x16xf32, #tpu.memory_space<vmem>> -> memref<1x128x16xf32, #tpu.memory_space<vmem>>
        %dma_wait3A_1125 = tpu.memref_squeeze %dma_wait3A_1124 : memref<1x128x16xf32, #tpu.memory_space<vmem>> -> memref<128x16xf32, #tpu.memory_space<vmem>>
        %dma_wait3A_1126 = arith.constant 0 : i32
        %dma_wait3A_1127 = tpu.memref_slice %arg6[%add3A_1120, %dma_wait3A_1121, %dma_wait3A_1126] : memref<79x2x128xi32, #tpu.memory_space<vmem>> -> memref<1x1x128xi32, #tpu.memory_space<vmem>>
        %dma_wait3A_1128 = tpu.memref_squeeze %dma_wait3A_1127 : memref<1x1x128xi32, #tpu.memory_space<vmem>> -> memref<128xi32, #tpu.memory_space<vmem>>
        %dma_wait3A_1129 = arith.constant 0 : i32
        %dma_wait3A_1130 = arith.constant 0 : i32
        %dma_wait3A_1131 = tpu.memref_slice %arg5[%dma_wait3A_1129, %dma_wait3A_1130] : memref<10240x16xf32, #tpu.memory_space<vmem_shared>> -> memref<10240x16xf32, #tpu.memory_space<vmem_shared>>
        tpu.wait_indirect_dma semaphore(%arg9 : memref<!tpu.dma_semaphore, #tpu.memory_space<semaphore_mem>>) src(%dma_wait3A_1125 : memref<128x16xf32, #tpu.memory_space<vmem>>) dst(%dma_wait3A_1131 : memref<10240x16xf32, #tpu.memory_space<vmem_shared>>)
      } else {
      }
      %add3A_405 = arith.constant 0 : i32
      %add3A_406 = arith.addi %mul3A_386, %add3A_405 : i32
      %add3A_407 = arith.constant 0 : i32
      %add3A_408 = arith.addi %mul3A_400, %add3A_407 : i32
      %dma_start3A = arith.constant 0 : i32
      %dma_start3A_409 = arith.constant 0 : i32
      %dma_start3A_410 = arith.constant 0 : i32
      %dma_start3A_411 = tpu.memref_slice %arg7[%add3A_408, %dma_start3A_409, %dma_start3A_410] : memref<26x128x16xf32, #tpu.memory_space<vmem>> -> memref<1x128x16xf32, #tpu.memory_space<vmem>>
      %dma_start3A_412 = tpu.memref_squeeze %dma_start3A_411 : memref<1x128x16xf32, #tpu.memory_space<vmem>> -> memref<128x16xf32, #tpu.memory_space<vmem>>
      %dma_start3A_413 = arith.constant 0 : i32
      %dma_start3A_414 = tpu.memref_slice %arg6[%add3A_406, %dma_start3A, %dma_start3A_413] : memref<79x2x128xi32, #tpu.memory_space<vmem>> -> memref<1x1x128xi32, #tpu.memory_space<vmem>>
      %dma_start3A_415 = tpu.memref_squeeze %dma_start3A_414 : memref<1x1x128xi32, #tpu.memory_space<vmem>> -> memref<128xi32, #tpu.memory_space<vmem>>
      %dma_start3A_416 = arith.constant 0 : i32
      %dma_start3A_417 = arith.constant 0 : i32
      %dma_start3A_418 = tpu.memref_slice %arg2[%dma_start3A_416, %dma_start3A_417] : memref<10240x16xf32, #tpu.memory_space<hbm>> -> memref<10240x16xf32, #tpu.memory_space<hbm>>
      tpu.enqueue_indirect_dma source(%dma_start3A_418 : memref<10240x16xf32, #tpu.memory_space<hbm>>) target(%dma_start3A_412 : memref<128x16xf32, #tpu.memory_space<vmem>>) offsets(%dma_start3A_415 : memref<128xi32, #tpu.memory_space<vmem>>) semaphore(%arg8 : memref<!tpu.dma_semaphore, #tpu.memory_space<semaphore_mem>>)
      %add3A_419 = arith.constant 1 : i32
      %add3A_420 = arith.addi %mul3A_386, %add3A_419 : i32
      %add3A_421 = arith.constant 1 : i32
      %add3A_422 = arith.addi %mul3A_400, %add3A_421 : i32
      %dma_start3A_423 = arith.constant 0 : i32
      %dma_start3A_424 = arith.constant 0 : i32
      %dma_start3A_425 = arith.constant 0 : i32
      %dma_start3A_426 = tpu.memref_slice %arg7[%add3A_422, %dma_start3A_424, %dma_start3A_425] : memref<26x128x16xf32, #tpu.memory_space<vmem>> -> memref<1x128x16xf32, #tpu.memory_space<vmem>>
      %dma_start3A_427 = tpu.memref_squeeze %dma_start3A_426 : memref<1x128x16xf32, #tpu.memory_space<vmem>> -> memref<128x16xf32, #tpu.memory_space<vmem>>
      %dma_start3A_428 = arith.constant 0 : i32
      %dma_start3A_429 = tpu.memref_slice %arg6[%add3A_420, %dma_start3A_423, %dma_start3A_428] : memref<79x2x128xi32, #tpu.memory_space<vmem>> -> memref<1x1x128xi32, #tpu.memory_space<vmem>>
      %dma_start3A_430 = tpu.memref_squeeze %dma_start3A_429 : memref<1x1x128xi32, #tpu.memory_space<vmem>> -> memref<128xi32, #tpu.memory_space<vmem>>
      %dma_start3A_431 = arith.constant 0 : i32
      %dma_start3A_432 = arith.constant 0 : i32
      %dma_start3A_433 = tpu.memref_slice %arg2[%dma_start3A_431, %dma_start3A_432] : memref<10240x16xf32, #tpu.memory_space<hbm>> -> memref<10240x16xf32, #tpu.memory_space<hbm>>
      tpu.enqueue_indirect_dma source(%dma_start3A_433 : memref<10240x16xf32, #tpu.memory_space<hbm>>) target(%dma_start3A_427 : memref<128x16xf32, #tpu.memory_space<vmem>>) offsets(%dma_start3A_430 : memref<128xi32, #tpu.memory_space<vmem>>) semaphore(%arg8 : memref<!tpu.dma_semaphore, #tpu.memory_space<semaphore_mem>>)
      %add3A_434 = arith.constant 2 : i32
      %add3A_435 = arith.addi %mul3A_386, %add3A_434 : i32
      %add3A_436 = arith.constant 2 : i32
      %add3A_437 = arith.addi %mul3A_400, %add3A_436 : i32
      %dma_start3A_438 = arith.constant 0 : i32
      %dma_start3A_439 = arith.constant 0 : i32
      %dma_start3A_440 = arith.constant 0 : i32
      %dma_start3A_441 = tpu.memref_slice %arg7[%add3A_437, %dma_start3A_439, %dma_start3A_440] : memref<26x128x16xf32, #tpu.memory_space<vmem>> -> memref<1x128x16xf32, #tpu.memory_space<vmem>>
      %dma_start3A_442 = tpu.memref_squeeze %dma_start3A_441 : memref<1x128x16xf32, #tpu.memory_space<vmem>> -> memref<128x16xf32, #tpu.memory_space<vmem>>
      %dma_start3A_443 = arith.constant 0 : i32
      %dma_start3A_444 = tpu.memref_slice %arg6[%add3A_435, %dma_start3A_438, %dma_start3A_443] : memref<79x2x128xi32, #tpu.memory_space<vmem>> -> memref<1x1x128xi32, #tpu.memory_space<vmem>>
      %dma_start3A_445 = tpu.memref_squeeze %dma_start3A_444 : memref<1x1x128xi32, #tpu.memory_space<vmem>> -> memref<128xi32, #tpu.memory_space<vmem>>
      %dma_start3A_446 = arith.constant 0 : i32
      %dma_start3A_447 = arith.constant 0 : i32
      %dma_start3A_448 = tpu.memref_slice %arg2[%dma_start3A_446, %dma_start3A_447] : memref<10240x16xf32, #tpu.memory_space<hbm>> -> memref<10240x16xf32, #tpu.memory_space<hbm>>
      tpu.enqueue_indirect_dma source(%dma_start3A_448 : memref<10240x16xf32, #tpu.memory_space<hbm>>) target(%dma_start3A_442 : memref<128x16xf32, #tpu.memory_space<vmem>>) offsets(%dma_start3A_445 : memref<128xi32, #tpu.memory_space<vmem>>) semaphore(%arg8 : memref<!tpu.dma_semaphore, #tpu.memory_space<semaphore_mem>>)
      %add3A_449 = arith.constant 3 : i32
      %add3A_450 = arith.addi %mul3A_386, %add3A_449 : i32
      %add3A_451 = arith.constant 3 : i32
      %add3A_452 = arith.addi %mul3A_400, %add3A_451 : i32
      %dma_start3A_453 = arith.constant 0 : i32
      %dma_start3A_454 = arith.constant 0 : i32
      %dma_start3A_455 = arith.constant 0 : i32
      %dma_start3A_456 = tpu.memref_slice %arg7[%add3A_452, %dma_start3A_454, %dma_start3A_455] : memref<26x128x16xf32, #tpu.memory_space<vmem>> -> memref<1x128x16xf32, #tpu.memory_space<vmem>>
      %dma_start3A_457 = tpu.memref_squeeze %dma_start3A_456 : memref<1x128x16xf32, #tpu.memory_space<vmem>> -> memref<128x16xf32, #tpu.memory_space<vmem>>
      %dma_start3A_458 = arith.constant 0 : i32
      %dma_start3A_459 = tpu.memref_slice %arg6[%add3A_450, %dma_start3A_453, %dma_start3A_458] : memref<79x2x128xi32, #tpu.memory_space<vmem>> -> memref<1x1x128xi32, #tpu.memory_space<vmem>>
      %dma_start3A_460 = tpu.memref_squeeze %dma_start3A_459 : memref<1x1x128xi32, #tpu.memory_space<vmem>> -> memref<128xi32, #tpu.memory_space<vmem>>
      %dma_start3A_461 = arith.constant 0 : i32
      %dma_start3A_462 = arith.constant 0 : i32
      %dma_start3A_463 = tpu.memref_slice %arg2[%dma_start3A_461, %dma_start3A_462] : memref<10240x16xf32, #tpu.memory_space<hbm>> -> memref<10240x16xf32, #tpu.memory_space<hbm>>
      tpu.enqueue_indirect_dma source(%dma_start3A_463 : memref<10240x16xf32, #tpu.memory_space<hbm>>) target(%dma_start3A_457 : memref<128x16xf32, #tpu.memory_space<vmem>>) offsets(%dma_start3A_460 : memref<128xi32, #tpu.memory_space<vmem>>) semaphore(%arg8 : memref<!tpu.dma_semaphore, #tpu.memory_space<semaphore_mem>>)
      %add3A_464 = arith.constant 4 : i32
      %add3A_465 = arith.addi %mul3A_386, %add3A_464 : i32
      %add3A_466 = arith.constant 4 : i32
      %add3A_467 = arith.addi %mul3A_400, %add3A_466 : i32
      %dma_start3A_468 = arith.constant 0 : i32
      %dma_start3A_469 = arith.constant 0 : i32
      %dma_start3A_470 = arith.constant 0 : i32
      %dma_start3A_471 = tpu.memref_slice %arg7[%add3A_467, %dma_start3A_469, %dma_start3A_470] : memref<26x128x16xf32, #tpu.memory_space<vmem>> -> memref<1x128x16xf32, #tpu.memory_space<vmem>>
      %dma_start3A_472 = tpu.memref_squeeze %dma_start3A_471 : memref<1x128x16xf32, #tpu.memory_space<vmem>> -> memref<128x16xf32, #tpu.memory_space<vmem>>
      %dma_start3A_473 = arith.constant 0 : i32
      %dma_start3A_474 = tpu.memref_slice %arg6[%add3A_465, %dma_start3A_468, %dma_start3A_473] : memref<79x2x128xi32, #tpu.memory_space<vmem>> -> memref<1x1x128xi32, #tpu.memory_space<vmem>>
      %dma_start3A_475 = tpu.memref_squeeze %dma_start3A_474 : memref<1x1x128xi32, #tpu.memory_space<vmem>> -> memref<128xi32, #tpu.memory_space<vmem>>
      %dma_start3A_476 = arith.constant 0 : i32
      %dma_start3A_477 = arith.constant 0 : i32
      %dma_start3A_478 = tpu.memref_slice %arg2[%dma_start3A_476, %dma_start3A_477] : memref<10240x16xf32, #tpu.memory_space<hbm>> -> memref<10240x16xf32, #tpu.memory_space<hbm>>
      tpu.enqueue_indirect_dma source(%dma_start3A_478 : memref<10240x16xf32, #tpu.memory_space<hbm>>) target(%dma_start3A_472 : memref<128x16xf32, #tpu.memory_space<vmem>>) offsets(%dma_start3A_475 : memref<128xi32, #tpu.memory_space<vmem>>) semaphore(%arg8 : memref<!tpu.dma_semaphore, #tpu.memory_space<semaphore_mem>>)
      %add3A_479 = arith.constant 5 : i32
      %add3A_480 = arith.addi %mul3A_386, %add3A_479 : i32
      %add3A_481 = arith.constant 5 : i32
      %add3A_482 = arith.addi %mul3A_400, %add3A_481 : i32
      %dma_start3A_483 = arith.constant 0 : i32
      %dma_start3A_484 = arith.constant 0 : i32
      %dma_start3A_485 = arith.constant 0 : i32
      %dma_start3A_486 = tpu.memref_slice %arg7[%add3A_482, %dma_start3A_484, %dma_start3A_485] : memref<26x128x16xf32, #tpu.memory_space<vmem>> -> memref<1x128x16xf32, #tpu.memory_space<vmem>>
      %dma_start3A_487 = tpu.memref_squeeze %dma_start3A_486 : memref<1x128x16xf32, #tpu.memory_space<vmem>> -> memref<128x16xf32, #tpu.memory_space<vmem>>
      %dma_start3A_488 = arith.constant 0 : i32
      %dma_start3A_489 = tpu.memref_slice %arg6[%add3A_480, %dma_start3A_483, %dma_start3A_488] : memref<79x2x128xi32, #tpu.memory_space<vmem>> -> memref<1x1x128xi32, #tpu.memory_space<vmem>>
      %dma_start3A_490 = tpu.memref_squeeze %dma_start3A_489 : memref<1x1x128xi32, #tpu.memory_space<vmem>> -> memref<128xi32, #tpu.memory_space<vmem>>
      %dma_start3A_491 = arith.constant 0 : i32
      %dma_start3A_492 = arith.constant 0 : i32
      %dma_start3A_493 = tpu.memref_slice %arg2[%dma_start3A_491, %dma_start3A_492] : memref<10240x16xf32, #tpu.memory_space<hbm>> -> memref<10240x16xf32, #tpu.memory_space<hbm>>
      tpu.enqueue_indirect_dma source(%dma_start3A_493 : memref<10240x16xf32, #tpu.memory_space<hbm>>) target(%dma_start3A_487 : memref<128x16xf32, #tpu.memory_space<vmem>>) offsets(%dma_start3A_490 : memref<128xi32, #tpu.memory_space<vmem>>) semaphore(%arg8 : memref<!tpu.dma_semaphore, #tpu.memory_space<semaphore_mem>>)
      %add3A_494 = arith.constant 6 : i32
      %add3A_495 = arith.addi %mul3A_386, %add3A_494 : i32
      %add3A_496 = arith.constant 6 : i32
      %add3A_497 = arith.addi %mul3A_400, %add3A_496 : i32
      %dma_start3A_498 = arith.constant 0 : i32
      %dma_start3A_499 = arith.constant 0 : i32
      %dma_start3A_500 = arith.constant 0 : i32
      %dma_start3A_501 = tpu.memref_slice %arg7[%add3A_497, %dma_start3A_499, %dma_start3A_500] : memref<26x128x16xf32, #tpu.memory_space<vmem>> -> memref<1x128x16xf32, #tpu.memory_space<vmem>>
      %dma_start3A_502 = tpu.memref_squeeze %dma_start3A_501 : memref<1x128x16xf32, #tpu.memory_space<vmem>> -> memref<128x16xf32, #tpu.memory_space<vmem>>
      %dma_start3A_503 = arith.constant 0 : i32
      %dma_start3A_504 = tpu.memref_slice %arg6[%add3A_495, %dma_start3A_498, %dma_start3A_503] : memref<79x2x128xi32, #tpu.memory_space<vmem>> -> memref<1x1x128xi32, #tpu.memory_space<vmem>>
      %dma_start3A_505 = tpu.memref_squeeze %dma_start3A_504 : memref<1x1x128xi32, #tpu.memory_space<vmem>> -> memref<128xi32, #tpu.memory_space<vmem>>
      %dma_start3A_506 = arith.constant 0 : i32
      %dma_start3A_507 = arith.constant 0 : i32
      %dma_start3A_508 = tpu.memref_slice %arg2[%dma_start3A_506, %dma_start3A_507] : memref<10240x16xf32, #tpu.memory_space<hbm>> -> memref<10240x16xf32, #tpu.memory_space<hbm>>
      tpu.enqueue_indirect_dma source(%dma_start3A_508 : memref<10240x16xf32, #tpu.memory_space<hbm>>) target(%dma_start3A_502 : memref<128x16xf32, #tpu.memory_space<vmem>>) offsets(%dma_start3A_505 : memref<128xi32, #tpu.memory_space<vmem>>) semaphore(%arg8 : memref<!tpu.dma_semaphore, #tpu.memory_space<semaphore_mem>>)
      %add3A_509 = arith.constant 7 : i32
      %add3A_510 = arith.addi %mul3A_386, %add3A_509 : i32
      %add3A_511 = arith.constant 7 : i32
      %add3A_512 = arith.addi %mul3A_400, %add3A_511 : i32
      %dma_start3A_513 = arith.constant 0 : i32
      %dma_start3A_514 = arith.constant 0 : i32
      %dma_start3A_515 = arith.constant 0 : i32
      %dma_start3A_516 = tpu.memref_slice %arg7[%add3A_512, %dma_start3A_514, %dma_start3A_515] : memref<26x128x16xf32, #tpu.memory_space<vmem>> -> memref<1x128x16xf32, #tpu.memory_space<vmem>>
      %dma_start3A_517 = tpu.memref_squeeze %dma_start3A_516 : memref<1x128x16xf32, #tpu.memory_space<vmem>> -> memref<128x16xf32, #tpu.memory_space<vmem>>
      %dma_start3A_518 = arith.constant 0 : i32
      %dma_start3A_519 = tpu.memref_slice %arg6[%add3A_510, %dma_start3A_513, %dma_start3A_518] : memref<79x2x128xi32, #tpu.memory_space<vmem>> -> memref<1x1x128xi32, #tpu.memory_space<vmem>>
      %dma_start3A_520 = tpu.memref_squeeze %dma_start3A_519 : memref<1x1x128xi32, #tpu.memory_space<vmem>> -> memref<128xi32, #tpu.memory_space<vmem>>
      %dma_start3A_521 = arith.constant 0 : i32
      %dma_start3A_522 = arith.constant 0 : i32
      %dma_start3A_523 = tpu.memref_slice %arg2[%dma_start3A_521, %dma_start3A_522] : memref<10240x16xf32, #tpu.memory_space<hbm>> -> memref<10240x16xf32, #tpu.memory_space<hbm>>
      tpu.enqueue_indirect_dma source(%dma_start3A_523 : memref<10240x16xf32, #tpu.memory_space<hbm>>) target(%dma_start3A_517 : memref<128x16xf32, #tpu.memory_space<vmem>>) offsets(%dma_start3A_520 : memref<128xi32, #tpu.memory_space<vmem>>) semaphore(%arg8 : memref<!tpu.dma_semaphore, #tpu.memory_space<semaphore_mem>>)
      %add3A_524 = arith.constant 8 : i32
      %add3A_525 = arith.addi %mul3A_386, %add3A_524 : i32
      %add3A_526 = arith.constant 8 : i32
      %add3A_527 = arith.addi %mul3A_400, %add3A_526 : i32
      %dma_start3A_528 = arith.constant 0 : i32
      %dma_start3A_529 = arith.constant 0 : i32
      %dma_start3A_530 = arith.constant 0 : i32
      %dma_start3A_531 = tpu.memref_slice %arg7[%add3A_527, %dma_start3A_529, %dma_start3A_530] : memref<26x128x16xf32, #tpu.memory_space<vmem>> -> memref<1x128x16xf32, #tpu.memory_space<vmem>>
      %dma_start3A_532 = tpu.memref_squeeze %dma_start3A_531 : memref<1x128x16xf32, #tpu.memory_space<vmem>> -> memref<128x16xf32, #tpu.memory_space<vmem>>
      %dma_start3A_533 = arith.constant 0 : i32
      %dma_start3A_534 = tpu.memref_slice %arg6[%add3A_525, %dma_start3A_528, %dma_start3A_533] : memref<79x2x128xi32, #tpu.memory_space<vmem>> -> memref<1x1x128xi32, #tpu.memory_space<vmem>>
      %dma_start3A_535 = tpu.memref_squeeze %dma_start3A_534 : memref<1x1x128xi32, #tpu.memory_space<vmem>> -> memref<128xi32, #tpu.memory_space<vmem>>
      %dma_start3A_536 = arith.constant 0 : i32
      %dma_start3A_537 = arith.constant 0 : i32
      %dma_start3A_538 = tpu.memref_slice %arg2[%dma_start3A_536, %dma_start3A_537] : memref<10240x16xf32, #tpu.memory_space<hbm>> -> memref<10240x16xf32, #tpu.memory_space<hbm>>
      tpu.enqueue_indirect_dma source(%dma_start3A_538 : memref<10240x16xf32, #tpu.memory_space<hbm>>) target(%dma_start3A_532 : memref<128x16xf32, #tpu.memory_space<vmem>>) offsets(%dma_start3A_535 : memref<128xi32, #tpu.memory_space<vmem>>) semaphore(%arg8 : memref<!tpu.dma_semaphore, #tpu.memory_space<semaphore_mem>>)
      %add3A_539 = arith.constant 9 : i32
      %add3A_540 = arith.addi %mul3A_386, %add3A_539 : i32
      %add3A_541 = arith.constant 9 : i32
      %add3A_542 = arith.addi %mul3A_400, %add3A_541 : i32
      %dma_start3A_543 = arith.constant 0 : i32
      %dma_start3A_544 = arith.constant 0 : i32
      %dma_start3A_545 = arith.constant 0 : i32
      %dma_start3A_546 = tpu.memref_slice %arg7[%add3A_542, %dma_start3A_544, %dma_start3A_545] : memref<26x128x16xf32, #tpu.memory_space<vmem>> -> memref<1x128x16xf32, #tpu.memory_space<vmem>>
      %dma_start3A_547 = tpu.memref_squeeze %dma_start3A_546 : memref<1x128x16xf32, #tpu.memory_space<vmem>> -> memref<128x16xf32, #tpu.memory_space<vmem>>
      %dma_start3A_548 = arith.constant 0 : i32
      %dma_start3A_549 = tpu.memref_slice %arg6[%add3A_540, %dma_start3A_543, %dma_start3A_548] : memref<79x2x128xi32, #tpu.memory_space<vmem>> -> memref<1x1x128xi32, #tpu.memory_space<vmem>>
      %dma_start3A_550 = tpu.memref_squeeze %dma_start3A_549 : memref<1x1x128xi32, #tpu.memory_space<vmem>> -> memref<128xi32, #tpu.memory_space<vmem>>
      %dma_start3A_551 = arith.constant 0 : i32
      %dma_start3A_552 = arith.constant 0 : i32
      %dma_start3A_553 = tpu.memref_slice %arg2[%dma_start3A_551, %dma_start3A_552] : memref<10240x16xf32, #tpu.memory_space<hbm>> -> memref<10240x16xf32, #tpu.memory_space<hbm>>
      tpu.enqueue_indirect_dma source(%dma_start3A_553 : memref<10240x16xf32, #tpu.memory_space<hbm>>) target(%dma_start3A_547 : memref<128x16xf32, #tpu.memory_space<vmem>>) offsets(%dma_start3A_550 : memref<128xi32, #tpu.memory_space<vmem>>) semaphore(%arg8 : memref<!tpu.dma_semaphore, #tpu.memory_space<semaphore_mem>>)
      %add3A_554 = arith.constant 10 : i32
      %add3A_555 = arith.addi %mul3A_386, %add3A_554 : i32
      %add3A_556 = arith.constant 10 : i32
      %add3A_557 = arith.addi %mul3A_400, %add3A_556 : i32
      %dma_start3A_558 = arith.constant 0 : i32
      %dma_start3A_559 = arith.constant 0 : i32
      %dma_start3A_560 = arith.constant 0 : i32
      %dma_start3A_561 = tpu.memref_slice %arg7[%add3A_557, %dma_start3A_559, %dma_start3A_560] : memref<26x128x16xf32, #tpu.memory_space<vmem>> -> memref<1x128x16xf32, #tpu.memory_space<vmem>>
      %dma_start3A_562 = tpu.memref_squeeze %dma_start3A_561 : memref<1x128x16xf32, #tpu.memory_space<vmem>> -> memref<128x16xf32, #tpu.memory_space<vmem>>
      %dma_start3A_563 = arith.constant 0 : i32
      %dma_start3A_564 = tpu.memref_slice %arg6[%add3A_555, %dma_start3A_558, %dma_start3A_563] : memref<79x2x128xi32, #tpu.memory_space<vmem>> -> memref<1x1x128xi32, #tpu.memory_space<vmem>>
      %dma_start3A_565 = tpu.memref_squeeze %dma_start3A_564 : memref<1x1x128xi32, #tpu.memory_space<vmem>> -> memref<128xi32, #tpu.memory_space<vmem>>
      %dma_start3A_566 = arith.constant 0 : i32
      %dma_start3A_567 = arith.constant 0 : i32
      %dma_start3A_568 = tpu.memref_slice %arg2[%dma_start3A_566, %dma_start3A_567] : memref<10240x16xf32, #tpu.memory_space<hbm>> -> memref<10240x16xf32, #tpu.memory_space<hbm>>
      tpu.enqueue_indirect_dma source(%dma_start3A_568 : memref<10240x16xf32, #tpu.memory_space<hbm>>) target(%dma_start3A_562 : memref<128x16xf32, #tpu.memory_space<vmem>>) offsets(%dma_start3A_565 : memref<128xi32, #tpu.memory_space<vmem>>) semaphore(%arg8 : memref<!tpu.dma_semaphore, #tpu.memory_space<semaphore_mem>>)
      %add3A_569 = arith.constant 11 : i32
      %add3A_570 = arith.addi %mul3A_386, %add3A_569 : i32
      %add3A_571 = arith.constant 11 : i32
      %add3A_572 = arith.addi %mul3A_400, %add3A_571 : i32
      %dma_start3A_573 = arith.constant 0 : i32
      %dma_start3A_574 = arith.constant 0 : i32
      %dma_start3A_575 = arith.constant 0 : i32
      %dma_start3A_576 = tpu.memref_slice %arg7[%add3A_572, %dma_start3A_574, %dma_start3A_575] : memref<26x128x16xf32, #tpu.memory_space<vmem>> -> memref<1x128x16xf32, #tpu.memory_space<vmem>>
      %dma_start3A_577 = tpu.memref_squeeze %dma_start3A_576 : memref<1x128x16xf32, #tpu.memory_space<vmem>> -> memref<128x16xf32, #tpu.memory_space<vmem>>
      %dma_start3A_578 = arith.constant 0 : i32
      %dma_start3A_579 = tpu.memref_slice %arg6[%add3A_570, %dma_start3A_573, %dma_start3A_578] : memref<79x2x128xi32, #tpu.memory_space<vmem>> -> memref<1x1x128xi32, #tpu.memory_space<vmem>>
      %dma_start3A_580 = tpu.memref_squeeze %dma_start3A_579 : memref<1x1x128xi32, #tpu.memory_space<vmem>> -> memref<128xi32, #tpu.memory_space<vmem>>
      %dma_start3A_581 = arith.constant 0 : i32
      %dma_start3A_582 = arith.constant 0 : i32
      %dma_start3A_583 = tpu.memref_slice %arg2[%dma_start3A_581, %dma_start3A_582] : memref<10240x16xf32, #tpu.memory_space<hbm>> -> memref<10240x16xf32, #tpu.memory_space<hbm>>
      tpu.enqueue_indirect_dma source(%dma_start3A_583 : memref<10240x16xf32, #tpu.memory_space<hbm>>) target(%dma_start3A_577 : memref<128x16xf32, #tpu.memory_space<vmem>>) offsets(%dma_start3A_580 : memref<128xi32, #tpu.memory_space<vmem>>) semaphore(%arg8 : memref<!tpu.dma_semaphore, #tpu.memory_space<semaphore_mem>>)
      %add3A_584 = arith.constant 12 : i32
      %add3A_585 = arith.addi %mul3A_386, %add3A_584 : i32
      %add3A_586 = arith.constant 12 : i32
      %add3A_587 = arith.addi %mul3A_400, %add3A_586 : i32
      %dma_start3A_588 = arith.constant 0 : i32
      %dma_start3A_589 = arith.constant 0 : i32
      %dma_start3A_590 = arith.constant 0 : i32
      %dma_start3A_591 = tpu.memref_slice %arg7[%add3A_587, %dma_start3A_589, %dma_start3A_590] : memref<26x128x16xf32, #tpu.memory_space<vmem>> -> memref<1x128x16xf32, #tpu.memory_space<vmem>>
      %dma_start3A_592 = tpu.memref_squeeze %dma_start3A_591 : memref<1x128x16xf32, #tpu.memory_space<vmem>> -> memref<128x16xf32, #tpu.memory_space<vmem>>
      %dma_start3A_593 = arith.constant 0 : i32
      %dma_start3A_594 = tpu.memref_slice %arg6[%add3A_585, %dma_start3A_588, %dma_start3A_593] : memref<79x2x128xi32, #tpu.memory_space<vmem>> -> memref<1x1x128xi32, #tpu.memory_space<vmem>>
      %dma_start3A_595 = tpu.memref_squeeze %dma_start3A_594 : memref<1x1x128xi32, #tpu.memory_space<vmem>> -> memref<128xi32, #tpu.memory_space<vmem>>
      %dma_start3A_596 = arith.constant 0 : i32
      %dma_start3A_597 = arith.constant 0 : i32
      %dma_start3A_598 = tpu.memref_slice %arg2[%dma_start3A_596, %dma_start3A_597] : memref<10240x16xf32, #tpu.memory_space<hbm>> -> memref<10240x16xf32, #tpu.memory_space<hbm>>
      tpu.enqueue_indirect_dma source(%dma_start3A_598 : memref<10240x16xf32, #tpu.memory_space<hbm>>) target(%dma_start3A_592 : memref<128x16xf32, #tpu.memory_space<vmem>>) offsets(%dma_start3A_595 : memref<128xi32, #tpu.memory_space<vmem>>) semaphore(%arg8 : memref<!tpu.dma_semaphore, #tpu.memory_space<semaphore_mem>>)
      %dma_wait3A_599 = arith.constant 0 : i32
      %dma_wait3A_600 = arith.constant 0 : i32
      %dma_wait3A_601 = arith.constant 0 : i32
      %dma_wait3A_602 = tpu.memref_slice %arg7[%add3A_408, %dma_wait3A_600, %dma_wait3A_601] : memref<26x128x16xf32, #tpu.memory_space<vmem>> -> memref<1x128x16xf32, #tpu.memory_space<vmem>>
      %dma_wait3A_603 = tpu.memref_squeeze %dma_wait3A_602 : memref<1x128x16xf32, #tpu.memory_space<vmem>> -> memref<128x16xf32, #tpu.memory_space<vmem>>
      %dma_wait3A_604 = arith.constant 0 : i32
      %dma_wait3A_605 = tpu.memref_slice %arg6[%add3A_406, %dma_wait3A_599, %dma_wait3A_604] : memref<79x2x128xi32, #tpu.memory_space<vmem>> -> memref<1x1x128xi32, #tpu.memory_space<vmem>>
      %dma_wait3A_606 = tpu.memref_squeeze %dma_wait3A_605 : memref<1x1x128xi32, #tpu.memory_space<vmem>> -> memref<128xi32, #tpu.memory_space<vmem>>
      %dma_wait3A_607 = arith.constant 0 : i32
      %dma_wait3A_608 = arith.constant 0 : i32
      %dma_wait3A_609 = tpu.memref_slice %arg2[%dma_wait3A_607, %dma_wait3A_608] : memref<10240x16xf32, #tpu.memory_space<hbm>> -> memref<10240x16xf32, #tpu.memory_space<hbm>>
      tpu.wait_indirect_dma semaphore(%arg8 : memref<!tpu.dma_semaphore, #tpu.memory_space<semaphore_mem>>) src(%dma_wait3A_609 : memref<10240x16xf32, #tpu.memory_space<hbm>>) dst(%dma_wait3A_603 : memref<128x16xf32, #tpu.memory_space<vmem>>)
      %add3A_610 = arith.constant 0 : i32
      %add3A_611 = arith.addi %mul3A_400, %add3A_610 : i32
      %add3A_612 = arith.constant 0 : i32
      %add3A_613 = arith.addi %mul3A_386, %add3A_612 : i32
      %dma_start3A_614 = arith.constant 1 : i32
      %dma_start3A_615 = arith.constant 0 : i32
      %dma_start3A_616 = arith.constant 0 : i32
      %dma_start3A_617 = tpu.memref_slice %arg7[%add3A_611, %dma_start3A_615, %dma_start3A_616] : memref<26x128x16xf32, #tpu.memory_space<vmem>> -> memref<1x128x16xf32, #tpu.memory_space<vmem>>
      %dma_start3A_618 = tpu.memref_squeeze %dma_start3A_617 : memref<1x128x16xf32, #tpu.memory_space<vmem>> -> memref<128x16xf32, #tpu.memory_space<vmem>>
      %dma_start3A_619 = arith.constant 0 : i32
      %dma_start3A_620 = tpu.memref_slice %arg6[%add3A_613, %dma_start3A_614, %dma_start3A_619] : memref<79x2x128xi32, #tpu.memory_space<vmem>> -> memref<1x1x128xi32, #tpu.memory_space<vmem>>
      %dma_start3A_621 = tpu.memref_squeeze %dma_start3A_620 : memref<1x1x128xi32, #tpu.memory_space<vmem>> -> memref<128xi32, #tpu.memory_space<vmem>>
      %dma_start3A_622 = arith.constant 0 : i32
      %dma_start3A_623 = arith.constant 0 : i32
      %dma_start3A_624 = tpu.memref_slice %arg5[%dma_start3A_622, %dma_start3A_623] : memref<10240x16xf32, #tpu.memory_space<vmem_shared>> -> memref<10240x16xf32, #tpu.memory_space<vmem_shared>>
      tpu.enqueue_indirect_dma source(%dma_start3A_618 : memref<128x16xf32, #tpu.memory_space<vmem>>) target(%dma_start3A_624 : memref<10240x16xf32, #tpu.memory_space<vmem_shared>>) offsets(%dma_start3A_621 : memref<128xi32, #tpu.memory_space<vmem>>) semaphore(%arg9 : memref<!tpu.dma_semaphore, #tpu.memory_space<semaphore_mem>>) {add = true}
      %dma_wait3A_625 = arith.constant 0 : i32
      %dma_wait3A_626 = arith.constant 0 : i32
      %dma_wait3A_627 = arith.constant 0 : i32
      %dma_wait3A_628 = tpu.memref_slice %arg7[%add3A_422, %dma_wait3A_626, %dma_wait3A_627] : memref<26x128x16xf32, #tpu.memory_space<vmem>> -> memref<1x128x16xf32, #tpu.memory_space<vmem>>
      %dma_wait3A_629 = tpu.memref_squeeze %dma_wait3A_628 : memref<1x128x16xf32, #tpu.memory_space<vmem>> -> memref<128x16xf32, #tpu.memory_space<vmem>>
      %dma_wait3A_630 = arith.constant 0 : i32
      %dma_wait3A_631 = tpu.memref_slice %arg6[%add3A_420, %dma_wait3A_625, %dma_wait3A_630] : memref<79x2x128xi32, #tpu.memory_space<vmem>> -> memref<1x1x128xi32, #tpu.memory_space<vmem>>
      %dma_wait3A_632 = tpu.memref_squeeze %dma_wait3A_631 : memref<1x1x128xi32, #tpu.memory_space<vmem>> -> memref<128xi32, #tpu.memory_space<vmem>>
      %dma_wait3A_633 = arith.constant 0 : i32
      %dma_wait3A_634 = arith.constant 0 : i32
      %dma_wait3A_635 = tpu.memref_slice %arg2[%dma_wait3A_633, %dma_wait3A_634] : memref<10240x16xf32, #tpu.memory_space<hbm>> -> memref<10240x16xf32, #tpu.memory_space<hbm>>
      tpu.wait_indirect_dma semaphore(%arg8 : memref<!tpu.dma_semaphore, #tpu.memory_space<semaphore_mem>>) src(%dma_wait3A_635 : memref<10240x16xf32, #tpu.memory_space<hbm>>) dst(%dma_wait3A_629 : memref<128x16xf32, #tpu.memory_space<vmem>>)
      %add3A_636 = arith.constant 1 : i32
      %add3A_637 = arith.addi %mul3A_400, %add3A_636 : i32
      %add3A_638 = arith.constant 1 : i32
      %add3A_639 = arith.addi %mul3A_386, %add3A_638 : i32
      %dma_start3A_640 = arith.constant 1 : i32
      %dma_start3A_641 = arith.constant 0 : i32
      %dma_start3A_642 = arith.constant 0 : i32
      %dma_start3A_643 = tpu.memref_slice %arg7[%add3A_637, %dma_start3A_641, %dma_start3A_642] : memref<26x128x16xf32, #tpu.memory_space<vmem>> -> memref<1x128x16xf32, #tpu.memory_space<vmem>>
      %dma_start3A_644 = tpu.memref_squeeze %dma_start3A_643 : memref<1x128x16xf32, #tpu.memory_space<vmem>> -> memref<128x16xf32, #tpu.memory_space<vmem>>
      %dma_start3A_645 = arith.constant 0 : i32
      %dma_start3A_646 = tpu.memref_slice %arg6[%add3A_639, %dma_start3A_640, %dma_start3A_645] : memref<79x2x128xi32, #tpu.memory_space<vmem>> -> memref<1x1x128xi32, #tpu.memory_space<vmem>>
      %dma_start3A_647 = tpu.memref_squeeze %dma_start3A_646 : memref<1x1x128xi32, #tpu.memory_space<vmem>> -> memref<128xi32, #tpu.memory_space<vmem>>
      %dma_start3A_648 = arith.constant 0 : i32
      %dma_start3A_649 = arith.constant 0 : i32
      %dma_start3A_650 = tpu.memref_slice %arg5[%dma_start3A_648, %dma_start3A_649] : memref<10240x16xf32, #tpu.memory_space<vmem_shared>> -> memref<10240x16xf32, #tpu.memory_space<vmem_shared>>
      tpu.enqueue_indirect_dma source(%dma_start3A_644 : memref<128x16xf32, #tpu.memory_space<vmem>>) target(%dma_start3A_650 : memref<10240x16xf32, #tpu.memory_space<vmem_shared>>) offsets(%dma_start3A_647 : memref<128xi32, #tpu.memory_space<vmem>>) semaphore(%arg9 : memref<!tpu.dma_semaphore, #tpu.memory_space<semaphore_mem>>) {add = true}
      %dma_wait3A_651 = arith.constant 0 : i32
      %dma_wait3A_652 = arith.constant 0 : i32
      %dma_wait3A_653 = arith.constant 0 : i32
      %dma_wait3A_654 = tpu.memref_slice %arg7[%add3A_437, %dma_wait3A_652, %dma_wait3A_653] : memref<26x128x16xf32, #tpu.memory_space<vmem>> -> memref<1x128x16xf32, #tpu.memory_space<vmem>>
      %dma_wait3A_655 = tpu.memref_squeeze %dma_wait3A_654 : memref<1x128x16xf32, #tpu.memory_space<vmem>> -> memref<128x16xf32, #tpu.memory_space<vmem>>
      %dma_wait3A_656 = arith.constant 0 : i32
      %dma_wait3A_657 = tpu.memref_slice %arg6[%add3A_435, %dma_wait3A_651, %dma_wait3A_656] : memref<79x2x128xi32, #tpu.memory_space<vmem>> -> memref<1x1x128xi32, #tpu.memory_space<vmem>>
      %dma_wait3A_658 = tpu.memref_squeeze %dma_wait3A_657 : memref<1x1x128xi32, #tpu.memory_space<vmem>> -> memref<128xi32, #tpu.memory_space<vmem>>
      %dma_wait3A_659 = arith.constant 0 : i32
      %dma_wait3A_660 = arith.constant 0 : i32
      %dma_wait3A_661 = tpu.memref_slice %arg2[%dma_wait3A_659, %dma_wait3A_660] : memref<10240x16xf32, #tpu.memory_space<hbm>> -> memref<10240x16xf32, #tpu.memory_space<hbm>>
      tpu.wait_indirect_dma semaphore(%arg8 : memref<!tpu.dma_semaphore, #tpu.memory_space<semaphore_mem>>) src(%dma_wait3A_661 : memref<10240x16xf32, #tpu.memory_space<hbm>>) dst(%dma_wait3A_655 : memref<128x16xf32, #tpu.memory_space<vmem>>)
      %add3A_662 = arith.constant 2 : i32
      %add3A_663 = arith.addi %mul3A_400, %add3A_662 : i32
      %add3A_664 = arith.constant 2 : i32
      %add3A_665 = arith.addi %mul3A_386, %add3A_664 : i32
      %dma_start3A_666 = arith.constant 1 : i32
      %dma_start3A_667 = arith.constant 0 : i32
      %dma_start3A_668 = arith.constant 0 : i32
      %dma_start3A_669 = tpu.memref_slice %arg7[%add3A_663, %dma_start3A_667, %dma_start3A_668] : memref<26x128x16xf32, #tpu.memory_space<vmem>> -> memref<1x128x16xf32, #tpu.memory_space<vmem>>
      %dma_start3A_670 = tpu.memref_squeeze %dma_start3A_669 : memref<1x128x16xf32, #tpu.memory_space<vmem>> -> memref<128x16xf32, #tpu.memory_space<vmem>>
      %dma_start3A_671 = arith.constant 0 : i32
      %dma_start3A_672 = tpu.memref_slice %arg6[%add3A_665, %dma_start3A_666, %dma_start3A_671] : memref<79x2x128xi32, #tpu.memory_space<vmem>> -> memref<1x1x128xi32, #tpu.memory_space<vmem>>
      %dma_start3A_673 = tpu.memref_squeeze %dma_start3A_672 : memref<1x1x128xi32, #tpu.memory_space<vmem>> -> memref<128xi32, #tpu.memory_space<vmem>>
      %dma_start3A_674 = arith.constant 0 : i32
      %dma_start3A_675 = arith.constant 0 : i32
      %dma_start3A_676 = tpu.memref_slice %arg5[%dma_start3A_674, %dma_start3A_675] : memref<10240x16xf32, #tpu.memory_space<vmem_shared>> -> memref<10240x16xf32, #tpu.memory_space<vmem_shared>>
      tpu.enqueue_indirect_dma source(%dma_start3A_670 : memref<128x16xf32, #tpu.memory_space<vmem>>) target(%dma_start3A_676 : memref<10240x16xf32, #tpu.memory_space<vmem_shared>>) offsets(%dma_start3A_673 : memref<128xi32, #tpu.memory_space<vmem>>) semaphore(%arg9 : memref<!tpu.dma_semaphore, #tpu.memory_space<semaphore_mem>>) {add = true}
      %dma_wait3A_677 = arith.constant 0 : i32
      %dma_wait3A_678 = arith.constant 0 : i32
      %dma_wait3A_679 = arith.constant 0 : i32
      %dma_wait3A_680 = tpu.memref_slice %arg7[%add3A_452, %dma_wait3A_678, %dma_wait3A_679] : memref<26x128x16xf32, #tpu.memory_space<vmem>> -> memref<1x128x16xf32, #tpu.memory_space<vmem>>
      %dma_wait3A_681 = tpu.memref_squeeze %dma_wait3A_680 : memref<1x128x16xf32, #tpu.memory_space<vmem>> -> memref<128x16xf32, #tpu.memory_space<vmem>>
      %dma_wait3A_682 = arith.constant 0 : i32
      %dma_wait3A_683 = tpu.memref_slice %arg6[%add3A_450, %dma_wait3A_677, %dma_wait3A_682] : memref<79x2x128xi32, #tpu.memory_space<vmem>> -> memref<1x1x128xi32, #tpu.memory_space<vmem>>
      %dma_wait3A_684 = tpu.memref_squeeze %dma_wait3A_683 : memref<1x1x128xi32, #tpu.memory_space<vmem>> -> memref<128xi32, #tpu.memory_space<vmem>>
      %dma_wait3A_685 = arith.constant 0 : i32
      %dma_wait3A_686 = arith.constant 0 : i32
      %dma_wait3A_687 = tpu.memref_slice %arg2[%dma_wait3A_685, %dma_wait3A_686] : memref<10240x16xf32, #tpu.memory_space<hbm>> -> memref<10240x16xf32, #tpu.memory_space<hbm>>
      tpu.wait_indirect_dma semaphore(%arg8 : memref<!tpu.dma_semaphore, #tpu.memory_space<semaphore_mem>>) src(%dma_wait3A_687 : memref<10240x16xf32, #tpu.memory_space<hbm>>) dst(%dma_wait3A_681 : memref<128x16xf32, #tpu.memory_space<vmem>>)
      %add3A_688 = arith.constant 3 : i32
      %add3A_689 = arith.addi %mul3A_400, %add3A_688 : i32
      %add3A_690 = arith.constant 3 : i32
      %add3A_691 = arith.addi %mul3A_386, %add3A_690 : i32
      %dma_start3A_692 = arith.constant 1 : i32
      %dma_start3A_693 = arith.constant 0 : i32
      %dma_start3A_694 = arith.constant 0 : i32
      %dma_start3A_695 = tpu.memref_slice %arg7[%add3A_689, %dma_start3A_693, %dma_start3A_694] : memref<26x128x16xf32, #tpu.memory_space<vmem>> -> memref<1x128x16xf32, #tpu.memory_space<vmem>>
      %dma_start3A_696 = tpu.memref_squeeze %dma_start3A_695 : memref<1x128x16xf32, #tpu.memory_space<vmem>> -> memref<128x16xf32, #tpu.memory_space<vmem>>
      %dma_start3A_697 = arith.constant 0 : i32
      %dma_start3A_698 = tpu.memref_slice %arg6[%add3A_691, %dma_start3A_692, %dma_start3A_697] : memref<79x2x128xi32, #tpu.memory_space<vmem>> -> memref<1x1x128xi32, #tpu.memory_space<vmem>>
      %dma_start3A_699 = tpu.memref_squeeze %dma_start3A_698 : memref<1x1x128xi32, #tpu.memory_space<vmem>> -> memref<128xi32, #tpu.memory_space<vmem>>
      %dma_start3A_700 = arith.constant 0 : i32
      %dma_start3A_701 = arith.constant 0 : i32
      %dma_start3A_702 = tpu.memref_slice %arg5[%dma_start3A_700, %dma_start3A_701] : memref<10240x16xf32, #tpu.memory_space<vmem_shared>> -> memref<10240x16xf32, #tpu.memory_space<vmem_shared>>
      tpu.enqueue_indirect_dma source(%dma_start3A_696 : memref<128x16xf32, #tpu.memory_space<vmem>>) target(%dma_start3A_702 : memref<10240x16xf32, #tpu.memory_space<vmem_shared>>) offsets(%dma_start3A_699 : memref<128xi32, #tpu.memory_space<vmem>>) semaphore(%arg9 : memref<!tpu.dma_semaphore, #tpu.memory_space<semaphore_mem>>) {add = true}
      %dma_wait3A_703 = arith.constant 0 : i32
      %dma_wait3A_704 = arith.constant 0 : i32
      %dma_wait3A_705 = arith.constant 0 : i32
      %dma_wait3A_706 = tpu.memref_slice %arg7[%add3A_467, %dma_wait3A_704, %dma_wait3A_705] : memref<26x128x16xf32, #tpu.memory_space<vmem>> -> memref<1x128x16xf32, #tpu.memory_space<vmem>>
      %dma_wait3A_707 = tpu.memref_squeeze %dma_wait3A_706 : memref<1x128x16xf32, #tpu.memory_space<vmem>> -> memref<128x16xf32, #tpu.memory_space<vmem>>
      %dma_wait3A_708 = arith.constant 0 : i32
      %dma_wait3A_709 = tpu.memref_slice %arg6[%add3A_465, %dma_wait3A_703, %dma_wait3A_708] : memref<79x2x128xi32, #tpu.memory_space<vmem>> -> memref<1x1x128xi32, #tpu.memory_space<vmem>>
      %dma_wait3A_710 = tpu.memref_squeeze %dma_wait3A_709 : memref<1x1x128xi32, #tpu.memory_space<vmem>> -> memref<128xi32, #tpu.memory_space<vmem>>
      %dma_wait3A_711 = arith.constant 0 : i32
      %dma_wait3A_712 = arith.constant 0 : i32
      %dma_wait3A_713 = tpu.memref_slice %arg2[%dma_wait3A_711, %dma_wait3A_712] : memref<10240x16xf32, #tpu.memory_space<hbm>> -> memref<10240x16xf32, #tpu.memory_space<hbm>>
      tpu.wait_indirect_dma semaphore(%arg8 : memref<!tpu.dma_semaphore, #tpu.memory_space<semaphore_mem>>) src(%dma_wait3A_713 : memref<10240x16xf32, #tpu.memory_space<hbm>>) dst(%dma_wait3A_707 : memref<128x16xf32, #tpu.memory_space<vmem>>)
      %add3A_714 = arith.constant 4 : i32
      %add3A_715 = arith.addi %mul3A_400, %add3A_714 : i32
      %add3A_716 = arith.constant 4 : i32
      %add3A_717 = arith.addi %mul3A_386, %add3A_716 : i32
      %dma_start3A_718 = arith.constant 1 : i32
      %dma_start3A_719 = arith.constant 0 : i32
      %dma_start3A_720 = arith.constant 0 : i32
      %dma_start3A_721 = tpu.memref_slice %arg7[%add3A_715, %dma_start3A_719, %dma_start3A_720] : memref<26x128x16xf32, #tpu.memory_space<vmem>> -> memref<1x128x16xf32, #tpu.memory_space<vmem>>
      %dma_start3A_722 = tpu.memref_squeeze %dma_start3A_721 : memref<1x128x16xf32, #tpu.memory_space<vmem>> -> memref<128x16xf32, #tpu.memory_space<vmem>>
      %dma_start3A_723 = arith.constant 0 : i32
      %dma_start3A_724 = tpu.memref_slice %arg6[%add3A_717, %dma_start3A_718, %dma_start3A_723] : memref<79x2x128xi32, #tpu.memory_space<vmem>> -> memref<1x1x128xi32, #tpu.memory_space<vmem>>
      %dma_start3A_725 = tpu.memref_squeeze %dma_start3A_724 : memref<1x1x128xi32, #tpu.memory_space<vmem>> -> memref<128xi32, #tpu.memory_space<vmem>>
      %dma_start3A_726 = arith.constant 0 : i32
      %dma_start3A_727 = arith.constant 0 : i32
      %dma_start3A_728 = tpu.memref_slice %arg5[%dma_start3A_726, %dma_start3A_727] : memref<10240x16xf32, #tpu.memory_space<vmem_shared>> -> memref<10240x16xf32, #tpu.memory_space<vmem_shared>>
      tpu.enqueue_indirect_dma source(%dma_start3A_722 : memref<128x16xf32, #tpu.memory_space<vmem>>) target(%dma_start3A_728 : memref<10240x16xf32, #tpu.memory_space<vmem_shared>>) offsets(%dma_start3A_725 : memref<128xi32, #tpu.memory_space<vmem>>) semaphore(%arg9 : memref<!tpu.dma_semaphore, #tpu.memory_space<semaphore_mem>>) {add = true}
      %dma_wait3A_729 = arith.constant 0 : i32
      %dma_wait3A_730 = arith.constant 0 : i32
      %dma_wait3A_731 = arith.constant 0 : i32
      %dma_wait3A_732 = tpu.memref_slice %arg7[%add3A_482, %dma_wait3A_730, %dma_wait3A_731] : memref<26x128x16xf32, #tpu.memory_space<vmem>> -> memref<1x128x16xf32, #tpu.memory_space<vmem>>
      %dma_wait3A_733 = tpu.memref_squeeze %dma_wait3A_732 : memref<1x128x16xf32, #tpu.memory_space<vmem>> -> memref<128x16xf32, #tpu.memory_space<vmem>>
      %dma_wait3A_734 = arith.constant 0 : i32
      %dma_wait3A_735 = tpu.memref_slice %arg6[%add3A_480, %dma_wait3A_729, %dma_wait3A_734] : memref<79x2x128xi32, #tpu.memory_space<vmem>> -> memref<1x1x128xi32, #tpu.memory_space<vmem>>
      %dma_wait3A_736 = tpu.memref_squeeze %dma_wait3A_735 : memref<1x1x128xi32, #tpu.memory_space<vmem>> -> memref<128xi32, #tpu.memory_space<vmem>>
      %dma_wait3A_737 = arith.constant 0 : i32
      %dma_wait3A_738 = arith.constant 0 : i32
      %dma_wait3A_739 = tpu.memref_slice %arg2[%dma_wait3A_737, %dma_wait3A_738] : memref<10240x16xf32, #tpu.memory_space<hbm>> -> memref<10240x16xf32, #tpu.memory_space<hbm>>
      tpu.wait_indirect_dma semaphore(%arg8 : memref<!tpu.dma_semaphore, #tpu.memory_space<semaphore_mem>>) src(%dma_wait3A_739 : memref<10240x16xf32, #tpu.memory_space<hbm>>) dst(%dma_wait3A_733 : memref<128x16xf32, #tpu.memory_space<vmem>>)
      %add3A_740 = arith.constant 5 : i32
      %add3A_741 = arith.addi %mul3A_400, %add3A_740 : i32
      %add3A_742 = arith.constant 5 : i32
      %add3A_743 = arith.addi %mul3A_386, %add3A_742 : i32
      %dma_start3A_744 = arith.constant 1 : i32
      %dma_start3A_745 = arith.constant 0 : i32
      %dma_start3A_746 = arith.constant 0 : i32
      %dma_start3A_747 = tpu.memref_slice %arg7[%add3A_741, %dma_start3A_745, %dma_start3A_746] : memref<26x128x16xf32, #tpu.memory_space<vmem>> -> memref<1x128x16xf32, #tpu.memory_space<vmem>>
      %dma_start3A_748 = tpu.memref_squeeze %dma_start3A_747 : memref<1x128x16xf32, #tpu.memory_space<vmem>> -> memref<128x16xf32, #tpu.memory_space<vmem>>
      %dma_start3A_749 = arith.constant 0 : i32
      %dma_start3A_750 = tpu.memref_slice %arg6[%add3A_743, %dma_start3A_744, %dma_start3A_749] : memref<79x2x128xi32, #tpu.memory_space<vmem>> -> memref<1x1x128xi32, #tpu.memory_space<vmem>>
      %dma_start3A_751 = tpu.memref_squeeze %dma_start3A_750 : memref<1x1x128xi32, #tpu.memory_space<vmem>> -> memref<128xi32, #tpu.memory_space<vmem>>
      %dma_start3A_752 = arith.constant 0 : i32
      %dma_start3A_753 = arith.constant 0 : i32
      %dma_start3A_754 = tpu.memref_slice %arg5[%dma_start3A_752, %dma_start3A_753] : memref<10240x16xf32, #tpu.memory_space<vmem_shared>> -> memref<10240x16xf32, #tpu.memory_space<vmem_shared>>
      tpu.enqueue_indirect_dma source(%dma_start3A_748 : memref<128x16xf32, #tpu.memory_space<vmem>>) target(%dma_start3A_754 : memref<10240x16xf32, #tpu.memory_space<vmem_shared>>) offsets(%dma_start3A_751 : memref<128xi32, #tpu.memory_space<vmem>>) semaphore(%arg9 : memref<!tpu.dma_semaphore, #tpu.memory_space<semaphore_mem>>) {add = true}
      %dma_wait3A_755 = arith.constant 0 : i32
      %dma_wait3A_756 = arith.constant 0 : i32
      %dma_wait3A_757 = arith.constant 0 : i32
      %dma_wait3A_758 = tpu.memref_slice %arg7[%add3A_497, %dma_wait3A_756, %dma_wait3A_757] : memref<26x128x16xf32, #tpu.memory_space<vmem>> -> memref<1x128x16xf32, #tpu.memory_space<vmem>>
      %dma_wait3A_759 = tpu.memref_squeeze %dma_wait3A_758 : memref<1x128x16xf32, #tpu.memory_space<vmem>> -> memref<128x16xf32, #tpu.memory_space<vmem>>
      %dma_wait3A_760 = arith.constant 0 : i32
      %dma_wait3A_761 = tpu.memref_slice %arg6[%add3A_495, %dma_wait3A_755, %dma_wait3A_760] : memref<79x2x128xi32, #tpu.memory_space<vmem>> -> memref<1x1x128xi32, #tpu.memory_space<vmem>>
      %dma_wait3A_762 = tpu.memref_squeeze %dma_wait3A_761 : memref<1x1x128xi32, #tpu.memory_space<vmem>> -> memref<128xi32, #tpu.memory_space<vmem>>
      %dma_wait3A_763 = arith.constant 0 : i32
      %dma_wait3A_764 = arith.constant 0 : i32
      %dma_wait3A_765 = tpu.memref_slice %arg2[%dma_wait3A_763, %dma_wait3A_764] : memref<10240x16xf32, #tpu.memory_space<hbm>> -> memref<10240x16xf32, #tpu.memory_space<hbm>>
      tpu.wait_indirect_dma semaphore(%arg8 : memref<!tpu.dma_semaphore, #tpu.memory_space<semaphore_mem>>) src(%dma_wait3A_765 : memref<10240x16xf32, #tpu.memory_space<hbm>>) dst(%dma_wait3A_759 : memref<128x16xf32, #tpu.memory_space<vmem>>)
      %add3A_766 = arith.constant 6 : i32
      %add3A_767 = arith.addi %mul3A_400, %add3A_766 : i32
      %add3A_768 = arith.constant 6 : i32
      %add3A_769 = arith.addi %mul3A_386, %add3A_768 : i32
      %dma_start3A_770 = arith.constant 1 : i32
      %dma_start3A_771 = arith.constant 0 : i32
      %dma_start3A_772 = arith.constant 0 : i32
      %dma_start3A_773 = tpu.memref_slice %arg7[%add3A_767, %dma_start3A_771, %dma_start3A_772] : memref<26x128x16xf32, #tpu.memory_space<vmem>> -> memref<1x128x16xf32, #tpu.memory_space<vmem>>
      %dma_start3A_774 = tpu.memref_squeeze %dma_start3A_773 : memref<1x128x16xf32, #tpu.memory_space<vmem>> -> memref<128x16xf32, #tpu.memory_space<vmem>>
      %dma_start3A_775 = arith.constant 0 : i32
      %dma_start3A_776 = tpu.memref_slice %arg6[%add3A_769, %dma_start3A_770, %dma_start3A_775] : memref<79x2x128xi32, #tpu.memory_space<vmem>> -> memref<1x1x128xi32, #tpu.memory_space<vmem>>
      %dma_start3A_777 = tpu.memref_squeeze %dma_start3A_776 : memref<1x1x128xi32, #tpu.memory_space<vmem>> -> memref<128xi32, #tpu.memory_space<vmem>>
      %dma_start3A_778 = arith.constant 0 : i32
      %dma_start3A_779 = arith.constant 0 : i32
      %dma_start3A_780 = tpu.memref_slice %arg5[%dma_start3A_778, %dma_start3A_779] : memref<10240x16xf32, #tpu.memory_space<vmem_shared>> -> memref<10240x16xf32, #tpu.memory_space<vmem_shared>>
      tpu.enqueue_indirect_dma source(%dma_start3A_774 : memref<128x16xf32, #tpu.memory_space<vmem>>) target(%dma_start3A_780 : memref<10240x16xf32, #tpu.memory_space<vmem_shared>>) offsets(%dma_start3A_777 : memref<128xi32, #tpu.memory_space<vmem>>) semaphore(%arg9 : memref<!tpu.dma_semaphore, #tpu.memory_space<semaphore_mem>>) {add = true}
      %dma_wait3A_781 = arith.constant 0 : i32
      %dma_wait3A_782 = arith.constant 0 : i32
      %dma_wait3A_783 = arith.constant 0 : i32
      %dma_wait3A_784 = tpu.memref_slice %arg7[%add3A_512, %dma_wait3A_782, %dma_wait3A_783] : memref<26x128x16xf32, #tpu.memory_space<vmem>> -> memref<1x128x16xf32, #tpu.memory_space<vmem>>
      %dma_wait3A_785 = tpu.memref_squeeze %dma_wait3A_784 : memref<1x128x16xf32, #tpu.memory_space<vmem>> -> memref<128x16xf32, #tpu.memory_space<vmem>>
      %dma_wait3A_786 = arith.constant 0 : i32
      %dma_wait3A_787 = tpu.memref_slice %arg6[%add3A_510, %dma_wait3A_781, %dma_wait3A_786] : memref<79x2x128xi32, #tpu.memory_space<vmem>> -> memref<1x1x128xi32, #tpu.memory_space<vmem>>
      %dma_wait3A_788 = tpu.memref_squeeze %dma_wait3A_787 : memref<1x1x128xi32, #tpu.memory_space<vmem>> -> memref<128xi32, #tpu.memory_space<vmem>>
      %dma_wait3A_789 = arith.constant 0 : i32
      %dma_wait3A_790 = arith.constant 0 : i32
      %dma_wait3A_791 = tpu.memref_slice %arg2[%dma_wait3A_789, %dma_wait3A_790] : memref<10240x16xf32, #tpu.memory_space<hbm>> -> memref<10240x16xf32, #tpu.memory_space<hbm>>
      tpu.wait_indirect_dma semaphore(%arg8 : memref<!tpu.dma_semaphore, #tpu.memory_space<semaphore_mem>>) src(%dma_wait3A_791 : memref<10240x16xf32, #tpu.memory_space<hbm>>) dst(%dma_wait3A_785 : memref<128x16xf32, #tpu.memory_space<vmem>>)
      %add3A_792 = arith.constant 7 : i32
      %add3A_793 = arith.addi %mul3A_400, %add3A_792 : i32
      %add3A_794 = arith.constant 7 : i32
      %add3A_795 = arith.addi %mul3A_386, %add3A_794 : i32
      %dma_start3A_796 = arith.constant 1 : i32
      %dma_start3A_797 = arith.constant 0 : i32
      %dma_start3A_798 = arith.constant 0 : i32
      %dma_start3A_799 = tpu.memref_slice %arg7[%add3A_793, %dma_start3A_797, %dma_start3A_798] : memref<26x128x16xf32, #tpu.memory_space<vmem>> -> memref<1x128x16xf32, #tpu.memory_space<vmem>>
      %dma_start3A_800 = tpu.memref_squeeze %dma_start3A_799 : memref<1x128x16xf32, #tpu.memory_space<vmem>> -> memref<128x16xf32, #tpu.memory_space<vmem>>
      %dma_start3A_801 = arith.constant 0 : i32
      %dma_start3A_802 = tpu.memref_slice %arg6[%add3A_795, %dma_start3A_796, %dma_start3A_801] : memref<79x2x128xi32, #tpu.memory_space<vmem>> -> memref<1x1x128xi32, #tpu.memory_space<vmem>>
      %dma_start3A_803 = tpu.memref_squeeze %dma_start3A_802 : memref<1x1x128xi32, #tpu.memory_space<vmem>> -> memref<128xi32, #tpu.memory_space<vmem>>
      %dma_start3A_804 = arith.constant 0 : i32
      %dma_start3A_805 = arith.constant 0 : i32
      %dma_start3A_806 = tpu.memref_slice %arg5[%dma_start3A_804, %dma_start3A_805] : memref<10240x16xf32, #tpu.memory_space<vmem_shared>> -> memref<10240x16xf32, #tpu.memory_space<vmem_shared>>
      tpu.enqueue_indirect_dma source(%dma_start3A_800 : memref<128x16xf32, #tpu.memory_space<vmem>>) target(%dma_start3A_806 : memref<10240x16xf32, #tpu.memory_space<vmem_shared>>) offsets(%dma_start3A_803 : memref<128xi32, #tpu.memory_space<vmem>>) semaphore(%arg9 : memref<!tpu.dma_semaphore, #tpu.memory_space<semaphore_mem>>) {add = true}
      %dma_wait3A_807 = arith.constant 0 : i32
      %dma_wait3A_808 = arith.constant 0 : i32
      %dma_wait3A_809 = arith.constant 0 : i32
      %dma_wait3A_810 = tpu.memref_slice %arg7[%add3A_527, %dma_wait3A_808, %dma_wait3A_809] : memref<26x128x16xf32, #tpu.memory_space<vmem>> -> memref<1x128x16xf32, #tpu.memory_space<vmem>>
      %dma_wait3A_811 = tpu.memref_squeeze %dma_wait3A_810 : memref<1x128x16xf32, #tpu.memory_space<vmem>> -> memref<128x16xf32, #tpu.memory_space<vmem>>
      %dma_wait3A_812 = arith.constant 0 : i32
      %dma_wait3A_813 = tpu.memref_slice %arg6[%add3A_525, %dma_wait3A_807, %dma_wait3A_812] : memref<79x2x128xi32, #tpu.memory_space<vmem>> -> memref<1x1x128xi32, #tpu.memory_space<vmem>>
      %dma_wait3A_814 = tpu.memref_squeeze %dma_wait3A_813 : memref<1x1x128xi32, #tpu.memory_space<vmem>> -> memref<128xi32, #tpu.memory_space<vmem>>
      %dma_wait3A_815 = arith.constant 0 : i32
      %dma_wait3A_816 = arith.constant 0 : i32
      %dma_wait3A_817 = tpu.memref_slice %arg2[%dma_wait3A_815, %dma_wait3A_816] : memref<10240x16xf32, #tpu.memory_space<hbm>> -> memref<10240x16xf32, #tpu.memory_space<hbm>>
      tpu.wait_indirect_dma semaphore(%arg8 : memref<!tpu.dma_semaphore, #tpu.memory_space<semaphore_mem>>) src(%dma_wait3A_817 : memref<10240x16xf32, #tpu.memory_space<hbm>>) dst(%dma_wait3A_811 : memref<128x16xf32, #tpu.memory_space<vmem>>)
      %add3A_818 = arith.constant 8 : i32
      %add3A_819 = arith.addi %mul3A_400, %add3A_818 : i32
      %add3A_820 = arith.constant 8 : i32
      %add3A_821 = arith.addi %mul3A_386, %add3A_820 : i32
      %dma_start3A_822 = arith.constant 1 : i32
      %dma_start3A_823 = arith.constant 0 : i32
      %dma_start3A_824 = arith.constant 0 : i32
      %dma_start3A_825 = tpu.memref_slice %arg7[%add3A_819, %dma_start3A_823, %dma_start3A_824] : memref<26x128x16xf32, #tpu.memory_space<vmem>> -> memref<1x128x16xf32, #tpu.memory_space<vmem>>
      %dma_start3A_826 = tpu.memref_squeeze %dma_start3A_825 : memref<1x128x16xf32, #tpu.memory_space<vmem>> -> memref<128x16xf32, #tpu.memory_space<vmem>>
      %dma_start3A_827 = arith.constant 0 : i32
      %dma_start3A_828 = tpu.memref_slice %arg6[%add3A_821, %dma_start3A_822, %dma_start3A_827] : memref<79x2x128xi32, #tpu.memory_space<vmem>> -> memref<1x1x128xi32, #tpu.memory_space<vmem>>
      %dma_start3A_829 = tpu.memref_squeeze %dma_start3A_828 : memref<1x1x128xi32, #tpu.memory_space<vmem>> -> memref<128xi32, #tpu.memory_space<vmem>>
      %dma_start3A_830 = arith.constant 0 : i32
      %dma_start3A_831 = arith.constant 0 : i32
      %dma_start3A_832 = tpu.memref_slice %arg5[%dma_start3A_830, %dma_start3A_831] : memref<10240x16xf32, #tpu.memory_space<vmem_shared>> -> memref<10240x16xf32, #tpu.memory_space<vmem_shared>>
      tpu.enqueue_indirect_dma source(%dma_start3A_826 : memref<128x16xf32, #tpu.memory_space<vmem>>) target(%dma_start3A_832 : memref<10240x16xf32, #tpu.memory_space<vmem_shared>>) offsets(%dma_start3A_829 : memref<128xi32, #tpu.memory_space<vmem>>) semaphore(%arg9 : memref<!tpu.dma_semaphore, #tpu.memory_space<semaphore_mem>>) {add = true}
      %dma_wait3A_833 = arith.constant 0 : i32
      %dma_wait3A_834 = arith.constant 0 : i32
      %dma_wait3A_835 = arith.constant 0 : i32
      %dma_wait3A_836 = tpu.memref_slice %arg7[%add3A_542, %dma_wait3A_834, %dma_wait3A_835] : memref<26x128x16xf32, #tpu.memory_space<vmem>> -> memref<1x128x16xf32, #tpu.memory_space<vmem>>
      %dma_wait3A_837 = tpu.memref_squeeze %dma_wait3A_836 : memref<1x128x16xf32, #tpu.memory_space<vmem>> -> memref<128x16xf32, #tpu.memory_space<vmem>>
      %dma_wait3A_838 = arith.constant 0 : i32
      %dma_wait3A_839 = tpu.memref_slice %arg6[%add3A_540, %dma_wait3A_833, %dma_wait3A_838] : memref<79x2x128xi32, #tpu.memory_space<vmem>> -> memref<1x1x128xi32, #tpu.memory_space<vmem>>
      %dma_wait3A_840 = tpu.memref_squeeze %dma_wait3A_839 : memref<1x1x128xi32, #tpu.memory_space<vmem>> -> memref<128xi32, #tpu.memory_space<vmem>>
      %dma_wait3A_841 = arith.constant 0 : i32
      %dma_wait3A_842 = arith.constant 0 : i32
      %dma_wait3A_843 = tpu.memref_slice %arg2[%dma_wait3A_841, %dma_wait3A_842] : memref<10240x16xf32, #tpu.memory_space<hbm>> -> memref<10240x16xf32, #tpu.memory_space<hbm>>
      tpu.wait_indirect_dma semaphore(%arg8 : memref<!tpu.dma_semaphore, #tpu.memory_space<semaphore_mem>>) src(%dma_wait3A_843 : memref<10240x16xf32, #tpu.memory_space<hbm>>) dst(%dma_wait3A_837 : memref<128x16xf32, #tpu.memory_space<vmem>>)
      %add3A_844 = arith.constant 9 : i32
      %add3A_845 = arith.addi %mul3A_400, %add3A_844 : i32
      %add3A_846 = arith.constant 9 : i32
      %add3A_847 = arith.addi %mul3A_386, %add3A_846 : i32
      %dma_start3A_848 = arith.constant 1 : i32
      %dma_start3A_849 = arith.constant 0 : i32
      %dma_start3A_850 = arith.constant 0 : i32
      %dma_start3A_851 = tpu.memref_slice %arg7[%add3A_845, %dma_start3A_849, %dma_start3A_850] : memref<26x128x16xf32, #tpu.memory_space<vmem>> -> memref<1x128x16xf32, #tpu.memory_space<vmem>>
      %dma_start3A_852 = tpu.memref_squeeze %dma_start3A_851 : memref<1x128x16xf32, #tpu.memory_space<vmem>> -> memref<128x16xf32, #tpu.memory_space<vmem>>
      %dma_start3A_853 = arith.constant 0 : i32
      %dma_start3A_854 = tpu.memref_slice %arg6[%add3A_847, %dma_start3A_848, %dma_start3A_853] : memref<79x2x128xi32, #tpu.memory_space<vmem>> -> memref<1x1x128xi32, #tpu.memory_space<vmem>>
      %dma_start3A_855 = tpu.memref_squeeze %dma_start3A_854 : memref<1x1x128xi32, #tpu.memory_space<vmem>> -> memref<128xi32, #tpu.memory_space<vmem>>
      %dma_start3A_856 = arith.constant 0 : i32
      %dma_start3A_857 = arith.constant 0 : i32
      %dma_start3A_858 = tpu.memref_slice %arg5[%dma_start3A_856, %dma_start3A_857] : memref<10240x16xf32, #tpu.memory_space<vmem_shared>> -> memref<10240x16xf32, #tpu.memory_space<vmem_shared>>
      tpu.enqueue_indirect_dma source(%dma_start3A_852 : memref<128x16xf32, #tpu.memory_space<vmem>>) target(%dma_start3A_858 : memref<10240x16xf32, #tpu.memory_space<vmem_shared>>) offsets(%dma_start3A_855 : memref<128xi32, #tpu.memory_space<vmem>>) semaphore(%arg9 : memref<!tpu.dma_semaphore, #tpu.memory_space<semaphore_mem>>) {add = true}
      %dma_wait3A_859 = arith.constant 0 : i32
      %dma_wait3A_860 = arith.constant 0 : i32
      %dma_wait3A_861 = arith.constant 0 : i32
      %dma_wait3A_862 = tpu.memref_slice %arg7[%add3A_557, %dma_wait3A_860, %dma_wait3A_861] : memref<26x128x16xf32, #tpu.memory_space<vmem>> -> memref<1x128x16xf32, #tpu.memory_space<vmem>>
      %dma_wait3A_863 = tpu.memref_squeeze %dma_wait3A_862 : memref<1x128x16xf32, #tpu.memory_space<vmem>> -> memref<128x16xf32, #tpu.memory_space<vmem>>
      %dma_wait3A_864 = arith.constant 0 : i32
      %dma_wait3A_865 = tpu.memref_slice %arg6[%add3A_555, %dma_wait3A_859, %dma_wait3A_864] : memref<79x2x128xi32, #tpu.memory_space<vmem>> -> memref<1x1x128xi32, #tpu.memory_space<vmem>>
      %dma_wait3A_866 = tpu.memref_squeeze %dma_wait3A_865 : memref<1x1x128xi32, #tpu.memory_space<vmem>> -> memref<128xi32, #tpu.memory_space<vmem>>
      %dma_wait3A_867 = arith.constant 0 : i32
      %dma_wait3A_868 = arith.constant 0 : i32
      %dma_wait3A_869 = tpu.memref_slice %arg2[%dma_wait3A_867, %dma_wait3A_868] : memref<10240x16xf32, #tpu.memory_space<hbm>> -> memref<10240x16xf32, #tpu.memory_space<hbm>>
      tpu.wait_indirect_dma semaphore(%arg8 : memref<!tpu.dma_semaphore, #tpu.memory_space<semaphore_mem>>) src(%dma_wait3A_869 : memref<10240x16xf32, #tpu.memory_space<hbm>>) dst(%dma_wait3A_863 : memref<128x16xf32, #tpu.memory_space<vmem>>)
      %add3A_870 = arith.constant 10 : i32
      %add3A_871 = arith.addi %mul3A_400, %add3A_870 : i32
      %add3A_872 = arith.constant 10 : i32
      %add3A_873 = arith.addi %mul3A_386, %add3A_872 : i32
      %dma_start3A_874 = arith.constant 1 : i32
      %dma_start3A_875 = arith.constant 0 : i32
      %dma_start3A_876 = arith.constant 0 : i32
      %dma_start3A_877 = tpu.memref_slice %arg7[%add3A_871, %dma_start3A_875, %dma_start3A_876] : memref<26x128x16xf32, #tpu.memory_space<vmem>> -> memref<1x128x16xf32, #tpu.memory_space<vmem>>
      %dma_start3A_878 = tpu.memref_squeeze %dma_start3A_877 : memref<1x128x16xf32, #tpu.memory_space<vmem>> -> memref<128x16xf32, #tpu.memory_space<vmem>>
      %dma_start3A_879 = arith.constant 0 : i32
      %dma_start3A_880 = tpu.memref_slice %arg6[%add3A_873, %dma_start3A_874, %dma_start3A_879] : memref<79x2x128xi32, #tpu.memory_space<vmem>> -> memref<1x1x128xi32, #tpu.memory_space<vmem>>
      %dma_start3A_881 = tpu.memref_squeeze %dma_start3A_880 : memref<1x1x128xi32, #tpu.memory_space<vmem>> -> memref<128xi32, #tpu.memory_space<vmem>>
      %dma_start3A_882 = arith.constant 0 : i32
      %dma_start3A_883 = arith.constant 0 : i32
      %dma_start3A_884 = tpu.memref_slice %arg5[%dma_start3A_882, %dma_start3A_883] : memref<10240x16xf32, #tpu.memory_space<vmem_shared>> -> memref<10240x16xf32, #tpu.memory_space<vmem_shared>>
      tpu.enqueue_indirect_dma source(%dma_start3A_878 : memref<128x16xf32, #tpu.memory_space<vmem>>) target(%dma_start3A_884 : memref<10240x16xf32, #tpu.memory_space<vmem_shared>>) offsets(%dma_start3A_881 : memref<128xi32, #tpu.memory_space<vmem>>) semaphore(%arg9 : memref<!tpu.dma_semaphore, #tpu.memory_space<semaphore_mem>>) {add = true}
      %dma_wait3A_885 = arith.constant 0 : i32
      %dma_wait3A_886 = arith.constant 0 : i32
      %dma_wait3A_887 = arith.constant 0 : i32
      %dma_wait3A_888 = tpu.memref_slice %arg7[%add3A_572, %dma_wait3A_886, %dma_wait3A_887] : memref<26x128x16xf32, #tpu.memory_space<vmem>> -> memref<1x128x16xf32, #tpu.memory_space<vmem>>
      %dma_wait3A_889 = tpu.memref_squeeze %dma_wait3A_888 : memref<1x128x16xf32, #tpu.memory_space<vmem>> -> memref<128x16xf32, #tpu.memory_space<vmem>>
      %dma_wait3A_890 = arith.constant 0 : i32
      %dma_wait3A_891 = tpu.memref_slice %arg6[%add3A_570, %dma_wait3A_885, %dma_wait3A_890] : memref<79x2x128xi32, #tpu.memory_space<vmem>> -> memref<1x1x128xi32, #tpu.memory_space<vmem>>
      %dma_wait3A_892 = tpu.memref_squeeze %dma_wait3A_891 : memref<1x1x128xi32, #tpu.memory_space<vmem>> -> memref<128xi32, #tpu.memory_space<vmem>>
      %dma_wait3A_893 = arith.constant 0 : i32
      %dma_wait3A_894 = arith.constant 0 : i32
      %dma_wait3A_895 = tpu.memref_slice %arg2[%dma_wait3A_893, %dma_wait3A_894] : memref<10240x16xf32, #tpu.memory_space<hbm>> -> memref<10240x16xf32, #tpu.memory_space<hbm>>
      tpu.wait_indirect_dma semaphore(%arg8 : memref<!tpu.dma_semaphore, #tpu.memory_space<semaphore_mem>>) src(%dma_wait3A_895 : memref<10240x16xf32, #tpu.memory_space<hbm>>) dst(%dma_wait3A_889 : memref<128x16xf32, #tpu.memory_space<vmem>>)
      %add3A_896 = arith.constant 11 : i32
      %add3A_897 = arith.addi %mul3A_400, %add3A_896 : i32
      %add3A_898 = arith.constant 11 : i32
      %add3A_899 = arith.addi %mul3A_386, %add3A_898 : i32
      %dma_start3A_900 = arith.constant 1 : i32
      %dma_start3A_901 = arith.constant 0 : i32
      %dma_start3A_902 = arith.constant 0 : i32
      %dma_start3A_903 = tpu.memref_slice %arg7[%add3A_897, %dma_start3A_901, %dma_start3A_902] : memref<26x128x16xf32, #tpu.memory_space<vmem>> -> memref<1x128x16xf32, #tpu.memory_space<vmem>>
      %dma_start3A_904 = tpu.memref_squeeze %dma_start3A_903 : memref<1x128x16xf32, #tpu.memory_space<vmem>> -> memref<128x16xf32, #tpu.memory_space<vmem>>
      %dma_start3A_905 = arith.constant 0 : i32
      %dma_start3A_906 = tpu.memref_slice %arg6[%add3A_899, %dma_start3A_900, %dma_start3A_905] : memref<79x2x128xi32, #tpu.memory_space<vmem>> -> memref<1x1x128xi32, #tpu.memory_space<vmem>>
      %dma_start3A_907 = tpu.memref_squeeze %dma_start3A_906 : memref<1x1x128xi32, #tpu.memory_space<vmem>> -> memref<128xi32, #tpu.memory_space<vmem>>
      %dma_start3A_908 = arith.constant 0 : i32
      %dma_start3A_909 = arith.constant 0 : i32
      %dma_start3A_910 = tpu.memref_slice %arg5[%dma_start3A_908, %dma_start3A_909] : memref<10240x16xf32, #tpu.memory_space<vmem_shared>> -> memref<10240x16xf32, #tpu.memory_space<vmem_shared>>
      tpu.enqueue_indirect_dma source(%dma_start3A_904 : memref<128x16xf32, #tpu.memory_space<vmem>>) target(%dma_start3A_910 : memref<10240x16xf32, #tpu.memory_space<vmem_shared>>) offsets(%dma_start3A_907 : memref<128xi32, #tpu.memory_space<vmem>>) semaphore(%arg9 : memref<!tpu.dma_semaphore, #tpu.memory_space<semaphore_mem>>) {add = true}
      %dma_wait3A_911 = arith.constant 0 : i32
      %dma_wait3A_912 = arith.constant 0 : i32
      %dma_wait3A_913 = arith.constant 0 : i32
      %dma_wait3A_914 = tpu.memref_slice %arg7[%add3A_587, %dma_wait3A_912, %dma_wait3A_913] : memref<26x128x16xf32, #tpu.memory_space<vmem>> -> memref<1x128x16xf32, #tpu.memory_space<vmem>>
      %dma_wait3A_915 = tpu.memref_squeeze %dma_wait3A_914 : memref<1x128x16xf32, #tpu.memory_space<vmem>> -> memref<128x16xf32, #tpu.memory_space<vmem>>
      %dma_wait3A_916 = arith.constant 0 : i32
      %dma_wait3A_917 = tpu.memref_slice %arg6[%add3A_585, %dma_wait3A_911, %dma_wait3A_916] : memref<79x2x128xi32, #tpu.memory_space<vmem>> -> memref<1x1x128xi32, #tpu.memory_space<vmem>>
      %dma_wait3A_918 = tpu.memref_squeeze %dma_wait3A_917 : memref<1x1x128xi32, #tpu.memory_space<vmem>> -> memref<128xi32, #tpu.memory_space<vmem>>
      %dma_wait3A_919 = arith.constant 0 : i32
      %dma_wait3A_920 = arith.constant 0 : i32
      %dma_wait3A_921 = tpu.memref_slice %arg2[%dma_wait3A_919, %dma_wait3A_920] : memref<10240x16xf32, #tpu.memory_space<hbm>> -> memref<10240x16xf32, #tpu.memory_space<hbm>>
      tpu.wait_indirect_dma semaphore(%arg8 : memref<!tpu.dma_semaphore, #tpu.memory_space<semaphore_mem>>) src(%dma_wait3A_921 : memref<10240x16xf32, #tpu.memory_space<hbm>>) dst(%dma_wait3A_915 : memref<128x16xf32, #tpu.memory_space<vmem>>)
      %add3A_922 = arith.constant 12 : i32
      %add3A_923 = arith.addi %mul3A_400, %add3A_922 : i32
      %add3A_924 = arith.constant 12 : i32
      %add3A_925 = arith.addi %mul3A_386, %add3A_924 : i32
      %dma_start3A_926 = arith.constant 1 : i32
      %dma_start3A_927 = arith.constant 0 : i32
      %dma_start3A_928 = arith.constant 0 : i32
      %dma_start3A_929 = tpu.memref_slice %arg7[%add3A_923, %dma_start3A_927, %dma_start3A_928] : memref<26x128x16xf32, #tpu.memory_space<vmem>> -> memref<1x128x16xf32, #tpu.memory_space<vmem>>
      %dma_start3A_930 = tpu.memref_squeeze %dma_start3A_929 : memref<1x128x16xf32, #tpu.memory_space<vmem>> -> memref<128x16xf32, #tpu.memory_space<vmem>>
      %dma_start3A_931 = arith.constant 0 : i32
      %dma_start3A_932 = tpu.memref_slice %arg6[%add3A_925, %dma_start3A_926, %dma_start3A_931] : memref<79x2x128xi32, #tpu.memory_space<vmem>> -> memref<1x1x128xi32, #tpu.memory_space<vmem>>
      %dma_start3A_933 = tpu.memref_squeeze %dma_start3A_932 : memref<1x1x128xi32, #tpu.memory_space<vmem>> -> memref<128xi32, #tpu.memory_space<vmem>>
      %dma_start3A_934 = arith.constant 0 : i32
      %dma_start3A_935 = arith.constant 0 : i32
      %dma_start3A_936 = tpu.memref_slice %arg5[%dma_start3A_934, %dma_start3A_935] : memref<10240x16xf32, #tpu.memory_space<vmem_shared>> -> memref<10240x16xf32, #tpu.memory_space<vmem_shared>>
      tpu.enqueue_indirect_dma source(%dma_start3A_930 : memref<128x16xf32, #tpu.memory_space<vmem>>) target(%dma_start3A_936 : memref<10240x16xf32, #tpu.memory_space<vmem_shared>>) offsets(%dma_start3A_933 : memref<128xi32, #tpu.memory_space<vmem>>) semaphore(%arg9 : memref<!tpu.dma_semaphore, #tpu.memory_space<semaphore_mem>>) {add = true}
    }
    %scan3A_31 = arith.constant 6 : i32
    %dma_wait3A = arith.constant 0 : i32
    %dma_wait3A_32 = arith.constant 0 : i32
    %dma_wait3A_33 = arith.constant 1 : i32
    %dma_wait3A_34 = arith.constant 0 : i32
    %dma_wait3A_35 = arith.constant 0 : i32
    %dma_wait3A_36 = tpu.memref_slice %arg7[%dma_wait3A, %dma_wait3A_34, %dma_wait3A_35] : memref<26x128x16xf32, #tpu.memory_space<vmem>> -> memref<1x128x16xf32, #tpu.memory_space<vmem>>
    %dma_wait3A_37 = tpu.memref_squeeze %dma_wait3A_36 : memref<1x128x16xf32, #tpu.memory_space<vmem>> -> memref<128x16xf32, #tpu.memory_space<vmem>>
    %dma_wait3A_38 = arith.constant 0 : i32
    %dma_wait3A_39 = tpu.memref_slice %arg6[%dma_wait3A_32, %dma_wait3A_33, %dma_wait3A_38] : memref<79x2x128xi32, #tpu.memory_space<vmem>> -> memref<1x1x128xi32, #tpu.memory_space<vmem>>
    %dma_wait3A_40 = tpu.memref_squeeze %dma_wait3A_39 : memref<1x1x128xi32, #tpu.memory_space<vmem>> -> memref<128xi32, #tpu.memory_space<vmem>>
    %dma_wait3A_41 = arith.constant 0 : i32
    %dma_wait3A_42 = arith.constant 0 : i32
    %dma_wait3A_43 = tpu.memref_slice %arg5[%dma_wait3A_41, %dma_wait3A_42] : memref<10240x16xf32, #tpu.memory_space<vmem_shared>> -> memref<10240x16xf32, #tpu.memory_space<vmem_shared>>
    tpu.wait_indirect_dma semaphore(%arg9 : memref<!tpu.dma_semaphore, #tpu.memory_space<semaphore_mem>>) src(%dma_wait3A_37 : memref<128x16xf32, #tpu.memory_space<vmem>>) dst(%dma_wait3A_43 : memref<10240x16xf32, #tpu.memory_space<vmem_shared>>)
    %dma_wait3A_44 = arith.constant 1 : i32
    %dma_wait3A_45 = arith.constant 1 : i32
    %dma_wait3A_46 = arith.constant 1 : i32
    %dma_wait3A_47 = arith.constant 0 : i32
    %dma_wait3A_48 = arith.constant 0 : i32
    %dma_wait3A_49 = tpu.memref_slice %arg7[%dma_wait3A_44, %dma_wait3A_47, %dma_wait3A_48] : memref<26x128x16xf32, #tpu.memory_space<vmem>> -> memref<1x128x16xf32, #tpu.memory_space<vmem>>
    %dma_wait3A_50 = tpu.memref_squeeze %dma_wait3A_49 : memref<1x128x16xf32, #tpu.memory_space<vmem>> -> memref<128x16xf32, #tpu.memory_space<vmem>>
    %dma_wait3A_51 = arith.constant 0 : i32
    %dma_wait3A_52 = tpu.memref_slice %arg6[%dma_wait3A_45, %dma_wait3A_46, %dma_wait3A_51] : memref<79x2x128xi32, #tpu.memory_space<vmem>> -> memref<1x1x128xi32, #tpu.memory_space<vmem>>
    %dma_wait3A_53 = tpu.memref_squeeze %dma_wait3A_52 : memref<1x1x128xi32, #tpu.memory_space<vmem>> -> memref<128xi32, #tpu.memory_space<vmem>>
    %dma_wait3A_54 = arith.constant 0 : i32
    %dma_wait3A_55 = arith.constant 0 : i32
    %dma_wait3A_56 = tpu.memref_slice %arg5[%dma_wait3A_54, %dma_wait3A_55] : memref<10240x16xf32, #tpu.memory_space<vmem_shared>> -> memref<10240x16xf32, #tpu.memory_space<vmem_shared>>
    tpu.wait_indirect_dma semaphore(%arg9 : memref<!tpu.dma_semaphore, #tpu.memory_space<semaphore_mem>>) src(%dma_wait3A_50 : memref<128x16xf32, #tpu.memory_space<vmem>>) dst(%dma_wait3A_56 : memref<10240x16xf32, #tpu.memory_space<vmem_shared>>)
    %dma_wait3A_57 = arith.constant 2 : i32
    %dma_wait3A_58 = arith.constant 2 : i32
    %dma_wait3A_59 = arith.constant 1 : i32
    %dma_wait3A_60 = arith.constant 0 : i32
    %dma_wait3A_61 = arith.constant 0 : i32
    %dma_wait3A_62 = tpu.memref_slice %arg7[%dma_wait3A_57, %dma_wait3A_60, %dma_wait3A_61] : memref<26x128x16xf32, #tpu.memory_space<vmem>> -> memref<1x128x16xf32, #tpu.memory_space<vmem>>
    %dma_wait3A_63 = tpu.memref_squeeze %dma_wait3A_62 : memref<1x128x16xf32, #tpu.memory_space<vmem>> -> memref<128x16xf32, #tpu.memory_space<vmem>>
    %dma_wait3A_64 = arith.constant 0 : i32
    %dma_wait3A_65 = tpu.memref_slice %arg6[%dma_wait3A_58, %dma_wait3A_59, %dma_wait3A_64] : memref<79x2x128xi32, #tpu.memory_space<vmem>> -> memref<1x1x128xi32, #tpu.memory_space<vmem>>
    %dma_wait3A_66 = tpu.memref_squeeze %dma_wait3A_65 : memref<1x1x128xi32, #tpu.memory_space<vmem>> -> memref<128xi32, #tpu.memory_space<vmem>>
    %dma_wait3A_67 = arith.constant 0 : i32
    %dma_wait3A_68 = arith.constant 0 : i32
    %dma_wait3A_69 = tpu.memref_slice %arg5[%dma_wait3A_67, %dma_wait3A_68] : memref<10240x16xf32, #tpu.memory_space<vmem_shared>> -> memref<10240x16xf32, #tpu.memory_space<vmem_shared>>
    tpu.wait_indirect_dma semaphore(%arg9 : memref<!tpu.dma_semaphore, #tpu.memory_space<semaphore_mem>>) src(%dma_wait3A_63 : memref<128x16xf32, #tpu.memory_space<vmem>>) dst(%dma_wait3A_69 : memref<10240x16xf32, #tpu.memory_space<vmem_shared>>)
    %dma_wait3A_70 = arith.constant 3 : i32
    %dma_wait3A_71 = arith.constant 3 : i32
    %dma_wait3A_72 = arith.constant 1 : i32
    %dma_wait3A_73 = arith.constant 0 : i32
    %dma_wait3A_74 = arith.constant 0 : i32
    %dma_wait3A_75 = tpu.memref_slice %arg7[%dma_wait3A_70, %dma_wait3A_73, %dma_wait3A_74] : memref<26x128x16xf32, #tpu.memory_space<vmem>> -> memref<1x128x16xf32, #tpu.memory_space<vmem>>
    %dma_wait3A_76 = tpu.memref_squeeze %dma_wait3A_75 : memref<1x128x16xf32, #tpu.memory_space<vmem>> -> memref<128x16xf32, #tpu.memory_space<vmem>>
    %dma_wait3A_77 = arith.constant 0 : i32
    %dma_wait3A_78 = tpu.memref_slice %arg6[%dma_wait3A_71, %dma_wait3A_72, %dma_wait3A_77] : memref<79x2x128xi32, #tpu.memory_space<vmem>> -> memref<1x1x128xi32, #tpu.memory_space<vmem>>
    %dma_wait3A_79 = tpu.memref_squeeze %dma_wait3A_78 : memref<1x1x128xi32, #tpu.memory_space<vmem>> -> memref<128xi32, #tpu.memory_space<vmem>>
    %dma_wait3A_80 = arith.constant 0 : i32
    %dma_wait3A_81 = arith.constant 0 : i32
    %dma_wait3A_82 = tpu.memref_slice %arg5[%dma_wait3A_80, %dma_wait3A_81] : memref<10240x16xf32, #tpu.memory_space<vmem_shared>> -> memref<10240x16xf32, #tpu.memory_space<vmem_shared>>
    tpu.wait_indirect_dma semaphore(%arg9 : memref<!tpu.dma_semaphore, #tpu.memory_space<semaphore_mem>>) src(%dma_wait3A_76 : memref<128x16xf32, #tpu.memory_space<vmem>>) dst(%dma_wait3A_82 : memref<10240x16xf32, #tpu.memory_space<vmem_shared>>)
    %dma_wait3A_83 = arith.constant 4 : i32
    %dma_wait3A_84 = arith.constant 4 : i32
    %dma_wait3A_85 = arith.constant 1 : i32
    %dma_wait3A_86 = arith.constant 0 : i32
    %dma_wait3A_87 = arith.constant 0 : i32
    %dma_wait3A_88 = tpu.memref_slice %arg7[%dma_wait3A_83, %dma_wait3A_86, %dma_wait3A_87] : memref<26x128x16xf32, #tpu.memory_space<vmem>> -> memref<1x128x16xf32, #tpu.memory_space<vmem>>
    %dma_wait3A_89 = tpu.memref_squeeze %dma_wait3A_88 : memref<1x128x16xf32, #tpu.memory_space<vmem>> -> memref<128x16xf32, #tpu.memory_space<vmem>>
    %dma_wait3A_90 = arith.constant 0 : i32
    %dma_wait3A_91 = tpu.memref_slice %arg6[%dma_wait3A_84, %dma_wait3A_85, %dma_wait3A_90] : memref<79x2x128xi32, #tpu.memory_space<vmem>> -> memref<1x1x128xi32, #tpu.memory_space<vmem>>
    %dma_wait3A_92 = tpu.memref_squeeze %dma_wait3A_91 : memref<1x1x128xi32, #tpu.memory_space<vmem>> -> memref<128xi32, #tpu.memory_space<vmem>>
    %dma_wait3A_93 = arith.constant 0 : i32
    %dma_wait3A_94 = arith.constant 0 : i32
    %dma_wait3A_95 = tpu.memref_slice %arg5[%dma_wait3A_93, %dma_wait3A_94] : memref<10240x16xf32, #tpu.memory_space<vmem_shared>> -> memref<10240x16xf32, #tpu.memory_space<vmem_shared>>
    tpu.wait_indirect_dma semaphore(%arg9 : memref<!tpu.dma_semaphore, #tpu.memory_space<semaphore_mem>>) src(%dma_wait3A_89 : memref<128x16xf32, #tpu.memory_space<vmem>>) dst(%dma_wait3A_95 : memref<10240x16xf32, #tpu.memory_space<vmem_shared>>)
    %dma_wait3A_96 = arith.constant 5 : i32
    %dma_wait3A_97 = arith.constant 5 : i32
    %dma_wait3A_98 = arith.constant 1 : i32
    %dma_wait3A_99 = arith.constant 0 : i32
    %dma_wait3A_100 = arith.constant 0 : i32
    %dma_wait3A_101 = tpu.memref_slice %arg7[%dma_wait3A_96, %dma_wait3A_99, %dma_wait3A_100] : memref<26x128x16xf32, #tpu.memory_space<vmem>> -> memref<1x128x16xf32, #tpu.memory_space<vmem>>
    %dma_wait3A_102 = tpu.memref_squeeze %dma_wait3A_101 : memref<1x128x16xf32, #tpu.memory_space<vmem>> -> memref<128x16xf32, #tpu.memory_space<vmem>>
    %dma_wait3A_103 = arith.constant 0 : i32
    %dma_wait3A_104 = tpu.memref_slice %arg6[%dma_wait3A_97, %dma_wait3A_98, %dma_wait3A_103] : memref<79x2x128xi32, #tpu.memory_space<vmem>> -> memref<1x1x128xi32, #tpu.memory_space<vmem>>
    %dma_wait3A_105 = tpu.memref_squeeze %dma_wait3A_104 : memref<1x1x128xi32, #tpu.memory_space<vmem>> -> memref<128xi32, #tpu.memory_space<vmem>>
    %dma_wait3A_106 = arith.constant 0 : i32
    %dma_wait3A_107 = arith.constant 0 : i32
    %dma_wait3A_108 = tpu.memref_slice %arg5[%dma_wait3A_106, %dma_wait3A_107] : memref<10240x16xf32, #tpu.memory_space<vmem_shared>> -> memref<10240x16xf32, #tpu.memory_space<vmem_shared>>
    tpu.wait_indirect_dma semaphore(%arg9 : memref<!tpu.dma_semaphore, #tpu.memory_space<semaphore_mem>>) src(%dma_wait3A_102 : memref<128x16xf32, #tpu.memory_space<vmem>>) dst(%dma_wait3A_108 : memref<10240x16xf32, #tpu.memory_space<vmem_shared>>)
    %dma_wait3A_109 = arith.constant 6 : i32
    %dma_wait3A_110 = arith.constant 6 : i32
    %dma_wait3A_111 = arith.constant 1 : i32
    %dma_wait3A_112 = arith.constant 0 : i32
    %dma_wait3A_113 = arith.constant 0 : i32
    %dma_wait3A_114 = tpu.memref_slice %arg7[%dma_wait3A_109, %dma_wait3A_112, %dma_wait3A_113] : memref<26x128x16xf32, #tpu.memory_space<vmem>> -> memref<1x128x16xf32, #tpu.memory_space<vmem>>
    %dma_wait3A_115 = tpu.memref_squeeze %dma_wait3A_114 : memref<1x128x16xf32, #tpu.memory_space<vmem>> -> memref<128x16xf32, #tpu.memory_space<vmem>>
    %dma_wait3A_116 = arith.constant 0 : i32
    %dma_wait3A_117 = tpu.memref_slice %arg6[%dma_wait3A_110, %dma_wait3A_111, %dma_wait3A_116] : memref<79x2x128xi32, #tpu.memory_space<vmem>> -> memref<1x1x128xi32, #tpu.memory_space<vmem>>
    %dma_wait3A_118 = tpu.memref_squeeze %dma_wait3A_117 : memref<1x1x128xi32, #tpu.memory_space<vmem>> -> memref<128xi32, #tpu.memory_space<vmem>>
    %dma_wait3A_119 = arith.constant 0 : i32
    %dma_wait3A_120 = arith.constant 0 : i32
    %dma_wait3A_121 = tpu.memref_slice %arg5[%dma_wait3A_119, %dma_wait3A_120] : memref<10240x16xf32, #tpu.memory_space<vmem_shared>> -> memref<10240x16xf32, #tpu.memory_space<vmem_shared>>
    tpu.wait_indirect_dma semaphore(%arg9 : memref<!tpu.dma_semaphore, #tpu.memory_space<semaphore_mem>>) src(%dma_wait3A_115 : memref<128x16xf32, #tpu.memory_space<vmem>>) dst(%dma_wait3A_121 : memref<10240x16xf32, #tpu.memory_space<vmem_shared>>)
    %dma_wait3A_122 = arith.constant 7 : i32
    %dma_wait3A_123 = arith.constant 7 : i32
    %dma_wait3A_124 = arith.constant 1 : i32
    %dma_wait3A_125 = arith.constant 0 : i32
    %dma_wait3A_126 = arith.constant 0 : i32
    %dma_wait3A_127 = tpu.memref_slice %arg7[%dma_wait3A_122, %dma_wait3A_125, %dma_wait3A_126] : memref<26x128x16xf32, #tpu.memory_space<vmem>> -> memref<1x128x16xf32, #tpu.memory_space<vmem>>
    %dma_wait3A_128 = tpu.memref_squeeze %dma_wait3A_127 : memref<1x128x16xf32, #tpu.memory_space<vmem>> -> memref<128x16xf32, #tpu.memory_space<vmem>>
    %dma_wait3A_129 = arith.constant 0 : i32
    %dma_wait3A_130 = tpu.memref_slice %arg6[%dma_wait3A_123, %dma_wait3A_124, %dma_wait3A_129] : memref<79x2x128xi32, #tpu.memory_space<vmem>> -> memref<1x1x128xi32, #tpu.memory_space<vmem>>
    %dma_wait3A_131 = tpu.memref_squeeze %dma_wait3A_130 : memref<1x1x128xi32, #tpu.memory_space<vmem>> -> memref<128xi32, #tpu.memory_space<vmem>>
    %dma_wait3A_132 = arith.constant 0 : i32
    %dma_wait3A_133 = arith.constant 0 : i32
    %dma_wait3A_134 = tpu.memref_slice %arg5[%dma_wait3A_132, %dma_wait3A_133] : memref<10240x16xf32, #tpu.memory_space<vmem_shared>> -> memref<10240x16xf32, #tpu.memory_space<vmem_shared>>
    tpu.wait_indirect_dma semaphore(%arg9 : memref<!tpu.dma_semaphore, #tpu.memory_space<semaphore_mem>>) src(%dma_wait3A_128 : memref<128x16xf32, #tpu.memory_space<vmem>>) dst(%dma_wait3A_134 : memref<10240x16xf32, #tpu.memory_space<vmem_shared>>)
    %dma_wait3A_135 = arith.constant 8 : i32
    %dma_wait3A_136 = arith.constant 8 : i32
    %dma_wait3A_137 = arith.constant 1 : i32
    %dma_wait3A_138 = arith.constant 0 : i32
    %dma_wait3A_139 = arith.constant 0 : i32
    %dma_wait3A_140 = tpu.memref_slice %arg7[%dma_wait3A_135, %dma_wait3A_138, %dma_wait3A_139] : memref<26x128x16xf32, #tpu.memory_space<vmem>> -> memref<1x128x16xf32, #tpu.memory_space<vmem>>
    %dma_wait3A_141 = tpu.memref_squeeze %dma_wait3A_140 : memref<1x128x16xf32, #tpu.memory_space<vmem>> -> memref<128x16xf32, #tpu.memory_space<vmem>>
    %dma_wait3A_142 = arith.constant 0 : i32
    %dma_wait3A_143 = tpu.memref_slice %arg6[%dma_wait3A_136, %dma_wait3A_137, %dma_wait3A_142] : memref<79x2x128xi32, #tpu.memory_space<vmem>> -> memref<1x1x128xi32, #tpu.memory_space<vmem>>
    %dma_wait3A_144 = tpu.memref_squeeze %dma_wait3A_143 : memref<1x1x128xi32, #tpu.memory_space<vmem>> -> memref<128xi32, #tpu.memory_space<vmem>>
    %dma_wait3A_145 = arith.constant 0 : i32
    %dma_wait3A_146 = arith.constant 0 : i32
    %dma_wait3A_147 = tpu.memref_slice %arg5[%dma_wait3A_145, %dma_wait3A_146] : memref<10240x16xf32, #tpu.memory_space<vmem_shared>> -> memref<10240x16xf32, #tpu.memory_space<vmem_shared>>
    tpu.wait_indirect_dma semaphore(%arg9 : memref<!tpu.dma_semaphore, #tpu.memory_space<semaphore_mem>>) src(%dma_wait3A_141 : memref<128x16xf32, #tpu.memory_space<vmem>>) dst(%dma_wait3A_147 : memref<10240x16xf32, #tpu.memory_space<vmem_shared>>)
    %dma_wait3A_148 = arith.constant 9 : i32
    %dma_wait3A_149 = arith.constant 9 : i32
    %dma_wait3A_150 = arith.constant 1 : i32
    %dma_wait3A_151 = arith.constant 0 : i32
    %dma_wait3A_152 = arith.constant 0 : i32
    %dma_wait3A_153 = tpu.memref_slice %arg7[%dma_wait3A_148, %dma_wait3A_151, %dma_wait3A_152] : memref<26x128x16xf32, #tpu.memory_space<vmem>> -> memref<1x128x16xf32, #tpu.memory_space<vmem>>
    %dma_wait3A_154 = tpu.memref_squeeze %dma_wait3A_153 : memref<1x128x16xf32, #tpu.memory_space<vmem>> -> memref<128x16xf32, #tpu.memory_space<vmem>>
    %dma_wait3A_155 = arith.constant 0 : i32
    %dma_wait3A_156 = tpu.memref_slice %arg6[%dma_wait3A_149, %dma_wait3A_150, %dma_wait3A_155] : memref<79x2x128xi32, #tpu.memory_space<vmem>> -> memref<1x1x128xi32, #tpu.memory_space<vmem>>
    %dma_wait3A_157 = tpu.memref_squeeze %dma_wait3A_156 : memref<1x1x128xi32, #tpu.memory_space<vmem>> -> memref<128xi32, #tpu.memory_space<vmem>>
    %dma_wait3A_158 = arith.constant 0 : i32
    %dma_wait3A_159 = arith.constant 0 : i32
    %dma_wait3A_160 = tpu.memref_slice %arg5[%dma_wait3A_158, %dma_wait3A_159] : memref<10240x16xf32, #tpu.memory_space<vmem_shared>> -> memref<10240x16xf32, #tpu.memory_space<vmem_shared>>
    tpu.wait_indirect_dma semaphore(%arg9 : memref<!tpu.dma_semaphore, #tpu.memory_space<semaphore_mem>>) src(%dma_wait3A_154 : memref<128x16xf32, #tpu.memory_space<vmem>>) dst(%dma_wait3A_160 : memref<10240x16xf32, #tpu.memory_space<vmem_shared>>)
    %dma_wait3A_161 = arith.constant 10 : i32
    %dma_wait3A_162 = arith.constant 10 : i32
    %dma_wait3A_163 = arith.constant 1 : i32
    %dma_wait3A_164 = arith.constant 0 : i32
    %dma_wait3A_165 = arith.constant 0 : i32
    %dma_wait3A_166 = tpu.memref_slice %arg7[%dma_wait3A_161, %dma_wait3A_164, %dma_wait3A_165] : memref<26x128x16xf32, #tpu.memory_space<vmem>> -> memref<1x128x16xf32, #tpu.memory_space<vmem>>
    %dma_wait3A_167 = tpu.memref_squeeze %dma_wait3A_166 : memref<1x128x16xf32, #tpu.memory_space<vmem>> -> memref<128x16xf32, #tpu.memory_space<vmem>>
    %dma_wait3A_168 = arith.constant 0 : i32
    %dma_wait3A_169 = tpu.memref_slice %arg6[%dma_wait3A_162, %dma_wait3A_163, %dma_wait3A_168] : memref<79x2x128xi32, #tpu.memory_space<vmem>> -> memref<1x1x128xi32, #tpu.memory_space<vmem>>
    %dma_wait3A_170 = tpu.memref_squeeze %dma_wait3A_169 : memref<1x1x128xi32, #tpu.memory_space<vmem>> -> memref<128xi32, #tpu.memory_space<vmem>>
    %dma_wait3A_171 = arith.constant 0 : i32
    %dma_wait3A_172 = arith.constant 0 : i32
    %dma_wait3A_173 = tpu.memref_slice %arg5[%dma_wait3A_171, %dma_wait3A_172] : memref<10240x16xf32, #tpu.memory_space<vmem_shared>> -> memref<10240x16xf32, #tpu.memory_space<vmem_shared>>
    tpu.wait_indirect_dma semaphore(%arg9 : memref<!tpu.dma_semaphore, #tpu.memory_space<semaphore_mem>>) src(%dma_wait3A_167 : memref<128x16xf32, #tpu.memory_space<vmem>>) dst(%dma_wait3A_173 : memref<10240x16xf32, #tpu.memory_space<vmem_shared>>)
    %dma_wait3A_174 = arith.constant 11 : i32
    %dma_wait3A_175 = arith.constant 11 : i32
    %dma_wait3A_176 = arith.constant 1 : i32
    %dma_wait3A_177 = arith.constant 0 : i32
    %dma_wait3A_178 = arith.constant 0 : i32
    %dma_wait3A_179 = tpu.memref_slice %arg7[%dma_wait3A_174, %dma_wait3A_177, %dma_wait3A_178] : memref<26x128x16xf32, #tpu.memory_space<vmem>> -> memref<1x128x16xf32, #tpu.memory_space<vmem>>
    %dma_wait3A_180 = tpu.memref_squeeze %dma_wait3A_179 : memref<1x128x16xf32, #tpu.memory_space<vmem>> -> memref<128x16xf32, #tpu.memory_space<vmem>>
    %dma_wait3A_181 = arith.constant 0 : i32
    %dma_wait3A_182 = tpu.memref_slice %arg6[%dma_wait3A_175, %dma_wait3A_176, %dma_wait3A_181] : memref<79x2x128xi32, #tpu.memory_space<vmem>> -> memref<1x1x128xi32, #tpu.memory_space<vmem>>
    %dma_wait3A_183 = tpu.memref_squeeze %dma_wait3A_182 : memref<1x1x128xi32, #tpu.memory_space<vmem>> -> memref<128xi32, #tpu.memory_space<vmem>>
    %dma_wait3A_184 = arith.constant 0 : i32
    %dma_wait3A_185 = arith.constant 0 : i32
    %dma_wait3A_186 = tpu.memref_slice %arg5[%dma_wait3A_184, %dma_wait3A_185] : memref<10240x16xf32, #tpu.memory_space<vmem_shared>> -> memref<10240x16xf32, #tpu.memory_space<vmem_shared>>
    tpu.wait_indirect_dma semaphore(%arg9 : memref<!tpu.dma_semaphore, #tpu.memory_space<semaphore_mem>>) src(%dma_wait3A_180 : memref<128x16xf32, #tpu.memory_space<vmem>>) dst(%dma_wait3A_186 : memref<10240x16xf32, #tpu.memory_space<vmem_shared>>)
    %dma_wait3A_187 = arith.constant 12 : i32
    %dma_wait3A_188 = arith.constant 12 : i32
    %dma_wait3A_189 = arith.constant 1 : i32
    %dma_wait3A_190 = arith.constant 0 : i32
    %dma_wait3A_191 = arith.constant 0 : i32
    %dma_wait3A_192 = tpu.memref_slice %arg7[%dma_wait3A_187, %dma_wait3A_190, %dma_wait3A_191] : memref<26x128x16xf32, #tpu.memory_space<vmem>> -> memref<1x128x16xf32, #tpu.memory_space<vmem>>
    %dma_wait3A_193 = tpu.memref_squeeze %dma_wait3A_192 : memref<1x128x16xf32, #tpu.memory_space<vmem>> -> memref<128x16xf32, #tpu.memory_space<vmem>>
    %dma_wait3A_194 = arith.constant 0 : i32
    %dma_wait3A_195 = tpu.memref_slice %arg6[%dma_wait3A_188, %dma_wait3A_189, %dma_wait3A_194] : memref<79x2x128xi32, #tpu.memory_space<vmem>> -> memref<1x1x128xi32, #tpu.memory_space<vmem>>
    %dma_wait3A_196 = tpu.memref_squeeze %dma_wait3A_195 : memref<1x1x128xi32, #tpu.memory_space<vmem>> -> memref<128xi32, #tpu.memory_space<vmem>>
    %dma_wait3A_197 = arith.constant 0 : i32
    %dma_wait3A_198 = arith.constant 0 : i32
    %dma_wait3A_199 = tpu.memref_slice %arg5[%dma_wait3A_197, %dma_wait3A_198] : memref<10240x16xf32, #tpu.memory_space<vmem_shared>> -> memref<10240x16xf32, #tpu.memory_space<vmem_shared>>
    tpu.wait_indirect_dma semaphore(%arg9 : memref<!tpu.dma_semaphore, #tpu.memory_space<semaphore_mem>>) src(%dma_wait3A_193 : memref<128x16xf32, #tpu.memory_space<vmem>>) dst(%dma_wait3A_199 : memref<10240x16xf32, #tpu.memory_space<vmem_shared>>)
    %dma_wait3A_200 = arith.constant 13 : i32
    %dma_wait3A_201 = arith.constant 13 : i32
    %dma_wait3A_202 = arith.constant 1 : i32
    %dma_wait3A_203 = arith.constant 0 : i32
    %dma_wait3A_204 = arith.constant 0 : i32
    %dma_wait3A_205 = tpu.memref_slice %arg7[%dma_wait3A_200, %dma_wait3A_203, %dma_wait3A_204] : memref<26x128x16xf32, #tpu.memory_space<vmem>> -> memref<1x128x16xf32, #tpu.memory_space<vmem>>
    %dma_wait3A_206 = tpu.memref_squeeze %dma_wait3A_205 : memref<1x128x16xf32, #tpu.memory_space<vmem>> -> memref<128x16xf32, #tpu.memory_space<vmem>>
    %dma_wait3A_207 = arith.constant 0 : i32
    %dma_wait3A_208 = tpu.memref_slice %arg6[%dma_wait3A_201, %dma_wait3A_202, %dma_wait3A_207] : memref<79x2x128xi32, #tpu.memory_space<vmem>> -> memref<1x1x128xi32, #tpu.memory_space<vmem>>
    %dma_wait3A_209 = tpu.memref_squeeze %dma_wait3A_208 : memref<1x1x128xi32, #tpu.memory_space<vmem>> -> memref<128xi32, #tpu.memory_space<vmem>>
    %dma_wait3A_210 = arith.constant 0 : i32
    %dma_wait3A_211 = arith.constant 0 : i32
    %dma_wait3A_212 = tpu.memref_slice %arg5[%dma_wait3A_210, %dma_wait3A_211] : memref<10240x16xf32, #tpu.memory_space<vmem_shared>> -> memref<10240x16xf32, #tpu.memory_space<vmem_shared>>
    tpu.wait_indirect_dma semaphore(%arg9 : memref<!tpu.dma_semaphore, #tpu.memory_space<semaphore_mem>>) src(%dma_wait3A_206 : memref<128x16xf32, #tpu.memory_space<vmem>>) dst(%dma_wait3A_212 : memref<10240x16xf32, #tpu.memory_space<vmem_shared>>)
    %dma_wait3A_213 = arith.constant 14 : i32
    %dma_wait3A_214 = arith.constant 14 : i32
    %dma_wait3A_215 = arith.constant 1 : i32
    %dma_wait3A_216 = arith.constant 0 : i32
    %dma_wait3A_217 = arith.constant 0 : i32
    %dma_wait3A_218 = tpu.memref_slice %arg7[%dma_wait3A_213, %dma_wait3A_216, %dma_wait3A_217] : memref<26x128x16xf32, #tpu.memory_space<vmem>> -> memref<1x128x16xf32, #tpu.memory_space<vmem>>
    %dma_wait3A_219 = tpu.memref_squeeze %dma_wait3A_218 : memref<1x128x16xf32, #tpu.memory_space<vmem>> -> memref<128x16xf32, #tpu.memory_space<vmem>>
    %dma_wait3A_220 = arith.constant 0 : i32
    %dma_wait3A_221 = tpu.memref_slice %arg6[%dma_wait3A_214, %dma_wait3A_215, %dma_wait3A_220] : memref<79x2x128xi32, #tpu.memory_space<vmem>> -> memref<1x1x128xi32, #tpu.memory_space<vmem>>
    %dma_wait3A_222 = tpu.memref_squeeze %dma_wait3A_221 : memref<1x1x128xi32, #tpu.memory_space<vmem>> -> memref<128xi32, #tpu.memory_space<vmem>>
    %dma_wait3A_223 = arith.constant 0 : i32
    %dma_wait3A_224 = arith.constant 0 : i32
    %dma_wait3A_225 = tpu.memref_slice %arg5[%dma_wait3A_223, %dma_wait3A_224] : memref<10240x16xf32, #tpu.memory_space<vmem_shared>> -> memref<10240x16xf32, #tpu.memory_space<vmem_shared>>
    tpu.wait_indirect_dma semaphore(%arg9 : memref<!tpu.dma_semaphore, #tpu.memory_space<semaphore_mem>>) src(%dma_wait3A_219 : memref<128x16xf32, #tpu.memory_space<vmem>>) dst(%dma_wait3A_225 : memref<10240x16xf32, #tpu.memory_space<vmem_shared>>)
    %dma_wait3A_226 = arith.constant 15 : i32
    %dma_wait3A_227 = arith.constant 15 : i32
    %dma_wait3A_228 = arith.constant 1 : i32
    %dma_wait3A_229 = arith.constant 0 : i32
    %dma_wait3A_230 = arith.constant 0 : i32
    %dma_wait3A_231 = tpu.memref_slice %arg7[%dma_wait3A_226, %dma_wait3A_229, %dma_wait3A_230] : memref<26x128x16xf32, #tpu.memory_space<vmem>> -> memref<1x128x16xf32, #tpu.memory_space<vmem>>
    %dma_wait3A_232 = tpu.memref_squeeze %dma_wait3A_231 : memref<1x128x16xf32, #tpu.memory_space<vmem>> -> memref<128x16xf32, #tpu.memory_space<vmem>>
    %dma_wait3A_233 = arith.constant 0 : i32
    %dma_wait3A_234 = tpu.memref_slice %arg6[%dma_wait3A_227, %dma_wait3A_228, %dma_wait3A_233] : memref<79x2x128xi32, #tpu.memory_space<vmem>> -> memref<1x1x128xi32, #tpu.memory_space<vmem>>
    %dma_wait3A_235 = tpu.memref_squeeze %dma_wait3A_234 : memref<1x1x128xi32, #tpu.memory_space<vmem>> -> memref<128xi32, #tpu.memory_space<vmem>>
    %dma_wait3A_236 = arith.constant 0 : i32
    %dma_wait3A_237 = arith.constant 0 : i32
    %dma_wait3A_238 = tpu.memref_slice %arg5[%dma_wait3A_236, %dma_wait3A_237] : memref<10240x16xf32, #tpu.memory_space<vmem_shared>> -> memref<10240x16xf32, #tpu.memory_space<vmem_shared>>
    tpu.wait_indirect_dma semaphore(%arg9 : memref<!tpu.dma_semaphore, #tpu.memory_space<semaphore_mem>>) src(%dma_wait3A_232 : memref<128x16xf32, #tpu.memory_space<vmem>>) dst(%dma_wait3A_238 : memref<10240x16xf32, #tpu.memory_space<vmem_shared>>)
    %dma_wait3A_239 = arith.constant 16 : i32
    %dma_wait3A_240 = arith.constant 16 : i32
    %dma_wait3A_241 = arith.constant 1 : i32
    %dma_wait3A_242 = arith.constant 0 : i32
    %dma_wait3A_243 = arith.constant 0 : i32
    %dma_wait3A_244 = tpu.memref_slice %arg7[%dma_wait3A_239, %dma_wait3A_242, %dma_wait3A_243] : memref<26x128x16xf32, #tpu.memory_space<vmem>> -> memref<1x128x16xf32, #tpu.memory_space<vmem>>
    %dma_wait3A_245 = tpu.memref_squeeze %dma_wait3A_244 : memref<1x128x16xf32, #tpu.memory_space<vmem>> -> memref<128x16xf32, #tpu.memory_space<vmem>>
    %dma_wait3A_246 = arith.constant 0 : i32
    %dma_wait3A_247 = tpu.memref_slice %arg6[%dma_wait3A_240, %dma_wait3A_241, %dma_wait3A_246] : memref<79x2x128xi32, #tpu.memory_space<vmem>> -> memref<1x1x128xi32, #tpu.memory_space<vmem>>
    %dma_wait3A_248 = tpu.memref_squeeze %dma_wait3A_247 : memref<1x1x128xi32, #tpu.memory_space<vmem>> -> memref<128xi32, #tpu.memory_space<vmem>>
    %dma_wait3A_249 = arith.constant 0 : i32
    %dma_wait3A_250 = arith.constant 0 : i32
    %dma_wait3A_251 = tpu.memref_slice %arg5[%dma_wait3A_249, %dma_wait3A_250] : memref<10240x16xf32, #tpu.memory_space<vmem_shared>> -> memref<10240x16xf32, #tpu.memory_space<vmem_shared>>
    tpu.wait_indirect_dma semaphore(%arg9 : memref<!tpu.dma_semaphore, #tpu.memory_space<semaphore_mem>>) src(%dma_wait3A_245 : memref<128x16xf32, #tpu.memory_space<vmem>>) dst(%dma_wait3A_251 : memref<10240x16xf32, #tpu.memory_space<vmem_shared>>)
    %dma_wait3A_252 = arith.constant 17 : i32
    %dma_wait3A_253 = arith.constant 17 : i32
    %dma_wait3A_254 = arith.constant 1 : i32
    %dma_wait3A_255 = arith.constant 0 : i32
    %dma_wait3A_256 = arith.constant 0 : i32
    %dma_wait3A_257 = tpu.memref_slice %arg7[%dma_wait3A_252, %dma_wait3A_255, %dma_wait3A_256] : memref<26x128x16xf32, #tpu.memory_space<vmem>> -> memref<1x128x16xf32, #tpu.memory_space<vmem>>
    %dma_wait3A_258 = tpu.memref_squeeze %dma_wait3A_257 : memref<1x128x16xf32, #tpu.memory_space<vmem>> -> memref<128x16xf32, #tpu.memory_space<vmem>>
    %dma_wait3A_259 = arith.constant 0 : i32
    %dma_wait3A_260 = tpu.memref_slice %arg6[%dma_wait3A_253, %dma_wait3A_254, %dma_wait3A_259] : memref<79x2x128xi32, #tpu.memory_space<vmem>> -> memref<1x1x128xi32, #tpu.memory_space<vmem>>
    %dma_wait3A_261 = tpu.memref_squeeze %dma_wait3A_260 : memref<1x1x128xi32, #tpu.memory_space<vmem>> -> memref<128xi32, #tpu.memory_space<vmem>>
    %dma_wait3A_262 = arith.constant 0 : i32
    %dma_wait3A_263 = arith.constant 0 : i32
    %dma_wait3A_264 = tpu.memref_slice %arg5[%dma_wait3A_262, %dma_wait3A_263] : memref<10240x16xf32, #tpu.memory_space<vmem_shared>> -> memref<10240x16xf32, #tpu.memory_space<vmem_shared>>
    tpu.wait_indirect_dma semaphore(%arg9 : memref<!tpu.dma_semaphore, #tpu.memory_space<semaphore_mem>>) src(%dma_wait3A_258 : memref<128x16xf32, #tpu.memory_space<vmem>>) dst(%dma_wait3A_264 : memref<10240x16xf32, #tpu.memory_space<vmem_shared>>)
    %dma_wait3A_265 = arith.constant 18 : i32
    %dma_wait3A_266 = arith.constant 18 : i32
    %dma_wait3A_267 = arith.constant 1 : i32
    %dma_wait3A_268 = arith.constant 0 : i32
    %dma_wait3A_269 = arith.constant 0 : i32
    %dma_wait3A_270 = tpu.memref_slice %arg7[%dma_wait3A_265, %dma_wait3A_268, %dma_wait3A_269] : memref<26x128x16xf32, #tpu.memory_space<vmem>> -> memref<1x128x16xf32, #tpu.memory_space<vmem>>
    %dma_wait3A_271 = tpu.memref_squeeze %dma_wait3A_270 : memref<1x128x16xf32, #tpu.memory_space<vmem>> -> memref<128x16xf32, #tpu.memory_space<vmem>>
    %dma_wait3A_272 = arith.constant 0 : i32
    %dma_wait3A_273 = tpu.memref_slice %arg6[%dma_wait3A_266, %dma_wait3A_267, %dma_wait3A_272] : memref<79x2x128xi32, #tpu.memory_space<vmem>> -> memref<1x1x128xi32, #tpu.memory_space<vmem>>
    %dma_wait3A_274 = tpu.memref_squeeze %dma_wait3A_273 : memref<1x1x128xi32, #tpu.memory_space<vmem>> -> memref<128xi32, #tpu.memory_space<vmem>>
    %dma_wait3A_275 = arith.constant 0 : i32
    %dma_wait3A_276 = arith.constant 0 : i32
    %dma_wait3A_277 = tpu.memref_slice %arg5[%dma_wait3A_275, %dma_wait3A_276] : memref<10240x16xf32, #tpu.memory_space<vmem_shared>> -> memref<10240x16xf32, #tpu.memory_space<vmem_shared>>
    tpu.wait_indirect_dma semaphore(%arg9 : memref<!tpu.dma_semaphore, #tpu.memory_space<semaphore_mem>>) src(%dma_wait3A_271 : memref<128x16xf32, #tpu.memory_space<vmem>>) dst(%dma_wait3A_277 : memref<10240x16xf32, #tpu.memory_space<vmem_shared>>)
    %dma_wait3A_278 = arith.constant 19 : i32
    %dma_wait3A_279 = arith.constant 19 : i32
    %dma_wait3A_280 = arith.constant 1 : i32
    %dma_wait3A_281 = arith.constant 0 : i32
    %dma_wait3A_282 = arith.constant 0 : i32
    %dma_wait3A_283 = tpu.memref_slice %arg7[%dma_wait3A_278, %dma_wait3A_281, %dma_wait3A_282] : memref<26x128x16xf32, #tpu.memory_space<vmem>> -> memref<1x128x16xf32, #tpu.memory_space<vmem>>
    %dma_wait3A_284 = tpu.memref_squeeze %dma_wait3A_283 : memref<1x128x16xf32, #tpu.memory_space<vmem>> -> memref<128x16xf32, #tpu.memory_space<vmem>>
    %dma_wait3A_285 = arith.constant 0 : i32
    %dma_wait3A_286 = tpu.memref_slice %arg6[%dma_wait3A_279, %dma_wait3A_280, %dma_wait3A_285] : memref<79x2x128xi32, #tpu.memory_space<vmem>> -> memref<1x1x128xi32, #tpu.memory_space<vmem>>
    %dma_wait3A_287 = tpu.memref_squeeze %dma_wait3A_286 : memref<1x1x128xi32, #tpu.memory_space<vmem>> -> memref<128xi32, #tpu.memory_space<vmem>>
    %dma_wait3A_288 = arith.constant 0 : i32
    %dma_wait3A_289 = arith.constant 0 : i32
    %dma_wait3A_290 = tpu.memref_slice %arg5[%dma_wait3A_288, %dma_wait3A_289] : memref<10240x16xf32, #tpu.memory_space<vmem_shared>> -> memref<10240x16xf32, #tpu.memory_space<vmem_shared>>
    tpu.wait_indirect_dma semaphore(%arg9 : memref<!tpu.dma_semaphore, #tpu.memory_space<semaphore_mem>>) src(%dma_wait3A_284 : memref<128x16xf32, #tpu.memory_space<vmem>>) dst(%dma_wait3A_290 : memref<10240x16xf32, #tpu.memory_space<vmem_shared>>)
    %dma_wait3A_291 = arith.constant 20 : i32
    %dma_wait3A_292 = arith.constant 20 : i32
    %dma_wait3A_293 = arith.constant 1 : i32
    %dma_wait3A_294 = arith.constant 0 : i32
    %dma_wait3A_295 = arith.constant 0 : i32
    %dma_wait3A_296 = tpu.memref_slice %arg7[%dma_wait3A_291, %dma_wait3A_294, %dma_wait3A_295] : memref<26x128x16xf32, #tpu.memory_space<vmem>> -> memref<1x128x16xf32, #tpu.memory_space<vmem>>
    %dma_wait3A_297 = tpu.memref_squeeze %dma_wait3A_296 : memref<1x128x16xf32, #tpu.memory_space<vmem>> -> memref<128x16xf32, #tpu.memory_space<vmem>>
    %dma_wait3A_298 = arith.constant 0 : i32
    %dma_wait3A_299 = tpu.memref_slice %arg6[%dma_wait3A_292, %dma_wait3A_293, %dma_wait3A_298] : memref<79x2x128xi32, #tpu.memory_space<vmem>> -> memref<1x1x128xi32, #tpu.memory_space<vmem>>
    %dma_wait3A_300 = tpu.memref_squeeze %dma_wait3A_299 : memref<1x1x128xi32, #tpu.memory_space<vmem>> -> memref<128xi32, #tpu.memory_space<vmem>>
    %dma_wait3A_301 = arith.constant 0 : i32
    %dma_wait3A_302 = arith.constant 0 : i32
    %dma_wait3A_303 = tpu.memref_slice %arg5[%dma_wait3A_301, %dma_wait3A_302] : memref<10240x16xf32, #tpu.memory_space<vmem_shared>> -> memref<10240x16xf32, #tpu.memory_space<vmem_shared>>
    tpu.wait_indirect_dma semaphore(%arg9 : memref<!tpu.dma_semaphore, #tpu.memory_space<semaphore_mem>>) src(%dma_wait3A_297 : memref<128x16xf32, #tpu.memory_space<vmem>>) dst(%dma_wait3A_303 : memref<10240x16xf32, #tpu.memory_space<vmem_shared>>)
    %dma_wait3A_304 = arith.constant 21 : i32
    %dma_wait3A_305 = arith.constant 21 : i32
    %dma_wait3A_306 = arith.constant 1 : i32
    %dma_wait3A_307 = arith.constant 0 : i32
    %dma_wait3A_308 = arith.constant 0 : i32
    %dma_wait3A_309 = tpu.memref_slice %arg7[%dma_wait3A_304, %dma_wait3A_307, %dma_wait3A_308] : memref<26x128x16xf32, #tpu.memory_space<vmem>> -> memref<1x128x16xf32, #tpu.memory_space<vmem>>
    %dma_wait3A_310 = tpu.memref_squeeze %dma_wait3A_309 : memref<1x128x16xf32, #tpu.memory_space<vmem>> -> memref<128x16xf32, #tpu.memory_space<vmem>>
    %dma_wait3A_311 = arith.constant 0 : i32
    %dma_wait3A_312 = tpu.memref_slice %arg6[%dma_wait3A_305, %dma_wait3A_306, %dma_wait3A_311] : memref<79x2x128xi32, #tpu.memory_space<vmem>> -> memref<1x1x128xi32, #tpu.memory_space<vmem>>
    %dma_wait3A_313 = tpu.memref_squeeze %dma_wait3A_312 : memref<1x1x128xi32, #tpu.memory_space<vmem>> -> memref<128xi32, #tpu.memory_space<vmem>>
    %dma_wait3A_314 = arith.constant 0 : i32
    %dma_wait3A_315 = arith.constant 0 : i32
    %dma_wait3A_316 = tpu.memref_slice %arg5[%dma_wait3A_314, %dma_wait3A_315] : memref<10240x16xf32, #tpu.memory_space<vmem_shared>> -> memref<10240x16xf32, #tpu.memory_space<vmem_shared>>
    tpu.wait_indirect_dma semaphore(%arg9 : memref<!tpu.dma_semaphore, #tpu.memory_space<semaphore_mem>>) src(%dma_wait3A_310 : memref<128x16xf32, #tpu.memory_space<vmem>>) dst(%dma_wait3A_316 : memref<10240x16xf32, #tpu.memory_space<vmem_shared>>)
    %dma_wait3A_317 = arith.constant 22 : i32
    %dma_wait3A_318 = arith.constant 22 : i32
    %dma_wait3A_319 = arith.constant 1 : i32
    %dma_wait3A_320 = arith.constant 0 : i32
    %dma_wait3A_321 = arith.constant 0 : i32
    %dma_wait3A_322 = tpu.memref_slice %arg7[%dma_wait3A_317, %dma_wait3A_320, %dma_wait3A_321] : memref<26x128x16xf32, #tpu.memory_space<vmem>> -> memref<1x128x16xf32, #tpu.memory_space<vmem>>
    %dma_wait3A_323 = tpu.memref_squeeze %dma_wait3A_322 : memref<1x128x16xf32, #tpu.memory_space<vmem>> -> memref<128x16xf32, #tpu.memory_space<vmem>>
    %dma_wait3A_324 = arith.constant 0 : i32
    %dma_wait3A_325 = tpu.memref_slice %arg6[%dma_wait3A_318, %dma_wait3A_319, %dma_wait3A_324] : memref<79x2x128xi32, #tpu.memory_space<vmem>> -> memref<1x1x128xi32, #tpu.memory_space<vmem>>
    %dma_wait3A_326 = tpu.memref_squeeze %dma_wait3A_325 : memref<1x1x128xi32, #tpu.memory_space<vmem>> -> memref<128xi32, #tpu.memory_space<vmem>>
    %dma_wait3A_327 = arith.constant 0 : i32
    %dma_wait3A_328 = arith.constant 0 : i32
    %dma_wait3A_329 = tpu.memref_slice %arg5[%dma_wait3A_327, %dma_wait3A_328] : memref<10240x16xf32, #tpu.memory_space<vmem_shared>> -> memref<10240x16xf32, #tpu.memory_space<vmem_shared>>
    tpu.wait_indirect_dma semaphore(%arg9 : memref<!tpu.dma_semaphore, #tpu.memory_space<semaphore_mem>>) src(%dma_wait3A_323 : memref<128x16xf32, #tpu.memory_space<vmem>>) dst(%dma_wait3A_329 : memref<10240x16xf32, #tpu.memory_space<vmem_shared>>)
    %dma_wait3A_330 = arith.constant 23 : i32
    %dma_wait3A_331 = arith.constant 23 : i32
    %dma_wait3A_332 = arith.constant 1 : i32
    %dma_wait3A_333 = arith.constant 0 : i32
    %dma_wait3A_334 = arith.constant 0 : i32
    %dma_wait3A_335 = tpu.memref_slice %arg7[%dma_wait3A_330, %dma_wait3A_333, %dma_wait3A_334] : memref<26x128x16xf32, #tpu.memory_space<vmem>> -> memref<1x128x16xf32, #tpu.memory_space<vmem>>
    %dma_wait3A_336 = tpu.memref_squeeze %dma_wait3A_335 : memref<1x128x16xf32, #tpu.memory_space<vmem>> -> memref<128x16xf32, #tpu.memory_space<vmem>>
    %dma_wait3A_337 = arith.constant 0 : i32
    %dma_wait3A_338 = tpu.memref_slice %arg6[%dma_wait3A_331, %dma_wait3A_332, %dma_wait3A_337] : memref<79x2x128xi32, #tpu.memory_space<vmem>> -> memref<1x1x128xi32, #tpu.memory_space<vmem>>
    %dma_wait3A_339 = tpu.memref_squeeze %dma_wait3A_338 : memref<1x1x128xi32, #tpu.memory_space<vmem>> -> memref<128xi32, #tpu.memory_space<vmem>>
    %dma_wait3A_340 = arith.constant 0 : i32
    %dma_wait3A_341 = arith.constant 0 : i32
    %dma_wait3A_342 = tpu.memref_slice %arg5[%dma_wait3A_340, %dma_wait3A_341] : memref<10240x16xf32, #tpu.memory_space<vmem_shared>> -> memref<10240x16xf32, #tpu.memory_space<vmem_shared>>
    tpu.wait_indirect_dma semaphore(%arg9 : memref<!tpu.dma_semaphore, #tpu.memory_space<semaphore_mem>>) src(%dma_wait3A_336 : memref<128x16xf32, #tpu.memory_space<vmem>>) dst(%dma_wait3A_342 : memref<10240x16xf32, #tpu.memory_space<vmem_shared>>)
    %dma_wait3A_343 = arith.constant 24 : i32
    %dma_wait3A_344 = arith.constant 24 : i32
    %dma_wait3A_345 = arith.constant 1 : i32
    %dma_wait3A_346 = arith.constant 0 : i32
    %dma_wait3A_347 = arith.constant 0 : i32
    %dma_wait3A_348 = tpu.memref_slice %arg7[%dma_wait3A_343, %dma_wait3A_346, %dma_wait3A_347] : memref<26x128x16xf32, #tpu.memory_space<vmem>> -> memref<1x128x16xf32, #tpu.memory_space<vmem>>
    %dma_wait3A_349 = tpu.memref_squeeze %dma_wait3A_348 : memref<1x128x16xf32, #tpu.memory_space<vmem>> -> memref<128x16xf32, #tpu.memory_space<vmem>>
    %dma_wait3A_350 = arith.constant 0 : i32
    %dma_wait3A_351 = tpu.memref_slice %arg6[%dma_wait3A_344, %dma_wait3A_345, %dma_wait3A_350] : memref<79x2x128xi32, #tpu.memory_space<vmem>> -> memref<1x1x128xi32, #tpu.memory_space<vmem>>
    %dma_wait3A_352 = tpu.memref_squeeze %dma_wait3A_351 : memref<1x1x128xi32, #tpu.memory_space<vmem>> -> memref<128xi32, #tpu.memory_space<vmem>>
    %dma_wait3A_353 = arith.constant 0 : i32
    %dma_wait3A_354 = arith.constant 0 : i32
    %dma_wait3A_355 = tpu.memref_slice %arg5[%dma_wait3A_353, %dma_wait3A_354] : memref<10240x16xf32, #tpu.memory_space<vmem_shared>> -> memref<10240x16xf32, #tpu.memory_space<vmem_shared>>
    tpu.wait_indirect_dma semaphore(%arg9 : memref<!tpu.dma_semaphore, #tpu.memory_space<semaphore_mem>>) src(%dma_wait3A_349 : memref<128x16xf32, #tpu.memory_space<vmem>>) dst(%dma_wait3A_355 : memref<10240x16xf32, #tpu.memory_space<vmem_shared>>)
    %dma_wait3A_356 = arith.constant 25 : i32
    %dma_wait3A_357 = arith.constant 25 : i32
    %dma_wait3A_358 = arith.constant 1 : i32
    %dma_wait3A_359 = arith.constant 0 : i32
    %dma_wait3A_360 = arith.constant 0 : i32
    %dma_wait3A_361 = tpu.memref_slice %arg7[%dma_wait3A_356, %dma_wait3A_359, %dma_wait3A_360] : memref<26x128x16xf32, #tpu.memory_space<vmem>> -> memref<1x128x16xf32, #tpu.memory_space<vmem>>
    %dma_wait3A_362 = tpu.memref_squeeze %dma_wait3A_361 : memref<1x128x16xf32, #tpu.memory_space<vmem>> -> memref<128x16xf32, #tpu.memory_space<vmem>>
    %dma_wait3A_363 = arith.constant 0 : i32
    %dma_wait3A_364 = tpu.memref_slice %arg6[%dma_wait3A_357, %dma_wait3A_358, %dma_wait3A_363] : memref<79x2x128xi32, #tpu.memory_space<vmem>> -> memref<1x1x128xi32, #tpu.memory_space<vmem>>
    %dma_wait3A_365 = tpu.memref_squeeze %dma_wait3A_364 : memref<1x1x128xi32, #tpu.memory_space<vmem>> -> memref<128xi32, #tpu.memory_space<vmem>>
    %dma_wait3A_366 = arith.constant 0 : i32
    %dma_wait3A_367 = arith.constant 0 : i32
    %dma_wait3A_368 = tpu.memref_slice %arg5[%dma_wait3A_366, %dma_wait3A_367] : memref<10240x16xf32, #tpu.memory_space<vmem_shared>> -> memref<10240x16xf32, #tpu.memory_space<vmem_shared>>
    tpu.wait_indirect_dma semaphore(%arg9 : memref<!tpu.dma_semaphore, #tpu.memory_space<semaphore_mem>>) src(%dma_wait3A_362 : memref<128x16xf32, #tpu.memory_space<vmem>>) dst(%dma_wait3A_368 : memref<10240x16xf32, #tpu.memory_space<vmem_shared>>)
    %sub3A = arith.constant 78 : i32
    %sub3A_369 = arith.subi %add3A_22, %sub3A : i32
    %while3A = arith.constant 0 : i32
    %while3A_370 = arith.constant 0 : i32
    %while3A_371 = arith.subi %sub3A_369, %while3A_370 : i32
    %while3A_372 = arith.addi %while3A_370, %while3A_371 : i32
    %while3A_373 = arith.constant 1 : i32
    %while3A_374 = arith.divsi %while3A_371, %while3A_373 : i32
    %while3A_375 = arith.muli %while3A_374, %while3A_373 : i32
    %while3A_376 = arith.addi %while3A_370, %while3A_375 : i32
    %while3A_377 = arith.constant 1 : i32
    scf.for %while3A_384 = %while3A_370 to %while3A_376 step %while3A_377  : i32 {
      %add3A_385 = arith.constant 78 : i32
      %add3A_386 = arith.addi %add3A_385, %while3A_384 : i32
      %dma_start3A = arith.constant 0 : i32
      %dma_start3A_387 = arith.constant 0 : i32
      %dma_start3A_388 = arith.constant 0 : i32
      %dma_start3A_389 = arith.constant 0 : i32
      %dma_start3A_390 = tpu.memref_slice %arg7[%dma_start3A_387, %dma_start3A_388, %dma_start3A_389] : memref<26x128x16xf32, #tpu.memory_space<vmem>> -> memref<1x128x16xf32, #tpu.memory_space<vmem>>
      %dma_start3A_391 = tpu.memref_squeeze %dma_start3A_390 : memref<1x128x16xf32, #tpu.memory_space<vmem>> -> memref<128x16xf32, #tpu.memory_space<vmem>>
      %dma_start3A_392 = arith.constant 0 : i32
      %dma_start3A_393 = tpu.memref_slice %arg6[%add3A_386, %dma_start3A, %dma_start3A_392] : memref<79x2x128xi32, #tpu.memory_space<vmem>> -> memref<1x1x128xi32, #tpu.memory_space<vmem>>
      %dma_start3A_394 = tpu.memref_squeeze %dma_start3A_393 : memref<1x1x128xi32, #tpu.memory_space<vmem>> -> memref<128xi32, #tpu.memory_space<vmem>>
      %dma_start3A_395 = arith.constant 0 : i32
      %dma_start3A_396 = arith.constant 0 : i32
      %dma_start3A_397 = tpu.memref_slice %arg2[%dma_start3A_395, %dma_start3A_396] : memref<10240x16xf32, #tpu.memory_space<hbm>> -> memref<10240x16xf32, #tpu.memory_space<hbm>>
      tpu.enqueue_indirect_dma source(%dma_start3A_397 : memref<10240x16xf32, #tpu.memory_space<hbm>>) target(%dma_start3A_391 : memref<128x16xf32, #tpu.memory_space<vmem>>) offsets(%dma_start3A_394 : memref<128xi32, #tpu.memory_space<vmem>>) semaphore(%arg8 : memref<!tpu.dma_semaphore, #tpu.memory_space<semaphore_mem>>)
      %dma_wait3A_398 = arith.constant 0 : i32
      %dma_wait3A_399 = arith.constant 0 : i32
      %dma_wait3A_400 = arith.constant 0 : i32
      %dma_wait3A_401 = arith.constant 0 : i32
      %dma_wait3A_402 = tpu.memref_slice %arg7[%dma_wait3A_399, %dma_wait3A_400, %dma_wait3A_401] : memref<26x128x16xf32, #tpu.memory_space<vmem>> -> memref<1x128x16xf32, #tpu.memory_space<vmem>>
      %dma_wait3A_403 = tpu.memref_squeeze %dma_wait3A_402 : memref<1x128x16xf32, #tpu.memory_space<vmem>> -> memref<128x16xf32, #tpu.memory_space<vmem>>
      %dma_wait3A_404 = arith.constant 0 : i32
      %dma_wait3A_405 = tpu.memref_slice %arg6[%add3A_386, %dma_wait3A_398, %dma_wait3A_404] : memref<79x2x128xi32, #tpu.memory_space<vmem>> -> memref<1x1x128xi32, #tpu.memory_space<vmem>>
      %dma_wait3A_406 = tpu.memref_squeeze %dma_wait3A_405 : memref<1x1x128xi32, #tpu.memory_space<vmem>> -> memref<128xi32, #tpu.memory_space<vmem>>
      %dma_wait3A_407 = arith.constant 0 : i32
      %dma_wait3A_408 = arith.constant 0 : i32
      %dma_wait3A_409 = tpu.memref_slice %arg2[%dma_wait3A_407, %dma_wait3A_408] : memref<10240x16xf32, #tpu.memory_space<hbm>> -> memref<10240x16xf32, #tpu.memory_space<hbm>>
      tpu.wait_indirect_dma semaphore(%arg8 : memref<!tpu.dma_semaphore, #tpu.memory_space<semaphore_mem>>) src(%dma_wait3A_409 : memref<10240x16xf32, #tpu.memory_space<hbm>>) dst(%dma_wait3A_403 : memref<128x16xf32, #tpu.memory_space<vmem>>)
      %run_scoped3A = arith.constant 0 : i32
      %run_scoped3A_410 = arith.constant 1 : i32
      "tpu.region"() ({
        %run_scoped3A_411 = tpu.sem_alloc : memref<!tpu.dma_semaphore, #tpu.memory_space<semaphore_mem>>
        %dma_start3A_412 = arith.constant 0 : i32
        %dma_start3A_413 = arith.constant 0 : i32
        %dma_start3A_414 = tpu.memref_slice %arg7[%run_scoped3A, %dma_start3A_412, %dma_start3A_413] : memref<26x128x16xf32, #tpu.memory_space<vmem>> -> memref<1x128x16xf32, #tpu.memory_space<vmem>>
        %dma_start3A_415 = tpu.memref_squeeze %dma_start3A_414 : memref<1x128x16xf32, #tpu.memory_space<vmem>> -> memref<128x16xf32, #tpu.memory_space<vmem>>
        %dma_start3A_416 = arith.constant 0 : i32
        %dma_start3A_417 = tpu.memref_slice %arg6[%add3A_386, %run_scoped3A_410, %dma_start3A_416] : memref<79x2x128xi32, #tpu.memory_space<vmem>> -> memref<1x1x128xi32, #tpu.memory_space<vmem>>
        %dma_start3A_418 = tpu.memref_squeeze %dma_start3A_417 : memref<1x1x128xi32, #tpu.memory_space<vmem>> -> memref<128xi32, #tpu.memory_space<vmem>>
        %dma_start3A_419 = arith.constant 0 : i32
        %dma_start3A_420 = arith.constant 0 : i32
        %dma_start3A_421 = tpu.memref_slice %arg5[%dma_start3A_419, %dma_start3A_420] : memref<10240x16xf32, #tpu.memory_space<vmem_shared>> -> memref<10240x16xf32, #tpu.memory_space<vmem_shared>>
        tpu.enqueue_indirect_dma source(%dma_start3A_415 : memref<128x16xf32, #tpu.memory_space<vmem>>) target(%dma_start3A_421 : memref<10240x16xf32, #tpu.memory_space<vmem_shared>>) offsets(%dma_start3A_418 : memref<128xi32, #tpu.memory_space<vmem>>) semaphore(%run_scoped3A_411 : memref<!tpu.dma_semaphore, #tpu.memory_space<semaphore_mem>>) {add = true}
        %dma_wait3A_422 = arith.constant 0 : i32
        %dma_wait3A_423 = arith.constant 0 : i32
        %dma_wait3A_424 = tpu.memref_slice %arg7[%run_scoped3A, %dma_wait3A_422, %dma_wait3A_423] : memref<26x128x16xf32, #tpu.memory_space<vmem>> -> memref<1x128x16xf32, #tpu.memory_space<vmem>>
        %dma_wait3A_425 = tpu.memref_squeeze %dma_wait3A_424 : memref<1x128x16xf32, #tpu.memory_space<vmem>> -> memref<128x16xf32, #tpu.memory_space<vmem>>
        %dma_wait3A_426 = arith.constant 0 : i32
        %dma_wait3A_427 = tpu.memref_slice %arg6[%add3A_386, %run_scoped3A_410, %dma_wait3A_426] : memref<79x2x128xi32, #tpu.memory_space<vmem>> -> memref<1x1x128xi32, #tpu.memory_space<vmem>>
        %dma_wait3A_428 = tpu.memref_squeeze %dma_wait3A_427 : memref<1x1x128xi32, #tpu.memory_space<vmem>> -> memref<128xi32, #tpu.memory_space<vmem>>
        %dma_wait3A_429 = arith.constant 0 : i32
        %dma_wait3A_430 = arith.constant 0 : i32
        %dma_wait3A_431 = tpu.memref_slice %arg5[%dma_wait3A_429, %dma_wait3A_430] : memref<10240x16xf32, #tpu.memory_space<vmem_shared>> -> memref<10240x16xf32, #tpu.memory_space<vmem_shared>>
        tpu.wait_indirect_dma semaphore(%run_scoped3A_411 : memref<!tpu.dma_semaphore, #tpu.memory_space<semaphore_mem>>) src(%dma_wait3A_425 : memref<128x16xf32, #tpu.memory_space<vmem>>) dst(%dma_wait3A_431 : memref<10240x16xf32, #tpu.memory_space<vmem_shared>>)
        tpu.yield
      }) : () -> ()
    }
    %while3A_378 = arith.constant 1 : i32
    scf.for %while3A_384 = %while3A_376 to %while3A_372 step %while3A_378  : i32 {
      %add3A_385 = arith.constant 78 : i32
      %add3A_386 = arith.addi %add3A_385, %while3A_384 : i32
      %dma_start3A = arith.constant 0 : i32
      %dma_start3A_387 = arith.constant 0 : i32
      %dma_start3A_388 = arith.constant 0 : i32
      %dma_start3A_389 = arith.constant 0 : i32
      %dma_start3A_390 = tpu.memref_slice %arg7[%dma_start3A_387, %dma_start3A_388, %dma_start3A_389] : memref<26x128x16xf32, #tpu.memory_space<vmem>> -> memref<1x128x16xf32, #tpu.memory_space<vmem>>
      %dma_start3A_391 = tpu.memref_squeeze %dma_start3A_390 : memref<1x128x16xf32, #tpu.memory_space<vmem>> -> memref<128x16xf32, #tpu.memory_space<vmem>>
      %dma_start3A_392 = arith.constant 0 : i32
      %dma_start3A_393 = tpu.memref_slice %arg6[%add3A_386, %dma_start3A, %dma_start3A_392] : memref<79x2x128xi32, #tpu.memory_space<vmem>> -> memref<1x1x128xi32, #tpu.memory_space<vmem>>
      %dma_start3A_394 = tpu.memref_squeeze %dma_start3A_393 : memref<1x1x128xi32, #tpu.memory_space<vmem>> -> memref<128xi32, #tpu.memory_space<vmem>>
      %dma_start3A_395 = arith.constant 0 : i32
      %dma_start3A_396 = arith.constant 0 : i32
      %dma_start3A_397 = tpu.memref_slice %arg2[%dma_start3A_395, %dma_start3A_396] : memref<10240x16xf32, #tpu.memory_space<hbm>> -> memref<10240x16xf32, #tpu.memory_space<hbm>>
      tpu.enqueue_indirect_dma source(%dma_start3A_397 : memref<10240x16xf32, #tpu.memory_space<hbm>>) target(%dma_start3A_391 : memref<128x16xf32, #tpu.memory_space<vmem>>) offsets(%dma_start3A_394 : memref<128xi32, #tpu.memory_space<vmem>>) semaphore(%arg8 : memref<!tpu.dma_semaphore, #tpu.memory_space<semaphore_mem>>)
      %dma_wait3A_398 = arith.constant 0 : i32
      %dma_wait3A_399 = arith.constant 0 : i32
      %dma_wait3A_400 = arith.constant 0 : i32
      %dma_wait3A_401 = arith.constant 0 : i32
      %dma_wait3A_402 = tpu.memref_slice %arg7[%dma_wait3A_399, %dma_wait3A_400, %dma_wait3A_401] : memref<26x128x16xf32, #tpu.memory_space<vmem>> -> memref<1x128x16xf32, #tpu.memory_space<vmem>>
      %dma_wait3A_403 = tpu.memref_squeeze %dma_wait3A_402 : memref<1x128x16xf32, #tpu.memory_space<vmem>> -> memref<128x16xf32, #tpu.memory_space<vmem>>
      %dma_wait3A_404 = arith.constant 0 : i32
      %dma_wait3A_405 = tpu.memref_slice %arg6[%add3A_386, %dma_wait3A_398, %dma_wait3A_404] : memref<79x2x128xi32, #tpu.memory_space<vmem>> -> memref<1x1x128xi32, #tpu.memory_space<vmem>>
      %dma_wait3A_406 = tpu.memref_squeeze %dma_wait3A_405 : memref<1x1x128xi32, #tpu.memory_space<vmem>> -> memref<128xi32, #tpu.memory_space<vmem>>
      %dma_wait3A_407 = arith.constant 0 : i32
      %dma_wait3A_408 = arith.constant 0 : i32
      %dma_wait3A_409 = tpu.memref_slice %arg2[%dma_wait3A_407, %dma_wait3A_408] : memref<10240x16xf32, #tpu.memory_space<hbm>> -> memref<10240x16xf32, #tpu.memory_space<hbm>>
      tpu.wait_indirect_dma semaphore(%arg8 : memref<!tpu.dma_semaphore, #tpu.memory_space<semaphore_mem>>) src(%dma_wait3A_409 : memref<10240x16xf32, #tpu.memory_space<hbm>>) dst(%dma_wait3A_403 : memref<128x16xf32, #tpu.memory_space<vmem>>)
      %run_scoped3A = arith.constant 0 : i32
      %run_scoped3A_410 = arith.constant 1 : i32
      "tpu.region"() ({
        %run_scoped3A_411 = tpu.sem_alloc : memref<!tpu.dma_semaphore, #tpu.memory_space<semaphore_mem>>
        %dma_start3A_412 = arith.constant 0 : i32
        %dma_start3A_413 = arith.constant 0 : i32
        %dma_start3A_414 = tpu.memref_slice %arg7[%run_scoped3A, %dma_start3A_412, %dma_start3A_413] : memref<26x128x16xf32, #tpu.memory_space<vmem>> -> memref<1x128x16xf32, #tpu.memory_space<vmem>>
        %dma_start3A_415 = tpu.memref_squeeze %dma_start3A_414 : memref<1x128x16xf32, #tpu.memory_space<vmem>> -> memref<128x16xf32, #tpu.memory_space<vmem>>
        %dma_start3A_416 = arith.constant 0 : i32
        %dma_start3A_417 = tpu.memref_slice %arg6[%add3A_386, %run_scoped3A_410, %dma_start3A_416] : memref<79x2x128xi32, #tpu.memory_space<vmem>> -> memref<1x1x128xi32, #tpu.memory_space<vmem>>
        %dma_start3A_418 = tpu.memref_squeeze %dma_start3A_417 : memref<1x1x128xi32, #tpu.memory_space<vmem>> -> memref<128xi32, #tpu.memory_space<vmem>>
        %dma_start3A_419 = arith.constant 0 : i32
        %dma_start3A_420 = arith.constant 0 : i32
        %dma_start3A_421 = tpu.memref_slice %arg5[%dma_start3A_419, %dma_start3A_420] : memref<10240x16xf32, #tpu.memory_space<vmem_shared>> -> memref<10240x16xf32, #tpu.memory_space<vmem_shared>>
        tpu.enqueue_indirect_dma source(%dma_start3A_415 : memref<128x16xf32, #tpu.memory_space<vmem>>) target(%dma_start3A_421 : memref<10240x16xf32, #tpu.memory_space<vmem_shared>>) offsets(%dma_start3A_418 : memref<128xi32, #tpu.memory_space<vmem>>) semaphore(%run_scoped3A_411 : memref<!tpu.dma_semaphore, #tpu.memory_space<semaphore_mem>>) {add = true}
        %dma_wait3A_422 = arith.constant 0 : i32
        %dma_wait3A_423 = arith.constant 0 : i32
        %dma_wait3A_424 = tpu.memref_slice %arg7[%run_scoped3A, %dma_wait3A_422, %dma_wait3A_423] : memref<26x128x16xf32, #tpu.memory_space<vmem>> -> memref<1x128x16xf32, #tpu.memory_space<vmem>>
        %dma_wait3A_425 = tpu.memref_squeeze %dma_wait3A_424 : memref<1x128x16xf32, #tpu.memory_space<vmem>> -> memref<128x16xf32, #tpu.memory_space<vmem>>
        %dma_wait3A_426 = arith.constant 0 : i32
        %dma_wait3A_427 = tpu.memref_slice %arg6[%add3A_386, %run_scoped3A_410, %dma_wait3A_426] : memref<79x2x128xi32, #tpu.memory_space<vmem>> -> memref<1x1x128xi32, #tpu.memory_space<vmem>>
        %dma_wait3A_428 = tpu.memref_squeeze %dma_wait3A_427 : memref<1x1x128xi32, #tpu.memory_space<vmem>> -> memref<128xi32, #tpu.memory_space<vmem>>
        %dma_wait3A_429 = arith.constant 0 : i32
        %dma_wait3A_430 = arith.constant 0 : i32
        %dma_wait3A_431 = tpu.memref_slice %arg5[%dma_wait3A_429, %dma_wait3A_430] : memref<10240x16xf32, #tpu.memory_space<vmem_shared>> -> memref<10240x16xf32, #tpu.memory_space<vmem_shared>>
        tpu.wait_indirect_dma semaphore(%run_scoped3A_411 : memref<!tpu.dma_semaphore, #tpu.memory_space<semaphore_mem>>) src(%dma_wait3A_425 : memref<128x16xf32, #tpu.memory_space<vmem>>) dst(%dma_wait3A_431 : memref<10240x16xf32, #tpu.memory_space<vmem_shared>>)
        tpu.yield
      }) : () -> ()
    }
    %barrier3A_379 = arith.constant 0 : index
    tpu.barrier barrier_id(%barrier3A_379)
    %mul3A_380 = arith.constant 640 : i32
    %mul3A_381 = arith.muli %arg1, %mul3A_380 : i32
    %mul3A_382 = arith.constant 640 : i32
    %mul3A_383 = arith.muli %arg1, %mul3A_382 : i32
    "tpu.region"() ({
      %run_scoped3A = tpu.sem_alloc : memref<!tpu.dma_semaphore, #tpu.memory_space<semaphore_mem>>
      %dma_start3A = arith.constant 0 : i32
      %dma_start3A_384 = tpu.memref_slice %arg4[%arg0, %mul3A_383, %dma_start3A] : memref<2x10240x16xf32, #tpu.memory_space<hbm>> -> memref<1x640x16xf32, #tpu.memory_space<hbm>>
      %dma_start3A_385 = tpu.memref_squeeze %dma_start3A_384 : memref<1x640x16xf32, #tpu.memory_space<hbm>> -> memref<640x16xf32, #tpu.memory_space<hbm>>
      %dma_start3A_386 = arith.constant 0 : i32
      %dma_start3A_387 = tpu.memref_slice %arg5[%mul3A_381, %dma_start3A_386] : memref<10240x16xf32, #tpu.memory_space<vmem_shared>> -> memref<640x16xf32, #tpu.memory_space<vmem_shared>>
      tpu.enqueue_dma source(%dma_start3A_387 : memref<640x16xf32, #tpu.memory_space<vmem_shared>>) target(%dma_start3A_385 : memref<640x16xf32, #tpu.memory_space<hbm>>) target_semaphore(%run_scoped3A : memref<!tpu.dma_semaphore, #tpu.memory_space<semaphore_mem>>)
      %dma_wait3A_388 = arith.constant 0 : i32
      %dma_wait3A_389 = tpu.memref_slice %arg4[%arg0, %mul3A_383, %dma_wait3A_388] : memref<2x10240x16xf32, #tpu.memory_space<hbm>> -> memref<1x640x16xf32, #tpu.memory_space<hbm>>
      %dma_wait3A_390 = tpu.memref_squeeze %dma_wait3A_389 : memref<1x640x16xf32, #tpu.memory_space<hbm>> -> memref<640x16xf32, #tpu.memory_space<hbm>>
      %dma_wait3A_391 = arith.constant 0 : i32
      %dma_wait3A_392 = tpu.memref_slice %arg5[%mul3A_381, %dma_wait3A_391] : memref<10240x16xf32, #tpu.memory_space<vmem_shared>> -> memref<640x16xf32, #tpu.memory_space<vmem_shared>>
      tpu.wait_dma2 semaphore(%run_scoped3A : memref<!tpu.dma_semaphore, #tpu.memory_space<semaphore_mem>>) src(%dma_wait3A_392 : memref<640x16xf32, #tpu.memory_space<vmem_shared>>) dst(%dma_wait3A_390 : memref<640x16xf32, #tpu.memory_space<hbm>>)
      tpu.yield
    }) : () -> ()
    return
  }
}

#map = affine_map<(d0, d1) -> (0, 0)>
#map1 = affine_map<(d0, d1) -> (0, 0, 0)>
module attributes {stable_mosaic.version = 14 : i64} {
  func.func @body(%arg0: i32, %arg1: i32, %arg2: memref<10240x64xf32, #tpu.memory_space<hbm>>, %arg3: memref<2500x2x128xi32, #tpu.memory_space<hbm>>, %arg4: memref<2x10240x64xf32, #tpu.memory_space<hbm>>, %arg5: memref<10240x64xf32, #tpu.memory_space<vmem_shared>>, %arg6: memref<79x2x128xi32, #tpu.memory_space<vmem>>, %arg7: memref<6x128x64xf32, #tpu.memory_space<vmem>>, %arg8: memref<!tpu.dma_semaphore, #tpu.memory_space<semaphore_mem>>, %arg9: memref<!tpu.dma_semaphore, #tpu.memory_space<semaphore_mem>>) attributes {dimension_semantics = [#tpu.dimension_semantics<core_parallel>, #tpu.dimension_semantics<subcore_parallel>], iteration_bounds = array<i64: 2, 16>, scalar_prefetch = 0 : i64, scratch_operands = 5 : i64, tpu.core_type = #tpu.core_type<sc_vector_subcore>, window_params = [{transform_indices = #map}, {transform_indices = #map1}, {transform_indices = #map1}]} {
    %mul3A = arith.constant 2 : i32
    %mul3A_0 = arith.muli %arg1, %mul3A : i32
    %add3A = arith.addi %mul3A_0, %arg0 : i32
    %broadcast_in_dim3A = arith.constant 0.000000e+00 : f32
    %broadcast_in_dim3A_1 = vector.broadcast %broadcast_in_dim3A : f32 to vector<16xf32>
    %scan3A = arith.constant 0 : i32
    %scan3A_2 = arith.constant 0 : i32
    %scan3A_3 = arith.constant 0 : i32
    %scan3A_4 = arith.constant 128 : i32
    %scan3A_5 = arith.addi %scan3A_3, %scan3A_4 : i32
    %scan3A_6 = arith.constant 1 : i32
    scf.for %scan3A_124 = %scan3A_3 to %scan3A_5 step %scan3A_6  : i32 {
      %swap3A = arith.constant 0 : i32
      %swap3A_125 = arith.constant 0 : i32
      %swap3A_126 = tpu.memref_slice %arg7[%scan3A_2, %swap3A, %swap3A_125] : memref<6x128x64xf32, #tpu.memory_space<vmem>> -> memref<1x128x64xf32, #tpu.memory_space<vmem>>
      %swap3A_127 = tpu.memref_squeeze %swap3A_126 : memref<1x128x64xf32, #tpu.memory_space<vmem>> -> memref<128x64xf32, #tpu.memory_space<vmem>>
      %swap3A_128 = arith.index_cast %scan3A_124 : i32 to index
      %swap3A_129 = arith.constant 0 : index
      %swap3A_130 = tpu.vector_load %swap3A_127[%swap3A_128, %swap3A_129] {strides = array<i32>} : memref<128x64xf32, #tpu.memory_space<vmem>>, vector<1x16xf32>,
      %swap3A_131 = vector.shape_cast %swap3A_130 : vector<1x16xf32> to vector<16xf32>
      %swap3A_132 = vector.shape_cast %broadcast_in_dim3A_1 : vector<16xf32> to vector<1x16xf32>
      tpu.vector_store %swap3A_127[%swap3A_128, %swap3A_129], %swap3A_132 {strides = array<i32>} : memref<128x64xf32, #tpu.memory_space<vmem>>, vector<1x16xf32>,
      %swap3A_133 = arith.constant 0 : i32
      %swap3A_134 = arith.constant 0 : i32
      %swap3A_135 = tpu.memref_slice %arg7[%scan3A_2, %swap3A_133, %swap3A_134] : memref<6x128x64xf32, #tpu.memory_space<vmem>> -> memref<1x128x64xf32, #tpu.memory_space<vmem>>
      %swap3A_136 = tpu.memref_squeeze %swap3A_135 : memref<1x128x64xf32, #tpu.memory_space<vmem>> -> memref<128x64xf32, #tpu.memory_space<vmem>>
      %swap3A_137 = arith.index_cast %scan3A_124 : i32 to index
      %swap3A_138 = arith.constant 16 : index
      %swap3A_139 = tpu.vector_load %swap3A_136[%swap3A_137, %swap3A_138] {strides = array<i32>} : memref<128x64xf32, #tpu.memory_space<vmem>>, vector<1x16xf32>,
      %swap3A_140 = vector.shape_cast %swap3A_139 : vector<1x16xf32> to vector<16xf32>
      %swap3A_141 = vector.shape_cast %broadcast_in_dim3A_1 : vector<16xf32> to vector<1x16xf32>
      tpu.vector_store %swap3A_136[%swap3A_137, %swap3A_138], %swap3A_141 {strides = array<i32>} : memref<128x64xf32, #tpu.memory_space<vmem>>, vector<1x16xf32>,
      %swap3A_142 = arith.constant 0 : i32
      %swap3A_143 = arith.constant 0 : i32
      %swap3A_144 = tpu.memref_slice %arg7[%scan3A_2, %swap3A_142, %swap3A_143] : memref<6x128x64xf32, #tpu.memory_space<vmem>> -> memref<1x128x64xf32, #tpu.memory_space<vmem>>
      %swap3A_145 = tpu.memref_squeeze %swap3A_144 : memref<1x128x64xf32, #tpu.memory_space<vmem>> -> memref<128x64xf32, #tpu.memory_space<vmem>>
      %swap3A_146 = arith.index_cast %scan3A_124 : i32 to index
      %swap3A_147 = arith.constant 32 : index
      %swap3A_148 = tpu.vector_load %swap3A_145[%swap3A_146, %swap3A_147] {strides = array<i32>} : memref<128x64xf32, #tpu.memory_space<vmem>>, vector<1x16xf32>,
      %swap3A_149 = vector.shape_cast %swap3A_148 : vector<1x16xf32> to vector<16xf32>
      %swap3A_150 = vector.shape_cast %broadcast_in_dim3A_1 : vector<16xf32> to vector<1x16xf32>
      tpu.vector_store %swap3A_145[%swap3A_146, %swap3A_147], %swap3A_150 {strides = array<i32>} : memref<128x64xf32, #tpu.memory_space<vmem>>, vector<1x16xf32>,
      %swap3A_151 = arith.constant 0 : i32
      %swap3A_152 = arith.constant 0 : i32
      %swap3A_153 = tpu.memref_slice %arg7[%scan3A_2, %swap3A_151, %swap3A_152] : memref<6x128x64xf32, #tpu.memory_space<vmem>> -> memref<1x128x64xf32, #tpu.memory_space<vmem>>
      %swap3A_154 = tpu.memref_squeeze %swap3A_153 : memref<1x128x64xf32, #tpu.memory_space<vmem>> -> memref<128x64xf32, #tpu.memory_space<vmem>>
      %swap3A_155 = arith.index_cast %scan3A_124 : i32 to index
      %swap3A_156 = arith.constant 48 : index
      %swap3A_157 = tpu.vector_load %swap3A_154[%swap3A_155, %swap3A_156] {strides = array<i32>} : memref<128x64xf32, #tpu.memory_space<vmem>>, vector<1x16xf32>,
      %swap3A_158 = vector.shape_cast %swap3A_157 : vector<1x16xf32> to vector<16xf32>
      %swap3A_159 = vector.shape_cast %broadcast_in_dim3A_1 : vector<16xf32> to vector<1x16xf32>
      tpu.vector_store %swap3A_154[%swap3A_155, %swap3A_156], %swap3A_159 {strides = array<i32>} : memref<128x64xf32, #tpu.memory_space<vmem>>, vector<1x16xf32>,
    }
    %scan3A_7 = arith.constant 128 : i32
    %scan3A_8 = arith.constant 0 : i32
    %scan3A_9 = arith.constant 0 : i32
    %scan3A_10 = arith.constant 0 : i32
    %scan3A_11 = arith.constant 5 : i32
    %scan3A_12 = arith.addi %scan3A_10, %scan3A_11 : i32
    %scan3A_13 = arith.constant 1 : i32
    scf.for %scan3A_124 = %scan3A_10 to %scan3A_12 step %scan3A_13  : i32 {
      %mul3A_125 = arith.constant 640 : i32
      %mul3A_126 = arith.muli %arg1, %mul3A_125 : i32
      %mul3A_127 = arith.constant 128 : i32
      %mul3A_128 = arith.muli %scan3A_124, %mul3A_127 : i32
      %add3A_129 = arith.addi %mul3A_126, %mul3A_128 : i32
      "tpu.region"() ({
        %run_scoped3A = tpu.sem_alloc : memref<!tpu.dma_semaphore, #tpu.memory_space<semaphore_mem>>
        %dma_start3A = arith.constant 0 : i32
        %dma_start3A_130 = arith.constant 0 : i32
        %dma_start3A_131 = tpu.memref_slice %arg7[%scan3A_9, %dma_start3A, %dma_start3A_130] : memref<6x128x64xf32, #tpu.memory_space<vmem>> -> memref<1x128x64xf32, #tpu.memory_space<vmem>>
        %dma_start3A_132 = tpu.memref_squeeze %dma_start3A_131 : memref<1x128x64xf32, #tpu.memory_space<vmem>> -> memref<128x64xf32, #tpu.memory_space<vmem>>
        %dma_start3A_133 = arith.constant 0 : i32
        %dma_start3A_134 = tpu.memref_slice %arg5[%add3A_129, %dma_start3A_133] : memref<10240x64xf32, #tpu.memory_space<vmem_shared>> -> memref<128x64xf32, #tpu.memory_space<vmem_shared>>
        %dma_start3A_135 = arith.constant 0 : i32
        %dma_start3A_136 = tpu.memref_slice %arg5[%add3A_129, %dma_start3A_135] : memref<10240x64xf32, #tpu.memory_space<vmem_shared>> -> memref<128x64xf32, #tpu.memory_space<vmem_shared>>
        %dma_start3A_137 = arith.constant 0 : i32
        %dma_start3A_138 = arith.constant 0 : i32
        %dma_start3A_139 = tpu.memref_slice %arg7[%scan3A_9, %dma_start3A_137, %dma_start3A_138] : memref<6x128x64xf32, #tpu.memory_space<vmem>> -> memref<1x128x64xf32, #tpu.memory_space<vmem>>
        %dma_start3A_140 = tpu.memref_squeeze %dma_start3A_139 : memref<1x128x64xf32, #tpu.memory_space<vmem>> -> memref<128x64xf32, #tpu.memory_space<vmem>>
        tpu.enqueue_dma source(%dma_start3A_140 : memref<128x64xf32, #tpu.memory_space<vmem>>) target(%dma_start3A_136 : memref<128x64xf32, #tpu.memory_space<vmem_shared>>) target_semaphore(%run_scoped3A : memref<!tpu.dma_semaphore, #tpu.memory_space<semaphore_mem>>)
        %dma_wait3A_141 = arith.constant 0 : i32
        %dma_wait3A_142 = arith.constant 0 : i32
        %dma_wait3A_143 = tpu.memref_slice %arg7[%scan3A_9, %dma_wait3A_141, %dma_wait3A_142] : memref<6x128x64xf32, #tpu.memory_space<vmem>> -> memref<1x128x64xf32, #tpu.memory_space<vmem>>
        %dma_wait3A_144 = tpu.memref_squeeze %dma_wait3A_143 : memref<1x128x64xf32, #tpu.memory_space<vmem>> -> memref<128x64xf32, #tpu.memory_space<vmem>>
        %dma_wait3A_145 = arith.constant 0 : i32
        %dma_wait3A_146 = tpu.memref_slice %arg5[%add3A_129, %dma_wait3A_145] : memref<10240x64xf32, #tpu.memory_space<vmem_shared>> -> memref<128x64xf32, #tpu.memory_space<vmem_shared>>
        %dma_wait3A_147 = arith.constant 0 : i32
        %dma_wait3A_148 = tpu.memref_slice %arg5[%add3A_129, %dma_wait3A_147] : memref<10240x64xf32, #tpu.memory_space<vmem_shared>> -> memref<128x64xf32, #tpu.memory_space<vmem_shared>>
        %dma_wait3A_149 = arith.constant 0 : i32
        %dma_wait3A_150 = arith.constant 0 : i32
        %dma_wait3A_151 = tpu.memref_slice %arg7[%scan3A_9, %dma_wait3A_149, %dma_wait3A_150] : memref<6x128x64xf32, #tpu.memory_space<vmem>> -> memref<1x128x64xf32, #tpu.memory_space<vmem>>
        %dma_wait3A_152 = tpu.memref_squeeze %dma_wait3A_151 : memref<1x128x64xf32, #tpu.memory_space<vmem>> -> memref<128x64xf32, #tpu.memory_space<vmem>>
        tpu.wait_dma2 semaphore(%run_scoped3A : memref<!tpu.dma_semaphore, #tpu.memory_space<semaphore_mem>>) src(%dma_wait3A_152 : memref<128x64xf32, #tpu.memory_space<vmem>>) dst(%dma_wait3A_148 : memref<128x64xf32, #tpu.memory_space<vmem_shared>>)
        tpu.yield
      }) : () -> ()
    }
    %scan3A_14 = arith.constant 5 : i32
    %mul3A_15 = arith.constant 78 : i32
    %mul3A_16 = arith.muli %add3A, %mul3A_15 : i32
    %min3A = arith.constant 4 : i32
    %min3A_17 = arith.minsi %add3A, %min3A : i32
    %add3A_18 = arith.addi %mul3A_16, %min3A_17 : i32
    %lt3A = arith.constant 4 : i32
    %lt3A_19 = arith.cmpi slt, %add3A, %lt3A : i32
    %jit3A = arith.constant 1 : i32
    %jit3A_20 = arith.constant 0 : i32
    %select_n3A = arith.select %lt3A_19, %jit3A, %jit3A_20 : i32
    %add3A_21 = arith.constant 78 : i32
    %add3A_22 = arith.addi %add3A_21, %select_n3A : i32
    "tpu.region"() ({
      %run_scoped3A = tpu.sem_alloc : memref<!tpu.dma_semaphore, #tpu.memory_space<semaphore_mem>>
      %dma_start3A = arith.constant 0 : i32
      %dma_start3A_124 = arith.constant 0 : i32
      %dma_start3A_125 = arith.constant 0 : i32
      %dma_start3A_126 = tpu.memref_slice %arg6[%dma_start3A, %dma_start3A_124, %dma_start3A_125] : memref<79x2x128xi32, #tpu.memory_space<vmem>> -> memref<78x2x128xi32, #tpu.memory_space<vmem>>
      %dma_start3A_127 = arith.constant 0 : i32
      %dma_start3A_128 = arith.constant 0 : i32
      %dma_start3A_129 = tpu.memref_slice %arg3[%add3A_18, %dma_start3A_127, %dma_start3A_128] : memref<2500x2x128xi32, #tpu.memory_space<hbm>> -> memref<78x2x128xi32, #tpu.memory_space<hbm>>
      %dma_start3A_130 = arith.constant 0 : i32
      %dma_start3A_131 = arith.constant 0 : i32
      %dma_start3A_132 = arith.constant 0 : i32
      %dma_start3A_133 = tpu.memref_slice %arg6[%dma_start3A_130, %dma_start3A_131, %dma_start3A_132] : memref<79x2x128xi32, #tpu.memory_space<vmem>> -> memref<78x2x128xi32, #tpu.memory_space<vmem>>
      %dma_start3A_134 = arith.constant 0 : i32
      %dma_start3A_135 = arith.constant 0 : i32
      %dma_start3A_136 = tpu.memref_slice %arg3[%add3A_18, %dma_start3A_134, %dma_start3A_135] : memref<2500x2x128xi32, #tpu.memory_space<hbm>> -> memref<78x2x128xi32, #tpu.memory_space<hbm>>
      tpu.enqueue_dma source(%dma_start3A_136 : memref<78x2x128xi32, #tpu.memory_space<hbm>>) target(%dma_start3A_133 : memref<78x2x128xi32, #tpu.memory_space<vmem>>) target_semaphore(%run_scoped3A : memref<!tpu.dma_semaphore, #tpu.memory_space<semaphore_mem>>)
      %dma_wait3A_137 = arith.constant 0 : i32
      %dma_wait3A_138 = arith.constant 0 : i32
      %dma_wait3A_139 = arith.constant 0 : i32
      %dma_wait3A_140 = tpu.memref_slice %arg6[%dma_wait3A_137, %dma_wait3A_138, %dma_wait3A_139] : memref<79x2x128xi32, #tpu.memory_space<vmem>> -> memref<78x2x128xi32, #tpu.memory_space<vmem>>
      %dma_wait3A_141 = arith.constant 0 : i32
      %dma_wait3A_142 = arith.constant 0 : i32
      %dma_wait3A_143 = tpu.memref_slice %arg3[%add3A_18, %dma_wait3A_141, %dma_wait3A_142] : memref<2500x2x128xi32, #tpu.memory_space<hbm>> -> memref<78x2x128xi32, #tpu.memory_space<hbm>>
      %dma_wait3A_144 = arith.constant 0 : i32
      %dma_wait3A_145 = arith.constant 0 : i32
      %dma_wait3A_146 = arith.constant 0 : i32
      %dma_wait3A_147 = tpu.memref_slice %arg6[%dma_wait3A_144, %dma_wait3A_145, %dma_wait3A_146] : memref<79x2x128xi32, #tpu.memory_space<vmem>> -> memref<78x2x128xi32, #tpu.memory_space<vmem>>
      %dma_wait3A_148 = arith.constant 0 : i32
      %dma_wait3A_149 = arith.constant 0 : i32
      %dma_wait3A_150 = tpu.memref_slice %arg3[%add3A_18, %dma_wait3A_148, %dma_wait3A_149] : memref<2500x2x128xi32, #tpu.memory_space<hbm>> -> memref<78x2x128xi32, #tpu.memory_space<hbm>>
      tpu.wait_dma2 semaphore(%run_scoped3A : memref<!tpu.dma_semaphore, #tpu.memory_space<semaphore_mem>>) src(%dma_wait3A_150 : memref<78x2x128xi32, #tpu.memory_space<hbm>>) dst(%dma_wait3A_147 : memref<78x2x128xi32, #tpu.memory_space<vmem>>)
      tpu.yield
    }) : () -> ()
    %lt3A_23 = arith.constant 4 : i32
    %lt3A_24 = arith.cmpi slt, %add3A, %lt3A_23 : i32
    %convert_element_type3A = arith.extui %lt3A_24 : i1 to i32
    %cond3A = arith.constant 0 : i32
    %cond3A_25 = arith.cmpi ne, %convert_element_type3A, %cond3A : i32
    scf.if %cond3A_25 {
      %add3A_124 = arith.constant 78 : i32
      %add3A_125 = arith.addi %add3A_18, %add3A_124 : i32
      "tpu.region"() ({
        %run_scoped3A = tpu.sem_alloc : memref<!tpu.dma_semaphore, #tpu.memory_space<semaphore_mem>>
        %dma_start3A = arith.constant 78 : i32
        %dma_start3A_126 = arith.constant 0 : i32
        %dma_start3A_127 = arith.constant 0 : i32
        %dma_start3A_128 = tpu.memref_slice %arg6[%dma_start3A, %dma_start3A_126, %dma_start3A_127] : memref<79x2x128xi32, #tpu.memory_space<vmem>> -> memref<1x2x128xi32, #tpu.memory_space<vmem>>
        %dma_start3A_129 = arith.constant 0 : i32
        %dma_start3A_130 = arith.constant 0 : i32
        %dma_start3A_131 = tpu.memref_slice %arg3[%add3A_125, %dma_start3A_129, %dma_start3A_130] : memref<2500x2x128xi32, #tpu.memory_space<hbm>> -> memref<1x2x128xi32, #tpu.memory_space<hbm>>
        %dma_start3A_132 = arith.constant 78 : i32
        %dma_start3A_133 = arith.constant 0 : i32
        %dma_start3A_134 = arith.constant 0 : i32
        %dma_start3A_135 = tpu.memref_slice %arg6[%dma_start3A_132, %dma_start3A_133, %dma_start3A_134] : memref<79x2x128xi32, #tpu.memory_space<vmem>> -> memref<1x2x128xi32, #tpu.memory_space<vmem>>
        %dma_start3A_136 = arith.constant 0 : i32
        %dma_start3A_137 = arith.constant 0 : i32
        %dma_start3A_138 = tpu.memref_slice %arg3[%add3A_125, %dma_start3A_136, %dma_start3A_137] : memref<2500x2x128xi32, #tpu.memory_space<hbm>> -> memref<1x2x128xi32, #tpu.memory_space<hbm>>
        tpu.enqueue_dma source(%dma_start3A_138 : memref<1x2x128xi32, #tpu.memory_space<hbm>>) target(%dma_start3A_135 : memref<1x2x128xi32, #tpu.memory_space<vmem>>) target_semaphore(%run_scoped3A : memref<!tpu.dma_semaphore, #tpu.memory_space<semaphore_mem>>)
        %dma_wait3A_139 = arith.constant 78 : i32
        %dma_wait3A_140 = arith.constant 0 : i32
        %dma_wait3A_141 = arith.constant 0 : i32
        %dma_wait3A_142 = tpu.memref_slice %arg6[%dma_wait3A_139, %dma_wait3A_140, %dma_wait3A_141] : memref<79x2x128xi32, #tpu.memory_space<vmem>> -> memref<1x2x128xi32, #tpu.memory_space<vmem>>
        %dma_wait3A_143 = arith.constant 0 : i32
        %dma_wait3A_144 = arith.constant 0 : i32
        %dma_wait3A_145 = tpu.memref_slice %arg3[%add3A_125, %dma_wait3A_143, %dma_wait3A_144] : memref<2500x2x128xi32, #tpu.memory_space<hbm>> -> memref<1x2x128xi32, #tpu.memory_space<hbm>>
        %dma_wait3A_146 = arith.constant 78 : i32
        %dma_wait3A_147 = arith.constant 0 : i32
        %dma_wait3A_148 = arith.constant 0 : i32
        %dma_wait3A_149 = tpu.memref_slice %arg6[%dma_wait3A_146, %dma_wait3A_147, %dma_wait3A_148] : memref<79x2x128xi32, #tpu.memory_space<vmem>> -> memref<1x2x128xi32, #tpu.memory_space<vmem>>
        %dma_wait3A_150 = arith.constant 0 : i32
        %dma_wait3A_151 = arith.constant 0 : i32
        %dma_wait3A_152 = tpu.memref_slice %arg3[%add3A_125, %dma_wait3A_150, %dma_wait3A_151] : memref<2500x2x128xi32, #tpu.memory_space<hbm>> -> memref<1x2x128xi32, #tpu.memory_space<hbm>>
        tpu.wait_dma2 semaphore(%run_scoped3A : memref<!tpu.dma_semaphore, #tpu.memory_space<semaphore_mem>>) src(%dma_wait3A_152 : memref<1x2x128xi32, #tpu.memory_space<hbm>>) dst(%dma_wait3A_149 : memref<1x2x128xi32, #tpu.memory_space<vmem>>)
        tpu.yield
      }) : () -> ()
    } else {
    }
    %barrier3A = arith.constant 0 : index
    tpu.barrier barrier_id(%barrier3A)
    %scan3A_26 = arith.constant 0 : i32
    %scan3A_27 = arith.constant 0 : i32
    %scan3A_28 = arith.constant 26 : i32
    %scan3A_29 = arith.addi %scan3A_27, %scan3A_28 : i32
    %scan3A_30 = arith.constant 1 : i32
    scf.for %scan3A_124 = %scan3A_27 to %scan3A_29 step %scan3A_30  : i32 {
      %mul3A_125 = arith.constant 3 : i32
      %mul3A_126 = arith.muli %scan3A_124, %mul3A_125 : i32
      %jit3A_127 = arith.constant 2 : i32
      %eq3A = arith.constant 0 : i32
      %eq3A_128 = arith.cmpi eq, %jit3A_127, %eq3A : i32
      %jit3A_129 = arith.constant 1 : i32
      %select_n3A_130 = arith.select %eq3A_128, %jit3A_129, %jit3A_127 : i32
      %rem3A = arith.remsi %scan3A_124, %select_n3A_130 : i32
      %ne3A = arith.constant 0 : i32
      %ne3A_131 = arith.cmpi ne, %rem3A, %ne3A : i32
      %lt3A_132 = arith.constant 0 : i32
      %lt3A_133 = arith.cmpi slt, %rem3A, %lt3A_132 : i32
      %lt3A_134 = arith.constant 0 : i32
      %lt3A_135 = arith.cmpi slt, %select_n3A_130, %lt3A_134 : i32
      %ne3A_136 = arith.xori %lt3A_133, %lt3A_135 : i1
      %and3A = arith.andi %ne3A_136, %ne3A_131 : i1
      %add3A_137 = arith.addi %rem3A, %select_n3A_130 : i32
      %select_n3A_138 = arith.select %and3A, %add3A_137, %rem3A : i32
      %mul3A_139 = arith.constant 3 : i32
      %mul3A_140 = arith.muli %select_n3A_138, %mul3A_139 : i32
      %ge3A = arith.constant 2 : i32
      %ge3A_141 = arith.cmpi sge, %scan3A_124, %ge3A : i32
      %convert_element_type3A_142 = arith.extui %ge3A_141 : i1 to i32
      %cond3A_143 = arith.constant 0 : i32
      %cond3A_144 = arith.cmpi ne, %convert_element_type3A_142, %cond3A_143 : i32
      scf.if %cond3A_144 {
        %add3A_267 = arith.constant 0 : i32
        %add3A_268 = arith.addi %mul3A_140, %add3A_267 : i32
        %add3A_269 = arith.constant 0 : i32
        %add3A_270 = arith.addi %mul3A_126, %add3A_269 : i32
        %dma_wait3A_271 = arith.constant 1 : i32
        %dma_wait3A_272 = arith.constant 0 : i32
        %dma_wait3A_273 = arith.constant 0 : i32
        %dma_wait3A_274 = tpu.memref_slice %arg7[%add3A_268, %dma_wait3A_272, %dma_wait3A_273] : memref<6x128x64xf32, #tpu.memory_space<vmem>> -> memref<1x128x64xf32, #tpu.memory_space<vmem>>
        %dma_wait3A_275 = tpu.memref_squeeze %dma_wait3A_274 : memref<1x128x64xf32, #tpu.memory_space<vmem>> -> memref<128x64xf32, #tpu.memory_space<vmem>>
        %dma_wait3A_276 = arith.constant 0 : i32
        %dma_wait3A_277 = tpu.memref_slice %arg6[%add3A_270, %dma_wait3A_271, %dma_wait3A_276] : memref<79x2x128xi32, #tpu.memory_space<vmem>> -> memref<1x1x128xi32, #tpu.memory_space<vmem>>
        %dma_wait3A_278 = tpu.memref_squeeze %dma_wait3A_277 : memref<1x1x128xi32, #tpu.memory_space<vmem>> -> memref<128xi32, #tpu.memory_space<vmem>>
        %dma_wait3A_279 = arith.constant 0 : i32
        %dma_wait3A_280 = arith.constant 0 : i32
        %dma_wait3A_281 = tpu.memref_slice %arg5[%dma_wait3A_279, %dma_wait3A_280] : memref<10240x64xf32, #tpu.memory_space<vmem_shared>> -> memref<10240x64xf32, #tpu.memory_space<vmem_shared>>
        tpu.wait_indirect_dma semaphore(%arg9 : memref<!tpu.dma_semaphore, #tpu.memory_space<semaphore_mem>>) src(%dma_wait3A_275 : memref<128x64xf32, #tpu.memory_space<vmem>>) dst(%dma_wait3A_281 : memref<10240x64xf32, #tpu.memory_space<vmem_shared>>)
        %add3A_282 = arith.constant 1 : i32
        %add3A_283 = arith.addi %mul3A_140, %add3A_282 : i32
        %add3A_284 = arith.constant 1 : i32
        %add3A_285 = arith.addi %mul3A_126, %add3A_284 : i32
        %dma_wait3A_286 = arith.constant 1 : i32
        %dma_wait3A_287 = arith.constant 0 : i32
        %dma_wait3A_288 = arith.constant 0 : i32
        %dma_wait3A_289 = tpu.memref_slice %arg7[%add3A_283, %dma_wait3A_287, %dma_wait3A_288] : memref<6x128x64xf32, #tpu.memory_space<vmem>> -> memref<1x128x64xf32, #tpu.memory_space<vmem>>
        %dma_wait3A_290 = tpu.memref_squeeze %dma_wait3A_289 : memref<1x128x64xf32, #tpu.memory_space<vmem>> -> memref<128x64xf32, #tpu.memory_space<vmem>>
        %dma_wait3A_291 = arith.constant 0 : i32
        %dma_wait3A_292 = tpu.memref_slice %arg6[%add3A_285, %dma_wait3A_286, %dma_wait3A_291] : memref<79x2x128xi32, #tpu.memory_space<vmem>> -> memref<1x1x128xi32, #tpu.memory_space<vmem>>
        %dma_wait3A_293 = tpu.memref_squeeze %dma_wait3A_292 : memref<1x1x128xi32, #tpu.memory_space<vmem>> -> memref<128xi32, #tpu.memory_space<vmem>>
        %dma_wait3A_294 = arith.constant 0 : i32
        %dma_wait3A_295 = arith.constant 0 : i32
        %dma_wait3A_296 = tpu.memref_slice %arg5[%dma_wait3A_294, %dma_wait3A_295] : memref<10240x64xf32, #tpu.memory_space<vmem_shared>> -> memref<10240x64xf32, #tpu.memory_space<vmem_shared>>
        tpu.wait_indirect_dma semaphore(%arg9 : memref<!tpu.dma_semaphore, #tpu.memory_space<semaphore_mem>>) src(%dma_wait3A_290 : memref<128x64xf32, #tpu.memory_space<vmem>>) dst(%dma_wait3A_296 : memref<10240x64xf32, #tpu.memory_space<vmem_shared>>)
        %add3A_297 = arith.constant 2 : i32
        %add3A_298 = arith.addi %mul3A_140, %add3A_297 : i32
        %add3A_299 = arith.constant 2 : i32
        %add3A_300 = arith.addi %mul3A_126, %add3A_299 : i32
        %dma_wait3A_301 = arith.constant 1 : i32
        %dma_wait3A_302 = arith.constant 0 : i32
        %dma_wait3A_303 = arith.constant 0 : i32
        %dma_wait3A_304 = tpu.memref_slice %arg7[%add3A_298, %dma_wait3A_302, %dma_wait3A_303] : memref<6x128x64xf32, #tpu.memory_space<vmem>> -> memref<1x128x64xf32, #tpu.memory_space<vmem>>
        %dma_wait3A_305 = tpu.memref_squeeze %dma_wait3A_304 : memref<1x128x64xf32, #tpu.memory_space<vmem>> -> memref<128x64xf32, #tpu.memory_space<vmem>>
        %dma_wait3A_306 = arith.constant 0 : i32
        %dma_wait3A_307 = tpu.memref_slice %arg6[%add3A_300, %dma_wait3A_301, %dma_wait3A_306] : memref<79x2x128xi32, #tpu.memory_space<vmem>> -> memref<1x1x128xi32, #tpu.memory_space<vmem>>
        %dma_wait3A_308 = tpu.memref_squeeze %dma_wait3A_307 : memref<1x1x128xi32, #tpu.memory_space<vmem>> -> memref<128xi32, #tpu.memory_space<vmem>>
        %dma_wait3A_309 = arith.constant 0 : i32
        %dma_wait3A_310 = arith.constant 0 : i32
        %dma_wait3A_311 = tpu.memref_slice %arg5[%dma_wait3A_309, %dma_wait3A_310] : memref<10240x64xf32, #tpu.memory_space<vmem_shared>> -> memref<10240x64xf32, #tpu.memory_space<vmem_shared>>
        tpu.wait_indirect_dma semaphore(%arg9 : memref<!tpu.dma_semaphore, #tpu.memory_space<semaphore_mem>>) src(%dma_wait3A_305 : memref<128x64xf32, #tpu.memory_space<vmem>>) dst(%dma_wait3A_311 : memref<10240x64xf32, #tpu.memory_space<vmem_shared>>)
      } else {
      }
      %add3A_145 = arith.constant 0 : i32
      %add3A_146 = arith.addi %mul3A_126, %add3A_145 : i32
      %add3A_147 = arith.constant 0 : i32
      %add3A_148 = arith.addi %mul3A_140, %add3A_147 : i32
      %dma_start3A = arith.constant 0 : i32
      %dma_start3A_149 = arith.constant 0 : i32
      %dma_start3A_150 = arith.constant 0 : i32
      %dma_start3A_151 = tpu.memref_slice %arg7[%add3A_148, %dma_start3A_149, %dma_start3A_150] : memref<6x128x64xf32, #tpu.memory_space<vmem>> -> memref<1x128x64xf32, #tpu.memory_space<vmem>>
      %dma_start3A_152 = tpu.memref_squeeze %dma_start3A_151 : memref<1x128x64xf32, #tpu.memory_space<vmem>> -> memref<128x64xf32, #tpu.memory_space<vmem>>
      %dma_start3A_153 = arith.constant 0 : i32
      %dma_start3A_154 = tpu.memref_slice %arg6[%add3A_146, %dma_start3A, %dma_start3A_153] : memref<79x2x128xi32, #tpu.memory_space<vmem>> -> memref<1x1x128xi32, #tpu.memory_space<vmem>>
      %dma_start3A_155 = tpu.memref_squeeze %dma_start3A_154 : memref<1x1x128xi32, #tpu.memory_space<vmem>> -> memref<128xi32, #tpu.memory_space<vmem>>
      %dma_start3A_156 = arith.constant 0 : i32
      %dma_start3A_157 = arith.constant 0 : i32
      %dma_start3A_158 = tpu.memref_slice %arg2[%dma_start3A_156, %dma_start3A_157] : memref<10240x64xf32, #tpu.memory_space<hbm>> -> memref<10240x64xf32, #tpu.memory_space<hbm>>
      tpu.enqueue_indirect_dma source(%dma_start3A_158 : memref<10240x64xf32, #tpu.memory_space<hbm>>) target(%dma_start3A_152 : memref<128x64xf32, #tpu.memory_space<vmem>>) offsets(%dma_start3A_155 : memref<128xi32, #tpu.memory_space<vmem>>) semaphore(%arg8 : memref<!tpu.dma_semaphore, #tpu.memory_space<semaphore_mem>>)
      %add3A_159 = arith.constant 1 : i32
      %add3A_160 = arith.addi %mul3A_126, %add3A_159 : i32
      %add3A_161 = arith.constant 1 : i32
      %add3A_162 = arith.addi %mul3A_140, %add3A_161 : i32
      %dma_start3A_163 = arith.constant 0 : i32
      %dma_start3A_164 = arith.constant 0 : i32
      %dma_start3A_165 = arith.constant 0 : i32
      %dma_start3A_166 = tpu.memref_slice %arg7[%add3A_162, %dma_start3A_164, %dma_start3A_165] : memref<6x128x64xf32, #tpu.memory_space<vmem>> -> memref<1x128x64xf32, #tpu.memory_space<vmem>>
      %dma_start3A_167 = tpu.memref_squeeze %dma_start3A_166 : memref<1x128x64xf32, #tpu.memory_space<vmem>> -> memref<128x64xf32, #tpu.memory_space<vmem>>
      %dma_start3A_168 = arith.constant 0 : i32
      %dma_start3A_169 = tpu.memref_slice %arg6[%add3A_160, %dma_start3A_163, %dma_start3A_168] : memref<79x2x128xi32, #tpu.memory_space<vmem>> -> memref<1x1x128xi32, #tpu.memory_space<vmem>>
      %dma_start3A_170 = tpu.memref_squeeze %dma_start3A_169 : memref<1x1x128xi32, #tpu.memory_space<vmem>> -> memref<128xi32, #tpu.memory_space<vmem>>
      %dma_start3A_171 = arith.constant 0 : i32
      %dma_start3A_172 = arith.constant 0 : i32
      %dma_start3A_173 = tpu.memref_slice %arg2[%dma_start3A_171, %dma_start3A_172] : memref<10240x64xf32, #tpu.memory_space<hbm>> -> memref<10240x64xf32, #tpu.memory_space<hbm>>
      tpu.enqueue_indirect_dma source(%dma_start3A_173 : memref<10240x64xf32, #tpu.memory_space<hbm>>) target(%dma_start3A_167 : memref<128x64xf32, #tpu.memory_space<vmem>>) offsets(%dma_start3A_170 : memref<128xi32, #tpu.memory_space<vmem>>) semaphore(%arg8 : memref<!tpu.dma_semaphore, #tpu.memory_space<semaphore_mem>>)
      %add3A_174 = arith.constant 2 : i32
      %add3A_175 = arith.addi %mul3A_126, %add3A_174 : i32
      %add3A_176 = arith.constant 2 : i32
      %add3A_177 = arith.addi %mul3A_140, %add3A_176 : i32
      %dma_start3A_178 = arith.constant 0 : i32
      %dma_start3A_179 = arith.constant 0 : i32
      %dma_start3A_180 = arith.constant 0 : i32
      %dma_start3A_181 = tpu.memref_slice %arg7[%add3A_177, %dma_start3A_179, %dma_start3A_180] : memref<6x128x64xf32, #tpu.memory_space<vmem>> -> memref<1x128x64xf32, #tpu.memory_space<vmem>>
      %dma_start3A_182 = tpu.memref_squeeze %dma_start3A_181 : memref<1x128x64xf32, #tpu.memory_space<vmem>> -> memref<128x64xf32, #tpu.memory_space<vmem>>
      %dma_start3A_183 = arith.constant 0 : i32
      %dma_start3A_184 = tpu.memref_slice %arg6[%add3A_175, %dma_start3A_178, %dma_start3A_183] : memref<79x2x128xi32, #tpu.memory_space<vmem>> -> memref<1x1x128xi32, #tpu.memory_space<vmem>>
      %dma_start3A_185 = tpu.memref_squeeze %dma_start3A_184 : memref<1x1x128xi32, #tpu.memory_space<vmem>> -> memref<128xi32, #tpu.memory_space<vmem>>
      %dma_start3A_186 = arith.constant 0 : i32
      %dma_start3A_187 = arith.constant 0 : i32
      %dma_start3A_188 = tpu.memref_slice %arg2[%dma_start3A_186, %dma_start3A_187] : memref<10240x64xf32, #tpu.memory_space<hbm>> -> memref<10240x64xf32, #tpu.memory_space<hbm>>
      tpu.enqueue_indirect_dma source(%dma_start3A_188 : memref<10240x64xf32, #tpu.memory_space<hbm>>) target(%dma_start3A_182 : memref<128x64xf32, #tpu.memory_space<vmem>>) offsets(%dma_start3A_185 : memref<128xi32, #tpu.memory_space<vmem>>) semaphore(%arg8 : memref<!tpu.dma_semaphore, #tpu.memory_space<semaphore_mem>>)
      %dma_wait3A_189 = arith.constant 0 : i32
      %dma_wait3A_190 = arith.constant 0 : i32
      %dma_wait3A_191 = arith.constant 0 : i32
      %dma_wait3A_192 = tpu.memref_slice %arg7[%add3A_148, %dma_wait3A_190, %dma_wait3A_191] : memref<6x128x64xf32, #tpu.memory_space<vmem>> -> memref<1x128x64xf32, #tpu.memory_space<vmem>>
      %dma_wait3A_193 = tpu.memref_squeeze %dma_wait3A_192 : memref<1x128x64xf32, #tpu.memory_space<vmem>> -> memref<128x64xf32, #tpu.memory_space<vmem>>
      %dma_wait3A_194 = arith.constant 0 : i32
      %dma_wait3A_195 = tpu.memref_slice %arg6[%add3A_146, %dma_wait3A_189, %dma_wait3A_194] : memref<79x2x128xi32, #tpu.memory_space<vmem>> -> memref<1x1x128xi32, #tpu.memory_space<vmem>>
      %dma_wait3A_196 = tpu.memref_squeeze %dma_wait3A_195 : memref<1x1x128xi32, #tpu.memory_space<vmem>> -> memref<128xi32, #tpu.memory_space<vmem>>
      %dma_wait3A_197 = arith.constant 0 : i32
      %dma_wait3A_198 = arith.constant 0 : i32
      %dma_wait3A_199 = tpu.memref_slice %arg2[%dma_wait3A_197, %dma_wait3A_198] : memref<10240x64xf32, #tpu.memory_space<hbm>> -> memref<10240x64xf32, #tpu.memory_space<hbm>>
      tpu.wait_indirect_dma semaphore(%arg8 : memref<!tpu.dma_semaphore, #tpu.memory_space<semaphore_mem>>) src(%dma_wait3A_199 : memref<10240x64xf32, #tpu.memory_space<hbm>>) dst(%dma_wait3A_193 : memref<128x64xf32, #tpu.memory_space<vmem>>)
      %add3A_200 = arith.constant 0 : i32
      %add3A_201 = arith.addi %mul3A_140, %add3A_200 : i32
      %add3A_202 = arith.constant 0 : i32
      %add3A_203 = arith.addi %mul3A_126, %add3A_202 : i32
      %dma_start3A_204 = arith.constant 1 : i32
      %dma_start3A_205 = arith.constant 0 : i32
      %dma_start3A_206 = arith.constant 0 : i32
      %dma_start3A_207 = tpu.memref_slice %arg7[%add3A_201, %dma_start3A_205, %dma_start3A_206] : memref<6x128x64xf32, #tpu.memory_space<vmem>> -> memref<1x128x64xf32, #tpu.memory_space<vmem>>
      %dma_start3A_208 = tpu.memref_squeeze %dma_start3A_207 : memref<1x128x64xf32, #tpu.memory_space<vmem>> -> memref<128x64xf32, #tpu.memory_space<vmem>>
      %dma_start3A_209 = arith.constant 0 : i32
      %dma_start3A_210 = tpu.memref_slice %arg6[%add3A_203, %dma_start3A_204, %dma_start3A_209] : memref<79x2x128xi32, #tpu.memory_space<vmem>> -> memref<1x1x128xi32, #tpu.memory_space<vmem>>
      %dma_start3A_211 = tpu.memref_squeeze %dma_start3A_210 : memref<1x1x128xi32, #tpu.memory_space<vmem>> -> memref<128xi32, #tpu.memory_space<vmem>>
      %dma_start3A_212 = arith.constant 0 : i32
      %dma_start3A_213 = arith.constant 0 : i32
      %dma_start3A_214 = tpu.memref_slice %arg5[%dma_start3A_212, %dma_start3A_213] : memref<10240x64xf32, #tpu.memory_space<vmem_shared>> -> memref<10240x64xf32, #tpu.memory_space<vmem_shared>>
      tpu.enqueue_indirect_dma source(%dma_start3A_208 : memref<128x64xf32, #tpu.memory_space<vmem>>) target(%dma_start3A_214 : memref<10240x64xf32, #tpu.memory_space<vmem_shared>>) offsets(%dma_start3A_211 : memref<128xi32, #tpu.memory_space<vmem>>) semaphore(%arg9 : memref<!tpu.dma_semaphore, #tpu.memory_space<semaphore_mem>>) {add = true}
      %dma_wait3A_215 = arith.constant 0 : i32
      %dma_wait3A_216 = arith.constant 0 : i32
      %dma_wait3A_217 = arith.constant 0 : i32
      %dma_wait3A_218 = tpu.memref_slice %arg7[%add3A_162, %dma_wait3A_216, %dma_wait3A_217] : memref<6x128x64xf32, #tpu.memory_space<vmem>> -> memref<1x128x64xf32, #tpu.memory_space<vmem>>
      %dma_wait3A_219 = tpu.memref_squeeze %dma_wait3A_218 : memref<1x128x64xf32, #tpu.memory_space<vmem>> -> memref<128x64xf32, #tpu.memory_space<vmem>>
      %dma_wait3A_220 = arith.constant 0 : i32
      %dma_wait3A_221 = tpu.memref_slice %arg6[%add3A_160, %dma_wait3A_215, %dma_wait3A_220] : memref<79x2x128xi32, #tpu.memory_space<vmem>> -> memref<1x1x128xi32, #tpu.memory_space<vmem>>
      %dma_wait3A_222 = tpu.memref_squeeze %dma_wait3A_221 : memref<1x1x128xi32, #tpu.memory_space<vmem>> -> memref<128xi32, #tpu.memory_space<vmem>>
      %dma_wait3A_223 = arith.constant 0 : i32
      %dma_wait3A_224 = arith.constant 0 : i32
      %dma_wait3A_225 = tpu.memref_slice %arg2[%dma_wait3A_223, %dma_wait3A_224] : memref<10240x64xf32, #tpu.memory_space<hbm>> -> memref<10240x64xf32, #tpu.memory_space<hbm>>
      tpu.wait_indirect_dma semaphore(%arg8 : memref<!tpu.dma_semaphore, #tpu.memory_space<semaphore_mem>>) src(%dma_wait3A_225 : memref<10240x64xf32, #tpu.memory_space<hbm>>) dst(%dma_wait3A_219 : memref<128x64xf32, #tpu.memory_space<vmem>>)
      %add3A_226 = arith.constant 1 : i32
      %add3A_227 = arith.addi %mul3A_140, %add3A_226 : i32
      %add3A_228 = arith.constant 1 : i32
      %add3A_229 = arith.addi %mul3A_126, %add3A_228 : i32
      %dma_start3A_230 = arith.constant 1 : i32
      %dma_start3A_231 = arith.constant 0 : i32
      %dma_start3A_232 = arith.constant 0 : i32
      %dma_start3A_233 = tpu.memref_slice %arg7[%add3A_227, %dma_start3A_231, %dma_start3A_232] : memref<6x128x64xf32, #tpu.memory_space<vmem>> -> memref<1x128x64xf32, #tpu.memory_space<vmem>>
      %dma_start3A_234 = tpu.memref_squeeze %dma_start3A_233 : memref<1x128x64xf32, #tpu.memory_space<vmem>> -> memref<128x64xf32, #tpu.memory_space<vmem>>
      %dma_start3A_235 = arith.constant 0 : i32
      %dma_start3A_236 = tpu.memref_slice %arg6[%add3A_229, %dma_start3A_230, %dma_start3A_235] : memref<79x2x128xi32, #tpu.memory_space<vmem>> -> memref<1x1x128xi32, #tpu.memory_space<vmem>>
      %dma_start3A_237 = tpu.memref_squeeze %dma_start3A_236 : memref<1x1x128xi32, #tpu.memory_space<vmem>> -> memref<128xi32, #tpu.memory_space<vmem>>
      %dma_start3A_238 = arith.constant 0 : i32
      %dma_start3A_239 = arith.constant 0 : i32
      %dma_start3A_240 = tpu.memref_slice %arg5[%dma_start3A_238, %dma_start3A_239] : memref<10240x64xf32, #tpu.memory_space<vmem_shared>> -> memref<10240x64xf32, #tpu.memory_space<vmem_shared>>
      tpu.enqueue_indirect_dma source(%dma_start3A_234 : memref<128x64xf32, #tpu.memory_space<vmem>>) target(%dma_start3A_240 : memref<10240x64xf32, #tpu.memory_space<vmem_shared>>) offsets(%dma_start3A_237 : memref<128xi32, #tpu.memory_space<vmem>>) semaphore(%arg9 : memref<!tpu.dma_semaphore, #tpu.memory_space<semaphore_mem>>) {add = true}
      %dma_wait3A_241 = arith.constant 0 : i32
      %dma_wait3A_242 = arith.constant 0 : i32
      %dma_wait3A_243 = arith.constant 0 : i32
      %dma_wait3A_244 = tpu.memref_slice %arg7[%add3A_177, %dma_wait3A_242, %dma_wait3A_243] : memref<6x128x64xf32, #tpu.memory_space<vmem>> -> memref<1x128x64xf32, #tpu.memory_space<vmem>>
      %dma_wait3A_245 = tpu.memref_squeeze %dma_wait3A_244 : memref<1x128x64xf32, #tpu.memory_space<vmem>> -> memref<128x64xf32, #tpu.memory_space<vmem>>
      %dma_wait3A_246 = arith.constant 0 : i32
      %dma_wait3A_247 = tpu.memref_slice %arg6[%add3A_175, %dma_wait3A_241, %dma_wait3A_246] : memref<79x2x128xi32, #tpu.memory_space<vmem>> -> memref<1x1x128xi32, #tpu.memory_space<vmem>>
      %dma_wait3A_248 = tpu.memref_squeeze %dma_wait3A_247 : memref<1x1x128xi32, #tpu.memory_space<vmem>> -> memref<128xi32, #tpu.memory_space<vmem>>
      %dma_wait3A_249 = arith.constant 0 : i32
      %dma_wait3A_250 = arith.constant 0 : i32
      %dma_wait3A_251 = tpu.memref_slice %arg2[%dma_wait3A_249, %dma_wait3A_250] : memref<10240x64xf32, #tpu.memory_space<hbm>> -> memref<10240x64xf32, #tpu.memory_space<hbm>>
      tpu.wait_indirect_dma semaphore(%arg8 : memref<!tpu.dma_semaphore, #tpu.memory_space<semaphore_mem>>) src(%dma_wait3A_251 : memref<10240x64xf32, #tpu.memory_space<hbm>>) dst(%dma_wait3A_245 : memref<128x64xf32, #tpu.memory_space<vmem>>)
      %add3A_252 = arith.constant 2 : i32
      %add3A_253 = arith.addi %mul3A_140, %add3A_252 : i32
      %add3A_254 = arith.constant 2 : i32
      %add3A_255 = arith.addi %mul3A_126, %add3A_254 : i32
      %dma_start3A_256 = arith.constant 1 : i32
      %dma_start3A_257 = arith.constant 0 : i32
      %dma_start3A_258 = arith.constant 0 : i32
      %dma_start3A_259 = tpu.memref_slice %arg7[%add3A_253, %dma_start3A_257, %dma_start3A_258] : memref<6x128x64xf32, #tpu.memory_space<vmem>> -> memref<1x128x64xf32, #tpu.memory_space<vmem>>
      %dma_start3A_260 = tpu.memref_squeeze %dma_start3A_259 : memref<1x128x64xf32, #tpu.memory_space<vmem>> -> memref<128x64xf32, #tpu.memory_space<vmem>>
      %dma_start3A_261 = arith.constant 0 : i32
      %dma_start3A_262 = tpu.memref_slice %arg6[%add3A_255, %dma_start3A_256, %dma_start3A_261] : memref<79x2x128xi32, #tpu.memory_space<vmem>> -> memref<1x1x128xi32, #tpu.memory_space<vmem>>
      %dma_start3A_263 = tpu.memref_squeeze %dma_start3A_262 : memref<1x1x128xi32, #tpu.memory_space<vmem>> -> memref<128xi32, #tpu.memory_space<vmem>>
      %dma_start3A_264 = arith.constant 0 : i32
      %dma_start3A_265 = arith.constant 0 : i32
      %dma_start3A_266 = tpu.memref_slice %arg5[%dma_start3A_264, %dma_start3A_265] : memref<10240x64xf32, #tpu.memory_space<vmem_shared>> -> memref<10240x64xf32, #tpu.memory_space<vmem_shared>>
      tpu.enqueue_indirect_dma source(%dma_start3A_260 : memref<128x64xf32, #tpu.memory_space<vmem>>) target(%dma_start3A_266 : memref<10240x64xf32, #tpu.memory_space<vmem_shared>>) offsets(%dma_start3A_263 : memref<128xi32, #tpu.memory_space<vmem>>) semaphore(%arg9 : memref<!tpu.dma_semaphore, #tpu.memory_space<semaphore_mem>>) {add = true}
    }
    %scan3A_31 = arith.constant 26 : i32
    %dma_wait3A = arith.constant 0 : i32
    %dma_wait3A_32 = arith.constant 0 : i32
    %dma_wait3A_33 = arith.constant 1 : i32
    %dma_wait3A_34 = arith.constant 0 : i32
    %dma_wait3A_35 = arith.constant 0 : i32
    %dma_wait3A_36 = tpu.memref_slice %arg7[%dma_wait3A, %dma_wait3A_34, %dma_wait3A_35] : memref<6x128x64xf32, #tpu.memory_space<vmem>> -> memref<1x128x64xf32, #tpu.memory_space<vmem>>
    %dma_wait3A_37 = tpu.memref_squeeze %dma_wait3A_36 : memref<1x128x64xf32, #tpu.memory_space<vmem>> -> memref<128x64xf32, #tpu.memory_space<vmem>>
    %dma_wait3A_38 = arith.constant 0 : i32
    %dma_wait3A_39 = tpu.memref_slice %arg6[%dma_wait3A_32, %dma_wait3A_33, %dma_wait3A_38] : memref<79x2x128xi32, #tpu.memory_space<vmem>> -> memref<1x1x128xi32, #tpu.memory_space<vmem>>
    %dma_wait3A_40 = tpu.memref_squeeze %dma_wait3A_39 : memref<1x1x128xi32, #tpu.memory_space<vmem>> -> memref<128xi32, #tpu.memory_space<vmem>>
    %dma_wait3A_41 = arith.constant 0 : i32
    %dma_wait3A_42 = arith.constant 0 : i32
    %dma_wait3A_43 = tpu.memref_slice %arg5[%dma_wait3A_41, %dma_wait3A_42] : memref<10240x64xf32, #tpu.memory_space<vmem_shared>> -> memref<10240x64xf32, #tpu.memory_space<vmem_shared>>
    tpu.wait_indirect_dma semaphore(%arg9 : memref<!tpu.dma_semaphore, #tpu.memory_space<semaphore_mem>>) src(%dma_wait3A_37 : memref<128x64xf32, #tpu.memory_space<vmem>>) dst(%dma_wait3A_43 : memref<10240x64xf32, #tpu.memory_space<vmem_shared>>)
    %dma_wait3A_44 = arith.constant 1 : i32
    %dma_wait3A_45 = arith.constant 1 : i32
    %dma_wait3A_46 = arith.constant 1 : i32
    %dma_wait3A_47 = arith.constant 0 : i32
    %dma_wait3A_48 = arith.constant 0 : i32
    %dma_wait3A_49 = tpu.memref_slice %arg7[%dma_wait3A_44, %dma_wait3A_47, %dma_wait3A_48] : memref<6x128x64xf32, #tpu.memory_space<vmem>> -> memref<1x128x64xf32, #tpu.memory_space<vmem>>
    %dma_wait3A_50 = tpu.memref_squeeze %dma_wait3A_49 : memref<1x128x64xf32, #tpu.memory_space<vmem>> -> memref<128x64xf32, #tpu.memory_space<vmem>>
    %dma_wait3A_51 = arith.constant 0 : i32
    %dma_wait3A_52 = tpu.memref_slice %arg6[%dma_wait3A_45, %dma_wait3A_46, %dma_wait3A_51] : memref<79x2x128xi32, #tpu.memory_space<vmem>> -> memref<1x1x128xi32, #tpu.memory_space<vmem>>
    %dma_wait3A_53 = tpu.memref_squeeze %dma_wait3A_52 : memref<1x1x128xi32, #tpu.memory_space<vmem>> -> memref<128xi32, #tpu.memory_space<vmem>>
    %dma_wait3A_54 = arith.constant 0 : i32
    %dma_wait3A_55 = arith.constant 0 : i32
    %dma_wait3A_56 = tpu.memref_slice %arg5[%dma_wait3A_54, %dma_wait3A_55] : memref<10240x64xf32, #tpu.memory_space<vmem_shared>> -> memref<10240x64xf32, #tpu.memory_space<vmem_shared>>
    tpu.wait_indirect_dma semaphore(%arg9 : memref<!tpu.dma_semaphore, #tpu.memory_space<semaphore_mem>>) src(%dma_wait3A_50 : memref<128x64xf32, #tpu.memory_space<vmem>>) dst(%dma_wait3A_56 : memref<10240x64xf32, #tpu.memory_space<vmem_shared>>)
    %dma_wait3A_57 = arith.constant 2 : i32
    %dma_wait3A_58 = arith.constant 2 : i32
    %dma_wait3A_59 = arith.constant 1 : i32
    %dma_wait3A_60 = arith.constant 0 : i32
    %dma_wait3A_61 = arith.constant 0 : i32
    %dma_wait3A_62 = tpu.memref_slice %arg7[%dma_wait3A_57, %dma_wait3A_60, %dma_wait3A_61] : memref<6x128x64xf32, #tpu.memory_space<vmem>> -> memref<1x128x64xf32, #tpu.memory_space<vmem>>
    %dma_wait3A_63 = tpu.memref_squeeze %dma_wait3A_62 : memref<1x128x64xf32, #tpu.memory_space<vmem>> -> memref<128x64xf32, #tpu.memory_space<vmem>>
    %dma_wait3A_64 = arith.constant 0 : i32
    %dma_wait3A_65 = tpu.memref_slice %arg6[%dma_wait3A_58, %dma_wait3A_59, %dma_wait3A_64] : memref<79x2x128xi32, #tpu.memory_space<vmem>> -> memref<1x1x128xi32, #tpu.memory_space<vmem>>
    %dma_wait3A_66 = tpu.memref_squeeze %dma_wait3A_65 : memref<1x1x128xi32, #tpu.memory_space<vmem>> -> memref<128xi32, #tpu.memory_space<vmem>>
    %dma_wait3A_67 = arith.constant 0 : i32
    %dma_wait3A_68 = arith.constant 0 : i32
    %dma_wait3A_69 = tpu.memref_slice %arg5[%dma_wait3A_67, %dma_wait3A_68] : memref<10240x64xf32, #tpu.memory_space<vmem_shared>> -> memref<10240x64xf32, #tpu.memory_space<vmem_shared>>
    tpu.wait_indirect_dma semaphore(%arg9 : memref<!tpu.dma_semaphore, #tpu.memory_space<semaphore_mem>>) src(%dma_wait3A_63 : memref<128x64xf32, #tpu.memory_space<vmem>>) dst(%dma_wait3A_69 : memref<10240x64xf32, #tpu.memory_space<vmem_shared>>)
    %dma_wait3A_70 = arith.constant 3 : i32
    %dma_wait3A_71 = arith.constant 3 : i32
    %dma_wait3A_72 = arith.constant 1 : i32
    %dma_wait3A_73 = arith.constant 0 : i32
    %dma_wait3A_74 = arith.constant 0 : i32
    %dma_wait3A_75 = tpu.memref_slice %arg7[%dma_wait3A_70, %dma_wait3A_73, %dma_wait3A_74] : memref<6x128x64xf32, #tpu.memory_space<vmem>> -> memref<1x128x64xf32, #tpu.memory_space<vmem>>
    %dma_wait3A_76 = tpu.memref_squeeze %dma_wait3A_75 : memref<1x128x64xf32, #tpu.memory_space<vmem>> -> memref<128x64xf32, #tpu.memory_space<vmem>>
    %dma_wait3A_77 = arith.constant 0 : i32
    %dma_wait3A_78 = tpu.memref_slice %arg6[%dma_wait3A_71, %dma_wait3A_72, %dma_wait3A_77] : memref<79x2x128xi32, #tpu.memory_space<vmem>> -> memref<1x1x128xi32, #tpu.memory_space<vmem>>
    %dma_wait3A_79 = tpu.memref_squeeze %dma_wait3A_78 : memref<1x1x128xi32, #tpu.memory_space<vmem>> -> memref<128xi32, #tpu.memory_space<vmem>>
    %dma_wait3A_80 = arith.constant 0 : i32
    %dma_wait3A_81 = arith.constant 0 : i32
    %dma_wait3A_82 = tpu.memref_slice %arg5[%dma_wait3A_80, %dma_wait3A_81] : memref<10240x64xf32, #tpu.memory_space<vmem_shared>> -> memref<10240x64xf32, #tpu.memory_space<vmem_shared>>
    tpu.wait_indirect_dma semaphore(%arg9 : memref<!tpu.dma_semaphore, #tpu.memory_space<semaphore_mem>>) src(%dma_wait3A_76 : memref<128x64xf32, #tpu.memory_space<vmem>>) dst(%dma_wait3A_82 : memref<10240x64xf32, #tpu.memory_space<vmem_shared>>)
    %dma_wait3A_83 = arith.constant 4 : i32
    %dma_wait3A_84 = arith.constant 4 : i32
    %dma_wait3A_85 = arith.constant 1 : i32
    %dma_wait3A_86 = arith.constant 0 : i32
    %dma_wait3A_87 = arith.constant 0 : i32
    %dma_wait3A_88 = tpu.memref_slice %arg7[%dma_wait3A_83, %dma_wait3A_86, %dma_wait3A_87] : memref<6x128x64xf32, #tpu.memory_space<vmem>> -> memref<1x128x64xf32, #tpu.memory_space<vmem>>
    %dma_wait3A_89 = tpu.memref_squeeze %dma_wait3A_88 : memref<1x128x64xf32, #tpu.memory_space<vmem>> -> memref<128x64xf32, #tpu.memory_space<vmem>>
    %dma_wait3A_90 = arith.constant 0 : i32
    %dma_wait3A_91 = tpu.memref_slice %arg6[%dma_wait3A_84, %dma_wait3A_85, %dma_wait3A_90] : memref<79x2x128xi32, #tpu.memory_space<vmem>> -> memref<1x1x128xi32, #tpu.memory_space<vmem>>
    %dma_wait3A_92 = tpu.memref_squeeze %dma_wait3A_91 : memref<1x1x128xi32, #tpu.memory_space<vmem>> -> memref<128xi32, #tpu.memory_space<vmem>>
    %dma_wait3A_93 = arith.constant 0 : i32
    %dma_wait3A_94 = arith.constant 0 : i32
    %dma_wait3A_95 = tpu.memref_slice %arg5[%dma_wait3A_93, %dma_wait3A_94] : memref<10240x64xf32, #tpu.memory_space<vmem_shared>> -> memref<10240x64xf32, #tpu.memory_space<vmem_shared>>
    tpu.wait_indirect_dma semaphore(%arg9 : memref<!tpu.dma_semaphore, #tpu.memory_space<semaphore_mem>>) src(%dma_wait3A_89 : memref<128x64xf32, #tpu.memory_space<vmem>>) dst(%dma_wait3A_95 : memref<10240x64xf32, #tpu.memory_space<vmem_shared>>)
    %dma_wait3A_96 = arith.constant 5 : i32
    %dma_wait3A_97 = arith.constant 5 : i32
    %dma_wait3A_98 = arith.constant 1 : i32
    %dma_wait3A_99 = arith.constant 0 : i32
    %dma_wait3A_100 = arith.constant 0 : i32
    %dma_wait3A_101 = tpu.memref_slice %arg7[%dma_wait3A_96, %dma_wait3A_99, %dma_wait3A_100] : memref<6x128x64xf32, #tpu.memory_space<vmem>> -> memref<1x128x64xf32, #tpu.memory_space<vmem>>
    %dma_wait3A_102 = tpu.memref_squeeze %dma_wait3A_101 : memref<1x128x64xf32, #tpu.memory_space<vmem>> -> memref<128x64xf32, #tpu.memory_space<vmem>>
    %dma_wait3A_103 = arith.constant 0 : i32
    %dma_wait3A_104 = tpu.memref_slice %arg6[%dma_wait3A_97, %dma_wait3A_98, %dma_wait3A_103] : memref<79x2x128xi32, #tpu.memory_space<vmem>> -> memref<1x1x128xi32, #tpu.memory_space<vmem>>
    %dma_wait3A_105 = tpu.memref_squeeze %dma_wait3A_104 : memref<1x1x128xi32, #tpu.memory_space<vmem>> -> memref<128xi32, #tpu.memory_space<vmem>>
    %dma_wait3A_106 = arith.constant 0 : i32
    %dma_wait3A_107 = arith.constant 0 : i32
    %dma_wait3A_108 = tpu.memref_slice %arg5[%dma_wait3A_106, %dma_wait3A_107] : memref<10240x64xf32, #tpu.memory_space<vmem_shared>> -> memref<10240x64xf32, #tpu.memory_space<vmem_shared>>
    tpu.wait_indirect_dma semaphore(%arg9 : memref<!tpu.dma_semaphore, #tpu.memory_space<semaphore_mem>>) src(%dma_wait3A_102 : memref<128x64xf32, #tpu.memory_space<vmem>>) dst(%dma_wait3A_108 : memref<10240x64xf32, #tpu.memory_space<vmem_shared>>)
    %sub3A = arith.constant 78 : i32
    %sub3A_109 = arith.subi %add3A_22, %sub3A : i32
    %while3A = arith.constant 0 : i32
    %while3A_110 = arith.constant 0 : i32
    %while3A_111 = arith.subi %sub3A_109, %while3A_110 : i32
    %while3A_112 = arith.addi %while3A_110, %while3A_111 : i32
    %while3A_113 = arith.constant 1 : i32
    %while3A_114 = arith.divsi %while3A_111, %while3A_113 : i32
    %while3A_115 = arith.muli %while3A_114, %while3A_113 : i32
    %while3A_116 = arith.addi %while3A_110, %while3A_115 : i32
    %while3A_117 = arith.constant 1 : i32
    scf.for %while3A_124 = %while3A_110 to %while3A_116 step %while3A_117  : i32 {
      %add3A_125 = arith.constant 78 : i32
      %add3A_126 = arith.addi %add3A_125, %while3A_124 : i32
      %dma_start3A = arith.constant 0 : i32
      %dma_start3A_127 = arith.constant 0 : i32
      %dma_start3A_128 = arith.constant 0 : i32
      %dma_start3A_129 = arith.constant 0 : i32
      %dma_start3A_130 = tpu.memref_slice %arg7[%dma_start3A_127, %dma_start3A_128, %dma_start3A_129] : memref<6x128x64xf32, #tpu.memory_space<vmem>> -> memref<1x128x64xf32, #tpu.memory_space<vmem>>
      %dma_start3A_131 = tpu.memref_squeeze %dma_start3A_130 : memref<1x128x64xf32, #tpu.memory_space<vmem>> -> memref<128x64xf32, #tpu.memory_space<vmem>>
      %dma_start3A_132 = arith.constant 0 : i32
      %dma_start3A_133 = tpu.memref_slice %arg6[%add3A_126, %dma_start3A, %dma_start3A_132] : memref<79x2x128xi32, #tpu.memory_space<vmem>> -> memref<1x1x128xi32, #tpu.memory_space<vmem>>
      %dma_start3A_134 = tpu.memref_squeeze %dma_start3A_133 : memref<1x1x128xi32, #tpu.memory_space<vmem>> -> memref<128xi32, #tpu.memory_space<vmem>>
      %dma_start3A_135 = arith.constant 0 : i32
      %dma_start3A_136 = arith.constant 0 : i32
      %dma_start3A_137 = tpu.memref_slice %arg2[%dma_start3A_135, %dma_start3A_136] : memref<10240x64xf32, #tpu.memory_space<hbm>> -> memref<10240x64xf32, #tpu.memory_space<hbm>>
      tpu.enqueue_indirect_dma source(%dma_start3A_137 : memref<10240x64xf32, #tpu.memory_space<hbm>>) target(%dma_start3A_131 : memref<128x64xf32, #tpu.memory_space<vmem>>) offsets(%dma_start3A_134 : memref<128xi32, #tpu.memory_space<vmem>>) semaphore(%arg8 : memref<!tpu.dma_semaphore, #tpu.memory_space<semaphore_mem>>)
      %dma_wait3A_138 = arith.constant 0 : i32
      %dma_wait3A_139 = arith.constant 0 : i32
      %dma_wait3A_140 = arith.constant 0 : i32
      %dma_wait3A_141 = arith.constant 0 : i32
      %dma_wait3A_142 = tpu.memref_slice %arg7[%dma_wait3A_139, %dma_wait3A_140, %dma_wait3A_141] : memref<6x128x64xf32, #tpu.memory_space<vmem>> -> memref<1x128x64xf32, #tpu.memory_space<vmem>>
      %dma_wait3A_143 = tpu.memref_squeeze %dma_wait3A_142 : memref<1x128x64xf32, #tpu.memory_space<vmem>> -> memref<128x64xf32, #tpu.memory_space<vmem>>
      %dma_wait3A_144 = arith.constant 0 : i32
      %dma_wait3A_145 = tpu.memref_slice %arg6[%add3A_126, %dma_wait3A_138, %dma_wait3A_144] : memref<79x2x128xi32, #tpu.memory_space<vmem>> -> memref<1x1x128xi32, #tpu.memory_space<vmem>>
      %dma_wait3A_146 = tpu.memref_squeeze %dma_wait3A_145 : memref<1x1x128xi32, #tpu.memory_space<vmem>> -> memref<128xi32, #tpu.memory_space<vmem>>
      %dma_wait3A_147 = arith.constant 0 : i32
      %dma_wait3A_148 = arith.constant 0 : i32
      %dma_wait3A_149 = tpu.memref_slice %arg2[%dma_wait3A_147, %dma_wait3A_148] : memref<10240x64xf32, #tpu.memory_space<hbm>> -> memref<10240x64xf32, #tpu.memory_space<hbm>>
      tpu.wait_indirect_dma semaphore(%arg8 : memref<!tpu.dma_semaphore, #tpu.memory_space<semaphore_mem>>) src(%dma_wait3A_149 : memref<10240x64xf32, #tpu.memory_space<hbm>>) dst(%dma_wait3A_143 : memref<128x64xf32, #tpu.memory_space<vmem>>)
      %run_scoped3A = arith.constant 0 : i32
      %run_scoped3A_150 = arith.constant 1 : i32
      "tpu.region"() ({
        %run_scoped3A_151 = tpu.sem_alloc : memref<!tpu.dma_semaphore, #tpu.memory_space<semaphore_mem>>
        %dma_start3A_152 = arith.constant 0 : i32
        %dma_start3A_153 = arith.constant 0 : i32
        %dma_start3A_154 = tpu.memref_slice %arg7[%run_scoped3A, %dma_start3A_152, %dma_start3A_153] : memref<6x128x64xf32, #tpu.memory_space<vmem>> -> memref<1x128x64xf32, #tpu.memory_space<vmem>>
        %dma_start3A_155 = tpu.memref_squeeze %dma_start3A_154 : memref<1x128x64xf32, #tpu.memory_space<vmem>> -> memref<128x64xf32, #tpu.memory_space<vmem>>
        %dma_start3A_156 = arith.constant 0 : i32
        %dma_start3A_157 = tpu.memref_slice %arg6[%add3A_126, %run_scoped3A_150, %dma_start3A_156] : memref<79x2x128xi32, #tpu.memory_space<vmem>> -> memref<1x1x128xi32, #tpu.memory_space<vmem>>
        %dma_start3A_158 = tpu.memref_squeeze %dma_start3A_157 : memref<1x1x128xi32, #tpu.memory_space<vmem>> -> memref<128xi32, #tpu.memory_space<vmem>>
        %dma_start3A_159 = arith.constant 0 : i32
        %dma_start3A_160 = arith.constant 0 : i32
        %dma_start3A_161 = tpu.memref_slice %arg5[%dma_start3A_159, %dma_start3A_160] : memref<10240x64xf32, #tpu.memory_space<vmem_shared>> -> memref<10240x64xf32, #tpu.memory_space<vmem_shared>>
        tpu.enqueue_indirect_dma source(%dma_start3A_155 : memref<128x64xf32, #tpu.memory_space<vmem>>) target(%dma_start3A_161 : memref<10240x64xf32, #tpu.memory_space<vmem_shared>>) offsets(%dma_start3A_158 : memref<128xi32, #tpu.memory_space<vmem>>) semaphore(%run_scoped3A_151 : memref<!tpu.dma_semaphore, #tpu.memory_space<semaphore_mem>>) {add = true}
        %dma_wait3A_162 = arith.constant 0 : i32
        %dma_wait3A_163 = arith.constant 0 : i32
        %dma_wait3A_164 = tpu.memref_slice %arg7[%run_scoped3A, %dma_wait3A_162, %dma_wait3A_163] : memref<6x128x64xf32, #tpu.memory_space<vmem>> -> memref<1x128x64xf32, #tpu.memory_space<vmem>>
        %dma_wait3A_165 = tpu.memref_squeeze %dma_wait3A_164 : memref<1x128x64xf32, #tpu.memory_space<vmem>> -> memref<128x64xf32, #tpu.memory_space<vmem>>
        %dma_wait3A_166 = arith.constant 0 : i32
        %dma_wait3A_167 = tpu.memref_slice %arg6[%add3A_126, %run_scoped3A_150, %dma_wait3A_166] : memref<79x2x128xi32, #tpu.memory_space<vmem>> -> memref<1x1x128xi32, #tpu.memory_space<vmem>>
        %dma_wait3A_168 = tpu.memref_squeeze %dma_wait3A_167 : memref<1x1x128xi32, #tpu.memory_space<vmem>> -> memref<128xi32, #tpu.memory_space<vmem>>
        %dma_wait3A_169 = arith.constant 0 : i32
        %dma_wait3A_170 = arith.constant 0 : i32
        %dma_wait3A_171 = tpu.memref_slice %arg5[%dma_wait3A_169, %dma_wait3A_170] : memref<10240x64xf32, #tpu.memory_space<vmem_shared>> -> memref<10240x64xf32, #tpu.memory_space<vmem_shared>>
        tpu.wait_indirect_dma semaphore(%run_scoped3A_151 : memref<!tpu.dma_semaphore, #tpu.memory_space<semaphore_mem>>) src(%dma_wait3A_165 : memref<128x64xf32, #tpu.memory_space<vmem>>) dst(%dma_wait3A_171 : memref<10240x64xf32, #tpu.memory_space<vmem_shared>>)
        tpu.yield
      }) : () -> ()
    }
    %while3A_118 = arith.constant 1 : i32
    scf.for %while3A_124 = %while3A_116 to %while3A_112 step %while3A_118  : i32 {
      %add3A_125 = arith.constant 78 : i32
      %add3A_126 = arith.addi %add3A_125, %while3A_124 : i32
      %dma_start3A = arith.constant 0 : i32
      %dma_start3A_127 = arith.constant 0 : i32
      %dma_start3A_128 = arith.constant 0 : i32
      %dma_start3A_129 = arith.constant 0 : i32
      %dma_start3A_130 = tpu.memref_slice %arg7[%dma_start3A_127, %dma_start3A_128, %dma_start3A_129] : memref<6x128x64xf32, #tpu.memory_space<vmem>> -> memref<1x128x64xf32, #tpu.memory_space<vmem>>
      %dma_start3A_131 = tpu.memref_squeeze %dma_start3A_130 : memref<1x128x64xf32, #tpu.memory_space<vmem>> -> memref<128x64xf32, #tpu.memory_space<vmem>>
      %dma_start3A_132 = arith.constant 0 : i32
      %dma_start3A_133 = tpu.memref_slice %arg6[%add3A_126, %dma_start3A, %dma_start3A_132] : memref<79x2x128xi32, #tpu.memory_space<vmem>> -> memref<1x1x128xi32, #tpu.memory_space<vmem>>
      %dma_start3A_134 = tpu.memref_squeeze %dma_start3A_133 : memref<1x1x128xi32, #tpu.memory_space<vmem>> -> memref<128xi32, #tpu.memory_space<vmem>>
      %dma_start3A_135 = arith.constant 0 : i32
      %dma_start3A_136 = arith.constant 0 : i32
      %dma_start3A_137 = tpu.memref_slice %arg2[%dma_start3A_135, %dma_start3A_136] : memref<10240x64xf32, #tpu.memory_space<hbm>> -> memref<10240x64xf32, #tpu.memory_space<hbm>>
      tpu.enqueue_indirect_dma source(%dma_start3A_137 : memref<10240x64xf32, #tpu.memory_space<hbm>>) target(%dma_start3A_131 : memref<128x64xf32, #tpu.memory_space<vmem>>) offsets(%dma_start3A_134 : memref<128xi32, #tpu.memory_space<vmem>>) semaphore(%arg8 : memref<!tpu.dma_semaphore, #tpu.memory_space<semaphore_mem>>)
      %dma_wait3A_138 = arith.constant 0 : i32
      %dma_wait3A_139 = arith.constant 0 : i32
      %dma_wait3A_140 = arith.constant 0 : i32
      %dma_wait3A_141 = arith.constant 0 : i32
      %dma_wait3A_142 = tpu.memref_slice %arg7[%dma_wait3A_139, %dma_wait3A_140, %dma_wait3A_141] : memref<6x128x64xf32, #tpu.memory_space<vmem>> -> memref<1x128x64xf32, #tpu.memory_space<vmem>>
      %dma_wait3A_143 = tpu.memref_squeeze %dma_wait3A_142 : memref<1x128x64xf32, #tpu.memory_space<vmem>> -> memref<128x64xf32, #tpu.memory_space<vmem>>
      %dma_wait3A_144 = arith.constant 0 : i32
      %dma_wait3A_145 = tpu.memref_slice %arg6[%add3A_126, %dma_wait3A_138, %dma_wait3A_144] : memref<79x2x128xi32, #tpu.memory_space<vmem>> -> memref<1x1x128xi32, #tpu.memory_space<vmem>>
      %dma_wait3A_146 = tpu.memref_squeeze %dma_wait3A_145 : memref<1x1x128xi32, #tpu.memory_space<vmem>> -> memref<128xi32, #tpu.memory_space<vmem>>
      %dma_wait3A_147 = arith.constant 0 : i32
      %dma_wait3A_148 = arith.constant 0 : i32
      %dma_wait3A_149 = tpu.memref_slice %arg2[%dma_wait3A_147, %dma_wait3A_148] : memref<10240x64xf32, #tpu.memory_space<hbm>> -> memref<10240x64xf32, #tpu.memory_space<hbm>>
      tpu.wait_indirect_dma semaphore(%arg8 : memref<!tpu.dma_semaphore, #tpu.memory_space<semaphore_mem>>) src(%dma_wait3A_149 : memref<10240x64xf32, #tpu.memory_space<hbm>>) dst(%dma_wait3A_143 : memref<128x64xf32, #tpu.memory_space<vmem>>)
      %run_scoped3A = arith.constant 0 : i32
      %run_scoped3A_150 = arith.constant 1 : i32
      "tpu.region"() ({
        %run_scoped3A_151 = tpu.sem_alloc : memref<!tpu.dma_semaphore, #tpu.memory_space<semaphore_mem>>
        %dma_start3A_152 = arith.constant 0 : i32
        %dma_start3A_153 = arith.constant 0 : i32
        %dma_start3A_154 = tpu.memref_slice %arg7[%run_scoped3A, %dma_start3A_152, %dma_start3A_153] : memref<6x128x64xf32, #tpu.memory_space<vmem>> -> memref<1x128x64xf32, #tpu.memory_space<vmem>>
        %dma_start3A_155 = tpu.memref_squeeze %dma_start3A_154 : memref<1x128x64xf32, #tpu.memory_space<vmem>> -> memref<128x64xf32, #tpu.memory_space<vmem>>
        %dma_start3A_156 = arith.constant 0 : i32
        %dma_start3A_157 = tpu.memref_slice %arg6[%add3A_126, %run_scoped3A_150, %dma_start3A_156] : memref<79x2x128xi32, #tpu.memory_space<vmem>> -> memref<1x1x128xi32, #tpu.memory_space<vmem>>
        %dma_start3A_158 = tpu.memref_squeeze %dma_start3A_157 : memref<1x1x128xi32, #tpu.memory_space<vmem>> -> memref<128xi32, #tpu.memory_space<vmem>>
        %dma_start3A_159 = arith.constant 0 : i32
        %dma_start3A_160 = arith.constant 0 : i32
        %dma_start3A_161 = tpu.memref_slice %arg5[%dma_start3A_159, %dma_start3A_160] : memref<10240x64xf32, #tpu.memory_space<vmem_shared>> -> memref<10240x64xf32, #tpu.memory_space<vmem_shared>>
        tpu.enqueue_indirect_dma source(%dma_start3A_155 : memref<128x64xf32, #tpu.memory_space<vmem>>) target(%dma_start3A_161 : memref<10240x64xf32, #tpu.memory_space<vmem_shared>>) offsets(%dma_start3A_158 : memref<128xi32, #tpu.memory_space<vmem>>) semaphore(%run_scoped3A_151 : memref<!tpu.dma_semaphore, #tpu.memory_space<semaphore_mem>>) {add = true}
        %dma_wait3A_162 = arith.constant 0 : i32
        %dma_wait3A_163 = arith.constant 0 : i32
        %dma_wait3A_164 = tpu.memref_slice %arg7[%run_scoped3A, %dma_wait3A_162, %dma_wait3A_163] : memref<6x128x64xf32, #tpu.memory_space<vmem>> -> memref<1x128x64xf32, #tpu.memory_space<vmem>>
        %dma_wait3A_165 = tpu.memref_squeeze %dma_wait3A_164 : memref<1x128x64xf32, #tpu.memory_space<vmem>> -> memref<128x64xf32, #tpu.memory_space<vmem>>
        %dma_wait3A_166 = arith.constant 0 : i32
        %dma_wait3A_167 = tpu.memref_slice %arg6[%add3A_126, %run_scoped3A_150, %dma_wait3A_166] : memref<79x2x128xi32, #tpu.memory_space<vmem>> -> memref<1x1x128xi32, #tpu.memory_space<vmem>>
        %dma_wait3A_168 = tpu.memref_squeeze %dma_wait3A_167 : memref<1x1x128xi32, #tpu.memory_space<vmem>> -> memref<128xi32, #tpu.memory_space<vmem>>
        %dma_wait3A_169 = arith.constant 0 : i32
        %dma_wait3A_170 = arith.constant 0 : i32
        %dma_wait3A_171 = tpu.memref_slice %arg5[%dma_wait3A_169, %dma_wait3A_170] : memref<10240x64xf32, #tpu.memory_space<vmem_shared>> -> memref<10240x64xf32, #tpu.memory_space<vmem_shared>>
        tpu.wait_indirect_dma semaphore(%run_scoped3A_151 : memref<!tpu.dma_semaphore, #tpu.memory_space<semaphore_mem>>) src(%dma_wait3A_165 : memref<128x64xf32, #tpu.memory_space<vmem>>) dst(%dma_wait3A_171 : memref<10240x64xf32, #tpu.memory_space<vmem_shared>>)
        tpu.yield
      }) : () -> ()
    }
    %barrier3A_119 = arith.constant 0 : index
    tpu.barrier barrier_id(%barrier3A_119)
    %mul3A_120 = arith.constant 640 : i32
    %mul3A_121 = arith.muli %arg1, %mul3A_120 : i32
    %mul3A_122 = arith.constant 640 : i32
    %mul3A_123 = arith.muli %arg1, %mul3A_122 : i32
    "tpu.region"() ({
      %run_scoped3A = tpu.sem_alloc : memref<!tpu.dma_semaphore, #tpu.memory_space<semaphore_mem>>
      %dma_start3A = arith.constant 0 : i32
      %dma_start3A_124 = tpu.memref_slice %arg4[%arg0, %mul3A_123, %dma_start3A] : memref<2x10240x64xf32, #tpu.memory_space<hbm>> -> memref<1x640x64xf32, #tpu.memory_space<hbm>>
      %dma_start3A_125 = tpu.memref_squeeze %dma_start3A_124 : memref<1x640x64xf32, #tpu.memory_space<hbm>> -> memref<640x64xf32, #tpu.memory_space<hbm>>
      %dma_start3A_126 = arith.constant 0 : i32
      %dma_start3A_127 = tpu.memref_slice %arg5[%mul3A_121, %dma_start3A_126] : memref<10240x64xf32, #tpu.memory_space<vmem_shared>> -> memref<640x64xf32, #tpu.memory_space<vmem_shared>>
      tpu.enqueue_dma source(%dma_start3A_127 : memref<640x64xf32, #tpu.memory_space<vmem_shared>>) target(%dma_start3A_125 : memref<640x64xf32, #tpu.memory_space<hbm>>) target_semaphore(%run_scoped3A : memref<!tpu.dma_semaphore, #tpu.memory_space<semaphore_mem>>)
      %dma_wait3A_128 = arith.constant 0 : i32
      %dma_wait3A_129 = tpu.memref_slice %arg4[%arg0, %mul3A_123, %dma_wait3A_128] : memref<2x10240x64xf32, #tpu.memory_space<hbm>> -> memref<1x640x64xf32, #tpu.memory_space<hbm>>
      %dma_wait3A_130 = tpu.memref_squeeze %dma_wait3A_129 : memref<1x640x64xf32, #tpu.memory_space<hbm>> -> memref<640x64xf32, #tpu.memory_space<hbm>>
      %dma_wait3A_131 = arith.constant 0 : i32
      %dma_wait3A_132 = tpu.memref_slice %arg5[%mul3A_121, %dma_wait3A_131] : memref<10240x64xf32, #tpu.memory_space<vmem_shared>> -> memref<640x64xf32, #tpu.memory_space<vmem_shared>>
      tpu.wait_dma2 semaphore(%run_scoped3A : memref<!tpu.dma_semaphore, #tpu.memory_space<semaphore_mem>>) src(%dma_wait3A_132 : memref<640x64xf32, #tpu.memory_space<vmem_shared>>) dst(%dma_wait3A_130 : memref<640x64xf32, #tpu.memory_space<hbm>>)
      tpu.yield
    }) : () -> ()
    return
  }
}

module attributes {stable_mosaic.version = 14 : i64} {
  func.func @_mm1b_body(%arg0: i32, %arg1: memref<2x640x128xf32, #tpu.memory_space<vmem>>, %arg2: memref<640x128xf32, #tpu.memory_space<vmem>>, %arg3: memref<640x128xf32, #tpu.memory_space<vmem>>) attributes {dimension_semantics = [#tpu.dimension_semantics<arbitrary>], iteration_bounds = array<i64: 8>, scalar_prefetch = 0 : i64, scratch_operands = 0 : i64, tpu.core_type = #tpu.core_type<tc>, window_params = [{transform_indices = @transform_0, window_bounds = array<i64: 2, 640, 128>}, {transform_indices = @transform_1, window_bounds = array<i64: 640, 128>}, {transform_indices = @transform_2, window_bounds = array<i64: 640, 128>}]} {
    %get3A = arith.constant 0 : index
    %get3A_0 = arith.constant 0 : index
    %get3A_1 = vector.load %arg2[%get3A, %get3A_0] : memref<640x128xf32, #tpu.memory_space<vmem>>, vector<640x128xf32>
    %get3A_2 = arith.constant 0 : index
    %get3A_3 = arith.constant 0 : index
    %get3A_4 = arith.constant 0 : index
    %get3A_5 = vector.load %arg1[%get3A_2, %get3A_3, %get3A_4] : memref<2x640x128xf32, #tpu.memory_space<vmem>>, vector<1x640x128xf32>
    %get3A_6 = vector.shape_cast %get3A_5 : vector<1x640x128xf32> to vector<640x128xf32>
    %add3A = arith.constant 1.000000e+00 : f32
    %add3A_7 = vector.broadcast %add3A : f32 to vector<640x128xf32>
    %add3A_8 = arith.addf %add3A_7, %get3A_6 : vector<640x128xf32>
    %get3A_9 = arith.constant 1 : index
    %get3A_10 = arith.constant 0 : index
    %get3A_11 = arith.constant 0 : index
    %get3A_12 = vector.load %arg1[%get3A_9, %get3A_10, %get3A_11] : memref<2x640x128xf32, #tpu.memory_space<vmem>>, vector<1x640x128xf32>
    %get3A_13 = vector.shape_cast %get3A_12 : vector<1x640x128xf32> to vector<640x128xf32>
    %add3A_14 = arith.addf %add3A_8, %get3A_13 : vector<640x128xf32>
    %rsqrt3A = math.rsqrt %add3A_14 : vector<640x128xf32>
    %mul3A = arith.mulf %get3A_1, %rsqrt3A : vector<640x128xf32>
    %swap3A = arith.constant 0 : index
    %swap3A_15 = arith.constant 0 : index
    %swap3A_16 = vector.load %arg3[%swap3A, %swap3A_15] : memref<640x128xf32, #tpu.memory_space<vmem>>, vector<640x128xf32>
    tpu.vector_store %arg3[%swap3A, %swap3A_15], %mul3A {strides = array<i32>} : memref<640x128xf32, #tpu.memory_space<vmem>>, vector<640x128xf32>,
    return
  }
  func.func @transform_0(%arg0: i32) -> (i32, i32, i32) {
    %c0_i32 = arith.constant 0 : i32
    %c0_i32_0 = arith.constant 0 : i32
    %c0_i32_1 = arith.constant 0 : i32
    return %c0_i32, %arg0, %c0_i32_0 : i32, i32, i32
  }
  func.func @transform_1(%arg0: i32) -> (i32, i32) {
    %c0_i32 = arith.constant 0 : i32
    %c0_i32_0 = arith.constant 0 : i32
    return %arg0, %c0_i32 : i32, i32
  }
  func.func @transform_2(%arg0: i32) -> (i32, i32) {
    %c0_i32 = arith.constant 0 : i32
    %c0_i32_0 = arith.constant 0 : i32
    return %arg0, %c0_i32 : i32, i32
  }
}

module attributes {stable_mosaic.version = 14 : i64} {
  func.func @_mm1a_body(%arg0: i32, %arg1: memref<640x256xf32, #tpu.memory_space<vmem>>, %arg2: memref<256x128xf32, #tpu.memory_space<vmem>>, %arg3: memref<640x128xf32, #tpu.memory_space<vmem>>) attributes {dimension_semantics = [#tpu.dimension_semantics<arbitrary>], iteration_bounds = array<i64: 8>, scalar_prefetch = 0 : i64, scratch_operands = 0 : i64, tpu.core_type = #tpu.core_type<tc>, window_params = [{transform_indices = @transform_0, window_bounds = array<i64: 640, 256>}, {pipeline_mode = #tpu.pipeline_mode<synchronous>, transform_indices = @transform_1, window_bounds = array<i64: 256, 128>}, {transform_indices = @transform_2, window_bounds = array<i64: 640, 128>}]} {
    %get3A = arith.constant 0 : index
    %get3A_0 = arith.constant 0 : index
    %get3A_1 = vector.load %arg1[%get3A, %get3A_0] : memref<640x256xf32, #tpu.memory_space<vmem>>, vector<640x256xf32>
    %get3A_2 = arith.constant 0 : index
    %get3A_3 = arith.constant 0 : index
    %get3A_4 = vector.load %arg2[%get3A_2, %get3A_3] : memref<256x128xf32, #tpu.memory_space<vmem>>, vector<256x128xf32>
    %dot_general3A = arith.constant dense<0.000000e+00> : vector<640x128xf32>
    %dot_general3A_5 = tpu.matmul %get3A_1, %get3A_4, %dot_general3A {dimension_numbers = #tpu.dot_dimension_numbers<[1], [0], [0], [1], [0, 0, 1, 1], [], []>, transpose_lhs_hint = false} : vector<640x256xf32>, vector<256x128xf32>, vector<640x128xf32> -> vector<640x128xf32>
    %swap3A = arith.constant 0 : index
    %swap3A_6 = arith.constant 0 : index
    %swap3A_7 = vector.load %arg3[%swap3A, %swap3A_6] : memref<640x128xf32, #tpu.memory_space<vmem>>, vector<640x128xf32>
    tpu.vector_store %arg3[%swap3A, %swap3A_6], %dot_general3A_5 {strides = array<i32>} : memref<640x128xf32, #tpu.memory_space<vmem>>, vector<640x128xf32>,
    return
  }
  func.func @transform_0(%arg0: i32) -> (i32, i32) {
    %c0_i32 = arith.constant 0 : i32
    %c0_i32_0 = arith.constant 0 : i32
    return %arg0, %c0_i32 : i32, i32
  }
  func.func @transform_1(%arg0: i32) -> (i32, i32) {
    %c0_i32 = arith.constant 0 : i32
    %c0_i32_0 = arith.constant 0 : i32
    %c0_i32_1 = arith.constant 0 : i32
    return %c0_i32, %c0_i32_0 : i32, i32
  }
  func.func @transform_2(%arg0: i32) -> (i32, i32) {
    %c0_i32 = arith.constant 0 : i32
    %c0_i32_0 = arith.constant 0 : i32
    return %arg0, %c0_i32 : i32, i32
  }
}

module attributes {stable_mosaic.version = 14 : i64} {
  func.func @_mid_body(%arg0: i32, %arg1: memref<2x640x128xf32, #tpu.memory_space<vmem>>, %arg2: memref<2x640x128xf32, #tpu.memory_space<vmem>>, %arg3: memref<640x128xf32, #tpu.memory_space<vmem>>, %arg4: memref<512x128xf32, #tpu.memory_space<vmem>>, %arg5: memref<1x128xf32, #tpu.memory_space<vmem>>, %arg6: memref<160x128xf32, #tpu.memory_space<vmem>>) attributes {dimension_semantics = [#tpu.dimension_semantics<arbitrary>], iteration_bounds = array<i64: 8>, scalar_prefetch = 0 : i64, scratch_operands = 0 : i64, tpu.core_type = #tpu.core_type<tc>, window_params = [{transform_indices = @transform_0, window_bounds = array<i64: 2, 640, 128>}, {transform_indices = @transform_1, window_bounds = array<i64: 2, 640, 128>}, {transform_indices = @transform_2, window_bounds = array<i64: 640, 128>}, {pipeline_mode = #tpu.pipeline_mode<synchronous>, transform_indices = @transform_3, window_bounds = array<i64: 512, 128>}, {pipeline_mode = #tpu.pipeline_mode<synchronous>, transform_indices = @transform_4, window_bounds = array<i64: 1, 128>}, {transform_indices = @transform_5, window_bounds = array<i64: 160, 128>}]} {
    %get3A = arith.constant 0 : index
    %get3A_0 = arith.constant 0 : index
    %get3A_1 = arith.constant 0 : index
    %get3A_2 = vector.load %arg1[%get3A, %get3A_0, %get3A_1] : memref<2x640x128xf32, #tpu.memory_space<vmem>>, vector<1x640x128xf32>
    %get3A_3 = vector.shape_cast %get3A_2 : vector<1x640x128xf32> to vector<640x128xf32>
    %add3A = arith.constant 1.000000e+00 : f32
    %add3A_4 = vector.broadcast %add3A : f32 to vector<640x128xf32>
    %add3A_5 = arith.addf %add3A_4, %get3A_3 : vector<640x128xf32>
    %get3A_6 = arith.constant 1 : index
    %get3A_7 = arith.constant 0 : index
    %get3A_8 = arith.constant 0 : index
    %get3A_9 = vector.load %arg1[%get3A_6, %get3A_7, %get3A_8] : memref<2x640x128xf32, #tpu.memory_space<vmem>>, vector<1x640x128xf32>
    %get3A_10 = vector.shape_cast %get3A_9 : vector<1x640x128xf32> to vector<640x128xf32>
    %add3A_11 = arith.addf %add3A_5, %get3A_10 : vector<640x128xf32>
    %rsqrt3A = math.rsqrt %add3A_11 : vector<640x128xf32>
    %get3A_12 = arith.constant 0 : index
    %get3A_13 = arith.constant 0 : index
    %get3A_14 = arith.constant 0 : index
    %get3A_15 = vector.load %arg2[%get3A_12, %get3A_13, %get3A_14] : memref<2x640x128xf32, #tpu.memory_space<vmem>>, vector<1x640x128xf32>
    %get3A_16 = vector.shape_cast %get3A_15 : vector<1x640x128xf32> to vector<640x128xf32>
    %get3A_17 = arith.constant 1 : index
    %get3A_18 = arith.constant 0 : index
    %get3A_19 = arith.constant 0 : index
    %get3A_20 = vector.load %arg2[%get3A_17, %get3A_18, %get3A_19] : memref<2x640x128xf32, #tpu.memory_space<vmem>>, vector<1x640x128xf32>
    %get3A_21 = vector.shape_cast %get3A_20 : vector<1x640x128xf32> to vector<640x128xf32>
    %add3A_22 = arith.addf %get3A_16, %get3A_21 : vector<640x128xf32>
    %get3A_23 = arith.constant 0 : index
    %get3A_24 = arith.constant 0 : index
    %get3A_25 = vector.load %arg3[%get3A_23, %get3A_24] : memref<640x128xf32, #tpu.memory_space<vmem>>, vector<640x128xf32>
    %add3A_26 = arith.addf %add3A_22, %get3A_25 : vector<640x128xf32>
    %mul3A = arith.mulf %add3A_26, %rsqrt3A : vector<640x128xf32>
    %get3A_27 = arith.constant 0 : index
    %get3A_28 = arith.constant 0 : index
    %get3A_29 = vector.load %arg5[%get3A_27, %get3A_28] : memref<1x128xf32, #tpu.memory_space<vmem>>, vector<1x128xf32>
    %add3A_30 = vector.broadcast %get3A_29 : vector<1x128xf32> to vector<640x128xf32>
    %add3A_31 = arith.addf %mul3A, %add3A_30 : vector<640x128xf32>
    %max3A = arith.constant 0.000000e+00 : f32
    %max3A_32 = vector.broadcast %max3A : f32 to vector<640x128xf32>
    %max3A_33 = arith.maximumf %add3A_31, %max3A_32 : vector<640x128xf32>
    %mul3A_34 = arith.mulf %max3A_33, %rsqrt3A : vector<640x128xf32>
    %reshape3A = vector.shape_cast %mul3A_34 : vector<640x128xf32> to vector<160x512xf32>
    %get3A_35 = arith.constant 0 : index
    %get3A_36 = arith.constant 0 : index
    %get3A_37 = vector.load %arg4[%get3A_35, %get3A_36] : memref<512x128xf32, #tpu.memory_space<vmem>>, vector<512x128xf32>
    %dot_general3A = arith.constant dense<0.000000e+00> : vector<160x128xf32>
    %dot_general3A_38 = tpu.matmul %reshape3A, %get3A_37, %dot_general3A {dimension_numbers = #tpu.dot_dimension_numbers<[1], [0], [0], [1], [0, 0, 1, 1], [], []>, transpose_lhs_hint = false} : vector<160x512xf32>, vector<512x128xf32>, vector<160x128xf32> -> vector<160x128xf32>
    %swap3A = arith.constant 0 : index
    %swap3A_39 = arith.constant 0 : index
    %swap3A_40 = vector.load %arg6[%swap3A, %swap3A_39] : memref<160x128xf32, #tpu.memory_space<vmem>>, vector<160x128xf32>
    tpu.vector_store %arg6[%swap3A, %swap3A_39], %dot_general3A_38 {strides = array<i32>} : memref<160x128xf32, #tpu.memory_space<vmem>>, vector<160x128xf32>,
    return
  }
  func.func @transform_0(%arg0: i32) -> (i32, i32, i32) {
    %c0_i32 = arith.constant 0 : i32
    %c0_i32_0 = arith.constant 0 : i32
    %c0_i32_1 = arith.constant 0 : i32
    return %c0_i32, %arg0, %c0_i32_0 : i32, i32, i32
  }
  func.func @transform_1(%arg0: i32) -> (i32, i32, i32) {
    %c0_i32 = arith.constant 0 : i32
    %c0_i32_0 = arith.constant 0 : i32
    %c0_i32_1 = arith.constant 0 : i32
    return %c0_i32, %arg0, %c0_i32_0 : i32, i32, i32
  }
  func.func @transform_2(%arg0: i32) -> (i32, i32) {
    %c0_i32 = arith.constant 0 : i32
    %c0_i32_0 = arith.constant 0 : i32
    return %arg0, %c0_i32 : i32, i32
  }
  func.func @transform_3(%arg0: i32) -> (i32, i32) {
    %c0_i32 = arith.constant 0 : i32
    %c0_i32_0 = arith.constant 0 : i32
    %c0_i32_1 = arith.constant 0 : i32
    return %c0_i32, %c0_i32_0 : i32, i32
  }
  func.func @transform_4(%arg0: i32) -> (i32, i32) {
    %c0_i32 = arith.constant 0 : i32
    %c0_i32_0 = arith.constant 0 : i32
    %c0_i32_1 = arith.constant 0 : i32
    return %c0_i32, %c0_i32_0 : i32, i32
  }
  func.func @transform_5(%arg0: i32) -> (i32, i32) {
    %c0_i32 = arith.constant 0 : i32
    %c0_i32_0 = arith.constant 0 : i32
    return %arg0, %c0_i32 : i32, i32
  }
}

module attributes {stable_mosaic.version = 14 : i64} {
  func.func @_fin_body(%arg0: i32, %arg1: memref<2x128x128xf32, #tpu.memory_space<vmem>>, %arg2: memref<2x128x128xf32, #tpu.memory_space<vmem>>, %arg3: memref<128x128xf32, #tpu.memory_space<vmem>>, %arg4: memref<1x128xf32, #tpu.memory_space<vmem>>, %arg5: memref<128x128xf32, #tpu.memory_space<vmem>>) attributes {dimension_semantics = [#tpu.dimension_semantics<arbitrary>], iteration_bounds = array<i64: 10>, scalar_prefetch = 0 : i64, scratch_operands = 0 : i64, tpu.core_type = #tpu.core_type<tc>, window_params = [{transform_indices = @transform_0, window_bounds = array<i64: 2, 128, 128>}, {transform_indices = @transform_1, window_bounds = array<i64: 2, 128, 128>}, {transform_indices = @transform_2, window_bounds = array<i64: 128, 128>}, {pipeline_mode = #tpu.pipeline_mode<synchronous>, transform_indices = @transform_3, window_bounds = array<i64: 1, 128>}, {transform_indices = @transform_4, window_bounds = array<i64: 128, 128>}]} {
    %get3A = arith.constant 0 : index
    %get3A_0 = arith.constant 0 : index
    %get3A_1 = arith.constant 0 : index
    %get3A_2 = vector.load %arg1[%get3A, %get3A_0, %get3A_1] : memref<2x128x128xf32, #tpu.memory_space<vmem>>, vector<1x128x128xf32>
    %get3A_3 = vector.shape_cast %get3A_2 : vector<1x128x128xf32> to vector<128x128xf32>
    %add3A = arith.constant 1.000000e+00 : f32
    %add3A_4 = vector.broadcast %add3A : f32 to vector<128x128xf32>
    %add3A_5 = arith.addf %add3A_4, %get3A_3 : vector<128x128xf32>
    %get3A_6 = arith.constant 1 : index
    %get3A_7 = arith.constant 0 : index
    %get3A_8 = arith.constant 0 : index
    %get3A_9 = vector.load %arg1[%get3A_6, %get3A_7, %get3A_8] : memref<2x128x128xf32, #tpu.memory_space<vmem>>, vector<1x128x128xf32>
    %get3A_10 = vector.shape_cast %get3A_9 : vector<1x128x128xf32> to vector<128x128xf32>
    %add3A_11 = arith.addf %add3A_5, %get3A_10 : vector<128x128xf32>
    %rsqrt3A = math.rsqrt %add3A_11 : vector<128x128xf32>
    %get3A_12 = arith.constant 0 : index
    %get3A_13 = arith.constant 0 : index
    %get3A_14 = arith.constant 0 : index
    %get3A_15 = vector.load %arg2[%get3A_12, %get3A_13, %get3A_14] : memref<2x128x128xf32, #tpu.memory_space<vmem>>, vector<1x128x128xf32>
    %get3A_16 = vector.shape_cast %get3A_15 : vector<1x128x128xf32> to vector<128x128xf32>
    %get3A_17 = arith.constant 1 : index
    %get3A_18 = arith.constant 0 : index
    %get3A_19 = arith.constant 0 : index
    %get3A_20 = vector.load %arg2[%get3A_17, %get3A_18, %get3A_19] : memref<2x128x128xf32, #tpu.memory_space<vmem>>, vector<1x128x128xf32>
    %get3A_21 = vector.shape_cast %get3A_20 : vector<1x128x128xf32> to vector<128x128xf32>
    %add3A_22 = arith.addf %get3A_16, %get3A_21 : vector<128x128xf32>
    %get3A_23 = arith.constant 0 : index
    %get3A_24 = arith.constant 0 : index
    %get3A_25 = vector.load %arg3[%get3A_23, %get3A_24] : memref<128x128xf32, #tpu.memory_space<vmem>>, vector<128x128xf32>
    %add3A_26 = arith.addf %add3A_22, %get3A_25 : vector<128x128xf32>
    %mul3A = arith.mulf %add3A_26, %rsqrt3A : vector<128x128xf32>
    %get3A_27 = arith.constant 0 : index
    %get3A_28 = arith.constant 0 : index
    %get3A_29 = vector.load %arg4[%get3A_27, %get3A_28] : memref<1x128xf32, #tpu.memory_space<vmem>>, vector<1x128xf32>
    %add3A_30 = vector.broadcast %get3A_29 : vector<1x128xf32> to vector<128x128xf32>
    %add3A_31 = arith.addf %mul3A, %add3A_30 : vector<128x128xf32>
    %swap3A = arith.constant 0 : index
    %swap3A_32 = arith.constant 0 : index
    %swap3A_33 = vector.load %arg5[%swap3A, %swap3A_32] : memref<128x128xf32, #tpu.memory_space<vmem>>, vector<128x128xf32>
    tpu.vector_store %arg5[%swap3A, %swap3A_32], %add3A_31 {strides = array<i32>} : memref<128x128xf32, #tpu.memory_space<vmem>>, vector<128x128xf32>,
    return
  }
  func.func @transform_0(%arg0: i32) -> (i32, i32, i32) {
    %c0_i32 = arith.constant 0 : i32
    %c0_i32_0 = arith.constant 0 : i32
    %c0_i32_1 = arith.constant 0 : i32
    return %c0_i32, %arg0, %c0_i32_0 : i32, i32, i32
  }
  func.func @transform_1(%arg0: i32) -> (i32, i32, i32) {
    %c0_i32 = arith.constant 0 : i32
    %c0_i32_0 = arith.constant 0 : i32
    %c0_i32_1 = arith.constant 0 : i32
    return %c0_i32, %arg0, %c0_i32_0 : i32, i32, i32
  }
  func.func @transform_2(%arg0: i32) -> (i32, i32) {
    %c0_i32 = arith.constant 0 : i32
    %c0_i32_0 = arith.constant 0 : i32
    return %arg0, %c0_i32 : i32, i32
  }
  func.func @transform_3(%arg0: i32) -> (i32, i32) {
    %c0_i32 = arith.constant 0 : i32
    %c0_i32_0 = arith.constant 0 : i32
    %c0_i32_1 = arith.constant 0 : i32
    return %c0_i32, %c0_i32_0 : i32, i32
  }
  func.func @transform_4(%arg0: i32) -> (i32, i32) {
    %c0_i32 = arith.constant 0 : i32
    %c0_i32_0 = arith.constant 0 : i32
    return %arg0, %c0_i32 : i32, i32
  }
}

</mosaic_0001>

<sc_bundles>
// kernel: kernel.12.cloned.1.call-start
scs
__scs_entry_jumppad:
0x0: {  	(pc) =	sbr.rel $0x88, $3  }
0x1: {  	(tag) =	ssettag $0x0;
	lr =	simm.s32 $0x1  }
0x2: {  	[smem:$0x3F9B] =	sst lr;
	_ =	strace $0xD0000000  }
0x3: {  	_ = 	snop  }
0x4: {  	_ = 	snop  }
0x5: {  	_ = 	snop  }
0x6: {  	_ = 	snop  }
0x7: {  	_ = 	snop  }
__scs_overlays_trampoline_lowered:
0x8: {  	[smem:$0x3FAA] =	sst s0  }
0x9: {  	[smem:$0x3FAB] =	sst s1  }
0xa: {  	[smem:$0x3FAC] =	sst s2  }
0xb: {  	[smem:$0x3FAD] =	sst s3  }
0xc: {  	[smem:$0x3FAE] =	sst s4  }
0xd: {  	[smem:$0x3FAF] =	sst s5  }
0xe: {  	[smem:$0x3FB0] =	sst s6  }
0xf: {  	[smem:$0x3FB1] =	sst s7  }
0x10: {  	[smem:$0x3FB2] =	sst s8  }
0x11: {  	[smem:$0x3FB3] =	sst s9;
	s0 =	simm.s32 @!p0 $0x0  }
0x12: {  	s1 =	sld [smem:$0x3F99];
	s0 =	simm.s32 @p0 $0x1  }
0x13: {  	[smem:$0x3FB4] =	sst s0;
	s0 =	simm.s32 @!p1 $0x0  }
0x14: {  	s2 =	sld [smem:$0x3F98];
	s0 =	simm.s32 @p1 $0x1  }
0x15: {  	[smem:$0x3FB5] =	sst s0;
	s0 =	simm.s32 @!p2 $0x0  }
0x16: {  	s3 =	sld [smem:$0x3FDB];
	s0 =	simm.s32 @p2 $0x1  }
0x17: {  	s4 =	simm.s32 $0x1BF5;
	[smem:$0x3FB7] =	sst s0  }
0x18: {  	s0 =	sld [smem:$0x3F9A];
	_ =	swait.ge [sflag:s4], $0x0  }
0x19: {  	s7 =	sld [smem:$0x3F9B]  }
0x1a: {  	s8 =	sadd.s32 $0xFFFFE003, lr  }
0x1b: {  	s9 =	sadd.s32 $0xFFFFFEF7, lr;
	s5 =	simm.s32 $0xFFFFFFFF;
	p2 =	slt.u32 s8, $0xFFFFF086  }
0x1c: {  	p1 =	slt.u32 s9, $0xF7A;
	s5 =	simm.s32 @!p2 $0x0  }
0x1d: {  	s5 =	simm.s32 @p1 $0x1;
	p0 =	seq.s32 s7, s2  }
0x1e: {  	s7 =	smul.u32 @!p0 $0xF7A, s2;
	p2 =	seq.s32 @!p0 s5, $0x0  }
0x1f: {  	s9 =	smul.u32 $0xF7A, s1;
	s8 =	simm.s32 @!p0 $0x1BF5;
	p2 =	por !p2, p0  }
0x20: {  	[sflag:s8] =	ssyncset.s32 @!p0 $0xFFFFF086;
	s6 =	sadd.s32 @!p0 s3, s7;
	s7 =	simm.s32 @!p0 $0x108  }
0x21: {  	s3 =	sadd.s32 s3, s9;
	s6 =	sadd.s32 @!p0 $0x88, s6;
	s7 =	simm.s32 @p2 $0x1082  }
0x22: {  	[simem:s7], [sflag:s8] =	dma.local @!p0 [hbm:s6], $0xF7A  }
0x23: {  	s9 =	sor.u32 $0xD0000000, s2;
	s6 =	simm.s32 $0x108;
	_ =	swait.ge @!p0 [sflag:s8], $0x0  }
0x24: {  	s3 =	sadd.s32 $0x88, s3;
	s6 =	simm.s32 @!p1 $0x1082;
	[sflag:s4] =	ssyncset.s32 $0xFFFFF086  }
0x25: {  	[simem:s6], [sflag:s4] =	dma.local [hbm:s3], $0xF7A  }
0x26: {  	[smem:$0x3F9B] =	sst s1;
	(tag) =	ssettag s2;
	_ =	strace s9  }
0x27: {  	s1 =	sld [smem:$0x3FAB]  }
0x28: {  	s2 =	sld [smem:$0x3FAC]  }
0x29: {  	s4 =	sld [smem:$0x3FAE]  }
0x2a: {  	p0 =	seq.s32 s5, $0x0;
	s5 =	sld [smem:$0x3FAF]  }
0x2b: {  	s6 =	sld [smem:$0x3FB0]  }
0x2c: {  	s7 =	sld [smem:$0x3FB1]  }
0x2d: {  	s3 =	simm.s32 $0x108;
	s8 =	sld [smem:$0x3FB2]  }
0x2e: {  	s3 =	simm.s32 @!p0 $0x1082;
	s9 =	sld [smem:$0x3FB3]  }
0x2f: {  	lr =	sadd.s32 s0, s3;
	s0 =	sld [smem:$0x3FAA]  }
0x30: {  	s3 =	sld [smem:$0x3FAD]  }
0x31: {  	[smem:$0x3FB6] =	sst s10  }
0x32: {  	s10 =	sld [smem:$0x3FB4];
	_ =	sdelay $0x3  }
0x33: {  	p0 =	seq.s32 s10, $0x1;
	s10 =	sld [smem:$0x3FB6];
	_ =	sdelay $0x3  }
0x34: {  	[smem:$0x3FB6] =	sst s10  }
0x35: {  	s10 =	sld [smem:$0x3FB5];
	_ =	sdelay $0x3  }
0x36: {  	p1 =	seq.s32 s10, $0x1;
	s10 =	sld [smem:$0x3FB6];
	_ =	sdelay $0x3  }
0x37: {  	[smem:$0x3FB6] =	sst s10  }
0x38: {  	s10 =	sld [smem:$0x3FB7]  }
0x39: {  	_ = 	snop;
	(pc) =	sbr.ind lr, $3  }
0x3a: {  	_ = 	snop  }
0x3b: {  	_ = 	snop  }
0x3c: {  	p2 =	seq.s32 s10, $0x1;
	s10 =	sld [smem:$0x3FB6]  }
0x3d: {  	_ =	shalt  }
0x3e: {  	_ =	shalt  }
0x3f: {  	_ =	shalt  }
0x40: {  	_ =	shalt  }
0x41: {  	_ =	shalt  }
0x42: {  	_ =	shalt  }
0x43: {  	_ =	shalt  }
0x44: {  	_ =	shalt  }
0x45: {  	_ =	shalt  }
0x46: {  	_ =	shalt  }
0x47: {  	_ =	shalt  }
0x48: {  	_ =	shalt  }
0x49: {  	_ =	shalt  }
0x4a: {  	_ =	shalt  }
0x4b: {  	_ =	shalt  }
0x4c: {  	_ =	shalt  }
0x4d: {  	_ =	shalt  }
0x4e: {  	_ =	shalt  }
0x4f: {  	_ =	shalt  }
0x50: {  	_ =	shalt  }
0x51: {  	_ =	shalt  }
0x52: {  	_ =	shalt  }
0x53: {  	_ =	shalt  }
0x54: {  	_ =	shalt  }
0x55: {  	_ =	shalt  }
0x56: {  	_ =	shalt  }
0x57: {  	_ =	shalt  }
0x58: {  	_ =	shalt  }
0x59: {  	_ =	shalt  }
0x5a: {  	_ =	shalt  }
0x5b: {  	_ =	shalt  }
0x5c: {  	_ =	shalt  }
0x5d: {  	_ =	shalt  }
0x5e: {  	_ =	shalt  }
0x5f: {  	_ =	shalt  }
0x60: {  	_ =	shalt  }
0x61: {  	_ =	shalt  }
0x62: {  	_ =	shalt  }
0x63: {  	_ =	shalt  }
0x64: {  	_ =	shalt  }
0x65: {  	_ =	shalt  }
0x66: {  	_ =	shalt  }
0x67: {  	_ =	shalt  }
0x68: {  	_ =	shalt  }
0x69: {  	_ =	shalt  }
0x6a: {  	_ =	shalt  }
0x6b: {  	_ =	shalt  }
0x6c: {  	_ =	shalt  }
0x6d: {  	_ =	shalt  }
0x6e: {  	_ =	shalt  }
0x6f: {  	_ =	shalt  }
0x70: {  	_ =	shalt  }
0x71: {  	_ =	shalt  }
0x72: {  	_ =	shalt  }
0x73: {  	_ =	shalt  }
0x74: {  	_ =	shalt  }
0x75: {  	_ =	shalt  }
0x76: {  	_ =	shalt  }
0x77: {  	_ =	shalt  }
0x78: {  	_ =	shalt  }
0x79: {  	_ =	shalt  }
0x7a: {  	_ =	shalt  }
0x7b: {  	_ =	shalt  }
0x7c: {  	_ =	shalt  }
0x7d: {  	_ =	shalt  }
0x7e: {  	_ =	shalt  }
0x7f: {  	_ =	shalt  }
0x80: {  	_ =	shalt  }
0x81: {  	_ =	shalt  }
0x82: {  	_ =	shalt  }
0x83: {  	_ =	shalt  }
0x84: {  	_ =	shalt  }
0x85: {  	_ =	shalt  }
0x86: {  	_ =	shalt  }
0x87: {  	_ =	shalt  }
.Lfunc_end0:
.L_simem_size_0:
called_computation.1_lowered:
.L_overlay_start_0:
0x88: {  	s2 =	sld [smem:$0x3FD9]  }
0x89: {  	s3 =	sld [smem:$0x3FFE];
	_ =	sdelay $0x1  }
0x8a: {  	s1 =	srdreg.scid  }
0x8b: {  	s0 =	sand.u32 $0x1, s1  }
0x8c: {  	s17 =	sshll.u32 s0, $0xA;
	s2 =	sadd.s32 s3, s2  }
0x8d: {  	s2 =	sadd.s32 s2, s17  }
0x8e: {  	[smem:$0x3FC2] =	sst s2  }
0x8f: {  	_ = 	snop  }
0x90: {  	s2 =	sld [smem:$0x3FC8];
	(tm) =	ssettm $0x1  }
0x91: {  	s18 =	sld [smem:$0x3FFB];
	_ =	sdelay $0x3  }
0x92: {  	_ =	strace s18  }
0x93: {  	s3 =	sld [smem:$0x3FFC];
	_ =	sdelay $0x3  }
0x94: {  	_ =	strace s3  }
0x95: {  	s3 =	sld [smem:$0x3FFD];
	_ =	sdelay $0x3  }
0x96: {  	_ =	strace s3  }
0x97: {  	_ =	strace $0x8FFFFFFF  }
0x98: {  	s19 =	sld [smem:$0x3FDB];
	_ =	sdelay $0x1  }
0x99: {  	s4 =	simm.s32 $_scs_section_size  }
0x9a: {  	s5 =	simm.s32 $_size__tile_overlayer_lowered;
	s6 =	simm.s32 $_tile_overlayer_lowered  }
0x9b: {  	s22 =	simm.s32 $0x1BFF;
	s21 =	sshll.u32 s6, $0x1;
	s3 =	sadd.s32 s4, s19  }
0x9c: {  	s7 =	simm.s32 $0x0;
	s20 =	sshll.u32 s5, $0x1;
	s5 =	sadd.s32 s21, s3  }
0x9d: {  	[timem:s7], [sflag:s22] =	dma.local [hbm:s5], s20  }
0x9e: {  	_ =	swait.ge [sflag:s22], s20  }
0x9f: {  	s4 =	ssub.s32 $0x0, s20;
	[sflag:s22] =	ssyncset.done $0x0  }
0xa0: {  	[sflag:s22] =	ssyncadd.s32 s4;
	_ =	sdelay $0x1  }
0xa1: {  	s23 =	simm.s32 $0x1B8B  }
0xa2: {  	_ =	swait.ge [sflag:s23], $0x1  }
0xa3: {  	[sflag:s23] =	ssyncset.done $0x0  }
0xa4: {  	s25 =	simm.s32 $0x1B8E;
	s24 =	sld [smem:$0x3FFE];
	[sflag:s23] =	ssyncadd.s32 $0xFFFFFFFF  }
0xa5: {  	s26 =	simm.s32 $execute0_lowered;
	[smem:$0x3FD2] =	sst s25  }
0xa6: {  	s5 =	sshll.u32 s26, $0x1;
	_ =	strace $0x80000049;
	[dreg:$0x1] =	wrdreg $0xFFFFFFFF  }
0xa7: {  	s28 =	simm.s32 $_size_execute0_lowered;
	s3 =	sadd.s32 s3, s5;
	[dreg:$0x0] =	wrdreg $0x0  }
0xa8: {  	s5 =	sshll.u32 s28, $0x1;
	[dreg:$0x2] =	wrdreg s3  }
0xa9: {  	[dreg:$0x3] =	wrdreg s5  }
0xaa: {  	[dreg:$0x4] =	wrdreg $0xC0  }
0xab: {  	_ =	task [dreg:s7], $0x5FFFF  }
0xac: {  	[dreg:$0x1] =	wrdreg $0xFFFFFFFF  }
0xad: {  	[dreg:$0x0] =	wrdreg $0x60  }
0xae: {  	[dreg:$0x2] =	wrdreg s24  }
0xaf: {  	[dreg:$0x3] =	wrdreg s2  }
0xb0: {  	[dreg:$0x4] =	wrdreg $0x0  }
0xb1: {  	[dreg:$0x5] =	wrdreg $0x9  }
0xb2: {  	_ =	task.clear_ibuf [dreg:s7], $0x6FFFF;
	_ =	strace $0x90000049  }
0xb3: {  	s29 =	simm.s32 $0x9;
	_ =	strace $0x8000004B  }
0xb4: {  	_ =	swait.ge [sflag:s29], $0x1  }
0xb5: {  	[sflag:s29] =	ssyncadd.s32 $0xFFFFFFFF  }
0xb6: {  	_ =	strace $0x9000004B  }
0xb7: {  	_ =	sfence  }
0xb8: {  	s30 =	sld [smem:$0x0];
	_ =	sdelay $0x2  }
0xb9: {  	s31 =	sshll.u32 s1, $0xD;
	s1 =	sshrl.u32 s1, $0x2  }
0xba: {  	s3 =	sand.u32 $0x4000, s31;
	s1 =	sadd.s32 s1, s30  }
0xbb: {  	s0 =	sor.u32 s3, s0;
	s1 =	sshll.u32 s1, $0x11  }
0xbc: {  	s0 =	sor.u32 s1, s0  }
0xbd: {  	s0 =	sadd.s32 $0x8F2B, s0  }
0xbe: {  	[sflag:s0] =	ssyncadd.remote.s32 $0x1  }
0xbf: {  	_ =	sfence.sel $0xFFFF  }
0xc0: {  	[dreg:$0x0] =	wrdreg $0xFFFFFFFF;
	(pc) =	sbr.abs _section_cstart, $3  }
0xc1: {  	[dreg:$0x1] =	wrdreg $0xFFFFFFFF  }
0xc2: {  	_ =	task.clear_ibuf [dreg:s7], $0x2FFFF;
	_ =	strace $0x9FFFFFFF  }
0xc3: {  	(tm) =	ssettm $0x7FFFFFFF  }
tec
execute0_lowered:
.L_overlay_start_1:
0x0: {  	(tag) =	ssettag $0x1  }
0x1: {  	s0 =	rddreg [dreg:$0x0]  }
0x2: {  	s2 =	rddreg [dreg:$0x1]  }
0x3: {  	s1 =	rddreg [dreg:$0x2];
	s3 =	srdreg.scid;
	s4 =	simm.s32 $0x0  }
0x4: {  	s14 =	stileid.u32;
	s15 =	simm.s32 $0x3;
	s16 =	simm.s32 $0xA000  }
0x5: {  	s17 =	simm.s32 $0x80;
	s19 =	simm.s32 $0x10F00;
	s21 =	simm.s32 $0x12F00  }
0x6: {  	s22 =	simm.s32 $0x1;
	s29 =	simm.s32 $0x14F00;
	s31 =	simm.s32 $0x16F00  }
0x7: {  	s3 =	sand.u32 $0x1, s3;
	[smem:$0x7FF] =	sst s4;
	s9 =	smul.u32 $0xA000, s14  }
0x8: {  	s23 =	sshll.u32 s14, $0x1;
	s4 =	sadd.s32 $0x2A00, s0;
	s8 =	smul.u32 $0x28000, s14  }
0x9: {  	p0 =	sgt.u32 s14, $0x1;
	s14 =	simm.s32 $0xEF00;
	s5 =	smul.u32 $0xA0000, s3  }
0xa: {  	_ =	strace $0x8000004A;
	s6 =	sor.u32 s3, s23;
	s3 =	ssub.s32 $0x2, s3  }
0xb: {  	s23 =	simm.s32 $0x2;
	s7 =	smul.u32 $0x4E, s6;
	s6 =	smin.u32 s6, $0x4  }
0xc: {  	s25 =	sshrl.u32 s3, $0x1;
	s26 =	sshrl.u32 s8, $0x2;
	s30 =	sadd.s32 s9, s1  }
0xd: {  	s5 =	sadd.s32 s9, s5;
	s3 =	ssub.s32 s3, s25;
	s25 =	sshrl.u32 s30, $0x3  }
0xe: {  	s5 =	sshrl.u32 s5, $0x3;
	s24 =	sadd.s32 s6, s7;
	s9 =	smax.u32 s3, $0x1  }
0xf: {  	s3 =	simm.s32 $0x18F00;
	s0 =	sadd.s32 s5, s0;
	s28 =	sshll.u32 s24, $0x5  }
0x10: {  	s5 =	sadd.s32 s26, s1;
	s24 =	simm.s32 $0x0;
	s6 =	sadd.s32 s2, s28  }
0x11: {  	s8 =	sadd.s32 $0x34A00, s0;
	s10 =	sadd.s32 $0x2000, s5;
	s11 =	sadd.s32 $0x4000, s5  }
0x12: {  	v0 =	vimm.f32 $0.0e+00;
	s12 =	sadd.s32 $0x6000, s5;
	s13 =	sadd.s32 $0x8000, s5;
	s7 =	sadd.s32 $0x9C0, s6  }
.LBB2_1:
0x13: {  	s28 =	simm.s32 $0x100;
	s26 =	simm.s32 $0x0  }
.LBB2_2:
0x14: {  	p1 =	sne.s32 s28, $0x7F00;
	[tilespmem:s26+$0xEF30] =	vst v0;
	s0 =	smov.u32 s28;
	s28 =	sadd.s32 $0x100, s28  }
.Ltmp0:
0x15: {  	[tilespmem:s26+$0xEF20] =	vst v0;
	(pc) =	sbr.rel @p1 .LBB2_2-.Ltmp0, $3  }
0x16: {  	[tilespmem:s26+$0xEF00] =	vst v0  }
0x17: {  	[tilespmem:s26+$0xEF10] =	vst v0;
	_ =	sdelay $0x1  }
0x18: {  	s26 =	sshra.s32 s0, $0x2  }
0x19: {  	[tilespmem:s26+$0xEF30] =	vst v0  }
0x1a: {  	[tilespmem:s26+$0xEF20] =	vst v0  }
0x1b: {  	[tilespmem:s26+$0xEF00] =	vst v0  }
0x1c: {  	[tilespmem:s26+$0xEF10] =	vst v0  }
0x1d: {  	[spmem:s5] =	stream.linear.scatter [tilespmem:s14], [sflag:$0x3], $0x2000, $0x38;
	[tilespmem:$0x1AF00] =	vst v63  }
0x1e: {  	_ =	swait.ge [sflag:s15], $0x2000  }
0x1f: {  	[sflag:s15] =	ssyncset.done $0x0  }
0x20: {  	[sflag:s15] =	ssyncadd.s32 $0xFFFFE000  }
0x21: {  	[spmem:s10] =	stream.linear.scatter [tilespmem:s14], [sflag:$0x3], $0x2000, $0x38;
	[tilespmem:$0x1AF00] =	vst v63  }
0x22: {  	_ =	swait.ge [sflag:s15], $0x2000  }
0x23: {  	[sflag:s15] =	ssyncset.done $0x0  }
0x24: {  	[sflag:s15] =	ssyncadd.s32 $0xFFFFE000  }
0x25: {  	[spmem:s11] =	stream.linear.scatter [tilespmem:s14], [sflag:$0x3], $0x2000, $0x38;
	[tilespmem:$0x1AF00] =	vst v63  }
0x26: {  	_ =	swait.ge [sflag:s15], $0x2000  }
0x27: {  	[sflag:s15] =	ssyncset.done $0x0  }
0x28: {  	[sflag:s15] =	ssyncadd.s32 $0xFFFFE000  }
0x29: {  	[spmem:s12] =	stream.linear.scatter [tilespmem:s14], [sflag:$0x3], $0x2000, $0x38;
	[tilespmem:$0x1AF00] =	vst v63  }
0x2a: {  	_ =	swait.ge [sflag:s15], $0x2000  }
0x2b: {  	[sflag:s15] =	ssyncset.done $0x0  }
0x2c: {  	[sflag:s15] =	ssyncadd.s32 $0xFFFFE000  }
0x2d: {  	[spmem:s13] =	stream.linear.scatter [tilespmem:s14], [sflag:$0x3], $0x2000, $0x38;
	[tilespmem:$0x1AF00] =	vst v63  }
0x2e: {  	_ =	swait.ge [sflag:s15], $0x2000  }
0x2f: {  	[sflag:s15] =	ssyncset.done $0x0  }
0x30: {  	s0 =	simm.s32 $0x0;
	[sflag:s15] =	ssyncadd.s32 $0xFFFFE000  }
0x31: {  	[tilespmem:s16], [sflag:$0x3] =	stream.linear.gather [hbm4b:s6+s0], $0x4E00, $0x38;
	[tilespmem:$0x1AF00] =	vst v63  }
0x32: {  	_ =	swait.ge [sflag:s15], $0x4E00  }
0x33: {  	[sflag:s15] =	ssyncset.done $0x0  }
0x34: {  	s26 =	simm.s32 @!p0 $0xEE00;
	s0 =	simm.s32 @!p0 $0x0;
	[sflag:s15] =	ssyncadd.s32 $0xFFFFB200  }
0x35: {  	[tilespmem:s26], [sflag:$0x3] =	stream.linear.gather @!p0 [hbm4b:s7+s0], $0x100, $0x38;
	[tilespmem:$0x1AF00] =	vst v63  }
0x36: {  	s0 =	simm.s32 @!p0 $0x3  }
0x37: {  	_ =	swait.ge @!p0 [sflag:s0], $0x100  }
0x38: {  	[sflag:s0] =	ssyncset.done @!p0 $0x0  }
0x39: {  	[sflag:s0] =	ssyncadd.s32 @!p0 $0xFFFFFF00  }
0x3a: {  	[bflag:$0x0] =	sbarrier.arrive $0xFFFF  }
0x3b: {  	[tilespmem:s14], [sflag:$0x1] =	stream.indirect.gather [hbm4b:s4+s17], $0x40, s16, s17, $0xb8;
	[tilespmem:$0x1AF00] =	vst v63  }
0x3c: {  	s2 =	simm.s32 $0xA100  }
0x3d: {  	[tilespmem:s19], [sflag:$0x1] =	stream.indirect.gather [hbm4b:s4+s17], $0x40, s2, s17, $0xb8;
	[tilespmem:$0x1AF00] =	vst v63  }
0x3e: {  	s18 =	simm.s32 $0xA200  }
0x3f: {  	[tilespmem:s21], [sflag:$0x1] =	stream.indirect.gather [hbm4b:s4+s17], $0x40, s18, s17, $0xb8;
	[tilespmem:$0x1AF00] =	vst v63  }
0x40: {  	_ =	swait.ge [sflag:s22], $0x2000  }
0x41: {  	[sflag:s22] =	ssyncset.done $0x0  }
0x42: {  	s20 =	simm.s32 $0xA080;
	[sflag:s22] =	ssyncadd.s32 $0xFFFFE000  }
0x43: {  	[spmem:s1] =	stream.indirect.scatter.add.f32 [tilespmem:s14], [sflag:$0x2], $0x40, s20, s17, $0xb8;
	[tilespmem:$0x1AF00] =	vst v63  }
0x44: {  	_ =	swait.ge [sflag:s22], $0x2000  }
0x45: {  	[sflag:s22] =	ssyncset.done $0x0  }
0x46: {  	s26 =	simm.s32 $0xA180;
	[sflag:s22] =	ssyncadd.s32 $0xFFFFE000  }
0x47: {  	[spmem:s1] =	stream.indirect.scatter.add.f32 [tilespmem:s19], [sflag:$0x2], $0x40, s26, s17, $0xb8;
	[tilespmem:$0x1AF00] =	vst v63  }
0x48: {  	_ =	swait.ge [sflag:s22], $0x2000  }
0x49: {  	[sflag:s22] =	ssyncset.done $0x0  }
0x4a: {  	s2 =	simm.s32 $0xA280;
	[sflag:s22] =	ssyncadd.s32 $0xFFFFE000  }
0x4b: {  	[spmem:s1] =	stream.indirect.scatter.add.f32 [tilespmem:s21], [sflag:$0x2], $0x40, s2, s17, $0xb8;
	[tilespmem:$0x1AF00] =	vst v63  }
0x4c: {  	s18 =	simm.s32 $0xA300  }
0x4d: {  	[tilespmem:s29], [sflag:$0x1] =	stream.indirect.gather [hbm4b:s4+s17], $0x40, s18, s17, $0xb8;
	[tilespmem:$0x1AF00] =	vst v63  }
0x4e: {  	s20 =	simm.s32 $0xA400  }
0x4f: {  	[tilespmem:s31], [sflag:$0x1] =	stream.indirect.gather [hbm4b:s4+s17], $0x40, s20, s17, $0xb8;
	[tilespmem:$0x1AF00] =	vst v63  }
0x50: {  	s26 =	simm.s32 $0xA500  }
0x51: {  	[tilespmem:s3], [sflag:$0x1] =	stream.indirect.gather [hbm4b:s4+s17], $0x40, s26, s17, $0xb8;
	[tilespmem:$0x1AF00] =	vst v63  }
0x52: {  	_ =	swait.ge [sflag:s22], $0x2000  }
0x53: {  	[sflag:s22] =	ssyncset.done $0x0  }
0x54: {  	s2 =	simm.s32 $0xA380;
	[sflag:s22] =	ssyncadd.s32 $0xFFFFE000  }
0x55: {  	[spmem:s1] =	stream.indirect.scatter.add.f32 [tilespmem:s29], [sflag:$0x2], $0x40, s2, s17, $0xb8;
	[tilespmem:$0x1AF00] =	vst v63  }
0x56: {  	_ =	swait.ge [sflag:s22], $0x2000  }
0x57: {  	[sflag:s22] =	ssyncset.done $0x0  }
0x58: {  	s18 =	simm.s32 $0xA480;
	[sflag:s22] =	ssyncadd.s32 $0xFFFFE000  }
0x59: {  	[spmem:s1] =	stream.indirect.scatter.add.f32 [tilespmem:s31], [sflag:$0x2], $0x40, s18, s17, $0xb8;
	[tilespmem:$0x1AF00] =	vst v63  }
0x5a: {  	_ =	swait.ge [sflag:s22], $0x2000  }
0x5b: {  	[sflag:s22] =	ssyncset.done $0x0  }
0x5c: {  	s20 =	simm.s32 $0xA580;
	[sflag:s22] =	ssyncadd.s32 $0xFFFFE000  }
0x5d: {  	[spmem:s1] =	stream.indirect.scatter.add.f32 [tilespmem:s3], [sflag:$0x2], $0x40, s20, s17, $0xb8;
	[tilespmem:$0x1AF00] =	vst v63  }
0x5e: {  	_ =	swait.ge [sflag:s23], $0x2000  }
0x5f: {  	[sflag:s23] =	ssyncset.done $0x0  }
0x60: {  	[sflag:s23] =	ssyncadd.s32 $0xFFFFE000  }
0x61: {  	_ =	swait.ge [sflag:s23], $0x2000  }
0x62: {  	s26 =	simm.s32 $0x2;
	[sflag:s23] =	ssyncset.done $0x0  }
0x63: {  	s0 =	sand.u32 $0x1, s26;
	[sflag:s23] =	ssyncadd.s32 $0xFFFFE000  }
0x64: {  	p1 =	seq.s32 s0, $0x1;
	s0 =	simm.s32 $0x6000;
	_ =	swait.ge [sflag:s23], $0x2000  }
0x65: {  	s0 =	simm.s32 @!p1 $0x0;
	[sflag:s23] =	ssyncset.done $0x0  }
0x66: {  	s28 =	simm.s32 $0xA600;
	s2 =	sadd.s32 $0xEF00, s0;
	[sflag:s23] =	ssyncadd.s32 $0xFFFFE000  }
0x67: {  	[tilespmem:s2], [sflag:$0x1] =	stream.indirect.gather [hbm4b:s4+s17], $0x40, s28, s17, $0xb8;
	[tilespmem:$0x1AF00] =	vst v63  }
0x68: {  	s30 =	simm.s32 $0xA700;
	s28 =	sor.u32 $0x10F00, s0  }
0x69: {  	[tilespmem:s28], [sflag:$0x1] =	stream.indirect.gather [hbm4b:s4+s17], $0x40, s30, s17, $0xb8;
	[tilespmem:$0x1AF00] =	vst v63  }
0x6a: {  	s18 =	simm.s32 $0xA800;
	s30 =	sadd.s32 $0x12F00, s0  }
0x6b: {  	[tilespmem:s30], [sflag:$0x1] =	stream.indirect.gather [hbm4b:s4+s17], $0x40, s18, s17, $0xb8;
	[tilespmem:$0x1AF00] =	vst v63  }
0x6c: {  	_ =	swait.ge [sflag:s22], $0x2000  }
0x6d: {  	[sflag:s22] =	ssyncset.done $0x0  }
0x6e: {  	s20 =	simm.s32 $0xA680;
	[sflag:s22] =	ssyncadd.s32 $0xFFFFE000  }
0x6f: {  	[spmem:s1] =	stream.indirect.scatter.add.f32 [tilespmem:s2], [sflag:$0x2], $0x40, s20, s17, $0xb8;
	[tilespmem:$0x1AF00] =	vst v63  }
0x70: {  	_ =	swait.ge [sflag:s22], $0x2000  }
0x71: {  	[sflag:s22] =	ssyncset.done $0x0  }
0x72: {  	s26 =	simm.s32 $0xA780;
	[sflag:s22] =	ssyncadd.s32 $0xFFFFE000  }
0x73: {  	[spmem:s1] =	stream.indirect.scatter.add.f32 [tilespmem:s28], [sflag:$0x2], $0x40, s26, s17, $0xb8;
	[tilespmem:$0x1AF00] =	vst v63  }
0x74: {  	_ =	swait.ge [sflag:s22], $0x2000  }
0x75: {  	s0 =	simm.s32 $0xA880;
	[sflag:s22] =	ssyncset.done $0x0  }
0x76: {  	s26 =	simm.s32 $0xC00;
	s28 =	simm.s32 $0x3;
	[sflag:s22] =	ssyncadd.s32 $0xFFFFE000  }
.LBB2_4:
0x77: {  	[spmem:s1] =	stream.indirect.scatter.add.f32 [tilespmem:s30], [sflag:$0x2], $0x40, s0, s17, $0xb8;
	[tilespmem:$0x1AF00] =	vst v63  }
0x78: {  	s0 =	smov.u32 s26  }
0x79: {  	p1 =	sne.s32 s26, $0x11400;
	s26 =	sadd.s32 $0xC00, s26;
	_ =	swait.ge [sflag:s23], $0x2000  }
0x7a: {  	[sflag:s23] =	ssyncset.done $0x0  }
0x7b: {  	[sflag:s23] =	ssyncadd.s32 $0xFFFFE000  }
0x7c: {  	_ =	swait.ge [sflag:s23], $0x2000  }
0x7d: {  	[sflag:s23] =	ssyncset.done $0x0  }
0x7e: {  	s30 =	sand.u32 $0x1, s28;
	[sflag:s23] =	ssyncadd.s32 $0xFFFFE000  }
0x7f: {  	p2 =	seq.s32 s30, $0x1;
	s30 =	simm.s32 $0x6000;
	_ =	swait.ge [sflag:s23], $0x2000  }
0x80: {  	s0 =	sshra.s32 s0, $0x2;
	s30 =	simm.s32 @!p2 $0x0;
	[sflag:s23] =	ssyncset.done $0x0  }
0x81: {  	s20 =	sadd.s32 $0xA600, s0;
	s18 =	sadd.s32 $0xEF00, s30;
	[sflag:s23] =	ssyncadd.s32 $0xFFFFE000  }
0x82: {  	[tilespmem:s18], [sflag:$0x1] =	stream.indirect.gather [hbm4b:s4+s17], $0x40, s20, s17, $0xb8;
	[tilespmem:$0x1AF00] =	vst v63  }
0x83: {  	s2 =	sadd.s32 $0xA700, s0;
	s20 =	sor.u32 $0x10F00, s30  }
0x84: {  	[tilespmem:s20], [sflag:$0x1] =	stream.indirect.gather [hbm4b:s4+s17], $0x40, s2, s17, $0xb8;
	[tilespmem:$0x1AF00] =	vst v63  }
0x85: {  	s30 =	sadd.s32 $0x12F00, s30;
	s2 =	sadd.s32 $0xA800, s0  }
0x86: {  	[tilespmem:s30], [sflag:$0x1] =	stream.indirect.gather [hbm4b:s4+s17], $0x40, s2, s17, $0xb8;
	[tilespmem:$0x1AF00] =	vst v63  }
0x87: {  	_ =	swait.ge [sflag:s22], $0x2000  }
0x88: {  	[sflag:s22] =	ssyncset.done $0x0  }
0x89: {  	s2 =	sadd.s32 $0xA680, s0;
	[sflag:s22] =	ssyncadd.s32 $0xFFFFE000  }
0x8a: {  	[spmem:s1] =	stream.indirect.scatter.add.f32 [tilespmem:s18], [sflag:$0x2], $0x40, s2, s17, $0xb8;
	[tilespmem:$0x1AF00] =	vst v63  }
0x8b: {  	_ =	swait.ge [sflag:s22], $0x2000  }
0x8c: {  	[sflag:s22] =	ssyncset.done $0x0  }
.Ltmp1:
0x8d: {  	s2 =	sadd.s32 $0xA780, s0;
	[sflag:s22] =	ssyncadd.s32 $0xFFFFE000;
	(pc) =	sbr.rel @p1 .LBB2_4-.Ltmp1, $4  }
0x8e: {  	[spmem:s1] =	stream.indirect.scatter.add.f32 [tilespmem:s20], [sflag:$0x2], $0x40, s2, s17, $0xb8;
	[tilespmem:$0x1AF00] =	vst v63  }
0x8f: {  	_ =	swait.ge [sflag:s22], $0x2000  }
0x90: {  	[sflag:s22] =	ssyncset.done $0x0  }
0x91: {  	s28 =	sadd.s32 $0x1, s28;
	s0 =	sadd.s32 $0xA880, s0;
	[sflag:s22] =	ssyncadd.s32 $0xFFFFE000  }
0x92: {  	[spmem:s1] =	stream.indirect.scatter.add.f32 [tilespmem:s30], [sflag:$0x2], $0x40, s0, s17, $0xb8;
	[tilespmem:$0x1AF00] =	vst v63  }
0x93: {  	_ =	swait.ge [sflag:s23], $0x2000  }
0x94: {  	[sflag:s23] =	ssyncset.done $0x0  }
0x95: {  	[sflag:s23] =	ssyncadd.s32 $0xFFFFE000  }
0x96: {  	_ =	swait.ge [sflag:s23], $0x2000  }
0x97: {  	[sflag:s23] =	ssyncset.done $0x0  }
0x98: {  	[sflag:s23] =	ssyncadd.s32 $0xFFFFE000  }
0x99: {  	_ =	swait.ge [sflag:s23], $0x2000  }
0x9a: {  	[sflag:s23] =	ssyncset.done $0x0  }
0x9b: {  	[sflag:s23] =	ssyncadd.s32 $0xFFFFE000  }
0x9c: {  	_ =	swait.ge [sflag:s23], $0x2000  }
0x9d: {  	[sflag:s23] =	ssyncset.done $0x0  }
0x9e: {  	[sflag:s23] =	ssyncadd.s32 $0xFFFFE000  }
0x9f: {  	_ =	swait.ge [sflag:s23], $0x2000  }
0xa0: {  	[sflag:s23] =	ssyncset.done $0x0  }
0xa1: {  	[sflag:s23] =	ssyncadd.s32 $0xFFFFE000  }
0xa2: {  	_ =	swait.ge [sflag:s23], $0x2000  }
0xa3: {  	s0 =	simm.s32 @!p0 $0x80;
	[sflag:s23] =	ssyncset.done $0x0  }
0xa4: {  	s2 =	simm.s32 @!p0 $0xEE00;
	s18 =	simm.s32 @!p0 $0xEF00;
	[sflag:s23] =	ssyncadd.s32 $0xFFFFE000  }
0xa5: {  	[tilespmem:s18], [sflag:$0x1] =	stream.indirect.gather @!p0 [hbm4b:s4+s0], $0x40, s2, s0, $0xb8;
	[tilespmem:$0x1AF00] =	vst v63  }
0xa6: {  	s2 =	simm.s32 @!p0 $0x1  }
0xa7: {  	_ =	swait.ge @!p0 [sflag:s2], $0x2000  }
0xa8: {  	[sflag:s2] =	ssyncset.done @!p0 $0x0  }
0xa9: {  	[sflag:s2] =	ssyncadd.s32 @!p0 $0xFFFFE000;
	s2 =	simm.s32 @!p0 $0xEE80  }
0xaa: {  	[spmem:s1] =	stream.indirect.scatter.add.f32 @!p0 [tilespmem:s18], [sflag:$0x3], $0x40, s2, s0, $0xb8;
	[tilespmem:$0x1AF00] =	vst v63  }
0xab: {  	s0 =	simm.s32 @!p0 $0x3  }
0xac: {  	_ =	swait.ge @!p0 [sflag:s0], $0x2000  }
0xad: {  	s30 =	stileid.u32;
	s24 =	sadd.s32 $0x1, s24;
	[sflag:s0] =	ssyncset.done @!p0 $0x0  }
0xae: {  	p1 =	sne.s32 s24, s9;
	[sflag:s0] =	ssyncadd.s32 @!p0 $0xFFFFE000;
	s0 =	sshll.u32 s30, $0x6  }
.Ltmp2:
0xaf: {  	[bflag:$0x0] =	sbarrier.arrive $0xFFFF;
	s0 =	sor.u32 $0x1C03, s0;
	(pc) =	sbr.rel @p1 .LBB2_1-.Ltmp2, $4  }
0xb0: {  	[hbm:s8], [sflag:s0] =	dma.local [spmem:s25], $0x1400  }
0xb1: {  	_ =	swait.ge [sflag:s15], $0x1400  }
0xb2: {  	[sflag:s15] =	ssyncset.done $0x0  }
0xb3: {  	[sflag:s15] =	ssyncadd.s32 $0xFFFFEC00  }
0xb4: {  	_ =	sfence.sel $0x180000  }
0xb5: {  	[bflag:$0x0] =	sbarrier.arrive $0xFFFF  }
0xb6: {  	_ =	strace $0x9000004A  }
0xb7: {  	s0 =	stileid.u32;
	[bflag:$0x2] =	sbarrier.arrive $0xFFFF  }
0xb8: {  	p0 =	sne.s32 s0, $0x0;
	s0 =	rddreg [dreg:$0x3]  }
0xb9: {  	s0 =	sadd.s32 @!p0 $0x100000, s0  }
0xba: {  	[sflag:s0] =	ssyncadd.tile.s32 @!p0 $0x1;
	_ =	shalt  }
.Lfunc_end2:
_tile_overlayer_lowered:
.L_overlay_start_2:
0xbb: {  	(tag) =	ssettag $0x2  }
0xbc: {  	s0 =	rddreg [dreg:$0x0];
	s2 =	stileid.u32  }
0xbd: {  	s1 =	rddreg [dreg:$0x1];
	p0 =	sne.s32 s2, $0x0  }
0xbe: {  	s3 =	rddreg [dreg:$0x2];
	[bflag:$0x3] =	sbarrier.arrive $0xFFFF;
	s2 =	simm.s32 @!p0 $0x1C03  }
0xbf: {  	[timem:s3], [sflag:s2] =	dma.local @!p0 [hbm:s0], s1  }
0xc0: {  	s0 =	simm.s32 @!p0 $0x3  }
0xc1: {  	_ =	swait.ge @!p0 [sflag:s0], s1  }
0xc2: {  	s1 =	ssub.s32 @!p0 $0x0, s1;
	[sflag:s0] =	ssyncset.done @!p0 $0x0  }
0xc3: {  	[sflag:s0] =	ssyncadd.s32 @!p0 s1  }
0xc4: {  	[bflag:$0x3] =	sbarrier.arrive $0xFFFF  }
0xc5: {  	_ =	shalt  }

// kernel: kernel.15.cloned.1.call-start
scs
__scs_entry_jumppad:
0x0: {  	(pc) =	sbr.rel $0x88, $3  }
0x1: {  	(tag) =	ssettag $0x0;
	lr =	simm.s32 $0x1  }
0x2: {  	[smem:$0x3F9B] =	sst lr;
	_ =	strace $0xD0000000  }
0x3: {  	_ = 	snop  }
0x4: {  	_ = 	snop  }
0x5: {  	_ = 	snop  }
0x6: {  	_ = 	snop  }
0x7: {  	_ = 	snop  }
__scs_overlays_trampoline_lowered:
0x8: {  	[smem:$0x3FAA] =	sst s0  }
0x9: {  	[smem:$0x3FAB] =	sst s1  }
0xa: {  	[smem:$0x3FAC] =	sst s2  }
0xb: {  	[smem:$0x3FAD] =	sst s3  }
0xc: {  	[smem:$0x3FAE] =	sst s4  }
0xd: {  	[smem:$0x3FAF] =	sst s5  }
0xe: {  	[smem:$0x3FB0] =	sst s6  }
0xf: {  	[smem:$0x3FB1] =	sst s7  }
0x10: {  	[smem:$0x3FB2] =	sst s8  }
0x11: {  	[smem:$0x3FB3] =	sst s9;
	s0 =	simm.s32 @!p0 $0x0  }
0x12: {  	s1 =	sld [smem:$0x3F99];
	s0 =	simm.s32 @p0 $0x1  }
0x13: {  	[smem:$0x3FB4] =	sst s0;
	s0 =	simm.s32 @!p1 $0x0  }
0x14: {  	s2 =	sld [smem:$0x3F98];
	s0 =	simm.s32 @p1 $0x1  }
0x15: {  	[smem:$0x3FB5] =	sst s0;
	s0 =	simm.s32 @!p2 $0x0  }
0x16: {  	s3 =	sld [smem:$0x3FDB];
	s0 =	simm.s32 @p2 $0x1  }
0x17: {  	s4 =	simm.s32 $0x1BF5;
	[smem:$0x3FB7] =	sst s0  }
0x18: {  	s0 =	sld [smem:$0x3F9A];
	_ =	swait.ge [sflag:s4], $0x0  }
0x19: {  	s7 =	sld [smem:$0x3F9B]  }
0x1a: {  	s8 =	sadd.s32 $0xFFFFE003, lr  }
0x1b: {  	s9 =	sadd.s32 $0xFFFFFEF7, lr;
	s5 =	simm.s32 $0xFFFFFFFF;
	p2 =	slt.u32 s8, $0xFFFFF086  }
0x1c: {  	p1 =	slt.u32 s9, $0xF7A;
	s5 =	simm.s32 @!p2 $0x0  }
0x1d: {  	s5 =	simm.s32 @p1 $0x1;
	p0 =	seq.s32 s7, s2  }
0x1e: {  	s7 =	smul.u32 @!p0 $0xF7A, s2;
	p2 =	seq.s32 @!p0 s5, $0x0  }
0x1f: {  	s9 =	smul.u32 $0xF7A, s1;
	s8 =	simm.s32 @!p0 $0x1BF5;
	p2 =	por !p2, p0  }
0x20: {  	[sflag:s8] =	ssyncset.s32 @!p0 $0xFFFFF086;
	s6 =	sadd.s32 @!p0 s3, s7;
	s7 =	simm.s32 @!p0 $0x108  }
0x21: {  	s3 =	sadd.s32 s3, s9;
	s6 =	sadd.s32 @!p0 $0x88, s6;
	s7 =	simm.s32 @p2 $0x1082  }
0x22: {  	[simem:s7], [sflag:s8] =	dma.local @!p0 [hbm:s6], $0xF7A  }
0x23: {  	s9 =	sor.u32 $0xD0000000, s2;
	s6 =	simm.s32 $0x108;
	_ =	swait.ge @!p0 [sflag:s8], $0x0  }
0x24: {  	s3 =	sadd.s32 $0x88, s3;
	s6 =	simm.s32 @!p1 $0x1082;
	[sflag:s4] =	ssyncset.s32 $0xFFFFF086  }
0x25: {  	[simem:s6], [sflag:s4] =	dma.local [hbm:s3], $0xF7A  }
0x26: {  	[smem:$0x3F9B] =	sst s1;
	(tag) =	ssettag s2;
	_ =	strace s9  }
0x27: {  	s1 =	sld [smem:$0x3FAB]  }
0x28: {  	s2 =	sld [smem:$0x3FAC]  }
0x29: {  	s4 =	sld [smem:$0x3FAE]  }
0x2a: {  	p0 =	seq.s32 s5, $0x0;
	s5 =	sld [smem:$0x3FAF]  }
0x2b: {  	s6 =	sld [smem:$0x3FB0]  }
0x2c: {  	s7 =	sld [smem:$0x3FB1]  }
0x2d: {  	s3 =	simm.s32 $0x108;
	s8 =	sld [smem:$0x3FB2]  }
0x2e: {  	s3 =	simm.s32 @!p0 $0x1082;
	s9 =	sld [smem:$0x3FB3]  }
0x2f: {  	lr =	sadd.s32 s0, s3;
	s0 =	sld [smem:$0x3FAA]  }
0x30: {  	s3 =	sld [smem:$0x3FAD]  }
0x31: {  	[smem:$0x3FB6] =	sst s10  }
0x32: {  	s10 =	sld [smem:$0x3FB4];
	_ =	sdelay $0x3  }
0x33: {  	p0 =	seq.s32 s10, $0x1;
	s10 =	sld [smem:$0x3FB6];
	_ =	sdelay $0x3  }
0x34: {  	[smem:$0x3FB6] =	sst s10  }
0x35: {  	s10 =	sld [smem:$0x3FB5];
	_ =	sdelay $0x3  }
0x36: {  	p1 =	seq.s32 s10, $0x1;
	s10 =	sld [smem:$0x3FB6];
	_ =	sdelay $0x3  }
0x37: {  	[smem:$0x3FB6] =	sst s10  }
0x38: {  	s10 =	sld [smem:$0x3FB7]  }
0x39: {  	_ = 	snop;
	(pc) =	sbr.ind lr, $3  }
0x3a: {  	_ = 	snop  }
0x3b: {  	_ = 	snop  }
0x3c: {  	p2 =	seq.s32 s10, $0x1;
	s10 =	sld [smem:$0x3FB6]  }
0x3d: {  	_ =	shalt  }
0x3e: {  	_ =	shalt  }
0x3f: {  	_ =	shalt  }
0x40: {  	_ =	shalt  }
0x41: {  	_ =	shalt  }
0x42: {  	_ =	shalt  }
0x43: {  	_ =	shalt  }
0x44: {  	_ =	shalt  }
0x45: {  	_ =	shalt  }
0x46: {  	_ =	shalt  }
0x47: {  	_ =	shalt  }
0x48: {  	_ =	shalt  }
0x49: {  	_ =	shalt  }
0x4a: {  	_ =	shalt  }
0x4b: {  	_ =	shalt  }
0x4c: {  	_ =	shalt  }
0x4d: {  	_ =	shalt  }
0x4e: {  	_ =	shalt  }
0x4f: {  	_ =	shalt  }
0x50: {  	_ =	shalt  }
0x51: {  	_ =	shalt  }
0x52: {  	_ =	shalt  }
0x53: {  	_ =	shalt  }
0x54: {  	_ =	shalt  }
0x55: {  	_ =	shalt  }
0x56: {  	_ =	shalt  }
0x57: {  	_ =	shalt  }
0x58: {  	_ =	shalt  }
0x59: {  	_ =	shalt  }
0x5a: {  	_ =	shalt  }
0x5b: {  	_ =	shalt  }
0x5c: {  	_ =	shalt  }
0x5d: {  	_ =	shalt  }
0x5e: {  	_ =	shalt  }
0x5f: {  	_ =	shalt  }
0x60: {  	_ =	shalt  }
0x61: {  	_ =	shalt  }
0x62: {  	_ =	shalt  }
0x63: {  	_ =	shalt  }
0x64: {  	_ =	shalt  }
0x65: {  	_ =	shalt  }
0x66: {  	_ =	shalt  }
0x67: {  	_ =	shalt  }
0x68: {  	_ =	shalt  }
0x69: {  	_ =	shalt  }
0x6a: {  	_ =	shalt  }
0x6b: {  	_ =	shalt  }
0x6c: {  	_ =	shalt  }
0x6d: {  	_ =	shalt  }
0x6e: {  	_ =	shalt  }
0x6f: {  	_ =	shalt  }
0x70: {  	_ =	shalt  }
0x71: {  	_ =	shalt  }
0x72: {  	_ =	shalt  }
0x73: {  	_ =	shalt  }
0x74: {  	_ =	shalt  }
0x75: {  	_ =	shalt  }
0x76: {  	_ =	shalt  }
0x77: {  	_ =	shalt  }
0x78: {  	_ =	shalt  }
0x79: {  	_ =	shalt  }
0x7a: {  	_ =	shalt  }
0x7b: {  	_ =	shalt  }
0x7c: {  	_ =	shalt  }
0x7d: {  	_ =	shalt  }
0x7e: {  	_ =	shalt  }
0x7f: {  	_ =	shalt  }
0x80: {  	_ =	shalt  }
0x81: {  	_ =	shalt  }
0x82: {  	_ =	shalt  }
0x83: {  	_ =	shalt  }
0x84: {  	_ =	shalt  }
0x85: {  	_ =	shalt  }
0x86: {  	_ =	shalt  }
0x87: {  	_ =	shalt  }
.Lfunc_end0:
.L_simem_size_0:
called_computation.2_lowered:
.L_overlay_start_0:
0x88: {  	s2 =	sld [smem:$0x3FD9]  }
0x89: {  	s3 =	sld [smem:$0x3FFE];
	_ =	sdelay $0x1  }
0x8a: {  	s1 =	srdreg.scid  }
0x8b: {  	s0 =	sand.u32 $0x1, s1  }
0x8c: {  	s17 =	sshll.u32 s0, $0xA;
	s2 =	sadd.s32 s3, s2  }
0x8d: {  	s2 =	sadd.s32 s2, s17  }
0x8e: {  	[smem:$0x3FC2] =	sst s2  }
0x8f: {  	_ = 	snop  }
0x90: {  	s2 =	sld [smem:$0x3FC8];
	(tm) =	ssettm $0x1  }
0x91: {  	s18 =	sld [smem:$0x3FFB];
	_ =	sdelay $0x3  }
0x92: {  	_ =	strace s18  }
0x93: {  	s3 =	sld [smem:$0x3FFC];
	_ =	sdelay $0x3  }
0x94: {  	_ =	strace s3  }
0x95: {  	s3 =	sld [smem:$0x3FFD];
	_ =	sdelay $0x3  }
0x96: {  	_ =	strace s3  }
0x97: {  	_ =	strace $0x8FFFFFFF  }
0x98: {  	s19 =	sld [smem:$0x3FDB];
	_ =	sdelay $0x1  }
0x99: {  	s4 =	simm.s32 $_scs_section_size  }
0x9a: {  	s5 =	simm.s32 $_size__tile_overlayer_lowered;
	s6 =	simm.s32 $_tile_overlayer_lowered  }
0x9b: {  	s22 =	simm.s32 $0x1BFF;
	s21 =	sshll.u32 s6, $0x1;
	s3 =	sadd.s32 s4, s19  }
0x9c: {  	s7 =	simm.s32 $0x0;
	s20 =	sshll.u32 s5, $0x1;
	s5 =	sadd.s32 s21, s3  }
0x9d: {  	[timem:s7], [sflag:s22] =	dma.local [hbm:s5], s20  }
0x9e: {  	_ =	swait.ge [sflag:s22], s20  }
0x9f: {  	s4 =	ssub.s32 $0x0, s20;
	[sflag:s22] =	ssyncset.done $0x0  }
0xa0: {  	[sflag:s22] =	ssyncadd.s32 s4;
	_ =	sdelay $0x1  }
0xa1: {  	s23 =	simm.s32 $0x1B8B  }
0xa2: {  	_ =	swait.ge [sflag:s23], $0x1  }
0xa3: {  	[sflag:s23] =	ssyncset.done $0x0  }
0xa4: {  	s25 =	simm.s32 $0x1B8E;
	s24 =	sld [smem:$0x3FFE];
	[sflag:s23] =	ssyncadd.s32 $0xFFFFFFFF  }
0xa5: {  	s26 =	simm.s32 $execute0_lowered;
	[smem:$0x3FD2] =	sst s25  }
0xa6: {  	s5 =	sshll.u32 s26, $0x1;
	_ =	strace $0x8000004C;
	[dreg:$0x1] =	wrdreg $0xFFFFFFFF  }
0xa7: {  	s28 =	simm.s32 $_size_execute0_lowered;
	s3 =	sadd.s32 s3, s5;
	[dreg:$0x0] =	wrdreg $0x0  }
0xa8: {  	s5 =	sshll.u32 s28, $0x1;
	[dreg:$0x2] =	wrdreg s3  }
0xa9: {  	[dreg:$0x3] =	wrdreg s5  }
0xaa: {  	[dreg:$0x4] =	wrdreg $0xC0  }
0xab: {  	_ =	task [dreg:s7], $0x5FFFF  }
0xac: {  	[dreg:$0x1] =	wrdreg $0xFFFFFFFF  }
0xad: {  	[dreg:$0x0] =	wrdreg $0x60  }
0xae: {  	[dreg:$0x2] =	wrdreg s24  }
0xaf: {  	[dreg:$0x3] =	wrdreg s2  }
0xb0: {  	[dreg:$0x4] =	wrdreg $0x0  }
0xb1: {  	[dreg:$0x5] =	wrdreg $0x9  }
0xb2: {  	_ =	task.clear_ibuf [dreg:s7], $0x6FFFF;
	_ =	strace $0x9000004C  }
0xb3: {  	s29 =	simm.s32 $0x9;
	_ =	strace $0x8000004E  }
0xb4: {  	_ =	swait.ge [sflag:s29], $0x1  }
0xb5: {  	[sflag:s29] =	ssyncadd.s32 $0xFFFFFFFF  }
0xb6: {  	_ =	strace $0x9000004E  }
0xb7: {  	_ =	sfence  }
0xb8: {  	s30 =	sld [smem:$0x0];
	_ =	sdelay $0x2  }
0xb9: {  	s31 =	sshll.u32 s1, $0xD;
	s1 =	sshrl.u32 s1, $0x2  }
0xba: {  	s3 =	sand.u32 $0x4000, s31;
	s1 =	sadd.s32 s1, s30  }
0xbb: {  	s0 =	sor.u32 s3, s0;
	s1 =	sshll.u32 s1, $0x11  }
0xbc: {  	s0 =	sor.u32 s1, s0  }
0xbd: {  	s0 =	sadd.s32 $0x8F2B, s0  }
0xbe: {  	[sflag:s0] =	ssyncadd.remote.s32 $0x1  }
0xbf: {  	_ =	sfence.sel $0xFFFF  }
0xc0: {  	[dreg:$0x0] =	wrdreg $0xFFFFFFFF;
	(pc) =	sbr.abs _section_cstart, $3  }
0xc1: {  	[dreg:$0x1] =	wrdreg $0xFFFFFFFF  }
0xc2: {  	_ =	task.clear_ibuf [dreg:s7], $0x2FFFF;
	_ =	strace $0x9FFFFFFF  }
0xc3: {  	(tm) =	ssettm $0x7FFFFFFF  }
tec
execute0_lowered:
.L_overlay_start_1:
0x0: {  	(tag) =	ssettag $0x1  }
0x1: {  	s0 =	rddreg [dreg:$0x0]  }
0x2: {  	s1 =	rddreg [dreg:$0x1]  }
0x3: {  	s2 =	rddreg [dreg:$0x2]  }
0x4: {  	s3 =	srdreg.scid;
	s10 =	stileid.u32;
	s6 =	simm.s32 $0x0  }
0x5: {  	s14 =	simm.s32 $0x7700;
	s15 =	simm.s32 $0x3;
	s31 =	simm.s32 $0x1A000  }
0x6: {  	s17 =	simm.s32 $0x80;
	s18 =	simm.s32 $0x1;
	s19 =	simm.s32 $0x2  }
0x7: {  	s3 =	sand.u32 $0x1, s3;
	s4 =	sshll.u32 s10, $0x1;
	s7 =	smul.u32 $0x2800, s10  }
0x8: {  	[smem:$0x7FF] =	sst s6;
	s9 =	smul.u32 $0xA000, s10;
	p0 =	sgt.u32 s10, $0x1  }
0x9: {  	s5 =	smul.u32 $0x28000, s3;
	s21 =	sor.u32 s3, s4;
	_ =	strace $0x8000004D  }
0xa: {  	s4 =	sadd.s32 $0x2A00, s0;
	s3 =	ssub.s32 $0x2, s3;
	[dreg:$0x4] =	wrdreg s31  }
0xb: {  	s8 =	smul.u32 $0x4E, s21;
	s6 =	smin.u32 s21, $0x4;
	s5 =	sadd.s32 s7, s5  }
0xc: {  	s23 =	sshrl.u32 s3, $0x1;
	s24 =	sshrl.u32 s9, $0x2;
	s5 =	sshrl.u32 s5, $0x3  }
0xd: {  	s25 =	ssub.s32 s3, s23;
	s6 =	sadd.s32 s6, s8;
	s0 =	sadd.s32 s5, s0  }
0xe: {  	s22 =	sshll.u32 s6, $0x5;
	s6 =	sadd.s32 s24, s2;
	s0 =	sadd.s32 $0x7A00, s0  }
0xf: {  	s5 =	sadd.s32 s1, s22;
	s1 =	smax.u32 s25, $0x1;
	[dreg:$0x6] =	wrdreg s0  }
0x10: {  	s28 =	sadd.s32 s7, s2;
	s29 =	sadd.s32 $0x800, s6;
	[dreg:$0x7] =	wrdreg s1  }
0x11: {  	s21 =	simm.s32 $0x0;
	s30 =	sadd.s32 $0x1000, s6;
	[dreg:$0x8] =	wrdreg s29  }
0x12: {  	s20 =	sshrl.u32 s28, $0x3;
	s26 =	sadd.s32 $0x9C0, s5;
	[dreg:$0x9] =	wrdreg s30  }
0x13: {  	v0 =	vimm.f32 $0.0e+00;
	s12 =	sadd.s32 $0x1800, s6;
	s13 =	sadd.s32 $0x2000, s6;
	[dreg:$0x5] =	wrdreg s26  }
.LBB2_1:
0x14: {  	s0 =	simm.s32 $0x40;
	s1 =	simm.s32 $0x0  }
.LBB2_2:
0x15: {  	p1 =	sne.s32 s0, $0x1FC0;
	[tilespmem:s1+$0x7700] =	vst v0;
	s1 =	smov.u32 s0;
	s0 =	sadd.s32 $0x40, s0  }
.Ltmp0:
0x16: {  	(pc) =	sbr.rel @p1 .LBB2_2-.Ltmp0, $2  }
0x17: {  	_ =	sdelay $0x2  }
0x18: {  	s1 =	sshra.s32 s1, $0x2  }
0x19: {  	[tilespmem:s1+$0x7700] =	vst v0  }
0x1a: {  	[spmem:s6] =	stream.linear.scatter [tilespmem:s14], [sflag:$0x3], $0x800, $0x38;
	[tilespmem:$0x14700] =	vst v63  }
0x1b: {  	_ =	swait.ge [sflag:s15], $0x800  }
0x1c: {  	[sflag:s15] =	ssyncset.done $0x0  }
0x1d: {  	s0 =	rddreg [dreg:$0x8];
	[sflag:s15] =	ssyncadd.s32 $0xFFFFF800  }
0x1e: {  	[spmem:s0] =	stream.linear.scatter [tilespmem:s14], [sflag:$0x3], $0x800, $0x38;
	[tilespmem:$0x14700] =	vst v63  }
0x1f: {  	_ =	swait.ge [sflag:s15], $0x800  }
0x20: {  	[sflag:s15] =	ssyncset.done $0x0  }
0x21: {  	s11 =	rddreg [dreg:$0x9];
	[sflag:s15] =	ssyncadd.s32 $0xFFFFF800  }
0x22: {  	[spmem:s11] =	stream.linear.scatter [tilespmem:s14], [sflag:$0x3], $0x800, $0x38;
	[tilespmem:$0x14700] =	vst v63  }
0x23: {  	_ =	swait.ge [sflag:s15], $0x800  }
0x24: {  	[sflag:s15] =	ssyncset.done $0x0  }
0x25: {  	[sflag:s15] =	ssyncadd.s32 $0xFFFFF800  }
0x26: {  	[spmem:s12] =	stream.linear.scatter [tilespmem:s14], [sflag:$0x3], $0x800, $0x38;
	[tilespmem:$0x14700] =	vst v63  }
0x27: {  	_ =	swait.ge [sflag:s15], $0x800  }
0x28: {  	[sflag:s15] =	ssyncset.done $0x0  }
0x29: {  	[sflag:s15] =	ssyncadd.s32 $0xFFFFF800  }
0x2a: {  	[spmem:s13] =	stream.linear.scatter [tilespmem:s14], [sflag:$0x3], $0x800, $0x38;
	[tilespmem:$0x14700] =	vst v63  }
0x2b: {  	_ =	swait.ge [sflag:s15], $0x800  }
0x2c: {  	[sflag:s15] =	ssyncset.done $0x0  }
0x2d: {  	s16 =	simm.s32 $0x0;
	s22 =	simm.s32 $0x2800;
	[sflag:s15] =	ssyncadd.s32 $0xFFFFF800  }
0x2e: {  	[tilespmem:s22], [sflag:$0x3] =	stream.linear.gather [hbm4b:s5+s16], $0x4E00, $0x38;
	[tilespmem:$0x14700] =	vst v63  }
0x2f: {  	_ =	swait.ge [sflag:s15], $0x4E00  }
0x30: {  	s1 =	simm.s32 @!p0 $0x7600;
	[sflag:s15] =	ssyncset.done $0x0  }
0x31: {  	s0 =	simm.s32 @!p0 $0x0;
	s3 =	rddreg [dreg:$0x5];
	[sflag:s15] =	ssyncadd.s32 $0xFFFFB200  }
0x32: {  	[tilespmem:s1], [sflag:$0x3] =	stream.linear.gather @!p0 [hbm4b:s3+s0], $0x100, $0x38;
	[tilespmem:$0x14700] =	vst v63  }
0x33: {  	s0 =	simm.s32 @!p0 $0x3  }
0x34: {  	_ =	swait.ge @!p0 [sflag:s0], $0x100  }
0x35: {  	[sflag:s0] =	ssyncset.done @!p0 $0x0  }
0x36: {  	p1 =	por $0x1, $0x1;
	[sflag:s0] =	ssyncadd.s32 @!p0 $0xFFFFFF00  }
0x37: {  	s1 =	simm.s32 @!p1 $0x2;
	[bflag:$0x0] =	sbarrier.arrive $0xFFFF  }
0x38: {  	s0 =	rddreg [dreg:$0x4];
	_ =	swait.ge @!p1 [sflag:s1], $0x800  }
0x39: {  	[sflag:s1] =	ssyncset.done @!p1 $0x0  }
0x3a: {  	[sflag:s1] =	ssyncadd.s32 @!p1 $0xFFFFF800  }
0x3b: {  	_ =	swait.ge @!p1 [sflag:s1], $0x800  }
0x3c: {  	[sflag:s1] =	ssyncset.done @!p1 $0x0  }
0x3d: {  	[sflag:s1] =	ssyncadd.s32 @!p1 $0xFFFFF800  }
0x3e: {  	_ =	swait.ge @!p1 [sflag:s1], $0x800  }
0x3f: {  	[sflag:s1] =	ssyncset.done @!p1 $0x0  }
0x40: {  	[sflag:s1] =	ssyncadd.s32 @!p1 $0xFFFFF800  }
0x41: {  	_ =	swait.ge @!p1 [sflag:s1], $0x800  }
0x42: {  	[sflag:s1] =	ssyncset.done @!p1 $0x0  }
0x43: {  	[sflag:s1] =	ssyncadd.s32 @!p1 $0xFFFFF800  }
0x44: {  	_ =	swait.ge @!p1 [sflag:s1], $0x800  }
0x45: {  	[sflag:s1] =	ssyncset.done @!p1 $0x0  }
0x46: {  	[sflag:s1] =	ssyncadd.s32 @!p1 $0xFFFFF800  }
0x47: {  	_ =	swait.ge @!p1 [sflag:s1], $0x800  }
0x48: {  	[sflag:s1] =	ssyncset.done @!p1 $0x0  }
0x49: {  	[sflag:s1] =	ssyncadd.s32 @!p1 $0xFFFFF800  }
0x4a: {  	_ =	swait.ge @!p1 [sflag:s1], $0x800  }
0x4b: {  	[sflag:s1] =	ssyncset.done @!p1 $0x0  }
0x4c: {  	[sflag:s1] =	ssyncadd.s32 @!p1 $0xFFFFF800  }
0x4d: {  	_ =	swait.ge @!p1 [sflag:s1], $0x800  }
0x4e: {  	[sflag:s1] =	ssyncset.done @!p1 $0x0  }
0x4f: {  	[sflag:s1] =	ssyncadd.s32 @!p1 $0xFFFFF800  }
0x50: {  	_ =	swait.ge @!p1 [sflag:s1], $0x800  }
0x51: {  	[sflag:s1] =	ssyncset.done @!p1 $0x0  }
0x52: {  	[sflag:s1] =	ssyncadd.s32 @!p1 $0xFFFFF800  }
0x53: {  	_ =	swait.ge @!p1 [sflag:s1], $0x800  }
0x54: {  	[sflag:s1] =	ssyncset.done @!p1 $0x0  }
0x55: {  	[sflag:s1] =	ssyncadd.s32 @!p1 $0xFFFFF800  }
0x56: {  	_ =	swait.ge @!p1 [sflag:s1], $0x800  }
0x57: {  	[sflag:s1] =	ssyncset.done @!p1 $0x0  }
0x58: {  	[sflag:s1] =	ssyncadd.s32 @!p1 $0xFFFFF800  }
0x59: {  	s23 =	simm.s32 $0x0;
	_ =	swait.ge @!p1 [sflag:s1], $0x800  }
0x5a: {  	s3 =	sand.u32 $0x1, s23;
	[sflag:s1] =	ssyncset.done @!p1 $0x0  }
0x5b: {  	p2 =	seq.s32 s3, $0x1;
	[sflag:s1] =	ssyncadd.s32 @!p1 $0xFFFFF800  }
0x5c: {  	s0 =	simm.s32 @!p2 $0x0;
	_ =	swait.ge @!p1 [sflag:s1], $0x800  }
0x5d: {  	s3 =	sshrl.u32 s0, $0x2;
	[sflag:s1] =	ssyncset.done @!p1 $0x0  }
0x5e: {  	s24 =	simm.s32 $0x2800;
	s7 =	sadd.s32 $0x7700, s3;
	[sflag:s1] =	ssyncadd.s32 @!p1 $0xFFFFF800  }
0x5f: {  	[tilespmem:s7], [sflag:$0x1] =	stream.indirect.gather [hbm4b:s4+s17], $0x10, s24, s17, $0xb8;
	[tilespmem:$0x14700] =	vst v63  }
0x60: {  	s25 =	simm.s32 $0x2900;
	s8 =	sadd.s32 $0x7F00, s3  }
0x61: {  	[tilespmem:s8], [sflag:$0x1] =	stream.indirect.gather [hbm4b:s4+s17], $0x10, s25, s17, $0xb8;
	[tilespmem:$0x14700] =	vst v63  }
0x62: {  	s26 =	simm.s32 $0x2A00;
	s9 =	sadd.s32 $0x8700, s3  }
0x63: {  	[tilespmem:s9], [sflag:$0x1] =	stream.indirect.gather [hbm4b:s4+s17], $0x10, s26, s17, $0xb8;
	[tilespmem:$0x14700] =	vst v63  }
0x64: {  	s28 =	simm.s32 $0x2B00;
	s10 =	sadd.s32 $0x8F00, s3  }
0x65: {  	[tilespmem:s10], [sflag:$0x1] =	stream.indirect.gather [hbm4b:s4+s17], $0x10, s28, s17, $0xb8;
	[tilespmem:$0x14700] =	vst v63  }
0x66: {  	s29 =	simm.s32 $0x2C00;
	s16 =	sadd.s32 $0x9700, s3  }
0x67: {  	[tilespmem:s16], [sflag:$0x1] =	stream.indirect.gather [hbm4b:s4+s17], $0x10, s29, s17, $0xb8;
	[tilespmem:$0x14700] =	vst v63  }
0x68: {  	s30 =	simm.s32 $0x2D00;
	s22 =	sadd.s32 $0x9F00, s3  }
0x69: {  	[tilespmem:s22], [sflag:$0x1] =	stream.indirect.gather [hbm4b:s4+s17], $0x10, s30, s17, $0xb8;
	[tilespmem:$0x14700] =	vst v63  }
0x6a: {  	s31 =	simm.s32 $0x2E00;
	s23 =	sadd.s32 $0xA700, s3  }
0x6b: {  	[tilespmem:s23], [sflag:$0x1] =	stream.indirect.gather [hbm4b:s4+s17], $0x10, s31, s17, $0xb8;
	[tilespmem:$0x14700] =	vst v63  }
0x6c: {  	s1 =	simm.s32 $0x2F00;
	s24 =	sadd.s32 $0xAF00, s3  }
0x6d: {  	[tilespmem:s24], [sflag:$0x1] =	stream.indirect.gather [hbm4b:s4+s17], $0x10, s1, s17, $0xb8;
	[tilespmem:$0x14700] =	vst v63  }
0x6e: {  	s11 =	simm.s32 $0x3000;
	s26 =	sadd.s32 $0xB700, s3  }
0x6f: {  	[tilespmem:s26], [sflag:$0x1] =	stream.indirect.gather [hbm4b:s4+s17], $0x10, s11, s17, $0xb8;
	[tilespmem:$0x14700] =	vst v63  }
0x70: {  	s25 =	simm.s32 $0x3100;
	s28 =	sadd.s32 $0xBF00, s3  }
0x71: {  	[tilespmem:s28], [sflag:$0x1] =	stream.indirect.gather [hbm4b:s4+s17], $0x10, s25, s17, $0xb8;
	[tilespmem:$0x14700] =	vst v63  }
0x72: {  	s29 =	simm.s32 $0x3200;
	s1 =	sadd.s32 $0xC700, s3  }
0x73: {  	[tilespmem:s1], [sflag:$0x1] =	stream.indirect.gather [hbm4b:s4+s17], $0x10, s29, s17, $0xb8;
	[tilespmem:$0x14700] =	vst v63  }
0x74: {  	s0 =	sadd.s32 $0xCF00, s3;
	s25 =	simm.s32 $0x3300  }
0x75: {  	[tilespmem:s0], [sflag:$0x1] =	stream.indirect.gather [hbm4b:s4+s17], $0x10, s25, s17, $0xb8;
	[tilespmem:$0x14700] =	vst v63  }
0x76: {  	s30 =	simm.s32 $0x3400;
	s25 =	sadd.s32 $0xD700, s3  }
0x77: {  	[tilespmem:s25], [sflag:$0x1] =	stream.indirect.gather [hbm4b:s4+s17], $0x10, s30, s17, $0xb8;
	[tilespmem:$0x14700] =	vst v63  }
0x78: {  	_ =	swait.ge [sflag:s18], $0x800  }
0x79: {  	[sflag:s18] =	ssyncset.done $0x0  }
0x7a: {  	s31 =	simm.s32 $0x2880;
	[sflag:s18] =	ssyncadd.s32 $0xFFFFF800  }
0x7b: {  	[spmem:s2] =	stream.indirect.scatter.add.f32 [tilespmem:s7], [sflag:$0x2], $0x10, s31, s17, $0xb8;
	[tilespmem:$0x14700] =	vst v63  }
0x7c: {  	_ =	swait.ge [sflag:s18], $0x800  }
0x7d: {  	[sflag:s18] =	ssyncset.done $0x0  }
0x7e: {  	s7 =	simm.s32 $0x2980;
	[sflag:s18] =	ssyncadd.s32 $0xFFFFF800  }
0x7f: {  	[spmem:s2] =	stream.indirect.scatter.add.f32 [tilespmem:s8], [sflag:$0x2], $0x10, s7, s17, $0xb8;
	[tilespmem:$0x14700] =	vst v63  }
0x80: {  	_ =	swait.ge [sflag:s18], $0x800  }
0x81: {  	[sflag:s18] =	ssyncset.done $0x0  }
0x82: {  	s8 =	simm.s32 $0x2A80;
	[sflag:s18] =	ssyncadd.s32 $0xFFFFF800  }
0x83: {  	[spmem:s2] =	stream.indirect.scatter.add.f32 [tilespmem:s9], [sflag:$0x2], $0x10, s8, s17, $0xb8;
	[tilespmem:$0x14700] =	vst v63  }
0x84: {  	_ =	swait.ge [sflag:s18], $0x800  }
0x85: {  	[sflag:s18] =	ssyncset.done $0x0  }
0x86: {  	s9 =	simm.s32 $0x2B80;
	[sflag:s18] =	ssyncadd.s32 $0xFFFFF800  }
0x87: {  	[spmem:s2] =	stream.indirect.scatter.add.f32 [tilespmem:s10], [sflag:$0x2], $0x10, s9, s17, $0xb8;
	[tilespmem:$0x14700] =	vst v63  }
0x88: {  	_ =	swait.ge [sflag:s18], $0x800  }
0x89: {  	[sflag:s18] =	ssyncset.done $0x0  }
0x8a: {  	s11 =	simm.s32 $0x2C80;
	[sflag:s18] =	ssyncadd.s32 $0xFFFFF800  }
0x8b: {  	[spmem:s2] =	stream.indirect.scatter.add.f32 [tilespmem:s16], [sflag:$0x2], $0x10, s11, s17, $0xb8;
	[tilespmem:$0x14700] =	vst v63  }
0x8c: {  	_ =	swait.ge [sflag:s18], $0x800  }
0x8d: {  	[sflag:s18] =	ssyncset.done $0x0  }
0x8e: {  	s16 =	simm.s32 $0x2D80;
	[sflag:s18] =	ssyncadd.s32 $0xFFFFF800  }
0x8f: {  	[spmem:s2] =	stream.indirect.scatter.add.f32 [tilespmem:s22], [sflag:$0x2], $0x10, s16, s17, $0xb8;
	[tilespmem:$0x14700] =	vst v63  }
0x90: {  	_ =	swait.ge [sflag:s18], $0x800  }
0x91: {  	[sflag:s18] =	ssyncset.done $0x0  }
0x92: {  	s22 =	simm.s32 $0x2E80;
	[sflag:s18] =	ssyncadd.s32 $0xFFFFF800  }
0x93: {  	[spmem:s2] =	stream.indirect.scatter.add.f32 [tilespmem:s23], [sflag:$0x2], $0x10, s22, s17, $0xb8;
	[tilespmem:$0x14700] =	vst v63  }
0x94: {  	_ =	swait.ge [sflag:s18], $0x800  }
0x95: {  	[sflag:s18] =	ssyncset.done $0x0  }
0x96: {  	s23 =	simm.s32 $0x2F80;
	[sflag:s18] =	ssyncadd.s32 $0xFFFFF800  }
0x97: {  	[spmem:s2] =	stream.indirect.scatter.add.f32 [tilespmem:s24], [sflag:$0x2], $0x10, s23, s17, $0xb8;
	[tilespmem:$0x14700] =	vst v63  }
0x98: {  	_ =	swait.ge [sflag:s18], $0x800  }
0x99: {  	[sflag:s18] =	ssyncset.done $0x0  }
0x9a: {  	s24 =	simm.s32 $0x3080;
	[sflag:s18] =	ssyncadd.s32 $0xFFFFF800  }
0x9b: {  	[spmem:s2] =	stream.indirect.scatter.add.f32 [tilespmem:s26], [sflag:$0x2], $0x10, s24, s17, $0xb8;
	[tilespmem:$0x14700] =	vst v63  }
0x9c: {  	_ =	swait.ge [sflag:s18], $0x800  }
0x9d: {  	[sflag:s18] =	ssyncset.done $0x0  }
0x9e: {  	s29 =	simm.s32 $0x3180;
	[sflag:s18] =	ssyncadd.s32 $0xFFFFF800  }
0x9f: {  	[spmem:s2] =	stream.indirect.scatter.add.f32 [tilespmem:s28], [sflag:$0x2], $0x10, s29, s17, $0xb8;
	[tilespmem:$0x14700] =	vst v63  }
0xa0: {  	_ =	swait.ge [sflag:s18], $0x800  }
0xa1: {  	[sflag:s18] =	ssyncset.done $0x0  }
0xa2: {  	s30 =	simm.s32 $0x3280;
	[sflag:s18] =	ssyncadd.s32 $0xFFFFF800  }
0xa3: {  	[spmem:s2] =	stream.indirect.scatter.add.f32 [tilespmem:s1], [sflag:$0x2], $0x10, s30, s17, $0xb8;
	[tilespmem:$0x14700] =	vst v63  }
0xa4: {  	_ =	swait.ge [sflag:s18], $0x800  }
0xa5: {  	p2 =	por $0x1, $0x1;
	[sflag:s18] =	ssyncset.done $0x0  }
0xa6: {  	s31 =	simm.s32 $0x3380;
	s7 =	simm.s32 $0x3480;
	[sflag:s18] =	ssyncadd.s32 $0xFFFFF800  }
0xa7: {  	[spmem:s2] =	stream.indirect.scatter.add.f32 [tilespmem:s0], [sflag:$0x2], $0x10, s31, s17, $0xb8;
	[tilespmem:$0x14700] =	vst v63  }
0xa8: {  	s22 =	simm.s32 $0x3400;
	s24 =	simm.s32 $0x1;
	_ =	swait.ge [sflag:s18], $0x800  }
0xa9: {  	s23 =	simm.s32 $0x6800;
	s3 =	sand.u32 $0x1, s24;
	[sflag:s18] =	ssyncset.done $0x0  }
.LBB2_4:
0xaa: {  	s0 =	simm.s32 @!p2 $0x2;
	[sflag:s18] =	ssyncadd.s32 $0xFFFFF800  }
0xab: {  	[spmem:s2] =	stream.indirect.scatter.add.f32 [tilespmem:s25], [sflag:$0x2], $0x10, s7, s17, $0xb8;
	[tilespmem:$0x14700] =	vst v63  }
0xac: {  	s8 =	rddreg [dreg:$0x4];
	_ =	swait.ge @!p2 [sflag:s0], $0x800  }
0xad: {  	[sflag:s0] =	ssyncset.done @!p2 $0x0  }
0xae: {  	[sflag:s0] =	ssyncadd.s32 @!p2 $0xFFFFF800  }
0xaf: {  	_ =	swait.ge @!p2 [sflag:s0], $0x800  }
0xb0: {  	[sflag:s0] =	ssyncset.done @!p2 $0x0  }
0xb1: {  	[sflag:s0] =	ssyncadd.s32 @!p2 $0xFFFFF800  }
0xb2: {  	_ =	swait.ge @!p2 [sflag:s0], $0x800  }
0xb3: {  	[sflag:s0] =	ssyncset.done @!p2 $0x0  }
0xb4: {  	[sflag:s0] =	ssyncadd.s32 @!p2 $0xFFFFF800  }
0xb5: {  	_ =	swait.ge @!p2 [sflag:s0], $0x800  }
0xb6: {  	[sflag:s0] =	ssyncset.done @!p2 $0x0  }
0xb7: {  	[sflag:s0] =	ssyncadd.s32 @!p2 $0xFFFFF800  }
0xb8: {  	_ =	swait.ge @!p2 [sflag:s0], $0x800  }
0xb9: {  	[sflag:s0] =	ssyncset.done @!p2 $0x0  }
0xba: {  	[sflag:s0] =	ssyncadd.s32 @!p2 $0xFFFFF800  }
0xbb: {  	_ =	swait.ge @!p2 [sflag:s0], $0x800  }
0xbc: {  	[sflag:s0] =	ssyncset.done @!p2 $0x0  }
0xbd: {  	[sflag:s0] =	ssyncadd.s32 @!p2 $0xFFFFF800  }
0xbe: {  	_ =	swait.ge @!p2 [sflag:s0], $0x800  }
0xbf: {  	[sflag:s0] =	ssyncset.done @!p2 $0x0  }
0xc0: {  	[sflag:s0] =	ssyncadd.s32 @!p2 $0xFFFFF800  }
0xc1: {  	_ =	swait.ge @!p2 [sflag:s0], $0x800  }
0xc2: {  	[sflag:s0] =	ssyncset.done @!p2 $0x0  }
0xc3: {  	[sflag:s0] =	ssyncadd.s32 @!p2 $0xFFFFF800  }
0xc4: {  	_ =	swait.ge @!p2 [sflag:s0], $0x800  }
0xc5: {  	[sflag:s0] =	ssyncset.done @!p2 $0x0  }
0xc6: {  	[sflag:s0] =	ssyncadd.s32 @!p2 $0xFFFFF800  }
0xc7: {  	_ =	swait.ge @!p2 [sflag:s0], $0x800  }
0xc8: {  	[sflag:s0] =	ssyncset.done @!p2 $0x0  }
0xc9: {  	[sflag:s0] =	ssyncadd.s32 @!p2 $0xFFFFF800  }
0xca: {  	_ =	swait.ge @!p2 [sflag:s0], $0x800  }
0xcb: {  	[sflag:s0] =	ssyncset.done @!p2 $0x0  }
0xcc: {  	[sflag:s0] =	ssyncadd.s32 @!p2 $0xFFFFF800  }
0xcd: {  	_ =	swait.ge @!p2 [sflag:s0], $0x800  }
0xce: {  	[sflag:s0] =	ssyncset.done @!p2 $0x0  }
0xcf: {  	p3 =	seq.s32 s3, $0x1;
	[sflag:s0] =	ssyncadd.s32 @!p2 $0xFFFFF800  }
0xd0: {  	s8 =	simm.s32 @!p3 $0x0;
	_ =	swait.ge @!p2 [sflag:s0], $0x800  }
0xd1: {  	s26 =	sshra.s32 s22, $0x2;
	s25 =	sshrl.u32 s8, $0x2;
	[sflag:s0] =	ssyncset.done @!p2 $0x0  }
0xd2: {  	s9 =	sadd.s32 $0x2800, s26;
	s10 =	sadd.s32 $0x7700, s25;
	[sflag:s0] =	ssyncadd.s32 @!p2 $0xFFFFF800  }
0xd3: {  	[tilespmem:s10], [sflag:$0x1] =	stream.indirect.gather [hbm4b:s4+s17], $0x10, s9, s17, $0xb8;
	[tilespmem:$0x14700] =	vst v63  }
0xd4: {  	s11 =	sadd.s32 $0x2900, s26;
	s9 =	sadd.s32 $0x7F00, s25  }
0xd5: {  	[tilespmem:s9], [sflag:$0x1] =	stream.indirect.gather [hbm4b:s4+s17], $0x10, s11, s17, $0xb8;
	[tilespmem:$0x14700] =	vst v63  }
0xd6: {  	s16 =	sadd.s32 $0x2A00, s26;
	s8 =	sadd.s32 $0x8700, s25  }
0xd7: {  	[tilespmem:s8], [sflag:$0x1] =	stream.indirect.gather [hbm4b:s4+s17], $0x10, s16, s17, $0xb8;
	[tilespmem:$0x14700] =	vst v63  }
0xd8: {  	s1 =	smov.u32 s23;
	s28 =	sadd.s32 $0x2B00, s26;
	s7 =	sadd.s32 $0x8F00, s25  }
0xd9: {  	[tilespmem:s7], [sflag:$0x1] =	stream.indirect.gather [hbm4b:s4+s17], $0x10, s28, s17, $0xb8;
	[tilespmem:$0x14700] =	vst v63  }
0xda: {  	s22 =	smov.u32 s1;
	s29 =	sadd.s32 $0x2C00, s26;
	s1 =	sadd.s32 $0x9700, s25  }
0xdb: {  	[tilespmem:s1], [sflag:$0x1] =	stream.indirect.gather [hbm4b:s4+s17], $0x10, s29, s17, $0xb8;
	[tilespmem:$0x14700] =	vst v63  }
0xdc: {  	s30 =	sadd.s32 $0x2D00, s26;
	s16 =	sadd.s32 $0x9F00, s25  }
0xdd: {  	[tilespmem:s16], [sflag:$0x1] =	stream.indirect.gather [hbm4b:s4+s17], $0x10, s30, s17, $0xb8;
	[tilespmem:$0x14700] =	vst v63  }
0xde: {  	s31 =	sadd.s32 $0x2E00, s26;
	s3 =	sadd.s32 $0xA700, s25  }
0xdf: {  	[tilespmem:s3], [sflag:$0x1] =	stream.indirect.gather [hbm4b:s4+s17], $0x10, s31, s17, $0xb8;
	[tilespmem:$0x14700] =	vst v63  }
0xe0: {  	s0 =	sadd.s32 $0xAF00, s25;
	s28 =	sadd.s32 $0x2F00, s26  }
0xe1: {  	[tilespmem:s0], [sflag:$0x1] =	stream.indirect.gather [hbm4b:s4+s17], $0x10, s28, s17, $0xb8;
	[tilespmem:$0x14700] =	vst v63  }
0xe2: {  	s11 =	sadd.s32 $0x3000, s26;
	s31 =	sadd.s32 $0xB700, s25  }
0xe3: {  	[tilespmem:s31], [sflag:$0x1] =	stream.indirect.gather [hbm4b:s4+s17], $0x10, s11, s17, $0xb8;
	[tilespmem:$0x14700] =	vst v63  }
0xe4: {  	s29 =	sadd.s32 $0x3100, s26;
	s30 =	sadd.s32 $0xBF00, s25  }
0xe5: {  	[tilespmem:s30], [sflag:$0x1] =	stream.indirect.gather [hbm4b:s4+s17], $0x10, s29, s17, $0xb8;
	[tilespmem:$0x14700] =	vst v63  }
0xe6: {  	s11 =	sadd.s32 $0x3200, s26;
	s29 =	sadd.s32 $0xC700, s25  }
0xe7: {  	[tilespmem:s29], [sflag:$0x1] =	stream.indirect.gather [hbm4b:s4+s17], $0x10, s11, s17, $0xb8;
	[tilespmem:$0x14700] =	vst v63  }
0xe8: {  	s28 =	sadd.s32 $0xCF00, s25;
	s11 =	sadd.s32 $0x3300, s26  }
0xe9: {  	[tilespmem:s28], [sflag:$0x1] =	stream.indirect.gather [hbm4b:s4+s17], $0x10, s11, s17, $0xb8;
	[tilespmem:$0x14700] =	vst v63  }
0xea: {  	s25 =	sadd.s32 $0xD700, s25;
	s11 =	sadd.s32 $0x3400, s26  }
0xeb: {  	[tilespmem:s25], [sflag:$0x1] =	stream.indirect.gather [hbm4b:s4+s17], $0x10, s11, s17, $0xb8;
	[tilespmem:$0x14700] =	vst v63  }
0xec: {  	_ =	swait.ge [sflag:s18], $0x800  }
0xed: {  	[sflag:s18] =	ssyncset.done $0x0  }
0xee: {  	s11 =	sadd.s32 $0x2880, s26;
	[sflag:s18] =	ssyncadd.s32 $0xFFFFF800  }
0xef: {  	[spmem:s2] =	stream.indirect.scatter.add.f32 [tilespmem:s10], [sflag:$0x2], $0x10, s11, s17, $0xb8;
	[tilespmem:$0x14700] =	vst v63  }
0xf0: {  	_ =	swait.ge [sflag:s18], $0x800  }
0xf1: {  	[sflag:s18] =	ssyncset.done $0x0  }
0xf2: {  	s11 =	sadd.s32 $0x2980, s26;
	[sflag:s18] =	ssyncadd.s32 $0xFFFFF800  }
0xf3: {  	[spmem:s2] =	stream.indirect.scatter.add.f32 [tilespmem:s9], [sflag:$0x2], $0x10, s11, s17, $0xb8;
	[tilespmem:$0x14700] =	vst v63  }
0xf4: {  	_ =	swait.ge [sflag:s18], $0x800  }
0xf5: {  	[sflag:s18] =	ssyncset.done $0x0  }
0xf6: {  	s11 =	sadd.s32 $0x2A80, s26;
	[sflag:s18] =	ssyncadd.s32 $0xFFFFF800  }
0xf7: {  	[spmem:s2] =	stream.indirect.scatter.add.f32 [tilespmem:s8], [sflag:$0x2], $0x10, s11, s17, $0xb8;
	[tilespmem:$0x14700] =	vst v63  }
0xf8: {  	_ =	swait.ge [sflag:s18], $0x800  }
0xf9: {  	[sflag:s18] =	ssyncset.done $0x0  }
0xfa: {  	s10 =	sadd.s32 $0x2B80, s26;
	[sflag:s18] =	ssyncadd.s32 $0xFFFFF800  }
0xfb: {  	[spmem:s2] =	stream.indirect.scatter.add.f32 [tilespmem:s7], [sflag:$0x2], $0x10, s10, s17, $0xb8;
	[tilespmem:$0x14700] =	vst v63  }
0xfc: {  	_ =	swait.ge [sflag:s18], $0x800  }
0xfd: {  	[sflag:s18] =	ssyncset.done $0x0  }
0xfe: {  	s11 =	sadd.s32 $0x2C80, s26;
	[sflag:s18] =	ssyncadd.s32 $0xFFFFF800  }
0xff: {  	[spmem:s2] =	stream.indirect.scatter.add.f32 [tilespmem:s1], [sflag:$0x2], $0x10, s11, s17, $0xb8;
	[tilespmem:$0x14700] =	vst v63  }
0x100: {  	_ =	swait.ge [sflag:s18], $0x800  }
0x101: {  	[sflag:s18] =	ssyncset.done $0x0  }
0x102: {  	s8 =	sadd.s32 $0x2D80, s26;
	[sflag:s18] =	ssyncadd.s32 $0xFFFFF800  }
0x103: {  	[spmem:s2] =	stream.indirect.scatter.add.f32 [tilespmem:s16], [sflag:$0x2], $0x10, s8, s17, $0xb8;
	[tilespmem:$0x14700] =	vst v63  }
0x104: {  	_ =	swait.ge [sflag:s18], $0x800  }
0x105: {  	[sflag:s18] =	ssyncset.done $0x0  }
0x106: {  	s9 =	sadd.s32 $0x2E80, s26;
	[sflag:s18] =	ssyncadd.s32 $0xFFFFF800  }
0x107: {  	[spmem:s2] =	stream.indirect.scatter.add.f32 [tilespmem:s3], [sflag:$0x2], $0x10, s9, s17, $0xb8;
	[tilespmem:$0x14700] =	vst v63  }
0x108: {  	_ =	swait.ge [sflag:s18], $0x800  }
0x109: {  	[sflag:s18] =	ssyncset.done $0x0  }
0x10a: {  	s10 =	sadd.s32 $0x2F80, s26;
	[sflag:s18] =	ssyncadd.s32 $0xFFFFF800  }
0x10b: {  	[spmem:s2] =	stream.indirect.scatter.add.f32 [tilespmem:s0], [sflag:$0x2], $0x10, s10, s17, $0xb8;
	[tilespmem:$0x14700] =	vst v63  }
0x10c: {  	_ =	swait.ge [sflag:s18], $0x800  }
0x10d: {  	[sflag:s18] =	ssyncset.done $0x0  }
0x10e: {  	s11 =	sadd.s32 $0x3080, s26;
	[sflag:s18] =	ssyncadd.s32 $0xFFFFF800  }
0x10f: {  	[spmem:s2] =	stream.indirect.scatter.add.f32 [tilespmem:s31], [sflag:$0x2], $0x10, s11, s17, $0xb8;
	[tilespmem:$0x14700] =	vst v63  }
0x110: {  	_ =	swait.ge [sflag:s18], $0x800  }
0x111: {  	[sflag:s18] =	ssyncset.done $0x0  }
0x112: {  	s16 =	sadd.s32 $0x3180, s26;
	[sflag:s18] =	ssyncadd.s32 $0xFFFFF800  }
0x113: {  	[spmem:s2] =	stream.indirect.scatter.add.f32 [tilespmem:s30], [sflag:$0x2], $0x10, s16, s17, $0xb8;
	[tilespmem:$0x14700] =	vst v63  }
0x114: {  	_ =	swait.ge [sflag:s18], $0x800  }
0x115: {  	[sflag:s18] =	ssyncset.done $0x0  }
0x116: {  	s23 =	sadd.s32 $0x3400, s23;
	s30 =	sadd.s32 $0x3280, s26;
	[sflag:s18] =	ssyncadd.s32 $0xFFFFF800  }
0x117: {  	[spmem:s2] =	stream.indirect.scatter.add.f32 [tilespmem:s29], [sflag:$0x2], $0x10, s30, s17, $0xb8;
	[tilespmem:$0x14700] =	vst v63  }
0x118: {  	p1 =	sne.s32 s23, $0x13800;
	_ =	swait.ge [sflag:s18], $0x800  }
.Ltmp1:
0x119: {  	[sflag:s18] =	ssyncset.done $0x0;
	(pc) =	sbr.rel @p1 .LBB2_4-.Ltmp1, $4  }
0x11a: {  	s24 =	sadd.s32 $0x1, s24;
	s31 =	sadd.s32 $0x3380, s26;
	[sflag:s18] =	ssyncadd.s32 $0xFFFFF800  }
0x11b: {  	[spmem:s2] =	stream.indirect.scatter.add.f32 [tilespmem:s28], [sflag:$0x2], $0x10, s31, s17, $0xb8;
	[tilespmem:$0x14700] =	vst v63  }
0x11c: {  	p2 =	slt.u32 s24, $0x2;
	_ =	swait.ge [sflag:s18], $0x800  }
0x11d: {  	s7 =	sadd.s32 $0x3480, s26;
	s3 =	sand.u32 $0x1, s24;
	[sflag:s18] =	ssyncset.done $0x0  }
0x11e: {  	s1 =	simm.s32 @!p2 $0x2;
	[sflag:s18] =	ssyncadd.s32 $0xFFFFF800  }
0x11f: {  	[spmem:s2] =	stream.indirect.scatter.add.f32 [tilespmem:s25], [sflag:$0x2], $0x10, s7, s17, $0xb8;
	[tilespmem:$0x14700] =	vst v63  }
0x120: {  	s0 =	rddreg [dreg:$0x4];
	_ =	swait.ge @!p2 [sflag:s1], $0x800  }
0x121: {  	[sflag:s1] =	ssyncset.done @!p2 $0x0  }
0x122: {  	[sflag:s1] =	ssyncadd.s32 @!p2 $0xFFFFF800  }
0x123: {  	_ =	swait.ge @!p2 [sflag:s1], $0x800  }
0x124: {  	[sflag:s1] =	ssyncset.done @!p2 $0x0  }
0x125: {  	[sflag:s1] =	ssyncadd.s32 @!p2 $0xFFFFF800  }
0x126: {  	_ =	swait.ge @!p2 [sflag:s1], $0x800  }
0x127: {  	[sflag:s1] =	ssyncset.done @!p2 $0x0  }
0x128: {  	[sflag:s1] =	ssyncadd.s32 @!p2 $0xFFFFF800  }
0x129: {  	_ =	swait.ge @!p2 [sflag:s1], $0x800  }
0x12a: {  	[sflag:s1] =	ssyncset.done @!p2 $0x0  }
0x12b: {  	[sflag:s1] =	ssyncadd.s32 @!p2 $0xFFFFF800  }
0x12c: {  	_ =	swait.ge @!p2 [sflag:s1], $0x800  }
0x12d: {  	[sflag:s1] =	ssyncset.done @!p2 $0x0  }
0x12e: {  	[sflag:s1] =	ssyncadd.s32 @!p2 $0xFFFFF800  }
0x12f: {  	_ =	swait.ge @!p2 [sflag:s1], $0x800  }
0x130: {  	[sflag:s1] =	ssyncset.done @!p2 $0x0  }
0x131: {  	[sflag:s1] =	ssyncadd.s32 @!p2 $0xFFFFF800  }
0x132: {  	_ =	swait.ge @!p2 [sflag:s1], $0x800  }
0x133: {  	[sflag:s1] =	ssyncset.done @!p2 $0x0  }
0x134: {  	[sflag:s1] =	ssyncadd.s32 @!p2 $0xFFFFF800  }
0x135: {  	_ =	swait.ge @!p2 [sflag:s1], $0x800  }
0x136: {  	[sflag:s1] =	ssyncset.done @!p2 $0x0  }
0x137: {  	[sflag:s1] =	ssyncadd.s32 @!p2 $0xFFFFF800  }
0x138: {  	_ =	swait.ge @!p2 [sflag:s1], $0x800  }
0x139: {  	[sflag:s1] =	ssyncset.done @!p2 $0x0  }
0x13a: {  	[sflag:s1] =	ssyncadd.s32 @!p2 $0xFFFFF800  }
0x13b: {  	_ =	swait.ge @!p2 [sflag:s1], $0x800  }
0x13c: {  	[sflag:s1] =	ssyncset.done @!p2 $0x0  }
0x13d: {  	[sflag:s1] =	ssyncadd.s32 @!p2 $0xFFFFF800  }
0x13e: {  	_ =	swait.ge @!p2 [sflag:s1], $0x800  }
0x13f: {  	[sflag:s1] =	ssyncset.done @!p2 $0x0  }
0x140: {  	[sflag:s1] =	ssyncadd.s32 @!p2 $0xFFFFF800  }
0x141: {  	_ =	swait.ge @!p2 [sflag:s1], $0x800  }
0x142: {  	[sflag:s1] =	ssyncset.done @!p2 $0x0  }
0x143: {  	p1 =	seq.s32 s3, $0x1;
	[sflag:s1] =	ssyncadd.s32 @!p2 $0xFFFFF800  }
0x144: {  	s0 =	simm.s32 @!p1 $0x0;
	_ =	swait.ge @!p2 [sflag:s1], $0x800  }
0x145: {  	s22 =	sshra.s32 s22, $0x2;
	s0 =	sshrl.u32 s0, $0x2;
	[sflag:s1] =	ssyncset.done @!p2 $0x0  }
0x146: {  	s9 =	sadd.s32 $0x2800, s22;
	s7 =	sadd.s32 $0x7700, s0;
	[sflag:s1] =	ssyncadd.s32 @!p2 $0xFFFFF800  }
0x147: {  	[tilespmem:s7], [sflag:$0x1] =	stream.indirect.gather [hbm4b:s4+s17], $0x10, s9, s17, $0xb8;
	[tilespmem:$0x14700] =	vst v63  }
0x148: {  	s10 =	sadd.s32 $0x2900, s22;
	s8 =	sadd.s32 $0x7F00, s0  }
0x149: {  	[tilespmem:s8], [sflag:$0x1] =	stream.indirect.gather [hbm4b:s4+s17], $0x10, s10, s17, $0xb8;
	[tilespmem:$0x14700] =	vst v63  }
0x14a: {  	s11 =	sadd.s32 $0x2A00, s22;
	s9 =	sadd.s32 $0x8700, s0  }
0x14b: {  	[tilespmem:s9], [sflag:$0x1] =	stream.indirect.gather [hbm4b:s4+s17], $0x10, s11, s17, $0xb8;
	[tilespmem:$0x14700] =	vst v63  }
0x14c: {  	s16 =	sadd.s32 $0x2B00, s22;
	s10 =	sadd.s32 $0x8F00, s0  }
0x14d: {  	[tilespmem:s10], [sflag:$0x1] =	stream.indirect.gather [hbm4b:s4+s17], $0x10, s16, s17, $0xb8;
	[tilespmem:$0x14700] =	vst v63  }
0x14e: {  	s23 =	sadd.s32 $0x2C00, s22;
	s11 =	sadd.s32 $0x9700, s0  }
0x14f: {  	[tilespmem:s11], [sflag:$0x1] =	stream.indirect.gather [hbm4b:s4+s17], $0x10, s23, s17, $0xb8;
	[tilespmem:$0x14700] =	vst v63  }
0x150: {  	s24 =	sadd.s32 $0x2D00, s22;
	s16 =	sadd.s32 $0x9F00, s0  }
0x151: {  	[tilespmem:s16], [sflag:$0x1] =	stream.indirect.gather [hbm4b:s4+s17], $0x10, s24, s17, $0xb8;
	[tilespmem:$0x14700] =	vst v63  }
0x152: {  	s25 =	sadd.s32 $0x2E00, s22;
	s23 =	sadd.s32 $0xA700, s0  }
0x153: {  	[tilespmem:s23], [sflag:$0x1] =	stream.indirect.gather [hbm4b:s4+s17], $0x10, s25, s17, $0xb8;
	[tilespmem:$0x14700] =	vst v63  }
0x154: {  	s26 =	sadd.s32 $0x2F00, s22;
	s24 =	sadd.s32 $0xAF00, s0  }
0x155: {  	[tilespmem:s24], [sflag:$0x1] =	stream.indirect.gather [hbm4b:s4+s17], $0x10, s26, s17, $0xb8;
	[tilespmem:$0x14700] =	vst v63  }
0x156: {  	s28 =	sadd.s32 $0x3000, s22;
	s25 =	sadd.s32 $0xB700, s0  }
0x157: {  	[tilespmem:s25], [sflag:$0x1] =	stream.indirect.gather [hbm4b:s4+s17], $0x10, s28, s17, $0xb8;
	[tilespmem:$0x14700] =	vst v63  }
0x158: {  	s29 =	sadd.s32 $0x3100, s22;
	s26 =	sadd.s32 $0xBF00, s0  }
0x159: {  	[tilespmem:s26], [sflag:$0x1] =	stream.indirect.gather [hbm4b:s4+s17], $0x10, s29, s17, $0xb8;
	[tilespmem:$0x14700] =	vst v63  }
0x15a: {  	s30 =	sadd.s32 $0x3200, s22;
	s3 =	sadd.s32 $0xC700, s0  }
0x15b: {  	[tilespmem:s3], [sflag:$0x1] =	stream.indirect.gather [hbm4b:s4+s17], $0x10, s30, s17, $0xb8;
	[tilespmem:$0x14700] =	vst v63  }
0x15c: {  	s1 =	sadd.s32 $0xCF00, s0;
	s28 =	sadd.s32 $0x3300, s22  }
0x15d: {  	[tilespmem:s1], [sflag:$0x1] =	stream.indirect.gather [hbm4b:s4+s17], $0x10, s28, s17, $0xb8;
	[tilespmem:$0x14700] =	vst v63  }
0x15e: {  	s31 =	sadd.s32 $0x3400, s22;
	s0 =	sadd.s32 $0xD700, s0  }
0x15f: {  	[tilespmem:s0], [sflag:$0x1] =	stream.indirect.gather [hbm4b:s4+s17], $0x10, s31, s17, $0xb8;
	[tilespmem:$0x14700] =	vst v63  }
0x160: {  	_ =	swait.ge [sflag:s18], $0x800  }
0x161: {  	[sflag:s18] =	ssyncset.done $0x0  }
0x162: {  	s29 =	sadd.s32 $0x2880, s22;
	[sflag:s18] =	ssyncadd.s32 $0xFFFFF800  }
0x163: {  	[spmem:s2] =	stream.indirect.scatter.add.f32 [tilespmem:s7], [sflag:$0x2], $0x10, s29, s17, $0xb8;
	[tilespmem:$0x14700] =	vst v63  }
0x164: {  	_ =	swait.ge [sflag:s18], $0x800  }
0x165: {  	[sflag:s18] =	ssyncset.done $0x0  }
0x166: {  	s30 =	sadd.s32 $0x2980, s22;
	[sflag:s18] =	ssyncadd.s32 $0xFFFFF800  }
0x167: {  	[spmem:s2] =	stream.indirect.scatter.add.f32 [tilespmem:s8], [sflag:$0x2], $0x10, s30, s17, $0xb8;
	[tilespmem:$0x14700] =	vst v63  }
0x168: {  	_ =	swait.ge [sflag:s18], $0x800  }
0x169: {  	[sflag:s18] =	ssyncset.done $0x0  }
0x16a: {  	s31 =	sadd.s32 $0x2A80, s22;
	[sflag:s18] =	ssyncadd.s32 $0xFFFFF800  }
0x16b: {  	[spmem:s2] =	stream.indirect.scatter.add.f32 [tilespmem:s9], [sflag:$0x2], $0x10, s31, s17, $0xb8;
	[tilespmem:$0x14700] =	vst v63  }
0x16c: {  	_ =	swait.ge [sflag:s18], $0x800  }
0x16d: {  	[sflag:s18] =	ssyncset.done $0x0  }
0x16e: {  	s8 =	sadd.s32 $0x2B80, s22;
	[sflag:s18] =	ssyncadd.s32 $0xFFFFF800  }
0x16f: {  	[spmem:s2] =	stream.indirect.scatter.add.f32 [tilespmem:s10], [sflag:$0x2], $0x10, s8, s17, $0xb8;
	[tilespmem:$0x14700] =	vst v63  }
0x170: {  	_ =	swait.ge [sflag:s18], $0x800  }
0x171: {  	[sflag:s18] =	ssyncset.done $0x0  }
0x172: {  	s9 =	sadd.s32 $0x2C80, s22;
	[sflag:s18] =	ssyncadd.s32 $0xFFFFF800  }
0x173: {  	[spmem:s2] =	stream.indirect.scatter.add.f32 [tilespmem:s11], [sflag:$0x2], $0x10, s9, s17, $0xb8;
	[tilespmem:$0x14700] =	vst v63  }
0x174: {  	_ =	swait.ge [sflag:s18], $0x800  }
0x175: {  	[sflag:s18] =	ssyncset.done $0x0  }
0x176: {  	s10 =	sadd.s32 $0x2D80, s22;
	[sflag:s18] =	ssyncadd.s32 $0xFFFFF800  }
0x177: {  	[spmem:s2] =	stream.indirect.scatter.add.f32 [tilespmem:s16], [sflag:$0x2], $0x10, s10, s17, $0xb8;
	[tilespmem:$0x14700] =	vst v63  }
0x178: {  	_ =	swait.ge [sflag:s18], $0x800  }
0x179: {  	[sflag:s18] =	ssyncset.done $0x0  }
0x17a: {  	s11 =	sadd.s32 $0x2E80, s22;
	[sflag:s18] =	ssyncadd.s32 $0xFFFFF800  }
0x17b: {  	[spmem:s2] =	stream.indirect.scatter.add.f32 [tilespmem:s23], [sflag:$0x2], $0x10, s11, s17, $0xb8;
	[tilespmem:$0x14700] =	vst v63  }
0x17c: {  	_ =	swait.ge [sflag:s18], $0x800  }
0x17d: {  	[sflag:s18] =	ssyncset.done $0x0  }
0x17e: {  	s16 =	sadd.s32 $0x2F80, s22;
	[sflag:s18] =	ssyncadd.s32 $0xFFFFF800  }
0x17f: {  	[spmem:s2] =	stream.indirect.scatter.add.f32 [tilespmem:s24], [sflag:$0x2], $0x10, s16, s17, $0xb8;
	[tilespmem:$0x14700] =	vst v63  }
0x180: {  	_ =	swait.ge [sflag:s18], $0x800  }
0x181: {  	[sflag:s18] =	ssyncset.done $0x0  }
0x182: {  	s23 =	sadd.s32 $0x3080, s22;
	[sflag:s18] =	ssyncadd.s32 $0xFFFFF800  }
0x183: {  	[spmem:s2] =	stream.indirect.scatter.add.f32 [tilespmem:s25], [sflag:$0x2], $0x10, s23, s17, $0xb8;
	[tilespmem:$0x14700] =	vst v63  }
0x184: {  	_ =	swait.ge [sflag:s18], $0x800  }
0x185: {  	[sflag:s18] =	ssyncset.done $0x0  }
0x186: {  	s24 =	sadd.s32 $0x3180, s22;
	[sflag:s18] =	ssyncadd.s32 $0xFFFFF800  }
0x187: {  	[spmem:s2] =	stream.indirect.scatter.add.f32 [tilespmem:s26], [sflag:$0x2], $0x10, s24, s17, $0xb8;
	[tilespmem:$0x14700] =	vst v63  }
0x188: {  	_ =	swait.ge [sflag:s18], $0x800  }
0x189: {  	[sflag:s18] =	ssyncset.done $0x0  }
0x18a: {  	s25 =	sadd.s32 $0x3280, s22;
	[sflag:s18] =	ssyncadd.s32 $0xFFFFF800  }
0x18b: {  	[spmem:s2] =	stream.indirect.scatter.add.f32 [tilespmem:s3], [sflag:$0x2], $0x10, s25, s17, $0xb8;
	[tilespmem:$0x14700] =	vst v63  }
0x18c: {  	_ =	swait.ge [sflag:s18], $0x800  }
0x18d: {  	[sflag:s18] =	ssyncset.done $0x0  }
0x18e: {  	s26 =	sadd.s32 $0x3380, s22;
	[sflag:s18] =	ssyncadd.s32 $0xFFFFF800  }
0x18f: {  	[spmem:s2] =	stream.indirect.scatter.add.f32 [tilespmem:s1], [sflag:$0x2], $0x10, s26, s17, $0xb8;
	[tilespmem:$0x14700] =	vst v63  }
0x190: {  	_ =	swait.ge [sflag:s18], $0x800  }
0x191: {  	[sflag:s18] =	ssyncset.done $0x0  }
0x192: {  	s28 =	sadd.s32 $0x3480, s22;
	[sflag:s18] =	ssyncadd.s32 $0xFFFFF800  }
0x193: {  	[spmem:s2] =	stream.indirect.scatter.add.f32 [tilespmem:s0], [sflag:$0x2], $0x10, s28, s17, $0xb8;
	[tilespmem:$0x14700] =	vst v63  }
0x194: {  	_ =	swait.ge [sflag:s19], $0x800  }
0x195: {  	[sflag:s19] =	ssyncset.done $0x0  }
0x196: {  	[sflag:s19] =	ssyncadd.s32 $0xFFFFF800  }
0x197: {  	_ =	swait.ge [sflag:s19], $0x800  }
0x198: {  	[sflag:s19] =	ssyncset.done $0x0  }
0x199: {  	[sflag:s19] =	ssyncadd.s32 $0xFFFFF800  }
0x19a: {  	_ =	swait.ge [sflag:s19], $0x800  }
0x19b: {  	[sflag:s19] =	ssyncset.done $0x0  }
0x19c: {  	[sflag:s19] =	ssyncadd.s32 $0xFFFFF800  }
0x19d: {  	_ =	swait.ge [sflag:s19], $0x800  }
0x19e: {  	[sflag:s19] =	ssyncset.done $0x0  }
0x19f: {  	[sflag:s19] =	ssyncadd.s32 $0xFFFFF800  }
0x1a0: {  	_ =	swait.ge [sflag:s19], $0x800  }
0x1a1: {  	[sflag:s19] =	ssyncset.done $0x0  }
0x1a2: {  	[sflag:s19] =	ssyncadd.s32 $0xFFFFF800  }
0x1a3: {  	_ =	swait.ge [sflag:s19], $0x800  }
0x1a4: {  	[sflag:s19] =	ssyncset.done $0x0  }
0x1a5: {  	[sflag:s19] =	ssyncadd.s32 $0xFFFFF800  }
0x1a6: {  	_ =	swait.ge [sflag:s19], $0x800  }
0x1a7: {  	[sflag:s19] =	ssyncset.done $0x0  }
0x1a8: {  	[sflag:s19] =	ssyncadd.s32 $0xFFFFF800  }
0x1a9: {  	_ =	swait.ge [sflag:s19], $0x800  }
0x1aa: {  	[sflag:s19] =	ssyncset.done $0x0  }
0x1ab: {  	[sflag:s19] =	ssyncadd.s32 $0xFFFFF800  }
0x1ac: {  	_ =	swait.ge [sflag:s19], $0x800  }
0x1ad: {  	[sflag:s19] =	ssyncset.done $0x0  }
0x1ae: {  	[sflag:s19] =	ssyncadd.s32 $0xFFFFF800  }
0x1af: {  	_ =	swait.ge [sflag:s19], $0x800  }
0x1b0: {  	[sflag:s19] =	ssyncset.done $0x0  }
0x1b1: {  	[sflag:s19] =	ssyncadd.s32 $0xFFFFF800  }
0x1b2: {  	_ =	swait.ge [sflag:s19], $0x800  }
0x1b3: {  	[sflag:s19] =	ssyncset.done $0x0  }
0x1b4: {  	[sflag:s19] =	ssyncadd.s32 $0xFFFFF800  }
0x1b5: {  	_ =	swait.ge [sflag:s19], $0x800  }
0x1b6: {  	[sflag:s19] =	ssyncset.done $0x0  }
0x1b7: {  	[sflag:s19] =	ssyncadd.s32 $0xFFFFF800  }
0x1b8: {  	_ =	swait.ge [sflag:s19], $0x800  }
0x1b9: {  	[sflag:s19] =	ssyncset.done $0x0  }
0x1ba: {  	[sflag:s19] =	ssyncadd.s32 $0xFFFFF800  }
0x1bb: {  	_ =	swait.ge [sflag:s19], $0x800  }
0x1bc: {  	[sflag:s19] =	ssyncset.done $0x0  }
0x1bd: {  	[sflag:s19] =	ssyncadd.s32 $0xFFFFF800  }
0x1be: {  	_ =	swait.ge [sflag:s19], $0x800  }
0x1bf: {  	[sflag:s19] =	ssyncset.done $0x0  }
0x1c0: {  	[sflag:s19] =	ssyncadd.s32 $0xFFFFF800  }
0x1c1: {  	_ =	swait.ge [sflag:s19], $0x800  }
0x1c2: {  	[sflag:s19] =	ssyncset.done $0x0  }
0x1c3: {  	[sflag:s19] =	ssyncadd.s32 $0xFFFFF800  }
0x1c4: {  	_ =	swait.ge [sflag:s19], $0x800  }
0x1c5: {  	[sflag:s19] =	ssyncset.done $0x0  }
0x1c6: {  	[sflag:s19] =	ssyncadd.s32 $0xFFFFF800  }
0x1c7: {  	_ =	swait.ge [sflag:s19], $0x800  }
0x1c8: {  	[sflag:s19] =	ssyncset.done $0x0  }
0x1c9: {  	[sflag:s19] =	ssyncadd.s32 $0xFFFFF800  }
0x1ca: {  	_ =	swait.ge [sflag:s19], $0x800  }
0x1cb: {  	[sflag:s19] =	ssyncset.done $0x0  }
0x1cc: {  	[sflag:s19] =	ssyncadd.s32 $0xFFFFF800  }
0x1cd: {  	_ =	swait.ge [sflag:s19], $0x800  }
0x1ce: {  	[sflag:s19] =	ssyncset.done $0x0  }
0x1cf: {  	[sflag:s19] =	ssyncadd.s32 $0xFFFFF800  }
0x1d0: {  	_ =	swait.ge [sflag:s19], $0x800  }
0x1d1: {  	[sflag:s19] =	ssyncset.done $0x0  }
0x1d2: {  	[sflag:s19] =	ssyncadd.s32 $0xFFFFF800  }
0x1d3: {  	_ =	swait.ge [sflag:s19], $0x800  }
0x1d4: {  	[sflag:s19] =	ssyncset.done $0x0  }
0x1d5: {  	[sflag:s19] =	ssyncadd.s32 $0xFFFFF800  }
0x1d6: {  	_ =	swait.ge [sflag:s19], $0x800  }
0x1d7: {  	[sflag:s19] =	ssyncset.done $0x0  }
0x1d8: {  	[sflag:s19] =	ssyncadd.s32 $0xFFFFF800  }
0x1d9: {  	_ =	swait.ge [sflag:s19], $0x800  }
0x1da: {  	[sflag:s19] =	ssyncset.done $0x0  }
0x1db: {  	[sflag:s19] =	ssyncadd.s32 $0xFFFFF800  }
0x1dc: {  	_ =	swait.ge [sflag:s19], $0x800  }
0x1dd: {  	[sflag:s19] =	ssyncset.done $0x0  }
0x1de: {  	[sflag:s19] =	ssyncadd.s32 $0xFFFFF800  }
0x1df: {  	_ =	swait.ge [sflag:s19], $0x800  }
0x1e0: {  	s3 =	simm.s32 @!p0 $0x7700;
	[sflag:s19] =	ssyncset.done $0x0  }
0x1e1: {  	s1 =	simm.s32 @!p0 $0x7600;
	s0 =	simm.s32 @!p0 $0x80;
	[sflag:s19] =	ssyncadd.s32 $0xFFFFF800  }
0x1e2: {  	[tilespmem:s3], [sflag:$0x1] =	stream.indirect.gather @!p0 [hbm4b:s4+s0], $0x10, s1, s0, $0xb8;
	[tilespmem:$0x14700] =	vst v63  }
0x1e3: {  	s1 =	simm.s32 @!p0 $0x1  }
0x1e4: {  	_ =	swait.ge @!p0 [sflag:s1], $0x800  }
0x1e5: {  	[sflag:s1] =	ssyncset.done @!p0 $0x0  }
0x1e6: {  	[sflag:s1] =	ssyncadd.s32 @!p0 $0xFFFFF800;
	s1 =	simm.s32 @!p0 $0x7680  }
0x1e7: {  	[spmem:s2] =	stream.indirect.scatter.add.f32 @!p0 [tilespmem:s3], [sflag:$0x3], $0x10, s1, s0, $0xb8;
	[tilespmem:$0x14700] =	vst v63  }
0x1e8: {  	s0 =	simm.s32 @!p0 $0x3  }
0x1e9: {  	_ =	swait.ge @!p0 [sflag:s0], $0x800  }
0x1ea: {  	[sflag:s0] =	ssyncset.done @!p0 $0x0  }
0x1eb: {  	s29 =	stileid.u32;
	[sflag:s0] =	ssyncadd.s32 @!p0 $0xFFFFF800  }
0x1ec: {  	s0 =	sshll.u32 s29, $0x6;
	[bflag:$0x0] =	sbarrier.arrive $0xFFFF  }
0x1ed: {  	s0 =	sor.u32 $0x1C03, s0;
	s30 =	rddreg [dreg:$0x6]  }
0x1ee: {  	[hbm:s30], [sflag:s0] =	dma.local [spmem:s20], $0x500  }
0x1ef: {  	_ =	swait.ge [sflag:s15], $0x500  }
0x1f0: {  	s21 =	sadd.s32 $0x1, s21;
	s31 =	rddreg [dreg:$0x7]  }
0x1f1: {  	p1 =	sne.s32 s21, s31  }
.Ltmp2:
0x1f2: {  	_ = 	snop;
	(pc) =	sbr.rel @p1 .LBB2_1-.Ltmp2, $3  }
0x1f3: {  	_ =	sdelay $0x1  }
0x1f4: {  	[sflag:s15] =	ssyncset.done $0x0  }
0x1f5: {  	[sflag:s15] =	ssyncadd.s32 $0xFFFFFB00  }
0x1f6: {  	_ =	sfence.sel $0x180000  }
0x1f7: {  	[bflag:$0x0] =	sbarrier.arrive $0xFFFF  }
0x1f8: {  	_ =	strace $0x9000004D  }
0x1f9: {  	s0 =	stileid.u32;
	[bflag:$0x2] =	sbarrier.arrive $0xFFFF  }
0x1fa: {  	p0 =	sne.s32 s0, $0x0;
	s0 =	rddreg [dreg:$0x3]  }
0x1fb: {  	s0 =	sadd.s32 @!p0 $0x100000, s0  }
0x1fc: {  	[sflag:s0] =	ssyncadd.tile.s32 @!p0 $0x1;
	_ =	shalt  }
.Lfunc_end2:
_tile_overlayer_lowered:
.L_overlay_start_2:
0x1fd: {  	(tag) =	ssettag $0x2  }
0x1fe: {  	s0 =	rddreg [dreg:$0x0];
	s2 =	stileid.u32  }
0x1ff: {  	s1 =	rddreg [dreg:$0x1];
	p0 =	sne.s32 s2, $0x0  }
0x200: {  	s3 =	rddreg [dreg:$0x2];
	[bflag:$0x3] =	sbarrier.arrive $0xFFFF;
	s2 =	simm.s32 @!p0 $0x1C03  }
0x201: {  	[timem:s3], [sflag:s2] =	dma.local @!p0 [hbm:s0], s1  }
0x202: {  	s0 =	simm.s32 @!p0 $0x3  }
0x203: {  	_ =	swait.ge @!p0 [sflag:s0], s1  }
0x204: {  	s1 =	ssub.s32 @!p0 $0x0, s1;
	[sflag:s0] =	ssyncset.done @!p0 $0x0  }
0x205: {  	[sflag:s0] =	ssyncadd.s32 @!p0 s1  }
0x206: {  	[bflag:$0x3] =	sbarrier.arrive $0xFFFF  }
0x207: {  	_ =	shalt  }

// kernel: kernel.9.cloned.1.call-start
scs
__scs_entry_jumppad:
0x0: {  	(pc) =	sbr.rel $0x88, $3  }
0x1: {  	(tag) =	ssettag $0x0;
	lr =	simm.s32 $0x1  }
0x2: {  	[smem:$0x3F9B] =	sst lr;
	_ =	strace $0xD0000000  }
0x3: {  	_ = 	snop  }
0x4: {  	_ = 	snop  }
0x5: {  	_ = 	snop  }
0x6: {  	_ = 	snop  }
0x7: {  	_ = 	snop  }
__scs_overlays_trampoline_lowered:
0x8: {  	[smem:$0x3FAA] =	sst s0  }
0x9: {  	[smem:$0x3FAB] =	sst s1  }
0xa: {  	[smem:$0x3FAC] =	sst s2  }
0xb: {  	[smem:$0x3FAD] =	sst s3  }
0xc: {  	[smem:$0x3FAE] =	sst s4  }
0xd: {  	[smem:$0x3FAF] =	sst s5  }
0xe: {  	[smem:$0x3FB0] =	sst s6  }
0xf: {  	[smem:$0x3FB1] =	sst s7  }
0x10: {  	[smem:$0x3FB2] =	sst s8  }
0x11: {  	[smem:$0x3FB3] =	sst s9;
	s0 =	simm.s32 @!p0 $0x0  }
0x12: {  	s1 =	sld [smem:$0x3F99];
	s0 =	simm.s32 @p0 $0x1  }
0x13: {  	[smem:$0x3FB4] =	sst s0;
	s0 =	simm.s32 @!p1 $0x0  }
0x14: {  	s2 =	sld [smem:$0x3F98];
	s0 =	simm.s32 @p1 $0x1  }
0x15: {  	[smem:$0x3FB5] =	sst s0;
	s0 =	simm.s32 @!p2 $0x0  }
0x16: {  	s3 =	sld [smem:$0x3FDB];
	s0 =	simm.s32 @p2 $0x1  }
0x17: {  	s4 =	simm.s32 $0x1BF5;
	[smem:$0x3FB7] =	sst s0  }
0x18: {  	s0 =	sld [smem:$0x3F9A];
	_ =	swait.ge [sflag:s4], $0x0  }
0x19: {  	s7 =	sld [smem:$0x3F9B]  }
0x1a: {  	s8 =	sadd.s32 $0xFFFFE003, lr  }
0x1b: {  	s9 =	sadd.s32 $0xFFFFFEF7, lr;
	s5 =	simm.s32 $0xFFFFFFFF;
	p2 =	slt.u32 s8, $0xFFFFF086  }
0x1c: {  	p1 =	slt.u32 s9, $0xF7A;
	s5 =	simm.s32 @!p2 $0x0  }
0x1d: {  	s5 =	simm.s32 @p1 $0x1;
	p0 =	seq.s32 s7, s2  }
0x1e: {  	s7 =	smul.u32 @!p0 $0xF7A, s2;
	p2 =	seq.s32 @!p0 s5, $0x0  }
0x1f: {  	s9 =	smul.u32 $0xF7A, s1;
	s8 =	simm.s32 @!p0 $0x1BF5;
	p2 =	por !p2, p0  }
0x20: {  	[sflag:s8] =	ssyncset.s32 @!p0 $0xFFFFF086;
	s6 =	sadd.s32 @!p0 s3, s7;
	s7 =	simm.s32 @!p0 $0x108  }
0x21: {  	s3 =	sadd.s32 s3, s9;
	s6 =	sadd.s32 @!p0 $0x88, s6;
	s7 =	simm.s32 @p2 $0x1082  }
0x22: {  	[simem:s7], [sflag:s8] =	dma.local @!p0 [hbm:s6], $0xF7A  }
0x23: {  	s9 =	sor.u32 $0xD0000000, s2;
	s6 =	simm.s32 $0x108;
	_ =	swait.ge @!p0 [sflag:s8], $0x0  }
0x24: {  	s3 =	sadd.s32 $0x88, s3;
	s6 =	simm.s32 @!p1 $0x1082;
	[sflag:s4] =	ssyncset.s32 $0xFFFFF086  }
0x25: {  	[simem:s6], [sflag:s4] =	dma.local [hbm:s3], $0xF7A  }
0x26: {  	[smem:$0x3F9B] =	sst s1;
	(tag) =	ssettag s2;
	_ =	strace s9  }
0x27: {  	s1 =	sld [smem:$0x3FAB]  }
0x28: {  	s2 =	sld [smem:$0x3FAC]  }
0x29: {  	s4 =	sld [smem:$0x3FAE]  }
0x2a: {  	p0 =	seq.s32 s5, $0x0;
	s5 =	sld [smem:$0x3FAF]  }
0x2b: {  	s6 =	sld [smem:$0x3FB0]  }
0x2c: {  	s7 =	sld [smem:$0x3FB1]  }
0x2d: {  	s3 =	simm.s32 $0x108;
	s8 =	sld [smem:$0x3FB2]  }
0x2e: {  	s3 =	simm.s32 @!p0 $0x1082;
	s9 =	sld [smem:$0x3FB3]  }
0x2f: {  	lr =	sadd.s32 s0, s3;
	s0 =	sld [smem:$0x3FAA]  }
0x30: {  	s3 =	sld [smem:$0x3FAD]  }
0x31: {  	[smem:$0x3FB6] =	sst s10  }
0x32: {  	s10 =	sld [smem:$0x3FB4];
	_ =	sdelay $0x3  }
0x33: {  	p0 =	seq.s32 s10, $0x1;
	s10 =	sld [smem:$0x3FB6];
	_ =	sdelay $0x3  }
0x34: {  	[smem:$0x3FB6] =	sst s10  }
0x35: {  	s10 =	sld [smem:$0x3FB5];
	_ =	sdelay $0x3  }
0x36: {  	p1 =	seq.s32 s10, $0x1;
	s10 =	sld [smem:$0x3FB6];
	_ =	sdelay $0x3  }
0x37: {  	[smem:$0x3FB6] =	sst s10  }
0x38: {  	s10 =	sld [smem:$0x3FB7]  }
0x39: {  	_ = 	snop;
	(pc) =	sbr.ind lr, $3  }
0x3a: {  	_ = 	snop  }
0x3b: {  	_ = 	snop  }
0x3c: {  	p2 =	seq.s32 s10, $0x1;
	s10 =	sld [smem:$0x3FB6]  }
0x3d: {  	_ =	shalt  }
0x3e: {  	_ =	shalt  }
0x3f: {  	_ =	shalt  }
0x40: {  	_ =	shalt  }
0x41: {  	_ =	shalt  }
0x42: {  	_ =	shalt  }
0x43: {  	_ =	shalt  }
0x44: {  	_ =	shalt  }
0x45: {  	_ =	shalt  }
0x46: {  	_ =	shalt  }
0x47: {  	_ =	shalt  }
0x48: {  	_ =	shalt  }
0x49: {  	_ =	shalt  }
0x4a: {  	_ =	shalt  }
0x4b: {  	_ =	shalt  }
0x4c: {  	_ =	shalt  }
0x4d: {  	_ =	shalt  }
0x4e: {  	_ =	shalt  }
0x4f: {  	_ =	shalt  }
0x50: {  	_ =	shalt  }
0x51: {  	_ =	shalt  }
0x52: {  	_ =	shalt  }
0x53: {  	_ =	shalt  }
0x54: {  	_ =	shalt  }
0x55: {  	_ =	shalt  }
0x56: {  	_ =	shalt  }
0x57: {  	_ =	shalt  }
0x58: {  	_ =	shalt  }
0x59: {  	_ =	shalt  }
0x5a: {  	_ =	shalt  }
0x5b: {  	_ =	shalt  }
0x5c: {  	_ =	shalt  }
0x5d: {  	_ =	shalt  }
0x5e: {  	_ =	shalt  }
0x5f: {  	_ =	shalt  }
0x60: {  	_ =	shalt  }
0x61: {  	_ =	shalt  }
0x62: {  	_ =	shalt  }
0x63: {  	_ =	shalt  }
0x64: {  	_ =	shalt  }
0x65: {  	_ =	shalt  }
0x66: {  	_ =	shalt  }
0x67: {  	_ =	shalt  }
0x68: {  	_ =	shalt  }
0x69: {  	_ =	shalt  }
0x6a: {  	_ =	shalt  }
0x6b: {  	_ =	shalt  }
0x6c: {  	_ =	shalt  }
0x6d: {  	_ =	shalt  }
0x6e: {  	_ =	shalt  }
0x6f: {  	_ =	shalt  }
0x70: {  	_ =	shalt  }
0x71: {  	_ =	shalt  }
0x72: {  	_ =	shalt  }
0x73: {  	_ =	shalt  }
0x74: {  	_ =	shalt  }
0x75: {  	_ =	shalt  }
0x76: {  	_ =	shalt  }
0x77: {  	_ =	shalt  }
0x78: {  	_ =	shalt  }
0x79: {  	_ =	shalt  }
0x7a: {  	_ =	shalt  }
0x7b: {  	_ =	shalt  }
0x7c: {  	_ =	shalt  }
0x7d: {  	_ =	shalt  }
0x7e: {  	_ =	shalt  }
0x7f: {  	_ =	shalt  }
0x80: {  	_ =	shalt  }
0x81: {  	_ =	shalt  }
0x82: {  	_ =	shalt  }
0x83: {  	_ =	shalt  }
0x84: {  	_ =	shalt  }
0x85: {  	_ =	shalt  }
0x86: {  	_ =	shalt  }
0x87: {  	_ =	shalt  }
.Lfunc_end0:
.L_simem_size_0:
called_computation_lowered:
.L_overlay_start_0:
0x88: {  	s2 =	sld [smem:$0x3FD9]  }
0x89: {  	s3 =	sld [smem:$0x3FFE];
	_ =	sdelay $0x1  }
0x8a: {  	s1 =	srdreg.scid  }
0x8b: {  	s0 =	sand.u32 $0x1, s1  }
0x8c: {  	s17 =	sshll.u32 s0, $0xA;
	s2 =	sadd.s32 s3, s2  }
0x8d: {  	s2 =	sadd.s32 s2, s17  }
0x8e: {  	[smem:$0x3FC2] =	sst s2  }
0x8f: {  	_ = 	snop  }
0x90: {  	s2 =	sld [smem:$0x3FC8];
	(tm) =	ssettm $0x1  }
0x91: {  	s18 =	sld [smem:$0x3FFB];
	_ =	sdelay $0x3  }
0x92: {  	_ =	strace s18  }
0x93: {  	s3 =	sld [smem:$0x3FFC];
	_ =	sdelay $0x3  }
0x94: {  	_ =	strace s3  }
0x95: {  	s3 =	sld [smem:$0x3FFD];
	_ =	sdelay $0x3  }
0x96: {  	_ =	strace s3  }
0x97: {  	_ =	strace $0x8FFFFFFF  }
0x98: {  	s19 =	sld [smem:$0x3FDB];
	_ =	sdelay $0x1  }
0x99: {  	s4 =	simm.s32 $_scs_section_size  }
0x9a: {  	s5 =	simm.s32 $_size__tile_overlayer_lowered;
	s6 =	simm.s32 $_tile_overlayer_lowered  }
0x9b: {  	s22 =	simm.s32 $0x1BFF;
	s21 =	sshll.u32 s6, $0x1;
	s3 =	sadd.s32 s4, s19  }
0x9c: {  	s7 =	simm.s32 $0x0;
	s20 =	sshll.u32 s5, $0x1;
	s5 =	sadd.s32 s21, s3  }
0x9d: {  	[timem:s7], [sflag:s22] =	dma.local [hbm:s5], s20  }
0x9e: {  	_ =	swait.ge [sflag:s22], s20  }
0x9f: {  	s4 =	ssub.s32 $0x0, s20;
	[sflag:s22] =	ssyncset.done $0x0  }
0xa0: {  	[sflag:s22] =	ssyncadd.s32 s4;
	_ =	sdelay $0x1  }
0xa1: {  	s23 =	simm.s32 $0x1B8B  }
0xa2: {  	_ =	swait.ge [sflag:s23], $0x1  }
0xa3: {  	[sflag:s23] =	ssyncset.done $0x0  }
0xa4: {  	s25 =	simm.s32 $0x1B8E;
	s24 =	sld [smem:$0x3FFE];
	[sflag:s23] =	ssyncadd.s32 $0xFFFFFFFF  }
0xa5: {  	s26 =	simm.s32 $execute0_lowered;
	[smem:$0x3FD2] =	sst s25  }
0xa6: {  	s5 =	sshll.u32 s26, $0x1;
	_ =	strace $0x80000046;
	[dreg:$0x1] =	wrdreg $0xFFFFFFFF  }
0xa7: {  	s28 =	simm.s32 $_size_execute0_lowered;
	s3 =	sadd.s32 s3, s5;
	[dreg:$0x0] =	wrdreg $0x0  }
0xa8: {  	s5 =	sshll.u32 s28, $0x1;
	[dreg:$0x2] =	wrdreg s3  }
0xa9: {  	[dreg:$0x3] =	wrdreg s5  }
0xaa: {  	[dreg:$0x4] =	wrdreg $0xC0  }
0xab: {  	_ =	task [dreg:s7], $0x5FFFF  }
0xac: {  	[dreg:$0x1] =	wrdreg $0xFFFFFFFF  }
0xad: {  	[dreg:$0x0] =	wrdreg $0x60  }
0xae: {  	[dreg:$0x2] =	wrdreg s2  }
0xaf: {  	[dreg:$0x3] =	wrdreg s24  }
0xb0: {  	[dreg:$0x4] =	wrdreg $0x0  }
0xb1: {  	[dreg:$0x5] =	wrdreg $0x9  }
0xb2: {  	_ =	task.clear_ibuf [dreg:s7], $0x6FFFF;
	_ =	strace $0x90000046  }
0xb3: {  	s29 =	simm.s32 $0x9;
	_ =	strace $0x80000048  }
0xb4: {  	_ =	swait.ge [sflag:s29], $0x1  }
0xb5: {  	[sflag:s29] =	ssyncadd.s32 $0xFFFFFFFF  }
0xb6: {  	_ =	strace $0x90000048  }
0xb7: {  	_ =	sfence  }
0xb8: {  	s30 =	sld [smem:$0x0];
	_ =	sdelay $0x2  }
0xb9: {  	s31 =	sshll.u32 s1, $0xD;
	s1 =	sshrl.u32 s1, $0x2  }
0xba: {  	s3 =	sand.u32 $0x4000, s31;
	s1 =	sadd.s32 s1, s30  }
0xbb: {  	s0 =	sor.u32 s3, s0;
	s1 =	sshll.u32 s1, $0x11  }
0xbc: {  	s0 =	sor.u32 s1, s0  }
0xbd: {  	s0 =	sadd.s32 $0x8F2B, s0  }
0xbe: {  	[sflag:s0] =	ssyncadd.remote.s32 $0x1  }
0xbf: {  	_ =	sfence.sel $0xFFFF  }
0xc0: {  	[dreg:$0x0] =	wrdreg $0xFFFFFFFF;
	(pc) =	sbr.abs _section_cstart, $3  }
0xc1: {  	[dreg:$0x1] =	wrdreg $0xFFFFFFFF  }
0xc2: {  	_ =	task.clear_ibuf [dreg:s7], $0x2FFFF;
	_ =	strace $0x9FFFFFFF  }
0xc3: {  	(tm) =	ssettm $0x7FFFFFFF  }
tec
execute0_lowered:
.L_overlay_start_1:
0x0: {  	(tag) =	ssettag $0x1  }
0x1: {  	s5 =	rddreg [dreg:$0x0]  }
0x2: {  	s1 =	srdreg.scid;
	s4 =	rddreg [dreg:$0x1]  }
0x3: {  	s0 =	stileid.u32;
	s2 =	rddreg [dreg:$0x2]  }
0x4: {  	s3 =	simm.s32 $0x0;
	s15 =	simm.s32 $0x7700;
	s16 =	simm.s32 $0x2  }
0x5: {  	s17 =	simm.s32 $0x2800;
	s18 =	simm.s32 $0x80;
	s19 =	simm.s32 $0x1  }
0x6: {  	s20 =	simm.s32 $0x7F00;
	s21 =	simm.s32 $0xA700;
	s7 =	smul.u32 $0x2800, s0  }
0x7: {  	s6 =	sand.u32 $0x1, s1;
	s1 =	rddreg [dreg:$0x3];
	s9 =	smul.u32 $0xA000, s0  }
0x8: {  	s22 =	simm.s32 $0x0;
	[smem:$0x7FF] =	sst s3;
	s8 =	smul.u32 $0x28000, s6  }
0x9: {  	s11 =	sshll.u32 s0, $0x1;
	p0 =	sgt.u32 s0, $0x1;
	s10 =	smul.u32 $0xA0000, s6  }
0xa: {  	_ =	strace $0x80000047;
	s11 =	sor.u32 s6, s11;
	s29 =	ssub.s32 $0x2, s6  }
0xb: {  	s12 =	smul.u32 $0x4E, s11;
	s11 =	smin.u32 s11, $0x4;
	s31 =	sshrl.u32 s29, $0x1  }
0xc: {  	s8 =	sadd.s32 s7, s8;
	s10 =	sadd.s32 s9, s10;
	s9 =	sshrl.u32 s9, $0x2  }
0xd: {  	s7 =	sadd.s32 s7, s2;
	s8 =	sshrl.u32 s8, $0x3;
	s10 =	sshrl.u32 s10, $0x3  }
0xe: {  	s30 =	sadd.s32 s11, s12;
	s11 =	ssub.s32 s29, s31;
	s8 =	sadd.s32 s8, s4  }
0xf: {  	s10 =	sadd.s32 s10, s4;
	s6 =	sshll.u32 s30, $0x5;
	s4 =	sadd.s32 s9, s2  }
0x10: {  	s5 =	sadd.s32 s5, s6;
	s8 =	sadd.s32 $0x2AA00, s8;
	s9 =	sadd.s32 $0x2A00, s10  }
0x11: {  	s10 =	smax.u32 s11, $0x1;
	s11 =	sadd.s32 $0x800, s4;
	s12 =	sadd.s32 $0x1000, s4  }
0x12: {  	v0 =	vimm.f32 $0.0e+00;
	v1 =	vimm.f32 $1.000000000e+00;
	s13 =	sadd.s32 $0x1800, s4;
	s14 =	sadd.s32 $0x2000, s4;
	s6 =	sadd.s32 $0x9C0, s5  }
.LBB2_1:
0x13: {  	s23 =	simm.s32 $0x40;
	s24 =	simm.s32 $0x0  }
.LBB2_2:
0x14: {  	p1 =	sne.s32 s23, $0x1FC0;
	[tilespmem:s24+$0x7700] =	vst v0;
	s24 =	smov.u32 s23;
	s23 =	sadd.s32 $0x40, s23  }
.Ltmp0:
0x15: {  	(pc) =	sbr.rel @p1 .LBB2_2-.Ltmp0, $2  }
0x16: {  	_ =	sdelay $0x2  }
0x17: {  	s24 =	sshra.s32 s24, $0x2  }
0x18: {  	[tilespmem:s24+$0x7700] =	vst v0  }
0x19: {  	[spmem:s4] =	stream.linear.scatter [tilespmem:s15], [sflag:$0x2], $0x800, $0x38;
	[tilespmem:$0x14700] =	vst v63  }
0x1a: {  	_ =	swait.ge [sflag:s16], $0x800  }
0x1b: {  	[sflag:s16] =	ssyncset.done $0x0  }
0x1c: {  	[sflag:s16] =	ssyncadd.s32 $0xFFFFF800  }
0x1d: {  	[spmem:s11] =	stream.linear.scatter [tilespmem:s15], [sflag:$0x2], $0x800, $0x38;
	[tilespmem:$0x14700] =	vst v63  }
0x1e: {  	_ =	swait.ge [sflag:s16], $0x800  }
0x1f: {  	[sflag:s16] =	ssyncset.done $0x0  }
0x20: {  	[sflag:s16] =	ssyncadd.s32 $0xFFFFF800  }
0x21: {  	[spmem:s12] =	stream.linear.scatter [tilespmem:s15], [sflag:$0x2], $0x800, $0x38;
	[tilespmem:$0x14700] =	vst v63  }
0x22: {  	_ =	swait.ge [sflag:s16], $0x800  }
0x23: {  	[sflag:s16] =	ssyncset.done $0x0  }
0x24: {  	[sflag:s16] =	ssyncadd.s32 $0xFFFFF800  }
0x25: {  	[spmem:s13] =	stream.linear.scatter [tilespmem:s15], [sflag:$0x2], $0x800, $0x38;
	[tilespmem:$0x14700] =	vst v63  }
0x26: {  	_ =	swait.ge [sflag:s16], $0x800  }
0x27: {  	[sflag:s16] =	ssyncset.done $0x0  }
0x28: {  	[sflag:s16] =	ssyncadd.s32 $0xFFFFF800  }
0x29: {  	[spmem:s14] =	stream.linear.scatter [tilespmem:s15], [sflag:$0x2], $0x800, $0x38;
	[tilespmem:$0x14700] =	vst v63  }
0x2a: {  	_ =	swait.ge [sflag:s16], $0x800  }
0x2b: {  	[sflag:s16] =	ssyncset.done $0x0  }
0x2c: {  	s23 =	simm.s32 $0x40;
	s24 =	simm.s32 $0x0;
	[sflag:s16] =	ssyncadd.s32 $0xFFFFF800  }
.LBB2_4:
0x2d: {  	p1 =	sne.s32 s23, $0x1FC0;
	[tilespmem:s24+$0x7700] =	vst v1;
	s24 =	smov.u32 s23;
	s23 =	sadd.s32 $0x40, s23  }
.Ltmp1:
0x2e: {  	(pc) =	sbr.rel @p1 .LBB2_4-.Ltmp1, $2  }
0x2f: {  	_ =	sdelay $0x2  }
0x30: {  	s24 =	sshra.s32 s24, $0x2  }
0x31: {  	[tilespmem:s24+$0x7700] =	vst v1  }
0x32: {  	[tilespmem:s17], [sflag:$0x2] =	stream.linear.gather [hbm4b:s5+s3], $0x4E00, $0x38;
	[tilespmem:$0x14700] =	vst v63  }
0x33: {  	_ =	swait.ge [sflag:s16], $0x4E00  }
0x34: {  	[sflag:s16] =	ssyncset.done $0x0  }
0x35: {  	s23 =	simm.s32 @!p0 $0x0;
	s24 =	simm.s32 @!p0 $0x7600;
	[sflag:s16] =	ssyncadd.s32 $0xFFFFB200  }
0x36: {  	[tilespmem:s24], [sflag:$0x2] =	stream.linear.gather @!p0 [hbm4b:s6+s23], $0x100, $0x38;
	[tilespmem:$0x14700] =	vst v63  }
0x37: {  	s23 =	simm.s32 @!p0 $0x2  }
0x38: {  	_ =	swait.ge @!p0 [sflag:s23], $0x100  }
0x39: {  	p1 =	por $0x1, $0x1;
	[sflag:s23] =	ssyncset.done @!p0 $0x0  }
0x3a: {  	p1 =	por p1, p1;
	[sflag:s23] =	ssyncadd.s32 @!p0 $0xFFFFFF00  }
0x3b: {  	s23 =	simm.s32 @!p1 $0x1;
	[bflag:$0x0] =	sbarrier.arrive $0xFFFF  }
0x3c: {  	_ =	swait.ge @!p1 [sflag:s23], $0x800  }
0x3d: {  	[sflag:s23] =	ssyncset.done @!p1 $0x0  }
0x3e: {  	[sflag:s23] =	ssyncadd.s32 @!p1 $0xFFFFF800  }
0x3f: {  	_ =	swait.ge @!p1 [sflag:s23], $0x800  }
0x40: {  	[sflag:s23] =	ssyncset.done @!p1 $0x0  }
0x41: {  	[sflag:s23] =	ssyncadd.s32 @!p1 $0xFFFFF800  }
0x42: {  	_ =	swait.ge @!p1 [sflag:s23], $0x800  }
0x43: {  	[sflag:s23] =	ssyncset.done @!p1 $0x0  }
0x44: {  	[sflag:s23] =	ssyncadd.s32 @!p1 $0xFFFFF800  }
0x45: {  	_ =	swait.ge @!p1 [sflag:s23], $0x800  }
0x46: {  	[sflag:s23] =	ssyncset.done @!p1 $0x0  }
0x47: {  	[sflag:s23] =	ssyncadd.s32 @!p1 $0xFFFFF800  }
0x48: {  	_ =	swait.ge @!p1 [sflag:s23], $0x800  }
0x49: {  	[sflag:s23] =	ssyncset.done @!p1 $0x0  }
0x4a: {  	[sflag:s23] =	ssyncadd.s32 @!p1 $0xFFFFF800  }
0x4b: {  	_ =	swait.ge @!p1 [sflag:s23], $0x800  }
0x4c: {  	[sflag:s23] =	ssyncset.done @!p1 $0x0  }
0x4d: {  	[sflag:s23] =	ssyncadd.s32 @!p1 $0xFFFFF800  }
0x4e: {  	_ =	swait.ge @!p1 [sflag:s23], $0x800  }
0x4f: {  	[sflag:s23] =	ssyncset.done @!p1 $0x0  }
0x50: {  	[sflag:s23] =	ssyncadd.s32 @!p1 $0xFFFFF800  }
0x51: {  	_ =	swait.ge @!p1 [sflag:s23], $0x800  }
0x52: {  	[sflag:s23] =	ssyncset.done @!p1 $0x0  }
0x53: {  	[sflag:s23] =	ssyncadd.s32 @!p1 $0xFFFFF800  }
0x54: {  	_ =	swait.ge @!p1 [sflag:s23], $0x800  }
0x55: {  	[sflag:s23] =	ssyncset.done @!p1 $0x0  }
0x56: {  	[sflag:s23] =	ssyncadd.s32 @!p1 $0xFFFFF800  }
0x57: {  	_ =	swait.ge @!p1 [sflag:s23], $0x800  }
0x58: {  	[sflag:s23] =	ssyncset.done @!p1 $0x0  }
0x59: {  	[sflag:s23] =	ssyncadd.s32 @!p1 $0xFFFFF800  }
0x5a: {  	_ =	swait.ge @!p1 [sflag:s23], $0x800  }
0x5b: {  	[sflag:s23] =	ssyncset.done @!p1 $0x0  }
0x5c: {  	[sflag:s23] =	ssyncadd.s32 @!p1 $0xFFFFF800  }
0x5d: {  	_ =	swait.ge @!p1 [sflag:s23], $0x800  }
0x5e: {  	[sflag:s23] =	ssyncset.done @!p1 $0x0  }
0x5f: {  	[sflag:s23] =	ssyncadd.s32 @!p1 $0xFFFFF800  }
0x60: {  	_ =	swait.ge @!p1 [sflag:s23], $0x800  }
0x61: {  	[sflag:s23] =	ssyncset.done @!p1 $0x0  }
0x62: {  	s26 =	simm.s32 $0x2880;
	[sflag:s23] =	ssyncadd.s32 @!p1 $0xFFFFF800  }
0x63: {  	[spmem:s2] =	stream.indirect.scatter.add.f32 [tilespmem:s15], [sflag:$0x1], $0x10, s26, s18, $0xb8;
	[tilespmem:$0x14700] =	vst v63  }
0x64: {  	s28 =	simm.s32 $0x2980  }
0x65: {  	[spmem:s2] =	stream.indirect.scatter.add.f32 [tilespmem:s15], [sflag:$0x1], $0x10, s28, s18, $0xb8;
	[tilespmem:$0x14700] =	vst v63  }
0x66: {  	s29 =	simm.s32 $0x2A80  }
0x67: {  	[spmem:s2] =	stream.indirect.scatter.add.f32 [tilespmem:s15], [sflag:$0x1], $0x10, s29, s18, $0xb8;
	[tilespmem:$0x14700] =	vst v63  }
0x68: {  	s30 =	simm.s32 $0x2B80  }
0x69: {  	[spmem:s2] =	stream.indirect.scatter.add.f32 [tilespmem:s15], [sflag:$0x1], $0x10, s30, s18, $0xb8;
	[tilespmem:$0x14700] =	vst v63  }
0x6a: {  	s31 =	simm.s32 $0x2C80  }
0x6b: {  	[spmem:s2] =	stream.indirect.scatter.add.f32 [tilespmem:s15], [sflag:$0x1], $0x10, s31, s18, $0xb8;
	[tilespmem:$0x14700] =	vst v63  }
0x6c: {  	s24 =	simm.s32 $0x2D80  }
0x6d: {  	[spmem:s2] =	stream.indirect.scatter.add.f32 [tilespmem:s15], [sflag:$0x1], $0x10, s24, s18, $0xb8;
	[tilespmem:$0x14700] =	vst v63  }
0x6e: {  	s25 =	simm.s32 $0x2E80  }
0x6f: {  	[spmem:s2] =	stream.indirect.scatter.add.f32 [tilespmem:s15], [sflag:$0x1], $0x10, s25, s18, $0xb8;
	[tilespmem:$0x14700] =	vst v63  }
0x70: {  	s26 =	simm.s32 $0x2F80  }
0x71: {  	[spmem:s2] =	stream.indirect.scatter.add.f32 [tilespmem:s15], [sflag:$0x1], $0x10, s26, s18, $0xb8;
	[tilespmem:$0x14700] =	vst v63  }
0x72: {  	s28 =	simm.s32 $0x3080  }
0x73: {  	[spmem:s2] =	stream.indirect.scatter.add.f32 [tilespmem:s15], [sflag:$0x1], $0x10, s28, s18, $0xb8;
	[tilespmem:$0x14700] =	vst v63  }
0x74: {  	p6 =	por $0x1, $0x1;
	s23 =	simm.s32 $0x3400;
	s29 =	simm.s32 $0x3180  }
0x75: {  	[spmem:s2] =	stream.indirect.scatter.add.f32 [tilespmem:s15], [sflag:$0x1], $0x10, s29, s18, $0xb8;
	[tilespmem:$0x14700] =	vst v63  }
0x76: {  	p1 =	por p6, p6;
	s30 =	simm.s32 $0x3280;
	s31 =	simm.s32 $0x3380  }
0x77: {  	[spmem:s2] =	stream.indirect.scatter.add.f32 [tilespmem:s15], [sflag:$0x1], $0x10, s30, s18, $0xb8;
	[tilespmem:$0x14700] =	vst v63  }
0x78: {  	s24 =	simm.s32 $0x6800;
	s25 =	simm.s32 $0x2;
	s26 =	simm.s32 $0x3480  }
0x79: {  	[spmem:s2] =	stream.indirect.scatter.add.f32 [tilespmem:s15], [sflag:$0x1], $0x10, s31, s18, $0xb8;
	[tilespmem:$0x14700] =	vst v63  }
.LBB2_6:
0x7a: {  	[spmem:s2] =	stream.indirect.scatter.add.f32 [tilespmem:s15], [sflag:$0x1], $0x10, s26, s18, $0xb8;
	[tilespmem:$0x14700] =	vst v63  }
0x7b: {  	s26 =	smov.u32 s24  }
0x7c: {  	p3 =	slt.u32 s25, $0x2;
	s24 =	sadd.s32 $0x3400, s24;
	s28 =	simm.s32 @!p1 $0x1  }
0x7d: {  	p2 =	sne.s32 s24, $0x13800;
	_ =	swait.ge @!p1 [sflag:s28], $0x800  }
0x7e: {  	[sflag:s28] =	ssyncset.done @!p1 $0x0  }
0x7f: {  	[sflag:s28] =	ssyncadd.s32 @!p1 $0xFFFFF800  }
0x80: {  	_ =	swait.ge @!p1 [sflag:s28], $0x800  }
0x81: {  	[sflag:s28] =	ssyncset.done @!p1 $0x0  }
0x82: {  	[sflag:s28] =	ssyncadd.s32 @!p1 $0xFFFFF800  }
0x83: {  	_ =	swait.ge @!p1 [sflag:s28], $0x800  }
0x84: {  	[sflag:s28] =	ssyncset.done @!p1 $0x0  }
0x85: {  	[sflag:s28] =	ssyncadd.s32 @!p1 $0xFFFFF800  }
0x86: {  	_ =	swait.ge @!p1 [sflag:s28], $0x800  }
0x87: {  	[sflag:s28] =	ssyncset.done @!p1 $0x0  }
0x88: {  	[sflag:s28] =	ssyncadd.s32 @!p1 $0xFFFFF800  }
0x89: {  	_ =	swait.ge @!p1 [sflag:s28], $0x800  }
0x8a: {  	[sflag:s28] =	ssyncset.done @!p1 $0x0  }
0x8b: {  	[sflag:s28] =	ssyncadd.s32 @!p1 $0xFFFFF800  }
0x8c: {  	_ =	swait.ge @!p1 [sflag:s28], $0x800  }
0x8d: {  	[sflag:s28] =	ssyncset.done @!p1 $0x0  }
0x8e: {  	[sflag:s28] =	ssyncadd.s32 @!p1 $0xFFFFF800  }
0x8f: {  	_ =	swait.ge @!p1 [sflag:s28], $0x800  }
0x90: {  	[sflag:s28] =	ssyncset.done @!p1 $0x0  }
0x91: {  	[sflag:s28] =	ssyncadd.s32 @!p1 $0xFFFFF800  }
0x92: {  	_ =	swait.ge @!p1 [sflag:s28], $0x800  }
0x93: {  	[sflag:s28] =	ssyncset.done @!p1 $0x0  }
0x94: {  	[sflag:s28] =	ssyncadd.s32 @!p1 $0xFFFFF800  }
0x95: {  	_ =	swait.ge @!p1 [sflag:s28], $0x800  }
0x96: {  	[sflag:s28] =	ssyncset.done @!p1 $0x0  }
0x97: {  	[sflag:s28] =	ssyncadd.s32 @!p1 $0xFFFFF800  }
0x98: {  	_ =	swait.ge @!p1 [sflag:s28], $0x800  }
0x99: {  	[sflag:s28] =	ssyncset.done @!p1 $0x0  }
0x9a: {  	[sflag:s28] =	ssyncadd.s32 @!p1 $0xFFFFF800  }
0x9b: {  	_ =	swait.ge @!p1 [sflag:s28], $0x800  }
0x9c: {  	[sflag:s28] =	ssyncset.done @!p1 $0x0  }
0x9d: {  	[sflag:s28] =	ssyncadd.s32 @!p1 $0xFFFFF800  }
0x9e: {  	_ =	swait.ge @!p1 [sflag:s28], $0x800  }
0x9f: {  	[sflag:s28] =	ssyncset.done @!p1 $0x0  }
0xa0: {  	[sflag:s28] =	ssyncadd.s32 @!p1 $0xFFFFF800  }
0xa1: {  	_ =	swait.ge @!p1 [sflag:s28], $0x800  }
0xa2: {  	s29 =	sshra.s32 s23, $0x2;
	s23 =	smov.u32 s26;
	[sflag:s28] =	ssyncset.done @!p1 $0x0  }
0xa3: {  	s26 =	sadd.s32 $0x2880, s29;
	[sflag:s28] =	ssyncadd.s32 @!p1 $0xFFFFF800;
	p1 =	por p3, p3  }
0xa4: {  	[spmem:s2] =	stream.indirect.scatter.add.f32 [tilespmem:s15], [sflag:$0x1], $0x10, s26, s18, $0xb8;
	[tilespmem:$0x14700] =	vst v63  }
0xa5: {  	s26 =	sadd.s32 $0x2980, s29  }
0xa6: {  	[spmem:s2] =	stream.indirect.scatter.add.f32 [tilespmem:s15], [sflag:$0x1], $0x10, s26, s18, $0xb8;
	[tilespmem:$0x14700] =	vst v63  }
0xa7: {  	s26 =	sadd.s32 $0x2A80, s29  }
0xa8: {  	[spmem:s2] =	stream.indirect.scatter.add.f32 [tilespmem:s15], [sflag:$0x1], $0x10, s26, s18, $0xb8;
	[tilespmem:$0x14700] =	vst v63  }
0xa9: {  	s26 =	sadd.s32 $0x2B80, s29  }
0xaa: {  	[spmem:s2] =	stream.indirect.scatter.add.f32 [tilespmem:s15], [sflag:$0x1], $0x10, s26, s18, $0xb8;
	[tilespmem:$0x14700] =	vst v63  }
0xab: {  	s26 =	sadd.s32 $0x2C80, s29  }
0xac: {  	[spmem:s2] =	stream.indirect.scatter.add.f32 [tilespmem:s15], [sflag:$0x1], $0x10, s26, s18, $0xb8;
	[tilespmem:$0x14700] =	vst v63  }
0xad: {  	s26 =	sadd.s32 $0x2D80, s29  }
0xae: {  	[spmem:s2] =	stream.indirect.scatter.add.f32 [tilespmem:s15], [sflag:$0x1], $0x10, s26, s18, $0xb8;
	[tilespmem:$0x14700] =	vst v63  }
0xaf: {  	s26 =	sadd.s32 $0x2E80, s29  }
0xb0: {  	[spmem:s2] =	stream.indirect.scatter.add.f32 [tilespmem:s15], [sflag:$0x1], $0x10, s26, s18, $0xb8;
	[tilespmem:$0x14700] =	vst v63  }
0xb1: {  	s26 =	sadd.s32 $0x2F80, s29  }
0xb2: {  	[spmem:s2] =	stream.indirect.scatter.add.f32 [tilespmem:s15], [sflag:$0x1], $0x10, s26, s18, $0xb8;
	[tilespmem:$0x14700] =	vst v63  }
0xb3: {  	s26 =	sadd.s32 $0x3080, s29  }
0xb4: {  	[spmem:s2] =	stream.indirect.scatter.add.f32 [tilespmem:s15], [sflag:$0x1], $0x10, s26, s18, $0xb8;
	[tilespmem:$0x14700] =	vst v63  }
0xb5: {  	s26 =	sadd.s32 $0x3180, s29  }
0xb6: {  	[spmem:s2] =	stream.indirect.scatter.add.f32 [tilespmem:s15], [sflag:$0x1], $0x10, s26, s18, $0xb8;
	[tilespmem:$0x14700] =	vst v63  }
.Ltmp2:
0xb7: {  	s26 =	sadd.s32 $0x3280, s29;
	(pc) =	sbr.rel @p2 .LBB2_6-.Ltmp2, $4  }
0xb8: {  	[spmem:s2] =	stream.indirect.scatter.add.f32 [tilespmem:s15], [sflag:$0x1], $0x10, s26, s18, $0xb8;
	[tilespmem:$0x14700] =	vst v63  }
0xb9: {  	s26 =	sadd.s32 $0x3380, s29  }
0xba: {  	[spmem:s2] =	stream.indirect.scatter.add.f32 [tilespmem:s15], [sflag:$0x1], $0x10, s26, s18, $0xb8;
	[tilespmem:$0x14700] =	vst v63  }
0xbb: {  	s25 =	sadd.s32 $0x1, s25;
	s26 =	sadd.s32 $0x3480, s29  }
0xbc: {  	[spmem:s2] =	stream.indirect.scatter.add.f32 [tilespmem:s15], [sflag:$0x1], $0x10, s26, s18, $0xb8;
	[tilespmem:$0x14700] =	vst v63  }
0xbd: {  	s24 =	simm.s32 @!p1 $0x1  }
0xbe: {  	_ =	swait.ge @!p1 [sflag:s24], $0x800  }
0xbf: {  	[sflag:s24] =	ssyncset.done @!p1 $0x0  }
0xc0: {  	[sflag:s24] =	ssyncadd.s32 @!p1 $0xFFFFF800  }
0xc1: {  	_ =	swait.ge @!p1 [sflag:s24], $0x800  }
0xc2: {  	[sflag:s24] =	ssyncset.done @!p1 $0x0  }
0xc3: {  	[sflag:s24] =	ssyncadd.s32 @!p1 $0xFFFFF800  }
0xc4: {  	_ =	swait.ge @!p1 [sflag:s24], $0x800  }
0xc5: {  	[sflag:s24] =	ssyncset.done @!p1 $0x0  }
0xc6: {  	[sflag:s24] =	ssyncadd.s32 @!p1 $0xFFFFF800  }
0xc7: {  	_ =	swait.ge @!p1 [sflag:s24], $0x800  }
0xc8: {  	[sflag:s24] =	ssyncset.done @!p1 $0x0  }
0xc9: {  	[sflag:s24] =	ssyncadd.s32 @!p1 $0xFFFFF800  }
0xca: {  	_ =	swait.ge @!p1 [sflag:s24], $0x800  }
0xcb: {  	[sflag:s24] =	ssyncset.done @!p1 $0x0  }
0xcc: {  	[sflag:s24] =	ssyncadd.s32 @!p1 $0xFFFFF800  }
0xcd: {  	_ =	swait.ge @!p1 [sflag:s24], $0x800  }
0xce: {  	[sflag:s24] =	ssyncset.done @!p1 $0x0  }
0xcf: {  	[sflag:s24] =	ssyncadd.s32 @!p1 $0xFFFFF800  }
0xd0: {  	_ =	swait.ge @!p1 [sflag:s24], $0x800  }
0xd1: {  	[sflag:s24] =	ssyncset.done @!p1 $0x0  }
0xd2: {  	[sflag:s24] =	ssyncadd.s32 @!p1 $0xFFFFF800  }
0xd3: {  	_ =	swait.ge @!p1 [sflag:s24], $0x800  }
0xd4: {  	[sflag:s24] =	ssyncset.done @!p1 $0x0  }
0xd5: {  	[sflag:s24] =	ssyncadd.s32 @!p1 $0xFFFFF800  }
0xd6: {  	_ =	swait.ge @!p1 [sflag:s24], $0x800  }
0xd7: {  	[sflag:s24] =	ssyncset.done @!p1 $0x0  }
0xd8: {  	[sflag:s24] =	ssyncadd.s32 @!p1 $0xFFFFF800  }
0xd9: {  	_ =	swait.ge @!p1 [sflag:s24], $0x800  }
0xda: {  	[sflag:s24] =	ssyncset.done @!p1 $0x0  }
0xdb: {  	[sflag:s24] =	ssyncadd.s32 @!p1 $0xFFFFF800  }
0xdc: {  	_ =	swait.ge @!p1 [sflag:s24], $0x800  }
0xdd: {  	[sflag:s24] =	ssyncset.done @!p1 $0x0  }
0xde: {  	[sflag:s24] =	ssyncadd.s32 @!p1 $0xFFFFF800  }
0xdf: {  	_ =	swait.ge @!p1 [sflag:s24], $0x800  }
0xe0: {  	[sflag:s24] =	ssyncset.done @!p1 $0x0  }
0xe1: {  	[sflag:s24] =	ssyncadd.s32 @!p1 $0xFFFFF800  }
0xe2: {  	_ =	swait.ge @!p1 [sflag:s24], $0x800  }
0xe3: {  	s23 =	sshra.s32 s23, $0x2;
	[sflag:s24] =	ssyncset.done @!p1 $0x0  }
0xe4: {  	s31 =	sadd.s32 $0x2880, s23;
	[sflag:s24] =	ssyncadd.s32 @!p1 $0xFFFFF800  }
0xe5: {  	[spmem:s2] =	stream.indirect.scatter.add.f32 [tilespmem:s15], [sflag:$0x1], $0x10, s31, s18, $0xb8;
	[tilespmem:$0x14700] =	vst v63  }
0xe6: {  	s25 =	sadd.s32 $0x2980, s23  }
0xe7: {  	[spmem:s2] =	stream.indirect.scatter.add.f32 [tilespmem:s15], [sflag:$0x1], $0x10, s25, s18, $0xb8;
	[tilespmem:$0x14700] =	vst v63  }
0xe8: {  	s26 =	sadd.s32 $0x2A80, s23  }
0xe9: {  	[spmem:s2] =	stream.indirect.scatter.add.f32 [tilespmem:s15], [sflag:$0x1], $0x10, s26, s18, $0xb8;
	[tilespmem:$0x14700] =	vst v63  }
0xea: {  	s28 =	sadd.s32 $0x2B80, s23  }
0xeb: {  	[spmem:s2] =	stream.indirect.scatter.add.f32 [tilespmem:s15], [sflag:$0x1], $0x10, s28, s18, $0xb8;
	[tilespmem:$0x14700] =	vst v63  }
0xec: {  	s29 =	sadd.s32 $0x2C80, s23  }
0xed: {  	[spmem:s2] =	stream.indirect.scatter.add.f32 [tilespmem:s15], [sflag:$0x1], $0x10, s29, s18, $0xb8;
	[tilespmem:$0x14700] =	vst v63  }
0xee: {  	s30 =	sadd.s32 $0x2D80, s23  }
0xef: {  	[spmem:s2] =	stream.indirect.scatter.add.f32 [tilespmem:s15], [sflag:$0x1], $0x10, s30, s18, $0xb8;
	[tilespmem:$0x14700] =	vst v63  }
0xf0: {  	s31 =	sadd.s32 $0x2E80, s23  }
0xf1: {  	[spmem:s2] =	stream.indirect.scatter.add.f32 [tilespmem:s15], [sflag:$0x1], $0x10, s31, s18, $0xb8;
	[tilespmem:$0x14700] =	vst v63  }
0xf2: {  	s25 =	sadd.s32 $0x2F80, s23  }
0xf3: {  	[spmem:s2] =	stream.indirect.scatter.add.f32 [tilespmem:s15], [sflag:$0x1], $0x10, s25, s18, $0xb8;
	[tilespmem:$0x14700] =	vst v63  }
0xf4: {  	s26 =	sadd.s32 $0x3080, s23  }
0xf5: {  	[spmem:s2] =	stream.indirect.scatter.add.f32 [tilespmem:s15], [sflag:$0x1], $0x10, s26, s18, $0xb8;
	[tilespmem:$0x14700] =	vst v63  }
0xf6: {  	s28 =	sadd.s32 $0x3180, s23  }
0xf7: {  	[spmem:s2] =	stream.indirect.scatter.add.f32 [tilespmem:s15], [sflag:$0x1], $0x10, s28, s18, $0xb8;
	[tilespmem:$0x14700] =	vst v63  }
0xf8: {  	s29 =	sadd.s32 $0x3280, s23  }
0xf9: {  	[spmem:s2] =	stream.indirect.scatter.add.f32 [tilespmem:s15], [sflag:$0x1], $0x10, s29, s18, $0xb8;
	[tilespmem:$0x14700] =	vst v63  }
0xfa: {  	s30 =	sadd.s32 $0x3380, s23  }
0xfb: {  	[spmem:s2] =	stream.indirect.scatter.add.f32 [tilespmem:s15], [sflag:$0x1], $0x10, s30, s18, $0xb8;
	[tilespmem:$0x14700] =	vst v63  }
0xfc: {  	s23 =	sadd.s32 $0x3480, s23  }
0xfd: {  	[spmem:s2] =	stream.indirect.scatter.add.f32 [tilespmem:s15], [sflag:$0x1], $0x10, s23, s18, $0xb8;
	[tilespmem:$0x14700] =	vst v63  }
0xfe: {  	_ =	swait.ge [sflag:s19], $0x800  }
0xff: {  	[sflag:s19] =	ssyncset.done $0x0  }
0x100: {  	[sflag:s19] =	ssyncadd.s32 $0xFFFFF800  }
0x101: {  	_ =	swait.ge [sflag:s19], $0x800  }
0x102: {  	[sflag:s19] =	ssyncset.done $0x0  }
0x103: {  	[sflag:s19] =	ssyncadd.s32 $0xFFFFF800  }
0x104: {  	_ =	swait.ge [sflag:s19], $0x800  }
0x105: {  	[sflag:s19] =	ssyncset.done $0x0  }
0x106: {  	[sflag:s19] =	ssyncadd.s32 $0xFFFFF800  }
0x107: {  	_ =	swait.ge [sflag:s19], $0x800  }
0x108: {  	[sflag:s19] =	ssyncset.done $0x0  }
0x109: {  	[sflag:s19] =	ssyncadd.s32 $0xFFFFF800  }
0x10a: {  	_ =	swait.ge [sflag:s19], $0x800  }
0x10b: {  	[sflag:s19] =	ssyncset.done $0x0  }
0x10c: {  	[sflag:s19] =	ssyncadd.s32 $0xFFFFF800  }
0x10d: {  	_ =	swait.ge [sflag:s19], $0x800  }
0x10e: {  	[sflag:s19] =	ssyncset.done $0x0  }
0x10f: {  	[sflag:s19] =	ssyncadd.s32 $0xFFFFF800  }
0x110: {  	_ =	swait.ge [sflag:s19], $0x800  }
0x111: {  	[sflag:s19] =	ssyncset.done $0x0  }
0x112: {  	[sflag:s19] =	ssyncadd.s32 $0xFFFFF800  }
0x113: {  	_ =	swait.ge [sflag:s19], $0x800  }
0x114: {  	[sflag:s19] =	ssyncset.done $0x0  }
0x115: {  	[sflag:s19] =	ssyncadd.s32 $0xFFFFF800  }
0x116: {  	_ =	swait.ge [sflag:s19], $0x800  }
0x117: {  	[sflag:s19] =	ssyncset.done $0x0  }
0x118: {  	[sflag:s19] =	ssyncadd.s32 $0xFFFFF800  }
0x119: {  	_ =	swait.ge [sflag:s19], $0x800  }
0x11a: {  	[sflag:s19] =	ssyncset.done $0x0  }
0x11b: {  	[sflag:s19] =	ssyncadd.s32 $0xFFFFF800  }
0x11c: {  	_ =	swait.ge [sflag:s19], $0x800  }
0x11d: {  	[sflag:s19] =	ssyncset.done $0x0  }
0x11e: {  	[sflag:s19] =	ssyncadd.s32 $0xFFFFF800  }
0x11f: {  	_ =	swait.ge [sflag:s19], $0x800  }
0x120: {  	[sflag:s19] =	ssyncset.done $0x0  }
0x121: {  	[sflag:s19] =	ssyncadd.s32 $0xFFFFF800  }
0x122: {  	_ =	swait.ge [sflag:s19], $0x800  }
0x123: {  	[sflag:s19] =	ssyncset.done $0x0  }
0x124: {  	[sflag:s19] =	ssyncadd.s32 $0xFFFFF800  }
0x125: {  	_ =	swait.ge [sflag:s19], $0x800  }
0x126: {  	[sflag:s19] =	ssyncset.done $0x0  }
0x127: {  	[sflag:s19] =	ssyncadd.s32 $0xFFFFF800  }
0x128: {  	_ =	swait.ge [sflag:s19], $0x800  }
0x129: {  	[sflag:s19] =	ssyncset.done $0x0  }
0x12a: {  	[sflag:s19] =	ssyncadd.s32 $0xFFFFF800  }
0x12b: {  	_ =	swait.ge [sflag:s19], $0x800  }
0x12c: {  	[sflag:s19] =	ssyncset.done $0x0  }
0x12d: {  	[sflag:s19] =	ssyncadd.s32 $0xFFFFF800  }
0x12e: {  	_ =	swait.ge [sflag:s19], $0x800  }
0x12f: {  	[sflag:s19] =	ssyncset.done $0x0  }
0x130: {  	[sflag:s19] =	ssyncadd.s32 $0xFFFFF800  }
0x131: {  	_ =	swait.ge [sflag:s19], $0x800  }
0x132: {  	[sflag:s19] =	ssyncset.done $0x0  }
0x133: {  	[sflag:s19] =	ssyncadd.s32 $0xFFFFF800  }
0x134: {  	_ =	swait.ge [sflag:s19], $0x800  }
0x135: {  	[sflag:s19] =	ssyncset.done $0x0  }
0x136: {  	[sflag:s19] =	ssyncadd.s32 $0xFFFFF800  }
0x137: {  	_ =	swait.ge [sflag:s19], $0x800  }
0x138: {  	[sflag:s19] =	ssyncset.done $0x0  }
0x139: {  	[sflag:s19] =	ssyncadd.s32 $0xFFFFF800  }
0x13a: {  	_ =	swait.ge [sflag:s19], $0x800  }
0x13b: {  	[sflag:s19] =	ssyncset.done $0x0  }
0x13c: {  	[sflag:s19] =	ssyncadd.s32 $0xFFFFF800  }
0x13d: {  	_ =	swait.ge [sflag:s19], $0x800  }
0x13e: {  	[sflag:s19] =	ssyncset.done $0x0  }
0x13f: {  	[sflag:s19] =	ssyncadd.s32 $0xFFFFF800  }
0x140: {  	_ =	swait.ge [sflag:s19], $0x800  }
0x141: {  	[sflag:s19] =	ssyncset.done $0x0  }
0x142: {  	[sflag:s19] =	ssyncadd.s32 $0xFFFFF800  }
0x143: {  	_ =	swait.ge [sflag:s19], $0x800  }
0x144: {  	[sflag:s19] =	ssyncset.done $0x0  }
0x145: {  	[sflag:s19] =	ssyncadd.s32 $0xFFFFF800  }
0x146: {  	_ =	swait.ge [sflag:s19], $0x800  }
0x147: {  	[sflag:s19] =	ssyncset.done $0x0  }
0x148: {  	[sflag:s19] =	ssyncadd.s32 $0xFFFFF800  }
0x149: {  	_ =	swait.ge [sflag:s19], $0x800  }
0x14a: {  	s24 =	simm.s32 @!p0 $0x7680;
	[sflag:s19] =	ssyncset.done $0x0  }
0x14b: {  	s25 =	simm.s32 @!p0 $0x7700;
	s23 =	simm.s32 @!p0 $0x80;
	[sflag:s19] =	ssyncadd.s32 $0xFFFFF800  }
0x14c: {  	[spmem:s2] =	stream.indirect.scatter.add.f32 @!p0 [tilespmem:s25], [sflag:$0x2], $0x10, s24, s23, $0xb8;
	[tilespmem:$0x14700] =	vst v63  }
0x14d: {  	s23 =	simm.s32 @!p0 $0x2  }
0x14e: {  	_ =	swait.ge @!p0 [sflag:s23], $0x800  }
0x14f: {  	[sflag:s23] =	ssyncset.done @!p0 $0x0  }
0x150: {  	[sflag:s23] =	ssyncadd.s32 @!p0 $0xFFFFF800  }
0x151: {  	[bflag:$0x0] =	sbarrier.arrive $0xFFFF  }
0x152: {  	[tilespmem:s20], [sflag:$0x2] =	stream.linear.gather [spmem:s7], $0x2800, $0x38;
	[tilespmem:$0x14700] =	vst v63  }
0x153: {  	_ =	swait.ge [sflag:s16], $0x2800  }
0x154: {  	[sflag:s16] =	ssyncset.done $0x0  }
0x155: {  	s31 =	simm.s32 $0x0;
	[sflag:s16] =	ssyncadd.s32 $0xFFFFD800  }
0x156: {  	v2 =	vld [tilespmem:s31+$0x7F00];
	_ =	sdelay $0x3  }
0x157: {  	s23 =	simm.s32 $0xA720  }
0x158: {  	[tilespmem:s23+$0xFFFFFFE0] =	vst v2  }
0x159: {  	[tilespmem:s23+$0xFFFFFFF0] =	vst v2  }
0x15a: {  	[tilespmem:s23+$0x0] =	vst v2  }
0x15b: {  	s25 =	simm.s32 $0x10;
	s24 =	simm.s32 $0x80;
	[tilespmem:s23+$0x10] =	vst v2  }
.LBB2_8:
0x15c: {  	p1 =	sne.s32 s24, $0x9FC0;
	v2 =	vld [tilespmem:s25+$0x7F00];
	_ =	sdelay $0x3  }
.Ltmp3:
0x15d: {  	s23 =	sadd.s32 $0x40, s23;
	(pc) =	sbr.rel @p1 .LBB2_8-.Ltmp3, $4  }
0x15e: {  	[tilespmem:s23+$0xFFFFFFE0] =	vst v2  }
0x15f: {  	[tilespmem:s23+$0xFFFFFFF0] =	vst v2  }
0x160: {  	[tilespmem:s23+$0x0] =	vst v2  }
0x161: {  	s25 =	sshra.s32 s24, $0x2;
	s24 =	sadd.s32 $0x40, s24;
	[tilespmem:s23+$0x10] =	vst v2  }
0x162: {  	v2 =	vld [tilespmem:s25+$0x7F00];
	_ =	sdelay $0x3  }
0x163: {  	s23 =	sadd.s32 $0x40, s23  }
0x164: {  	[tilespmem:s23+$0xFFFFFFE0] =	vst v2  }
0x165: {  	[tilespmem:s23+$0xFFFFFFF0] =	vst v2  }
0x166: {  	[tilespmem:s23+$0x0] =	vst v2  }
0x167: {  	[tilespmem:s23+$0x10] =	vst v2  }
0x168: {  	[hbm4b:s8+s3] =	stream.linear.scatter [tilespmem:s20], [sflag:$0x2], $0x2800, $0x38;
	[tilespmem:$0x14700] =	vst v63  }
0x169: {  	s22 =	sadd.s32 $0x1, s22;
	_ =	swait.ge [sflag:s16], $0x2800  }
0x16a: {  	p1 =	sne.s32 s22, s10;
	[sflag:s16] =	ssyncset.done $0x0  }
.Ltmp4:
0x16b: {  	[sflag:s16] =	ssyncadd.s32 $0xFFFFD800;
	(pc) =	sbr.rel @p1 .LBB2_1-.Ltmp4, $4  }
0x16c: {  	[hbm4b:s9+s3] =	stream.linear.scatter [tilespmem:s21], [sflag:$0x2], $0xA000, $0x38;
	[tilespmem:$0x14700] =	vst v63  }
0x16d: {  	_ =	swait.ge [sflag:s16], $0xA000  }
0x16e: {  	[sflag:s16] =	ssyncset.done $0x0  }
0x16f: {  	[sflag:s16] =	ssyncadd.s32 $0xFFFF6000  }
0x170: {  	_ =	sfence.sel $0x180000  }
0x171: {  	[bflag:$0x0] =	sbarrier.arrive $0xFFFF  }
0x172: {  	p0 =	sne.s32 s0, $0x0;
	_ =	strace $0x90000047  }
0x173: {  	s0 =	sadd.s32 @!p0 $0x100000, s1;
	[bflag:$0x2] =	sbarrier.arrive $0xFFFF  }
0x174: {  	[sflag:s0] =	ssyncadd.tile.s32 @!p0 $0x1;
	_ =	shalt  }
.Lfunc_end2:
_tile_overlayer_lowered:
.L_overlay_start_2:
0x175: {  	(tag) =	ssettag $0x2  }
0x176: {  	s0 =	rddreg [dreg:$0x0];
	s2 =	stileid.u32  }
0x177: {  	s1 =	rddreg [dreg:$0x1];
	p0 =	sne.s32 s2, $0x0  }
0x178: {  	s3 =	rddreg [dreg:$0x2];
	[bflag:$0x3] =	sbarrier.arrive $0xFFFF;
	s2 =	simm.s32 @!p0 $0x1C02  }
0x179: {  	[timem:s3], [sflag:s2] =	dma.local @!p0 [hbm:s0], s1  }
0x17a: {  	s0 =	simm.s32 @!p0 $0x2  }
0x17b: {  	_ =	swait.ge @!p0 [sflag:s0], s1  }
0x17c: {  	s1 =	ssub.s32 @!p0 $0x0, s1;
	[sflag:s0] =	ssyncset.done @!p0 $0x0  }
0x17d: {  	[sflag:s0] =	ssyncadd.s32 @!p0 s1  }
0x17e: {  	[bflag:$0x3] =	sbarrier.arrive $0xFFFF  }
0x17f: {  	_ =	shalt  }

</sc_bundles>
